<compile_context>
chip_gen: v7x
topology: tpu7x:2x2x1
jax: 0.10.2.dev20260603
libtpu: 0.0.44.dev20260713+nightly
codegen_flags: <defaults>
</compile_context>

<pallas_src>
import functools

import jax
import jax.numpy as jnp
from jax import lax
from jax.experimental import pallas as pl
from jax.experimental.pallas import tpu as pltpu
from jax.experimental.pallas import tpu_sc as plsc

NUM_EMBEDDINGS = 1000000
D = 64
BATCH = 16384
HIST = 20
B = BATCH * HIST

NC = 2
NS = 16
NW = NC * NS

CW = 128
TBW = 4
NCHUNK = HIST * TBW
NBUF = 4

_mesh = plsc.VectorSubcoreMesh(
    core_axis_name="c", subcore_axis_name="s", num_cores=NC, num_subcores=NS
)


@functools.partial(
    pl.kernel,
    out_type=jax.ShapeDtypeStruct((HIST, 8, 128, 8, 128), jnp.float32),
    mesh=_mesh,
    compiler_params=pltpu.CompilerParams(
        use_tc_tiling_on_sc=True, needs_layout_passes=False
    ),
    scratch_types=[
        pltpu.VMEM((HIST, 4 * CW), jnp.int32),
        pltpu.VMEM((NBUF, CW), jnp.int32),
        pltpu.VMEM((NBUF, CW, 128), jnp.float32),
        pltpu.VMEM((NBUF, 8, 8, CW), jnp.float32),
        pltpu.SemaphoreType.DMA((NBUF,)),
        pltpu.SemaphoreType.DMA((NBUF,)),
    ],
)
def _gather_kernel(ids_hbm, table_hbm, out_hbm, ibuf, gbuf, rbuf, obuf,
                   gsem, osem):
    wid = lax.axis_index("s") * NC + lax.axis_index("c")
    b0 = wid * (4 * CW)

    iota = jax.lax.iota(jnp.int32, 16)

    for h in range(HIST):
        pltpu.sync_copy(
            ids_hbm.at[pl.ds(h * BATCH + b0, 4 * CW)], ibuf.at[h]
        )

    def shift_ids(s, q):
        h = q // TBW
        j = lax.rem(q, TBW)
        for k in range(CW // 16):
            gbuf[s, pl.ds(16 * k, 16)] = ibuf[h, pl.ds(128 * j + 16 * k, 16)]

    def gather(s):
        return pltpu.make_async_copy(
            table_hbm.at[gbuf.at[s]], rbuf.at[s], gsem.at[s]
        )

    def out_copy(s, q):
        h = q // TBW
        tb = TBW * wid + lax.rem(q, TBW)
        return pltpu.make_async_copy(
            obuf.at[s], out_hbm.at[h, :, tb], osem.at[s]
        )

    def extract(s):
        for m in range(CW // 16):
            rowv = iota + 16 * m

            @plsc.parallel_loop(0, D, unroll=2)
            def _feat(c0):
                cvec = (c0 + iota) & 63
                v = plsc.load_gather(rbuf.at[s], [rowv, cvec])
                plsc.store_scatter(
                    obuf.at[s], [cvec >> 3, cvec & 7, rowv], v
                )

    for s in range(NBUF):
        shift_ids(s, s)
        gather(s).start()

    @pl.loop(0, NCHUNK, step=NBUF)
    def _round(q0):
        for s in range(NBUF):
            q = q0 + s
            gather(s).wait()

            @pl.when(q >= NBUF)
            def _wait_out():
                out_copy(s, q - NBUF).wait()

            extract(s)
            out_copy(s, q).start()
            nq = q + NBUF

            @pl.when(nq < NCHUNK)
            def _refill():
                shift_ids(s, nq)
                gather(s).start()

    for s in range(NBUF):
        out_copy(s, NCHUNK - NBUF + s).wait()


def kernel(token_ids, weight):
    ids_flat = token_ids.T.reshape(B)
    t128 = jnp.pad(weight, ((0, 0), (0, D)))
    out5d = _gather_kernel(ids_flat, t128)
    out = out5d.transpose(2, 4, 0, 1, 3).reshape(BATCH, HIST, D)
    return out

# --- scband reference (transcript-rebuilt; emitter-appended) ---
"""Pipeline reference for scband-embedding-82308753261262 (READ-ONLY COPY).

The authoritative reference and input builder live on the scoring server;
editing this copy changes nothing except your own understanding.
"""

import jax, jax.numpy as jnp
import numpy as np

NUM_EMBEDDINGS = 1000000
EMBEDDING_DIM = 64
BATCH = 16384
HIST_LEN = 20


def setup_inputs(seed: int = 0) -> dict:
    key = jax.random.key(seed)
    k_idx, k_w = jax.random.split(key)
    token_ids = jax.random.randint(k_idx, (BATCH, HIST_LEN), 0, NUM_EMBEDDINGS, dtype=jnp.int32)
    # trunc_normal_(mean=0, std=1, a=-3, b=3)
    weight = jax.random.truncated_normal(k_w, -3.0, 3.0, (NUM_EMBEDDINGS, EMBEDDING_DIM), dtype=jnp.float32)
    return {"token_ids": token_ids, "weight": weight}


def reference(token_ids, weight):
    # self.weight[token_ids] -> gather rows of the embedding table
    return jnp.take(weight, token_ids, axis=0)

if __name__ == "__main__":
    import jax
    _d = setup_inputs()
    print(jax.jit(kernel)(*tuple(_d.values())))

</pallas_src>

<mosaic_0001>
#map = affine_map<(d0, d1) -> (0)>
#map1 = affine_map<(d0, d1) -> (0, 0)>
#map2 = affine_map<(d0, d1) -> (0, 0, 0, 0, 0)>
module attributes {stable_mosaic.version = 14 : i64} {
  func.func @_gather_kernel(%arg0: i32, %arg1: i32, %arg2: memref<327680xi32, #tpu.memory_space<hbm>>, %arg3: memref<1000000x128xf32, #tpu.memory_space<hbm>>, %arg4: memref<20x8x128x8x128xf32, #tpu.memory_space<hbm>>, %arg5: memref<20x512xi32, #tpu.memory_space<vmem>>, %arg6: memref<4x128xi32, #tpu.memory_space<vmem>>, %arg7: memref<4x128x128xf32, #tpu.memory_space<vmem>>, %arg8: memref<4x8x8x128xf32, #tpu.memory_space<vmem>>, %arg9: memref<4x!tpu.dma_semaphore, #tpu.memory_space<semaphore_mem>>, %arg10: memref<4x!tpu.dma_semaphore, #tpu.memory_space<semaphore_mem>>) attributes {dimension_semantics = [#tpu.dimension_semantics<core_parallel>, #tpu.dimension_semantics<subcore_parallel>], iteration_bounds = array<i64: 2, 16>, scalar_prefetch = 0 : i64, scratch_operands = 6 : i64, tpu.core_type = #tpu.core_type<sc_vector_subcore>, window_params = [{transform_indices = #map}, {transform_indices = #map1}, {transform_indices = #map2}]} {
    %mul3A = arith.constant 2 : i32
    %mul3A_0 = arith.muli %arg1, %mul3A : i32
    %add3A = arith.addi %mul3A_0, %arg0 : i32
    %mul3A_1 = arith.constant 512 : i32
    %mul3A_2 = arith.muli %add3A, %mul3A_1 : i32
    %iota3A = tpu.iota {dimensions = array<i32: 0>} : vector<16xi32>
    %add3A_3 = arith.constant 0 : i32
    %add3A_4 = arith.addi %add3A_3, %mul3A_2 : i32
    %run_scoped3A = arith.constant 0 : i32
    "tpu.region"() ({
      %run_scoped3A_641 = tpu.sem_alloc : memref<!tpu.dma_semaphore, #tpu.memory_space<semaphore_mem>>
      %dma_start3A_642 = arith.constant 0 : i32
      %dma_start3A_643 = tpu.memref_slice %arg5[%run_scoped3A, %dma_start3A_642] : memref<20x512xi32, #tpu.memory_space<vmem>> -> memref<1x512xi32, #tpu.memory_space<vmem>>
      %dma_start3A_644 = tpu.memref_squeeze %dma_start3A_643 : memref<1x512xi32, #tpu.memory_space<vmem>> -> memref<512xi32, #tpu.memory_space<vmem>>
      %dma_start3A_645 = tpu.memref_slice %arg2[%add3A_4] : memref<327680xi32, #tpu.memory_space<hbm>> -> memref<512xi32, #tpu.memory_space<hbm>>
      %dma_start3A_646 = arith.constant 0 : i32
      %dma_start3A_647 = tpu.memref_slice %arg5[%run_scoped3A, %dma_start3A_646] : memref<20x512xi32, #tpu.memory_space<vmem>> -> memref<1x512xi32, #tpu.memory_space<vmem>>
      %dma_start3A_648 = tpu.memref_squeeze %dma_start3A_647 : memref<1x512xi32, #tpu.memory_space<vmem>> -> memref<512xi32, #tpu.memory_space<vmem>>
      %dma_start3A_649 = tpu.memref_slice %arg2[%add3A_4] : memref<327680xi32, #tpu.memory_space<hbm>> -> memref<512xi32, #tpu.memory_space<hbm>>
      tpu.enqueue_dma source(%dma_start3A_649 : memref<512xi32, #tpu.memory_space<hbm>>) target(%dma_start3A_648 : memref<512xi32, #tpu.memory_space<vmem>>) target_semaphore(%run_scoped3A_641 : memref<!tpu.dma_semaphore, #tpu.memory_space<semaphore_mem>>)
      %dma_wait3A_650 = arith.constant 0 : i32
      %dma_wait3A_651 = tpu.memref_slice %arg5[%run_scoped3A, %dma_wait3A_650] : memref<20x512xi32, #tpu.memory_space<vmem>> -> memref<1x512xi32, #tpu.memory_space<vmem>>
      %dma_wait3A_652 = tpu.memref_squeeze %dma_wait3A_651 : memref<1x512xi32, #tpu.memory_space<vmem>> -> memref<512xi32, #tpu.memory_space<vmem>>
      %dma_wait3A_653 = tpu.memref_slice %arg2[%add3A_4] : memref<327680xi32, #tpu.memory_space<hbm>> -> memref<512xi32, #tpu.memory_space<hbm>>
      %dma_wait3A_654 = arith.constant 0 : i32
      %dma_wait3A_655 = tpu.memref_slice %arg5[%run_scoped3A, %dma_wait3A_654] : memref<20x512xi32, #tpu.memory_space<vmem>> -> memref<1x512xi32, #tpu.memory_space<vmem>>
      %dma_wait3A_656 = tpu.memref_squeeze %dma_wait3A_655 : memref<1x512xi32, #tpu.memory_space<vmem>> -> memref<512xi32, #tpu.memory_space<vmem>>
      %dma_wait3A_657 = tpu.memref_slice %arg2[%add3A_4] : memref<327680xi32, #tpu.memory_space<hbm>> -> memref<512xi32, #tpu.memory_space<hbm>>
      tpu.wait_dma2 semaphore(%run_scoped3A_641 : memref<!tpu.dma_semaphore, #tpu.memory_space<semaphore_mem>>) src(%dma_wait3A_657 : memref<512xi32, #tpu.memory_space<hbm>>) dst(%dma_wait3A_656 : memref<512xi32, #tpu.memory_space<vmem>>)
      tpu.yield
    }) : () -> ()
    %add3A_5 = arith.constant 16384 : i32
    %add3A_6 = arith.addi %add3A_5, %mul3A_2 : i32
    %run_scoped3A_7 = arith.constant 1 : i32
    "tpu.region"() ({
      %run_scoped3A_641 = tpu.sem_alloc : memref<!tpu.dma_semaphore, #tpu.memory_space<semaphore_mem>>
      %dma_start3A_642 = arith.constant 0 : i32
      %dma_start3A_643 = tpu.memref_slice %arg5[%run_scoped3A_7, %dma_start3A_642] : memref<20x512xi32, #tpu.memory_space<vmem>> -> memref<1x512xi32, #tpu.memory_space<vmem>>
      %dma_start3A_644 = tpu.memref_squeeze %dma_start3A_643 : memref<1x512xi32, #tpu.memory_space<vmem>> -> memref<512xi32, #tpu.memory_space<vmem>>
      %dma_start3A_645 = tpu.memref_slice %arg2[%add3A_6] : memref<327680xi32, #tpu.memory_space<hbm>> -> memref<512xi32, #tpu.memory_space<hbm>>
      %dma_start3A_646 = arith.constant 0 : i32
      %dma_start3A_647 = tpu.memref_slice %arg5[%run_scoped3A_7, %dma_start3A_646] : memref<20x512xi32, #tpu.memory_space<vmem>> -> memref<1x512xi32, #tpu.memory_space<vmem>>
      %dma_start3A_648 = tpu.memref_squeeze %dma_start3A_647 : memref<1x512xi32, #tpu.memory_space<vmem>> -> memref<512xi32, #tpu.memory_space<vmem>>
      %dma_start3A_649 = tpu.memref_slice %arg2[%add3A_6] : memref<327680xi32, #tpu.memory_space<hbm>> -> memref<512xi32, #tpu.memory_space<hbm>>
      tpu.enqueue_dma source(%dma_start3A_649 : memref<512xi32, #tpu.memory_space<hbm>>) target(%dma_start3A_648 : memref<512xi32, #tpu.memory_space<vmem>>) target_semaphore(%run_scoped3A_641 : memref<!tpu.dma_semaphore, #tpu.memory_space<semaphore_mem>>)
      %dma_wait3A_650 = arith.constant 0 : i32
      %dma_wait3A_651 = tpu.memref_slice %arg5[%run_scoped3A_7, %dma_wait3A_650] : memref<20x512xi32, #tpu.memory_space<vmem>> -> memref<1x512xi32, #tpu.memory_space<vmem>>
      %dma_wait3A_652 = tpu.memref_squeeze %dma_wait3A_651 : memref<1x512xi32, #tpu.memory_space<vmem>> -> memref<512xi32, #tpu.memory_space<vmem>>
      %dma_wait3A_653 = tpu.memref_slice %arg2[%add3A_6] : memref<327680xi32, #tpu.memory_space<hbm>> -> memref<512xi32, #tpu.memory_space<hbm>>
      %dma_wait3A_654 = arith.constant 0 : i32
      %dma_wait3A_655 = tpu.memref_slice %arg5[%run_scoped3A_7, %dma_wait3A_654] : memref<20x512xi32, #tpu.memory_space<vmem>> -> memref<1x512xi32, #tpu.memory_space<vmem>>
      %dma_wait3A_656 = tpu.memref_squeeze %dma_wait3A_655 : memref<1x512xi32, #tpu.memory_space<vmem>> -> memref<512xi32, #tpu.memory_space<vmem>>
      %dma_wait3A_657 = tpu.memref_slice %arg2[%add3A_6] : memref<327680xi32, #tpu.memory_space<hbm>> -> memref<512xi32, #tpu.memory_space<hbm>>
      tpu.wait_dma2 semaphore(%run_scoped3A_641 : memref<!tpu.dma_semaphore, #tpu.memory_space<semaphore_mem>>) src(%dma_wait3A_657 : memref<512xi32, #tpu.memory_space<hbm>>) dst(%dma_wait3A_656 : memref<512xi32, #tpu.memory_space<vmem>>)
      tpu.yield
    }) : () -> ()
    %add3A_8 = arith.constant 32768 : i32
    %add3A_9 = arith.addi %add3A_8, %mul3A_2 : i32
    %run_scoped3A_10 = arith.constant 2 : i32
    "tpu.region"() ({
      %run_scoped3A_641 = tpu.sem_alloc : memref<!tpu.dma_semaphore, #tpu.memory_space<semaphore_mem>>
      %dma_start3A_642 = arith.constant 0 : i32
      %dma_start3A_643 = tpu.memref_slice %arg5[%run_scoped3A_10, %dma_start3A_642] : memref<20x512xi32, #tpu.memory_space<vmem>> -> memref<1x512xi32, #tpu.memory_space<vmem>>
      %dma_start3A_644 = tpu.memref_squeeze %dma_start3A_643 : memref<1x512xi32, #tpu.memory_space<vmem>> -> memref<512xi32, #tpu.memory_space<vmem>>
      %dma_start3A_645 = tpu.memref_slice %arg2[%add3A_9] : memref<327680xi32, #tpu.memory_space<hbm>> -> memref<512xi32, #tpu.memory_space<hbm>>
      %dma_start3A_646 = arith.constant 0 : i32
      %dma_start3A_647 = tpu.memref_slice %arg5[%run_scoped3A_10, %dma_start3A_646] : memref<20x512xi32, #tpu.memory_space<vmem>> -> memref<1x512xi32, #tpu.memory_space<vmem>>
      %dma_start3A_648 = tpu.memref_squeeze %dma_start3A_647 : memref<1x512xi32, #tpu.memory_space<vmem>> -> memref<512xi32, #tpu.memory_space<vmem>>
      %dma_start3A_649 = tpu.memref_slice %arg2[%add3A_9] : memref<327680xi32, #tpu.memory_space<hbm>> -> memref<512xi32, #tpu.memory_space<hbm>>
      tpu.enqueue_dma source(%dma_start3A_649 : memref<512xi32, #tpu.memory_space<hbm>>) target(%dma_start3A_648 : memref<512xi32, #tpu.memory_space<vmem>>) target_semaphore(%run_scoped3A_641 : memref<!tpu.dma_semaphore, #tpu.memory_space<semaphore_mem>>)
      %dma_wait3A_650 = arith.constant 0 : i32
      %dma_wait3A_651 = tpu.memref_slice %arg5[%run_scoped3A_10, %dma_wait3A_650] : memref<20x512xi32, #tpu.memory_space<vmem>> -> memref<1x512xi32, #tpu.memory_space<vmem>>
      %dma_wait3A_652 = tpu.memref_squeeze %dma_wait3A_651 : memref<1x512xi32, #tpu.memory_space<vmem>> -> memref<512xi32, #tpu.memory_space<vmem>>
      %dma_wait3A_653 = tpu.memref_slice %arg2[%add3A_9] : memref<327680xi32, #tpu.memory_space<hbm>> -> memref<512xi32, #tpu.memory_space<hbm>>
      %dma_wait3A_654 = arith.constant 0 : i32
      %dma_wait3A_655 = tpu.memref_slice %arg5[%run_scoped3A_10, %dma_wait3A_654] : memref<20x512xi32, #tpu.memory_space<vmem>> -> memref<1x512xi32, #tpu.memory_space<vmem>>
      %dma_wait3A_656 = tpu.memref_squeeze %dma_wait3A_655 : memref<1x512xi32, #tpu.memory_space<vmem>> -> memref<512xi32, #tpu.memory_space<vmem>>
      %dma_wait3A_657 = tpu.memref_slice %arg2[%add3A_9] : memref<327680xi32, #tpu.memory_space<hbm>> -> memref<512xi32, #tpu.memory_space<hbm>>
      tpu.wait_dma2 semaphore(%run_scoped3A_641 : memref<!tpu.dma_semaphore, #tpu.memory_space<semaphore_mem>>) src(%dma_wait3A_657 : memref<512xi32, #tpu.memory_space<hbm>>) dst(%dma_wait3A_656 : memref<512xi32, #tpu.memory_space<vmem>>)
      tpu.yield
    }) : () -> ()
    %add3A_11 = arith.constant 49152 : i32
    %add3A_12 = arith.addi %add3A_11, %mul3A_2 : i32
    %run_scoped3A_13 = arith.constant 3 : i32
    "tpu.region"() ({
      %run_scoped3A_641 = tpu.sem_alloc : memref<!tpu.dma_semaphore, #tpu.memory_space<semaphore_mem>>
      %dma_start3A_642 = arith.constant 0 : i32
      %dma_start3A_643 = tpu.memref_slice %arg5[%run_scoped3A_13, %dma_start3A_642] : memref<20x512xi32, #tpu.memory_space<vmem>> -> memref<1x512xi32, #tpu.memory_space<vmem>>
      %dma_start3A_644 = tpu.memref_squeeze %dma_start3A_643 : memref<1x512xi32, #tpu.memory_space<vmem>> -> memref<512xi32, #tpu.memory_space<vmem>>
      %dma_start3A_645 = tpu.memref_slice %arg2[%add3A_12] : memref<327680xi32, #tpu.memory_space<hbm>> -> memref<512xi32, #tpu.memory_space<hbm>>
      %dma_start3A_646 = arith.constant 0 : i32
      %dma_start3A_647 = tpu.memref_slice %arg5[%run_scoped3A_13, %dma_start3A_646] : memref<20x512xi32, #tpu.memory_space<vmem>> -> memref<1x512xi32, #tpu.memory_space<vmem>>
      %dma_start3A_648 = tpu.memref_squeeze %dma_start3A_647 : memref<1x512xi32, #tpu.memory_space<vmem>> -> memref<512xi32, #tpu.memory_space<vmem>>
      %dma_start3A_649 = tpu.memref_slice %arg2[%add3A_12] : memref<327680xi32, #tpu.memory_space<hbm>> -> memref<512xi32, #tpu.memory_space<hbm>>
      tpu.enqueue_dma source(%dma_start3A_649 : memref<512xi32, #tpu.memory_space<hbm>>) target(%dma_start3A_648 : memref<512xi32, #tpu.memory_space<vmem>>) target_semaphore(%run_scoped3A_641 : memref<!tpu.dma_semaphore, #tpu.memory_space<semaphore_mem>>)
      %dma_wait3A_650 = arith.constant 0 : i32
      %dma_wait3A_651 = tpu.memref_slice %arg5[%run_scoped3A_13, %dma_wait3A_650] : memref<20x512xi32, #tpu.memory_space<vmem>> -> memref<1x512xi32, #tpu.memory_space<vmem>>
      %dma_wait3A_652 = tpu.memref_squeeze %dma_wait3A_651 : memref<1x512xi32, #tpu.memory_space<vmem>> -> memref<512xi32, #tpu.memory_space<vmem>>
      %dma_wait3A_653 = tpu.memref_slice %arg2[%add3A_12] : memref<327680xi32, #tpu.memory_space<hbm>> -> memref<512xi32, #tpu.memory_space<hbm>>
      %dma_wait3A_654 = arith.constant 0 : i32
      %dma_wait3A_655 = tpu.memref_slice %arg5[%run_scoped3A_13, %dma_wait3A_654] : memref<20x512xi32, #tpu.memory_space<vmem>> -> memref<1x512xi32, #tpu.memory_space<vmem>>
      %dma_wait3A_656 = tpu.memref_squeeze %dma_wait3A_655 : memref<1x512xi32, #tpu.memory_space<vmem>> -> memref<512xi32, #tpu.memory_space<vmem>>
      %dma_wait3A_657 = tpu.memref_slice %arg2[%add3A_12] : memref<327680xi32, #tpu.memory_space<hbm>> -> memref<512xi32, #tpu.memory_space<hbm>>
      tpu.wait_dma2 semaphore(%run_scoped3A_641 : memref<!tpu.dma_semaphore, #tpu.memory_space<semaphore_mem>>) src(%dma_wait3A_657 : memref<512xi32, #tpu.memory_space<hbm>>) dst(%dma_wait3A_656 : memref<512xi32, #tpu.memory_space<vmem>>)
      tpu.yield
    }) : () -> ()
    %add3A_14 = arith.constant 65536 : i32
    %add3A_15 = arith.addi %add3A_14, %mul3A_2 : i32
    %run_scoped3A_16 = arith.constant 4 : i32
    "tpu.region"() ({
      %run_scoped3A_641 = tpu.sem_alloc : memref<!tpu.dma_semaphore, #tpu.memory_space<semaphore_mem>>
      %dma_start3A_642 = arith.constant 0 : i32
      %dma_start3A_643 = tpu.memref_slice %arg5[%run_scoped3A_16, %dma_start3A_642] : memref<20x512xi32, #tpu.memory_space<vmem>> -> memref<1x512xi32, #tpu.memory_space<vmem>>
      %dma_start3A_644 = tpu.memref_squeeze %dma_start3A_643 : memref<1x512xi32, #tpu.memory_space<vmem>> -> memref<512xi32, #tpu.memory_space<vmem>>
      %dma_start3A_645 = tpu.memref_slice %arg2[%add3A_15] : memref<327680xi32, #tpu.memory_space<hbm>> -> memref<512xi32, #tpu.memory_space<hbm>>
      %dma_start3A_646 = arith.constant 0 : i32
      %dma_start3A_647 = tpu.memref_slice %arg5[%run_scoped3A_16, %dma_start3A_646] : memref<20x512xi32, #tpu.memory_space<vmem>> -> memref<1x512xi32, #tpu.memory_space<vmem>>
      %dma_start3A_648 = tpu.memref_squeeze %dma_start3A_647 : memref<1x512xi32, #tpu.memory_space<vmem>> -> memref<512xi32, #tpu.memory_space<vmem>>
      %dma_start3A_649 = tpu.memref_slice %arg2[%add3A_15] : memref<327680xi32, #tpu.memory_space<hbm>> -> memref<512xi32, #tpu.memory_space<hbm>>
      tpu.enqueue_dma source(%dma_start3A_649 : memref<512xi32, #tpu.memory_space<hbm>>) target(%dma_start3A_648 : memref<512xi32, #tpu.memory_space<vmem>>) target_semaphore(%run_scoped3A_641 : memref<!tpu.dma_semaphore, #tpu.memory_space<semaphore_mem>>)
      %dma_wait3A_650 = arith.constant 0 : i32
      %dma_wait3A_651 = tpu.memref_slice %arg5[%run_scoped3A_16, %dma_wait3A_650] : memref<20x512xi32, #tpu.memory_space<vmem>> -> memref<1x512xi32, #tpu.memory_space<vmem>>
      %dma_wait3A_652 = tpu.memref_squeeze %dma_wait3A_651 : memref<1x512xi32, #tpu.memory_space<vmem>> -> memref<512xi32, #tpu.memory_space<vmem>>
      %dma_wait3A_653 = tpu.memref_slice %arg2[%add3A_15] : memref<327680xi32, #tpu.memory_space<hbm>> -> memref<512xi32, #tpu.memory_space<hbm>>
      %dma_wait3A_654 = arith.constant 0 : i32
      %dma_wait3A_655 = tpu.memref_slice %arg5[%run_scoped3A_16, %dma_wait3A_654] : memref<20x512xi32, #tpu.memory_space<vmem>> -> memref<1x512xi32, #tpu.memory_space<vmem>>
      %dma_wait3A_656 = tpu.memref_squeeze %dma_wait3A_655 : memref<1x512xi32, #tpu.memory_space<vmem>> -> memref<512xi32, #tpu.memory_space<vmem>>
      %dma_wait3A_657 = tpu.memref_slice %arg2[%add3A_15] : memref<327680xi32, #tpu.memory_space<hbm>> -> memref<512xi32, #tpu.memory_space<hbm>>
      tpu.wait_dma2 semaphore(%run_scoped3A_641 : memref<!tpu.dma_semaphore, #tpu.memory_space<semaphore_mem>>) src(%dma_wait3A_657 : memref<512xi32, #tpu.memory_space<hbm>>) dst(%dma_wait3A_656 : memref<512xi32, #tpu.memory_space<vmem>>)
      tpu.yield
    }) : () -> ()
    %add3A_17 = arith.constant 81920 : i32
    %add3A_18 = arith.addi %add3A_17, %mul3A_2 : i32
    %run_scoped3A_19 = arith.constant 5 : i32
    "tpu.region"() ({
      %run_scoped3A_641 = tpu.sem_alloc : memref<!tpu.dma_semaphore, #tpu.memory_space<semaphore_mem>>
      %dma_start3A_642 = arith.constant 0 : i32
      %dma_start3A_643 = tpu.memref_slice %arg5[%run_scoped3A_19, %dma_start3A_642] : memref<20x512xi32, #tpu.memory_space<vmem>> -> memref<1x512xi32, #tpu.memory_space<vmem>>
      %dma_start3A_644 = tpu.memref_squeeze %dma_start3A_643 : memref<1x512xi32, #tpu.memory_space<vmem>> -> memref<512xi32, #tpu.memory_space<vmem>>
      %dma_start3A_645 = tpu.memref_slice %arg2[%add3A_18] : memref<327680xi32, #tpu.memory_space<hbm>> -> memref<512xi32, #tpu.memory_space<hbm>>
      %dma_start3A_646 = arith.constant 0 : i32
      %dma_start3A_647 = tpu.memref_slice %arg5[%run_scoped3A_19, %dma_start3A_646] : memref<20x512xi32, #tpu.memory_space<vmem>> -> memref<1x512xi32, #tpu.memory_space<vmem>>
      %dma_start3A_648 = tpu.memref_squeeze %dma_start3A_647 : memref<1x512xi32, #tpu.memory_space<vmem>> -> memref<512xi32, #tpu.memory_space<vmem>>
      %dma_start3A_649 = tpu.memref_slice %arg2[%add3A_18] : memref<327680xi32, #tpu.memory_space<hbm>> -> memref<512xi32, #tpu.memory_space<hbm>>
      tpu.enqueue_dma source(%dma_start3A_649 : memref<512xi32, #tpu.memory_space<hbm>>) target(%dma_start3A_648 : memref<512xi32, #tpu.memory_space<vmem>>) target_semaphore(%run_scoped3A_641 : memref<!tpu.dma_semaphore, #tpu.memory_space<semaphore_mem>>)
      %dma_wait3A_650 = arith.constant 0 : i32
      %dma_wait3A_651 = tpu.memref_slice %arg5[%run_scoped3A_19, %dma_wait3A_650] : memref<20x512xi32, #tpu.memory_space<vmem>> -> memref<1x512xi32, #tpu.memory_space<vmem>>
      %dma_wait3A_652 = tpu.memref_squeeze %dma_wait3A_651 : memref<1x512xi32, #tpu.memory_space<vmem>> -> memref<512xi32, #tpu.memory_space<vmem>>
      %dma_wait3A_653 = tpu.memref_slice %arg2[%add3A_18] : memref<327680xi32, #tpu.memory_space<hbm>> -> memref<512xi32, #tpu.memory_space<hbm>>
      %dma_wait3A_654 = arith.constant 0 : i32
      %dma_wait3A_655 = tpu.memref_slice %arg5[%run_scoped3A_19, %dma_wait3A_654] : memref<20x512xi32, #tpu.memory_space<vmem>> -> memref<1x512xi32, #tpu.memory_space<vmem>>
      %dma_wait3A_656 = tpu.memref_squeeze %dma_wait3A_655 : memref<1x512xi32, #tpu.memory_space<vmem>> -> memref<512xi32, #tpu.memory_space<vmem>>
      %dma_wait3A_657 = tpu.memref_slice %arg2[%add3A_18] : memref<327680xi32, #tpu.memory_space<hbm>> -> memref<512xi32, #tpu.memory_space<hbm>>
      tpu.wait_dma2 semaphore(%run_scoped3A_641 : memref<!tpu.dma_semaphore, #tpu.memory_space<semaphore_mem>>) src(%dma_wait3A_657 : memref<512xi32, #tpu.memory_space<hbm>>) dst(%dma_wait3A_656 : memref<512xi32, #tpu.memory_space<vmem>>)
      tpu.yield
    }) : () -> ()
    %add3A_20 = arith.constant 98304 : i32
    %add3A_21 = arith.addi %add3A_20, %mul3A_2 : i32
    %run_scoped3A_22 = arith.constant 6 : i32
    "tpu.region"() ({
      %run_scoped3A_641 = tpu.sem_alloc : memref<!tpu.dma_semaphore, #tpu.memory_space<semaphore_mem>>
      %dma_start3A_642 = arith.constant 0 : i32
      %dma_start3A_643 = tpu.memref_slice %arg5[%run_scoped3A_22, %dma_start3A_642] : memref<20x512xi32, #tpu.memory_space<vmem>> -> memref<1x512xi32, #tpu.memory_space<vmem>>
      %dma_start3A_644 = tpu.memref_squeeze %dma_start3A_643 : memref<1x512xi32, #tpu.memory_space<vmem>> -> memref<512xi32, #tpu.memory_space<vmem>>
      %dma_start3A_645 = tpu.memref_slice %arg2[%add3A_21] : memref<327680xi32, #tpu.memory_space<hbm>> -> memref<512xi32, #tpu.memory_space<hbm>>
      %dma_start3A_646 = arith.constant 0 : i32
      %dma_start3A_647 = tpu.memref_slice %arg5[%run_scoped3A_22, %dma_start3A_646] : memref<20x512xi32, #tpu.memory_space<vmem>> -> memref<1x512xi32, #tpu.memory_space<vmem>>
      %dma_start3A_648 = tpu.memref_squeeze %dma_start3A_647 : memref<1x512xi32, #tpu.memory_space<vmem>> -> memref<512xi32, #tpu.memory_space<vmem>>
      %dma_start3A_649 = tpu.memref_slice %arg2[%add3A_21] : memref<327680xi32, #tpu.memory_space<hbm>> -> memref<512xi32, #tpu.memory_space<hbm>>
      tpu.enqueue_dma source(%dma_start3A_649 : memref<512xi32, #tpu.memory_space<hbm>>) target(%dma_start3A_648 : memref<512xi32, #tpu.memory_space<vmem>>) target_semaphore(%run_scoped3A_641 : memref<!tpu.dma_semaphore, #tpu.memory_space<semaphore_mem>>)
      %dma_wait3A_650 = arith.constant 0 : i32
      %dma_wait3A_651 = tpu.memref_slice %arg5[%run_scoped3A_22, %dma_wait3A_650] : memref<20x512xi32, #tpu.memory_space<vmem>> -> memref<1x512xi32, #tpu.memory_space<vmem>>
      %dma_wait3A_652 = tpu.memref_squeeze %dma_wait3A_651 : memref<1x512xi32, #tpu.memory_space<vmem>> -> memref<512xi32, #tpu.memory_space<vmem>>
      %dma_wait3A_653 = tpu.memref_slice %arg2[%add3A_21] : memref<327680xi32, #tpu.memory_space<hbm>> -> memref<512xi32, #tpu.memory_space<hbm>>
      %dma_wait3A_654 = arith.constant 0 : i32
      %dma_wait3A_655 = tpu.memref_slice %arg5[%run_scoped3A_22, %dma_wait3A_654] : memref<20x512xi32, #tpu.memory_space<vmem>> -> memref<1x512xi32, #tpu.memory_space<vmem>>
      %dma_wait3A_656 = tpu.memref_squeeze %dma_wait3A_655 : memref<1x512xi32, #tpu.memory_space<vmem>> -> memref<512xi32, #tpu.memory_space<vmem>>
      %dma_wait3A_657 = tpu.memref_slice %arg2[%add3A_21] : memref<327680xi32, #tpu.memory_space<hbm>> -> memref<512xi32, #tpu.memory_space<hbm>>
      tpu.wait_dma2 semaphore(%run_scoped3A_641 : memref<!tpu.dma_semaphore, #tpu.memory_space<semaphore_mem>>) src(%dma_wait3A_657 : memref<512xi32, #tpu.memory_space<hbm>>) dst(%dma_wait3A_656 : memref<512xi32, #tpu.memory_space<vmem>>)
      tpu.yield
    }) : () -> ()
    %add3A_23 = arith.constant 114688 : i32
    %add3A_24 = arith.addi %add3A_23, %mul3A_2 : i32
    %run_scoped3A_25 = arith.constant 7 : i32
    "tpu.region"() ({
      %run_scoped3A_641 = tpu.sem_alloc : memref<!tpu.dma_semaphore, #tpu.memory_space<semaphore_mem>>
      %dma_start3A_642 = arith.constant 0 : i32
      %dma_start3A_643 = tpu.memref_slice %arg5[%run_scoped3A_25, %dma_start3A_642] : memref<20x512xi32, #tpu.memory_space<vmem>> -> memref<1x512xi32, #tpu.memory_space<vmem>>
      %dma_start3A_644 = tpu.memref_squeeze %dma_start3A_643 : memref<1x512xi32, #tpu.memory_space<vmem>> -> memref<512xi32, #tpu.memory_space<vmem>>
      %dma_start3A_645 = tpu.memref_slice %arg2[%add3A_24] : memref<327680xi32, #tpu.memory_space<hbm>> -> memref<512xi32, #tpu.memory_space<hbm>>
      %dma_start3A_646 = arith.constant 0 : i32
      %dma_start3A_647 = tpu.memref_slice %arg5[%run_scoped3A_25, %dma_start3A_646] : memref<20x512xi32, #tpu.memory_space<vmem>> -> memref<1x512xi32, #tpu.memory_space<vmem>>
      %dma_start3A_648 = tpu.memref_squeeze %dma_start3A_647 : memref<1x512xi32, #tpu.memory_space<vmem>> -> memref<512xi32, #tpu.memory_space<vmem>>
      %dma_start3A_649 = tpu.memref_slice %arg2[%add3A_24] : memref<327680xi32, #tpu.memory_space<hbm>> -> memref<512xi32, #tpu.memory_space<hbm>>
      tpu.enqueue_dma source(%dma_start3A_649 : memref<512xi32, #tpu.memory_space<hbm>>) target(%dma_start3A_648 : memref<512xi32, #tpu.memory_space<vmem>>) target_semaphore(%run_scoped3A_641 : memref<!tpu.dma_semaphore, #tpu.memory_space<semaphore_mem>>)
      %dma_wait3A_650 = arith.constant 0 : i32
      %dma_wait3A_651 = tpu.memref_slice %arg5[%run_scoped3A_25, %dma_wait3A_650] : memref<20x512xi32, #tpu.memory_space<vmem>> -> memref<1x512xi32, #tpu.memory_space<vmem>>
      %dma_wait3A_652 = tpu.memref_squeeze %dma_wait3A_651 : memref<1x512xi32, #tpu.memory_space<vmem>> -> memref<512xi32, #tpu.memory_space<vmem>>
      %dma_wait3A_653 = tpu.memref_slice %arg2[%add3A_24] : memref<327680xi32, #tpu.memory_space<hbm>> -> memref<512xi32, #tpu.memory_space<hbm>>
      %dma_wait3A_654 = arith.constant 0 : i32
      %dma_wait3A_655 = tpu.memref_slice %arg5[%run_scoped3A_25, %dma_wait3A_654] : memref<20x512xi32, #tpu.memory_space<vmem>> -> memref<1x512xi32, #tpu.memory_space<vmem>>
      %dma_wait3A_656 = tpu.memref_squeeze %dma_wait3A_655 : memref<1x512xi32, #tpu.memory_space<vmem>> -> memref<512xi32, #tpu.memory_space<vmem>>
      %dma_wait3A_657 = tpu.memref_slice %arg2[%add3A_24] : memref<327680xi32, #tpu.memory_space<hbm>> -> memref<512xi32, #tpu.memory_space<hbm>>
      tpu.wait_dma2 semaphore(%run_scoped3A_641 : memref<!tpu.dma_semaphore, #tpu.memory_space<semaphore_mem>>) src(%dma_wait3A_657 : memref<512xi32, #tpu.memory_space<hbm>>) dst(%dma_wait3A_656 : memref<512xi32, #tpu.memory_space<vmem>>)
      tpu.yield
    }) : () -> ()
    %add3A_26 = arith.constant 131072 : i32
    %add3A_27 = arith.addi %add3A_26, %mul3A_2 : i32
    %run_scoped3A_28 = arith.constant 8 : i32
    "tpu.region"() ({
      %run_scoped3A_641 = tpu.sem_alloc : memref<!tpu.dma_semaphore, #tpu.memory_space<semaphore_mem>>
      %dma_start3A_642 = arith.constant 0 : i32
      %dma_start3A_643 = tpu.memref_slice %arg5[%run_scoped3A_28, %dma_start3A_642] : memref<20x512xi32, #tpu.memory_space<vmem>> -> memref<1x512xi32, #tpu.memory_space<vmem>>
      %dma_start3A_644 = tpu.memref_squeeze %dma_start3A_643 : memref<1x512xi32, #tpu.memory_space<vmem>> -> memref<512xi32, #tpu.memory_space<vmem>>
      %dma_start3A_645 = tpu.memref_slice %arg2[%add3A_27] : memref<327680xi32, #tpu.memory_space<hbm>> -> memref<512xi32, #tpu.memory_space<hbm>>
      %dma_start3A_646 = arith.constant 0 : i32
      %dma_start3A_647 = tpu.memref_slice %arg5[%run_scoped3A_28, %dma_start3A_646] : memref<20x512xi32, #tpu.memory_space<vmem>> -> memref<1x512xi32, #tpu.memory_space<vmem>>
      %dma_start3A_648 = tpu.memref_squeeze %dma_start3A_647 : memref<1x512xi32, #tpu.memory_space<vmem>> -> memref<512xi32, #tpu.memory_space<vmem>>
      %dma_start3A_649 = tpu.memref_slice %arg2[%add3A_27] : memref<327680xi32, #tpu.memory_space<hbm>> -> memref<512xi32, #tpu.memory_space<hbm>>
      tpu.enqueue_dma source(%dma_start3A_649 : memref<512xi32, #tpu.memory_space<hbm>>) target(%dma_start3A_648 : memref<512xi32, #tpu.memory_space<vmem>>) target_semaphore(%run_scoped3A_641 : memref<!tpu.dma_semaphore, #tpu.memory_space<semaphore_mem>>)
      %dma_wait3A_650 = arith.constant 0 : i32
      %dma_wait3A_651 = tpu.memref_slice %arg5[%run_scoped3A_28, %dma_wait3A_650] : memref<20x512xi32, #tpu.memory_space<vmem>> -> memref<1x512xi32, #tpu.memory_space<vmem>>
      %dma_wait3A_652 = tpu.memref_squeeze %dma_wait3A_651 : memref<1x512xi32, #tpu.memory_space<vmem>> -> memref<512xi32, #tpu.memory_space<vmem>>
      %dma_wait3A_653 = tpu.memref_slice %arg2[%add3A_27] : memref<327680xi32, #tpu.memory_space<hbm>> -> memref<512xi32, #tpu.memory_space<hbm>>
      %dma_wait3A_654 = arith.constant 0 : i32
      %dma_wait3A_655 = tpu.memref_slice %arg5[%run_scoped3A_28, %dma_wait3A_654] : memref<20x512xi32, #tpu.memory_space<vmem>> -> memref<1x512xi32, #tpu.memory_space<vmem>>
      %dma_wait3A_656 = tpu.memref_squeeze %dma_wait3A_655 : memref<1x512xi32, #tpu.memory_space<vmem>> -> memref<512xi32, #tpu.memory_space<vmem>>
      %dma_wait3A_657 = tpu.memref_slice %arg2[%add3A_27] : memref<327680xi32, #tpu.memory_space<hbm>> -> memref<512xi32, #tpu.memory_space<hbm>>
      tpu.wait_dma2 semaphore(%run_scoped3A_641 : memref<!tpu.dma_semaphore, #tpu.memory_space<semaphore_mem>>) src(%dma_wait3A_657 : memref<512xi32, #tpu.memory_space<hbm>>) dst(%dma_wait3A_656 : memref<512xi32, #tpu.memory_space<vmem>>)
      tpu.yield
    }) : () -> ()
    %add3A_29 = arith.constant 147456 : i32
    %add3A_30 = arith.addi %add3A_29, %mul3A_2 : i32
    %run_scoped3A_31 = arith.constant 9 : i32
    "tpu.region"() ({
      %run_scoped3A_641 = tpu.sem_alloc : memref<!tpu.dma_semaphore, #tpu.memory_space<semaphore_mem>>
      %dma_start3A_642 = arith.constant 0 : i32
      %dma_start3A_643 = tpu.memref_slice %arg5[%run_scoped3A_31, %dma_start3A_642] : memref<20x512xi32, #tpu.memory_space<vmem>> -> memref<1x512xi32, #tpu.memory_space<vmem>>
      %dma_start3A_644 = tpu.memref_squeeze %dma_start3A_643 : memref<1x512xi32, #tpu.memory_space<vmem>> -> memref<512xi32, #tpu.memory_space<vmem>>
      %dma_start3A_645 = tpu.memref_slice %arg2[%add3A_30] : memref<327680xi32, #tpu.memory_space<hbm>> -> memref<512xi32, #tpu.memory_space<hbm>>
      %dma_start3A_646 = arith.constant 0 : i32
      %dma_start3A_647 = tpu.memref_slice %arg5[%run_scoped3A_31, %dma_start3A_646] : memref<20x512xi32, #tpu.memory_space<vmem>> -> memref<1x512xi32, #tpu.memory_space<vmem>>
      %dma_start3A_648 = tpu.memref_squeeze %dma_start3A_647 : memref<1x512xi32, #tpu.memory_space<vmem>> -> memref<512xi32, #tpu.memory_space<vmem>>
      %dma_start3A_649 = tpu.memref_slice %arg2[%add3A_30] : memref<327680xi32, #tpu.memory_space<hbm>> -> memref<512xi32, #tpu.memory_space<hbm>>
      tpu.enqueue_dma source(%dma_start3A_649 : memref<512xi32, #tpu.memory_space<hbm>>) target(%dma_start3A_648 : memref<512xi32, #tpu.memory_space<vmem>>) target_semaphore(%run_scoped3A_641 : memref<!tpu.dma_semaphore, #tpu.memory_space<semaphore_mem>>)
      %dma_wait3A_650 = arith.constant 0 : i32
      %dma_wait3A_651 = tpu.memref_slice %arg5[%run_scoped3A_31, %dma_wait3A_650] : memref<20x512xi32, #tpu.memory_space<vmem>> -> memref<1x512xi32, #tpu.memory_space<vmem>>
      %dma_wait3A_652 = tpu.memref_squeeze %dma_wait3A_651 : memref<1x512xi32, #tpu.memory_space<vmem>> -> memref<512xi32, #tpu.memory_space<vmem>>
      %dma_wait3A_653 = tpu.memref_slice %arg2[%add3A_30] : memref<327680xi32, #tpu.memory_space<hbm>> -> memref<512xi32, #tpu.memory_space<hbm>>
      %dma_wait3A_654 = arith.constant 0 : i32
      %dma_wait3A_655 = tpu.memref_slice %arg5[%run_scoped3A_31, %dma_wait3A_654] : memref<20x512xi32, #tpu.memory_space<vmem>> -> memref<1x512xi32, #tpu.memory_space<vmem>>
      %dma_wait3A_656 = tpu.memref_squeeze %dma_wait3A_655 : memref<1x512xi32, #tpu.memory_space<vmem>> -> memref<512xi32, #tpu.memory_space<vmem>>
      %dma_wait3A_657 = tpu.memref_slice %arg2[%add3A_30] : memref<327680xi32, #tpu.memory_space<hbm>> -> memref<512xi32, #tpu.memory_space<hbm>>
      tpu.wait_dma2 semaphore(%run_scoped3A_641 : memref<!tpu.dma_semaphore, #tpu.memory_space<semaphore_mem>>) src(%dma_wait3A_657 : memref<512xi32, #tpu.memory_space<hbm>>) dst(%dma_wait3A_656 : memref<512xi32, #tpu.memory_space<vmem>>)
      tpu.yield
    }) : () -> ()
    %add3A_32 = arith.constant 163840 : i32
    %add3A_33 = arith.addi %add3A_32, %mul3A_2 : i32
    %run_scoped3A_34 = arith.constant 10 : i32
    "tpu.region"() ({
      %run_scoped3A_641 = tpu.sem_alloc : memref<!tpu.dma_semaphore, #tpu.memory_space<semaphore_mem>>
      %dma_start3A_642 = arith.constant 0 : i32
      %dma_start3A_643 = tpu.memref_slice %arg5[%run_scoped3A_34, %dma_start3A_642] : memref<20x512xi32, #tpu.memory_space<vmem>> -> memref<1x512xi32, #tpu.memory_space<vmem>>
      %dma_start3A_644 = tpu.memref_squeeze %dma_start3A_643 : memref<1x512xi32, #tpu.memory_space<vmem>> -> memref<512xi32, #tpu.memory_space<vmem>>
      %dma_start3A_645 = tpu.memref_slice %arg2[%add3A_33] : memref<327680xi32, #tpu.memory_space<hbm>> -> memref<512xi32, #tpu.memory_space<hbm>>
      %dma_start3A_646 = arith.constant 0 : i32
      %dma_start3A_647 = tpu.memref_slice %arg5[%run_scoped3A_34, %dma_start3A_646] : memref<20x512xi32, #tpu.memory_space<vmem>> -> memref<1x512xi32, #tpu.memory_space<vmem>>
      %dma_start3A_648 = tpu.memref_squeeze %dma_start3A_647 : memref<1x512xi32, #tpu.memory_space<vmem>> -> memref<512xi32, #tpu.memory_space<vmem>>
      %dma_start3A_649 = tpu.memref_slice %arg2[%add3A_33] : memref<327680xi32, #tpu.memory_space<hbm>> -> memref<512xi32, #tpu.memory_space<hbm>>
      tpu.enqueue_dma source(%dma_start3A_649 : memref<512xi32, #tpu.memory_space<hbm>>) target(%dma_start3A_648 : memref<512xi32, #tpu.memory_space<vmem>>) target_semaphore(%run_scoped3A_641 : memref<!tpu.dma_semaphore, #tpu.memory_space<semaphore_mem>>)
      %dma_wait3A_650 = arith.constant 0 : i32
      %dma_wait3A_651 = tpu.memref_slice %arg5[%run_scoped3A_34, %dma_wait3A_650] : memref<20x512xi32, #tpu.memory_space<vmem>> -> memref<1x512xi32, #tpu.memory_space<vmem>>
      %dma_wait3A_652 = tpu.memref_squeeze %dma_wait3A_651 : memref<1x512xi32, #tpu.memory_space<vmem>> -> memref<512xi32, #tpu.memory_space<vmem>>
      %dma_wait3A_653 = tpu.memref_slice %arg2[%add3A_33] : memref<327680xi32, #tpu.memory_space<hbm>> -> memref<512xi32, #tpu.memory_space<hbm>>
      %dma_wait3A_654 = arith.constant 0 : i32
      %dma_wait3A_655 = tpu.memref_slice %arg5[%run_scoped3A_34, %dma_wait3A_654] : memref<20x512xi32, #tpu.memory_space<vmem>> -> memref<1x512xi32, #tpu.memory_space<vmem>>
      %dma_wait3A_656 = tpu.memref_squeeze %dma_wait3A_655 : memref<1x512xi32, #tpu.memory_space<vmem>> -> memref<512xi32, #tpu.memory_space<vmem>>
      %dma_wait3A_657 = tpu.memref_slice %arg2[%add3A_33] : memref<327680xi32, #tpu.memory_space<hbm>> -> memref<512xi32, #tpu.memory_space<hbm>>
      tpu.wait_dma2 semaphore(%run_scoped3A_641 : memref<!tpu.dma_semaphore, #tpu.memory_space<semaphore_mem>>) src(%dma_wait3A_657 : memref<512xi32, #tpu.memory_space<hbm>>) dst(%dma_wait3A_656 : memref<512xi32, #tpu.memory_space<vmem>>)
      tpu.yield
    }) : () -> ()
    %add3A_35 = arith.constant 180224 : i32
    %add3A_36 = arith.addi %add3A_35, %mul3A_2 : i32
    %run_scoped3A_37 = arith.constant 11 : i32
    "tpu.region"() ({
      %run_scoped3A_641 = tpu.sem_alloc : memref<!tpu.dma_semaphore, #tpu.memory_space<semaphore_mem>>
      %dma_start3A_642 = arith.constant 0 : i32
      %dma_start3A_643 = tpu.memref_slice %arg5[%run_scoped3A_37, %dma_start3A_642] : memref<20x512xi32, #tpu.memory_space<vmem>> -> memref<1x512xi32, #tpu.memory_space<vmem>>
      %dma_start3A_644 = tpu.memref_squeeze %dma_start3A_643 : memref<1x512xi32, #tpu.memory_space<vmem>> -> memref<512xi32, #tpu.memory_space<vmem>>
      %dma_start3A_645 = tpu.memref_slice %arg2[%add3A_36] : memref<327680xi32, #tpu.memory_space<hbm>> -> memref<512xi32, #tpu.memory_space<hbm>>
      %dma_start3A_646 = arith.constant 0 : i32
      %dma_start3A_647 = tpu.memref_slice %arg5[%run_scoped3A_37, %dma_start3A_646] : memref<20x512xi32, #tpu.memory_space<vmem>> -> memref<1x512xi32, #tpu.memory_space<vmem>>
      %dma_start3A_648 = tpu.memref_squeeze %dma_start3A_647 : memref<1x512xi32, #tpu.memory_space<vmem>> -> memref<512xi32, #tpu.memory_space<vmem>>
      %dma_start3A_649 = tpu.memref_slice %arg2[%add3A_36] : memref<327680xi32, #tpu.memory_space<hbm>> -> memref<512xi32, #tpu.memory_space<hbm>>
      tpu.enqueue_dma source(%dma_start3A_649 : memref<512xi32, #tpu.memory_space<hbm>>) target(%dma_start3A_648 : memref<512xi32, #tpu.memory_space<vmem>>) target_semaphore(%run_scoped3A_641 : memref<!tpu.dma_semaphore, #tpu.memory_space<semaphore_mem>>)
      %dma_wait3A_650 = arith.constant 0 : i32
      %dma_wait3A_651 = tpu.memref_slice %arg5[%run_scoped3A_37, %dma_wait3A_650] : memref<20x512xi32, #tpu.memory_space<vmem>> -> memref<1x512xi32, #tpu.memory_space<vmem>>
      %dma_wait3A_652 = tpu.memref_squeeze %dma_wait3A_651 : memref<1x512xi32, #tpu.memory_space<vmem>> -> memref<512xi32, #tpu.memory_space<vmem>>
      %dma_wait3A_653 = tpu.memref_slice %arg2[%add3A_36] : memref<327680xi32, #tpu.memory_space<hbm>> -> memref<512xi32, #tpu.memory_space<hbm>>
      %dma_wait3A_654 = arith.constant 0 : i32
      %dma_wait3A_655 = tpu.memref_slice %arg5[%run_scoped3A_37, %dma_wait3A_654] : memref<20x512xi32, #tpu.memory_space<vmem>> -> memref<1x512xi32, #tpu.memory_space<vmem>>
      %dma_wait3A_656 = tpu.memref_squeeze %dma_wait3A_655 : memref<1x512xi32, #tpu.memory_space<vmem>> -> memref<512xi32, #tpu.memory_space<vmem>>
      %dma_wait3A_657 = tpu.memref_slice %arg2[%add3A_36] : memref<327680xi32, #tpu.memory_space<hbm>> -> memref<512xi32, #tpu.memory_space<hbm>>
      tpu.wait_dma2 semaphore(%run_scoped3A_641 : memref<!tpu.dma_semaphore, #tpu.memory_space<semaphore_mem>>) src(%dma_wait3A_657 : memref<512xi32, #tpu.memory_space<hbm>>) dst(%dma_wait3A_656 : memref<512xi32, #tpu.memory_space<vmem>>)
      tpu.yield
    }) : () -> ()
    %add3A_38 = arith.constant 196608 : i32
    %add3A_39 = arith.addi %add3A_38, %mul3A_2 : i32
    %run_scoped3A_40 = arith.constant 12 : i32
    "tpu.region"() ({
      %run_scoped3A_641 = tpu.sem_alloc : memref<!tpu.dma_semaphore, #tpu.memory_space<semaphore_mem>>
      %dma_start3A_642 = arith.constant 0 : i32
      %dma_start3A_643 = tpu.memref_slice %arg5[%run_scoped3A_40, %dma_start3A_642] : memref<20x512xi32, #tpu.memory_space<vmem>> -> memref<1x512xi32, #tpu.memory_space<vmem>>
      %dma_start3A_644 = tpu.memref_squeeze %dma_start3A_643 : memref<1x512xi32, #tpu.memory_space<vmem>> -> memref<512xi32, #tpu.memory_space<vmem>>
      %dma_start3A_645 = tpu.memref_slice %arg2[%add3A_39] : memref<327680xi32, #tpu.memory_space<hbm>> -> memref<512xi32, #tpu.memory_space<hbm>>
      %dma_start3A_646 = arith.constant 0 : i32
      %dma_start3A_647 = tpu.memref_slice %arg5[%run_scoped3A_40, %dma_start3A_646] : memref<20x512xi32, #tpu.memory_space<vmem>> -> memref<1x512xi32, #tpu.memory_space<vmem>>
      %dma_start3A_648 = tpu.memref_squeeze %dma_start3A_647 : memref<1x512xi32, #tpu.memory_space<vmem>> -> memref<512xi32, #tpu.memory_space<vmem>>
      %dma_start3A_649 = tpu.memref_slice %arg2[%add3A_39] : memref<327680xi32, #tpu.memory_space<hbm>> -> memref<512xi32, #tpu.memory_space<hbm>>
      tpu.enqueue_dma source(%dma_start3A_649 : memref<512xi32, #tpu.memory_space<hbm>>) target(%dma_start3A_648 : memref<512xi32, #tpu.memory_space<vmem>>) target_semaphore(%run_scoped3A_641 : memref<!tpu.dma_semaphore, #tpu.memory_space<semaphore_mem>>)
      %dma_wait3A_650 = arith.constant 0 : i32
      %dma_wait3A_651 = tpu.memref_slice %arg5[%run_scoped3A_40, %dma_wait3A_650] : memref<20x512xi32, #tpu.memory_space<vmem>> -> memref<1x512xi32, #tpu.memory_space<vmem>>
      %dma_wait3A_652 = tpu.memref_squeeze %dma_wait3A_651 : memref<1x512xi32, #tpu.memory_space<vmem>> -> memref<512xi32, #tpu.memory_space<vmem>>
      %dma_wait3A_653 = tpu.memref_slice %arg2[%add3A_39] : memref<327680xi32, #tpu.memory_space<hbm>> -> memref<512xi32, #tpu.memory_space<hbm>>
      %dma_wait3A_654 = arith.constant 0 : i32
      %dma_wait3A_655 = tpu.memref_slice %arg5[%run_scoped3A_40, %dma_wait3A_654] : memref<20x512xi32, #tpu.memory_space<vmem>> -> memref<1x512xi32, #tpu.memory_space<vmem>>
      %dma_wait3A_656 = tpu.memref_squeeze %dma_wait3A_655 : memref<1x512xi32, #tpu.memory_space<vmem>> -> memref<512xi32, #tpu.memory_space<vmem>>
      %dma_wait3A_657 = tpu.memref_slice %arg2[%add3A_39] : memref<327680xi32, #tpu.memory_space<hbm>> -> memref<512xi32, #tpu.memory_space<hbm>>
      tpu.wait_dma2 semaphore(%run_scoped3A_641 : memref<!tpu.dma_semaphore, #tpu.memory_space<semaphore_mem>>) src(%dma_wait3A_657 : memref<512xi32, #tpu.memory_space<hbm>>) dst(%dma_wait3A_656 : memref<512xi32, #tpu.memory_space<vmem>>)
      tpu.yield
    }) : () -> ()
    %add3A_41 = arith.constant 212992 : i32
    %add3A_42 = arith.addi %add3A_41, %mul3A_2 : i32
    %run_scoped3A_43 = arith.constant 13 : i32
    "tpu.region"() ({
      %run_scoped3A_641 = tpu.sem_alloc : memref<!tpu.dma_semaphore, #tpu.memory_space<semaphore_mem>>
      %dma_start3A_642 = arith.constant 0 : i32
      %dma_start3A_643 = tpu.memref_slice %arg5[%run_scoped3A_43, %dma_start3A_642] : memref<20x512xi32, #tpu.memory_space<vmem>> -> memref<1x512xi32, #tpu.memory_space<vmem>>
      %dma_start3A_644 = tpu.memref_squeeze %dma_start3A_643 : memref<1x512xi32, #tpu.memory_space<vmem>> -> memref<512xi32, #tpu.memory_space<vmem>>
      %dma_start3A_645 = tpu.memref_slice %arg2[%add3A_42] : memref<327680xi32, #tpu.memory_space<hbm>> -> memref<512xi32, #tpu.memory_space<hbm>>
      %dma_start3A_646 = arith.constant 0 : i32
      %dma_start3A_647 = tpu.memref_slice %arg5[%run_scoped3A_43, %dma_start3A_646] : memref<20x512xi32, #tpu.memory_space<vmem>> -> memref<1x512xi32, #tpu.memory_space<vmem>>
      %dma_start3A_648 = tpu.memref_squeeze %dma_start3A_647 : memref<1x512xi32, #tpu.memory_space<vmem>> -> memref<512xi32, #tpu.memory_space<vmem>>
      %dma_start3A_649 = tpu.memref_slice %arg2[%add3A_42] : memref<327680xi32, #tpu.memory_space<hbm>> -> memref<512xi32, #tpu.memory_space<hbm>>
      tpu.enqueue_dma source(%dma_start3A_649 : memref<512xi32, #tpu.memory_space<hbm>>) target(%dma_start3A_648 : memref<512xi32, #tpu.memory_space<vmem>>) target_semaphore(%run_scoped3A_641 : memref<!tpu.dma_semaphore, #tpu.memory_space<semaphore_mem>>)
      %dma_wait3A_650 = arith.constant 0 : i32
      %dma_wait3A_651 = tpu.memref_slice %arg5[%run_scoped3A_43, %dma_wait3A_650] : memref<20x512xi32, #tpu.memory_space<vmem>> -> memref<1x512xi32, #tpu.memory_space<vmem>>
      %dma_wait3A_652 = tpu.memref_squeeze %dma_wait3A_651 : memref<1x512xi32, #tpu.memory_space<vmem>> -> memref<512xi32, #tpu.memory_space<vmem>>
      %dma_wait3A_653 = tpu.memref_slice %arg2[%add3A_42] : memref<327680xi32, #tpu.memory_space<hbm>> -> memref<512xi32, #tpu.memory_space<hbm>>
      %dma_wait3A_654 = arith.constant 0 : i32
      %dma_wait3A_655 = tpu.memref_slice %arg5[%run_scoped3A_43, %dma_wait3A_654] : memref<20x512xi32, #tpu.memory_space<vmem>> -> memref<1x512xi32, #tpu.memory_space<vmem>>
      %dma_wait3A_656 = tpu.memref_squeeze %dma_wait3A_655 : memref<1x512xi32, #tpu.memory_space<vmem>> -> memref<512xi32, #tpu.memory_space<vmem>>
      %dma_wait3A_657 = tpu.memref_slice %arg2[%add3A_42] : memref<327680xi32, #tpu.memory_space<hbm>> -> memref<512xi32, #tpu.memory_space<hbm>>
      tpu.wait_dma2 semaphore(%run_scoped3A_641 : memref<!tpu.dma_semaphore, #tpu.memory_space<semaphore_mem>>) src(%dma_wait3A_657 : memref<512xi32, #tpu.memory_space<hbm>>) dst(%dma_wait3A_656 : memref<512xi32, #tpu.memory_space<vmem>>)
      tpu.yield
    }) : () -> ()
    %add3A_44 = arith.constant 229376 : i32
    %add3A_45 = arith.addi %add3A_44, %mul3A_2 : i32
    %run_scoped3A_46 = arith.constant 14 : i32
    "tpu.region"() ({
      %run_scoped3A_641 = tpu.sem_alloc : memref<!tpu.dma_semaphore, #tpu.memory_space<semaphore_mem>>
      %dma_start3A_642 = arith.constant 0 : i32
      %dma_start3A_643 = tpu.memref_slice %arg5[%run_scoped3A_46, %dma_start3A_642] : memref<20x512xi32, #tpu.memory_space<vmem>> -> memref<1x512xi32, #tpu.memory_space<vmem>>
      %dma_start3A_644 = tpu.memref_squeeze %dma_start3A_643 : memref<1x512xi32, #tpu.memory_space<vmem>> -> memref<512xi32, #tpu.memory_space<vmem>>
      %dma_start3A_645 = tpu.memref_slice %arg2[%add3A_45] : memref<327680xi32, #tpu.memory_space<hbm>> -> memref<512xi32, #tpu.memory_space<hbm>>
      %dma_start3A_646 = arith.constant 0 : i32
      %dma_start3A_647 = tpu.memref_slice %arg5[%run_scoped3A_46, %dma_start3A_646] : memref<20x512xi32, #tpu.memory_space<vmem>> -> memref<1x512xi32, #tpu.memory_space<vmem>>
      %dma_start3A_648 = tpu.memref_squeeze %dma_start3A_647 : memref<1x512xi32, #tpu.memory_space<vmem>> -> memref<512xi32, #tpu.memory_space<vmem>>
      %dma_start3A_649 = tpu.memref_slice %arg2[%add3A_45] : memref<327680xi32, #tpu.memory_space<hbm>> -> memref<512xi32, #tpu.memory_space<hbm>>
      tpu.enqueue_dma source(%dma_start3A_649 : memref<512xi32, #tpu.memory_space<hbm>>) target(%dma_start3A_648 : memref<512xi32, #tpu.memory_space<vmem>>) target_semaphore(%run_scoped3A_641 : memref<!tpu.dma_semaphore, #tpu.memory_space<semaphore_mem>>)
      %dma_wait3A_650 = arith.constant 0 : i32
      %dma_wait3A_651 = tpu.memref_slice %arg5[%run_scoped3A_46, %dma_wait3A_650] : memref<20x512xi32, #tpu.memory_space<vmem>> -> memref<1x512xi32, #tpu.memory_space<vmem>>
      %dma_wait3A_652 = tpu.memref_squeeze %dma_wait3A_651 : memref<1x512xi32, #tpu.memory_space<vmem>> -> memref<512xi32, #tpu.memory_space<vmem>>
      %dma_wait3A_653 = tpu.memref_slice %arg2[%add3A_45] : memref<327680xi32, #tpu.memory_space<hbm>> -> memref<512xi32, #tpu.memory_space<hbm>>
      %dma_wait3A_654 = arith.constant 0 : i32
      %dma_wait3A_655 = tpu.memref_slice %arg5[%run_scoped3A_46, %dma_wait3A_654] : memref<20x512xi32, #tpu.memory_space<vmem>> -> memref<1x512xi32, #tpu.memory_space<vmem>>
      %dma_wait3A_656 = tpu.memref_squeeze %dma_wait3A_655 : memref<1x512xi32, #tpu.memory_space<vmem>> -> memref<512xi32, #tpu.memory_space<vmem>>
      %dma_wait3A_657 = tpu.memref_slice %arg2[%add3A_45] : memref<327680xi32, #tpu.memory_space<hbm>> -> memref<512xi32, #tpu.memory_space<hbm>>
      tpu.wait_dma2 semaphore(%run_scoped3A_641 : memref<!tpu.dma_semaphore, #tpu.memory_space<semaphore_mem>>) src(%dma_wait3A_657 : memref<512xi32, #tpu.memory_space<hbm>>) dst(%dma_wait3A_656 : memref<512xi32, #tpu.memory_space<vmem>>)
      tpu.yield
    }) : () -> ()
    %add3A_47 = arith.constant 245760 : i32
    %add3A_48 = arith.addi %add3A_47, %mul3A_2 : i32
    %run_scoped3A_49 = arith.constant 15 : i32
    "tpu.region"() ({
      %run_scoped3A_641 = tpu.sem_alloc : memref<!tpu.dma_semaphore, #tpu.memory_space<semaphore_mem>>
      %dma_start3A_642 = arith.constant 0 : i32
      %dma_start3A_643 = tpu.memref_slice %arg5[%run_scoped3A_49, %dma_start3A_642] : memref<20x512xi32, #tpu.memory_space<vmem>> -> memref<1x512xi32, #tpu.memory_space<vmem>>
      %dma_start3A_644 = tpu.memref_squeeze %dma_start3A_643 : memref<1x512xi32, #tpu.memory_space<vmem>> -> memref<512xi32, #tpu.memory_space<vmem>>
      %dma_start3A_645 = tpu.memref_slice %arg2[%add3A_48] : memref<327680xi32, #tpu.memory_space<hbm>> -> memref<512xi32, #tpu.memory_space<hbm>>
      %dma_start3A_646 = arith.constant 0 : i32
      %dma_start3A_647 = tpu.memref_slice %arg5[%run_scoped3A_49, %dma_start3A_646] : memref<20x512xi32, #tpu.memory_space<vmem>> -> memref<1x512xi32, #tpu.memory_space<vmem>>
      %dma_start3A_648 = tpu.memref_squeeze %dma_start3A_647 : memref<1x512xi32, #tpu.memory_space<vmem>> -> memref<512xi32, #tpu.memory_space<vmem>>
      %dma_start3A_649 = tpu.memref_slice %arg2[%add3A_48] : memref<327680xi32, #tpu.memory_space<hbm>> -> memref<512xi32, #tpu.memory_space<hbm>>
      tpu.enqueue_dma source(%dma_start3A_649 : memref<512xi32, #tpu.memory_space<hbm>>) target(%dma_start3A_648 : memref<512xi32, #tpu.memory_space<vmem>>) target_semaphore(%run_scoped3A_641 : memref<!tpu.dma_semaphore, #tpu.memory_space<semaphore_mem>>)
      %dma_wait3A_650 = arith.constant 0 : i32
      %dma_wait3A_651 = tpu.memref_slice %arg5[%run_scoped3A_49, %dma_wait3A_650] : memref<20x512xi32, #tpu.memory_space<vmem>> -> memref<1x512xi32, #tpu.memory_space<vmem>>
      %dma_wait3A_652 = tpu.memref_squeeze %dma_wait3A_651 : memref<1x512xi32, #tpu.memory_space<vmem>> -> memref<512xi32, #tpu.memory_space<vmem>>
      %dma_wait3A_653 = tpu.memref_slice %arg2[%add3A_48] : memref<327680xi32, #tpu.memory_space<hbm>> -> memref<512xi32, #tpu.memory_space<hbm>>
      %dma_wait3A_654 = arith.constant 0 : i32
      %dma_wait3A_655 = tpu.memref_slice %arg5[%run_scoped3A_49, %dma_wait3A_654] : memref<20x512xi32, #tpu.memory_space<vmem>> -> memref<1x512xi32, #tpu.memory_space<vmem>>
      %dma_wait3A_656 = tpu.memref_squeeze %dma_wait3A_655 : memref<1x512xi32, #tpu.memory_space<vmem>> -> memref<512xi32, #tpu.memory_space<vmem>>
      %dma_wait3A_657 = tpu.memref_slice %arg2[%add3A_48] : memref<327680xi32, #tpu.memory_space<hbm>> -> memref<512xi32, #tpu.memory_space<hbm>>
      tpu.wait_dma2 semaphore(%run_scoped3A_641 : memref<!tpu.dma_semaphore, #tpu.memory_space<semaphore_mem>>) src(%dma_wait3A_657 : memref<512xi32, #tpu.memory_space<hbm>>) dst(%dma_wait3A_656 : memref<512xi32, #tpu.memory_space<vmem>>)
      tpu.yield
    }) : () -> ()
    %add3A_50 = arith.constant 262144 : i32
    %add3A_51 = arith.addi %add3A_50, %mul3A_2 : i32
    %run_scoped3A_52 = arith.constant 16 : i32
    "tpu.region"() ({
      %run_scoped3A_641 = tpu.sem_alloc : memref<!tpu.dma_semaphore, #tpu.memory_space<semaphore_mem>>
      %dma_start3A_642 = arith.constant 0 : i32
      %dma_start3A_643 = tpu.memref_slice %arg5[%run_scoped3A_52, %dma_start3A_642] : memref<20x512xi32, #tpu.memory_space<vmem>> -> memref<1x512xi32, #tpu.memory_space<vmem>>
      %dma_start3A_644 = tpu.memref_squeeze %dma_start3A_643 : memref<1x512xi32, #tpu.memory_space<vmem>> -> memref<512xi32, #tpu.memory_space<vmem>>
      %dma_start3A_645 = tpu.memref_slice %arg2[%add3A_51] : memref<327680xi32, #tpu.memory_space<hbm>> -> memref<512xi32, #tpu.memory_space<hbm>>
      %dma_start3A_646 = arith.constant 0 : i32
      %dma_start3A_647 = tpu.memref_slice %arg5[%run_scoped3A_52, %dma_start3A_646] : memref<20x512xi32, #tpu.memory_space<vmem>> -> memref<1x512xi32, #tpu.memory_space<vmem>>
      %dma_start3A_648 = tpu.memref_squeeze %dma_start3A_647 : memref<1x512xi32, #tpu.memory_space<vmem>> -> memref<512xi32, #tpu.memory_space<vmem>>
      %dma_start3A_649 = tpu.memref_slice %arg2[%add3A_51] : memref<327680xi32, #tpu.memory_space<hbm>> -> memref<512xi32, #tpu.memory_space<hbm>>
      tpu.enqueue_dma source(%dma_start3A_649 : memref<512xi32, #tpu.memory_space<hbm>>) target(%dma_start3A_648 : memref<512xi32, #tpu.memory_space<vmem>>) target_semaphore(%run_scoped3A_641 : memref<!tpu.dma_semaphore, #tpu.memory_space<semaphore_mem>>)
      %dma_wait3A_650 = arith.constant 0 : i32
      %dma_wait3A_651 = tpu.memref_slice %arg5[%run_scoped3A_52, %dma_wait3A_650] : memref<20x512xi32, #tpu.memory_space<vmem>> -> memref<1x512xi32, #tpu.memory_space<vmem>>
      %dma_wait3A_652 = tpu.memref_squeeze %dma_wait3A_651 : memref<1x512xi32, #tpu.memory_space<vmem>> -> memref<512xi32, #tpu.memory_space<vmem>>
      %dma_wait3A_653 = tpu.memref_slice %arg2[%add3A_51] : memref<327680xi32, #tpu.memory_space<hbm>> -> memref<512xi32, #tpu.memory_space<hbm>>
      %dma_wait3A_654 = arith.constant 0 : i32
      %dma_wait3A_655 = tpu.memref_slice %arg5[%run_scoped3A_52, %dma_wait3A_654] : memref<20x512xi32, #tpu.memory_space<vmem>> -> memref<1x512xi32, #tpu.memory_space<vmem>>
      %dma_wait3A_656 = tpu.memref_squeeze %dma_wait3A_655 : memref<1x512xi32, #tpu.memory_space<vmem>> -> memref<512xi32, #tpu.memory_space<vmem>>
      %dma_wait3A_657 = tpu.memref_slice %arg2[%add3A_51] : memref<327680xi32, #tpu.memory_space<hbm>> -> memref<512xi32, #tpu.memory_space<hbm>>
      tpu.wait_dma2 semaphore(%run_scoped3A_641 : memref<!tpu.dma_semaphore, #tpu.memory_space<semaphore_mem>>) src(%dma_wait3A_657 : memref<512xi32, #tpu.memory_space<hbm>>) dst(%dma_wait3A_656 : memref<512xi32, #tpu.memory_space<vmem>>)
      tpu.yield
    }) : () -> ()
    %add3A_53 = arith.constant 278528 : i32
    %add3A_54 = arith.addi %add3A_53, %mul3A_2 : i32
    %run_scoped3A_55 = arith.constant 17 : i32
    "tpu.region"() ({
      %run_scoped3A_641 = tpu.sem_alloc : memref<!tpu.dma_semaphore, #tpu.memory_space<semaphore_mem>>
      %dma_start3A_642 = arith.constant 0 : i32
      %dma_start3A_643 = tpu.memref_slice %arg5[%run_scoped3A_55, %dma_start3A_642] : memref<20x512xi32, #tpu.memory_space<vmem>> -> memref<1x512xi32, #tpu.memory_space<vmem>>
      %dma_start3A_644 = tpu.memref_squeeze %dma_start3A_643 : memref<1x512xi32, #tpu.memory_space<vmem>> -> memref<512xi32, #tpu.memory_space<vmem>>
      %dma_start3A_645 = tpu.memref_slice %arg2[%add3A_54] : memref<327680xi32, #tpu.memory_space<hbm>> -> memref<512xi32, #tpu.memory_space<hbm>>
      %dma_start3A_646 = arith.constant 0 : i32
      %dma_start3A_647 = tpu.memref_slice %arg5[%run_scoped3A_55, %dma_start3A_646] : memref<20x512xi32, #tpu.memory_space<vmem>> -> memref<1x512xi32, #tpu.memory_space<vmem>>
      %dma_start3A_648 = tpu.memref_squeeze %dma_start3A_647 : memref<1x512xi32, #tpu.memory_space<vmem>> -> memref<512xi32, #tpu.memory_space<vmem>>
      %dma_start3A_649 = tpu.memref_slice %arg2[%add3A_54] : memref<327680xi32, #tpu.memory_space<hbm>> -> memref<512xi32, #tpu.memory_space<hbm>>
      tpu.enqueue_dma source(%dma_start3A_649 : memref<512xi32, #tpu.memory_space<hbm>>) target(%dma_start3A_648 : memref<512xi32, #tpu.memory_space<vmem>>) target_semaphore(%run_scoped3A_641 : memref<!tpu.dma_semaphore, #tpu.memory_space<semaphore_mem>>)
      %dma_wait3A_650 = arith.constant 0 : i32
      %dma_wait3A_651 = tpu.memref_slice %arg5[%run_scoped3A_55, %dma_wait3A_650] : memref<20x512xi32, #tpu.memory_space<vmem>> -> memref<1x512xi32, #tpu.memory_space<vmem>>
      %dma_wait3A_652 = tpu.memref_squeeze %dma_wait3A_651 : memref<1x512xi32, #tpu.memory_space<vmem>> -> memref<512xi32, #tpu.memory_space<vmem>>
      %dma_wait3A_653 = tpu.memref_slice %arg2[%add3A_54] : memref<327680xi32, #tpu.memory_space<hbm>> -> memref<512xi32, #tpu.memory_space<hbm>>
      %dma_wait3A_654 = arith.constant 0 : i32
      %dma_wait3A_655 = tpu.memref_slice %arg5[%run_scoped3A_55, %dma_wait3A_654] : memref<20x512xi32, #tpu.memory_space<vmem>> -> memref<1x512xi32, #tpu.memory_space<vmem>>
      %dma_wait3A_656 = tpu.memref_squeeze %dma_wait3A_655 : memref<1x512xi32, #tpu.memory_space<vmem>> -> memref<512xi32, #tpu.memory_space<vmem>>
      %dma_wait3A_657 = tpu.memref_slice %arg2[%add3A_54] : memref<327680xi32, #tpu.memory_space<hbm>> -> memref<512xi32, #tpu.memory_space<hbm>>
      tpu.wait_dma2 semaphore(%run_scoped3A_641 : memref<!tpu.dma_semaphore, #tpu.memory_space<semaphore_mem>>) src(%dma_wait3A_657 : memref<512xi32, #tpu.memory_space<hbm>>) dst(%dma_wait3A_656 : memref<512xi32, #tpu.memory_space<vmem>>)
      tpu.yield
    }) : () -> ()
    %add3A_56 = arith.constant 294912 : i32
    %add3A_57 = arith.addi %add3A_56, %mul3A_2 : i32
    %run_scoped3A_58 = arith.constant 18 : i32
    "tpu.region"() ({
      %run_scoped3A_641 = tpu.sem_alloc : memref<!tpu.dma_semaphore, #tpu.memory_space<semaphore_mem>>
      %dma_start3A_642 = arith.constant 0 : i32
      %dma_start3A_643 = tpu.memref_slice %arg5[%run_scoped3A_58, %dma_start3A_642] : memref<20x512xi32, #tpu.memory_space<vmem>> -> memref<1x512xi32, #tpu.memory_space<vmem>>
      %dma_start3A_644 = tpu.memref_squeeze %dma_start3A_643 : memref<1x512xi32, #tpu.memory_space<vmem>> -> memref<512xi32, #tpu.memory_space<vmem>>
      %dma_start3A_645 = tpu.memref_slice %arg2[%add3A_57] : memref<327680xi32, #tpu.memory_space<hbm>> -> memref<512xi32, #tpu.memory_space<hbm>>
      %dma_start3A_646 = arith.constant 0 : i32
      %dma_start3A_647 = tpu.memref_slice %arg5[%run_scoped3A_58, %dma_start3A_646] : memref<20x512xi32, #tpu.memory_space<vmem>> -> memref<1x512xi32, #tpu.memory_space<vmem>>
      %dma_start3A_648 = tpu.memref_squeeze %dma_start3A_647 : memref<1x512xi32, #tpu.memory_space<vmem>> -> memref<512xi32, #tpu.memory_space<vmem>>
      %dma_start3A_649 = tpu.memref_slice %arg2[%add3A_57] : memref<327680xi32, #tpu.memory_space<hbm>> -> memref<512xi32, #tpu.memory_space<hbm>>
      tpu.enqueue_dma source(%dma_start3A_649 : memref<512xi32, #tpu.memory_space<hbm>>) target(%dma_start3A_648 : memref<512xi32, #tpu.memory_space<vmem>>) target_semaphore(%run_scoped3A_641 : memref<!tpu.dma_semaphore, #tpu.memory_space<semaphore_mem>>)
      %dma_wait3A_650 = arith.constant 0 : i32
      %dma_wait3A_651 = tpu.memref_slice %arg5[%run_scoped3A_58, %dma_wait3A_650] : memref<20x512xi32, #tpu.memory_space<vmem>> -> memref<1x512xi32, #tpu.memory_space<vmem>>
      %dma_wait3A_652 = tpu.memref_squeeze %dma_wait3A_651 : memref<1x512xi32, #tpu.memory_space<vmem>> -> memref<512xi32, #tpu.memory_space<vmem>>
      %dma_wait3A_653 = tpu.memref_slice %arg2[%add3A_57] : memref<327680xi32, #tpu.memory_space<hbm>> -> memref<512xi32, #tpu.memory_space<hbm>>
      %dma_wait3A_654 = arith.constant 0 : i32
      %dma_wait3A_655 = tpu.memref_slice %arg5[%run_scoped3A_58, %dma_wait3A_654] : memref<20x512xi32, #tpu.memory_space<vmem>> -> memref<1x512xi32, #tpu.memory_space<vmem>>
      %dma_wait3A_656 = tpu.memref_squeeze %dma_wait3A_655 : memref<1x512xi32, #tpu.memory_space<vmem>> -> memref<512xi32, #tpu.memory_space<vmem>>
      %dma_wait3A_657 = tpu.memref_slice %arg2[%add3A_57] : memref<327680xi32, #tpu.memory_space<hbm>> -> memref<512xi32, #tpu.memory_space<hbm>>
      tpu.wait_dma2 semaphore(%run_scoped3A_641 : memref<!tpu.dma_semaphore, #tpu.memory_space<semaphore_mem>>) src(%dma_wait3A_657 : memref<512xi32, #tpu.memory_space<hbm>>) dst(%dma_wait3A_656 : memref<512xi32, #tpu.memory_space<vmem>>)
      tpu.yield
    }) : () -> ()
    %add3A_59 = arith.constant 311296 : i32
    %add3A_60 = arith.addi %add3A_59, %mul3A_2 : i32
    %run_scoped3A_61 = arith.constant 19 : i32
    "tpu.region"() ({
      %run_scoped3A_641 = tpu.sem_alloc : memref<!tpu.dma_semaphore, #tpu.memory_space<semaphore_mem>>
      %dma_start3A_642 = arith.constant 0 : i32
      %dma_start3A_643 = tpu.memref_slice %arg5[%run_scoped3A_61, %dma_start3A_642] : memref<20x512xi32, #tpu.memory_space<vmem>> -> memref<1x512xi32, #tpu.memory_space<vmem>>
      %dma_start3A_644 = tpu.memref_squeeze %dma_start3A_643 : memref<1x512xi32, #tpu.memory_space<vmem>> -> memref<512xi32, #tpu.memory_space<vmem>>
      %dma_start3A_645 = tpu.memref_slice %arg2[%add3A_60] : memref<327680xi32, #tpu.memory_space<hbm>> -> memref<512xi32, #tpu.memory_space<hbm>>
      %dma_start3A_646 = arith.constant 0 : i32
      %dma_start3A_647 = tpu.memref_slice %arg5[%run_scoped3A_61, %dma_start3A_646] : memref<20x512xi32, #tpu.memory_space<vmem>> -> memref<1x512xi32, #tpu.memory_space<vmem>>
      %dma_start3A_648 = tpu.memref_squeeze %dma_start3A_647 : memref<1x512xi32, #tpu.memory_space<vmem>> -> memref<512xi32, #tpu.memory_space<vmem>>
      %dma_start3A_649 = tpu.memref_slice %arg2[%add3A_60] : memref<327680xi32, #tpu.memory_space<hbm>> -> memref<512xi32, #tpu.memory_space<hbm>>
      tpu.enqueue_dma source(%dma_start3A_649 : memref<512xi32, #tpu.memory_space<hbm>>) target(%dma_start3A_648 : memref<512xi32, #tpu.memory_space<vmem>>) target_semaphore(%run_scoped3A_641 : memref<!tpu.dma_semaphore, #tpu.memory_space<semaphore_mem>>)
      %dma_wait3A_650 = arith.constant 0 : i32
      %dma_wait3A_651 = tpu.memref_slice %arg5[%run_scoped3A_61, %dma_wait3A_650] : memref<20x512xi32, #tpu.memory_space<vmem>> -> memref<1x512xi32, #tpu.memory_space<vmem>>
      %dma_wait3A_652 = tpu.memref_squeeze %dma_wait3A_651 : memref<1x512xi32, #tpu.memory_space<vmem>> -> memref<512xi32, #tpu.memory_space<vmem>>
      %dma_wait3A_653 = tpu.memref_slice %arg2[%add3A_60] : memref<327680xi32, #tpu.memory_space<hbm>> -> memref<512xi32, #tpu.memory_space<hbm>>
      %dma_wait3A_654 = arith.constant 0 : i32
      %dma_wait3A_655 = tpu.memref_slice %arg5[%run_scoped3A_61, %dma_wait3A_654] : memref<20x512xi32, #tpu.memory_space<vmem>> -> memref<1x512xi32, #tpu.memory_space<vmem>>
      %dma_wait3A_656 = tpu.memref_squeeze %dma_wait3A_655 : memref<1x512xi32, #tpu.memory_space<vmem>> -> memref<512xi32, #tpu.memory_space<vmem>>
      %dma_wait3A_657 = tpu.memref_slice %arg2[%add3A_60] : memref<327680xi32, #tpu.memory_space<hbm>> -> memref<512xi32, #tpu.memory_space<hbm>>
      tpu.wait_dma2 semaphore(%run_scoped3A_641 : memref<!tpu.dma_semaphore, #tpu.memory_space<semaphore_mem>>) src(%dma_wait3A_657 : memref<512xi32, #tpu.memory_space<hbm>>) dst(%dma_wait3A_656 : memref<512xi32, #tpu.memory_space<vmem>>)
      tpu.yield
    }) : () -> ()
    %rem3A = arith.constant 0 : i32
    %rem3A_62 = arith.constant 4 : i32
    %rem3A_63 = arith.remsi %rem3A, %rem3A_62 : i32
    %mul3A_64 = arith.constant 128 : i32
    %mul3A_65 = arith.muli %mul3A_64, %rem3A_63 : i32
    %add3A_66 = arith.constant 0 : i32
    %add3A_67 = arith.addi %mul3A_65, %add3A_66 : i32
    %get3A = arith.constant 0 : i32
    %get3A_68 = arith.index_cast %get3A : i32 to index
    %get3A_69 = arith.index_cast %add3A_67 : i32 to index
    %get3A_70 = tpu.vector_load %arg5[%get3A_68, %get3A_69] {strides = array<i32>} : memref<20x512xi32, #tpu.memory_space<vmem>>, vector<16xi32>,
    %swap3A = arith.constant 0 : i32
    %swap3A_71 = arith.index_cast %swap3A : i32 to index
    %swap3A_72 = arith.constant 0 : index
    %swap3A_73 = tpu.vector_load %arg6[%swap3A_71, %swap3A_72] {strides = array<i32>} : memref<4x128xi32, #tpu.memory_space<vmem>>, vector<16xi32>,
    tpu.vector_store %arg6[%swap3A_71, %swap3A_72], %get3A_70 {strides = array<i32>} : memref<4x128xi32, #tpu.memory_space<vmem>>, vector<16xi32>,
    %mul3A_74 = arith.constant 128 : i32
    %mul3A_75 = arith.muli %mul3A_74, %rem3A_63 : i32
    %add3A_76 = arith.constant 16 : i32
    %add3A_77 = arith.addi %mul3A_75, %add3A_76 : i32
    %get3A_78 = arith.constant 0 : i32
    %get3A_79 = arith.index_cast %get3A_78 : i32 to index
    %get3A_80 = arith.index_cast %add3A_77 : i32 to index
    %get3A_81 = tpu.vector_load %arg5[%get3A_79, %get3A_80] {strides = array<i32>} : memref<20x512xi32, #tpu.memory_space<vmem>>, vector<16xi32>,
    %swap3A_82 = arith.constant 0 : i32
    %swap3A_83 = arith.index_cast %swap3A_82 : i32 to index
    %swap3A_84 = arith.constant 16 : index
    %swap3A_85 = tpu.vector_load %arg6[%swap3A_83, %swap3A_84] {strides = array<i32>} : memref<4x128xi32, #tpu.memory_space<vmem>>, vector<16xi32>,
    tpu.vector_store %arg6[%swap3A_83, %swap3A_84], %get3A_81 {strides = array<i32>} : memref<4x128xi32, #tpu.memory_space<vmem>>, vector<16xi32>,
    %mul3A_86 = arith.constant 128 : i32
    %mul3A_87 = arith.muli %mul3A_86, %rem3A_63 : i32
    %add3A_88 = arith.constant 32 : i32
    %add3A_89 = arith.addi %mul3A_87, %add3A_88 : i32
    %get3A_90 = arith.constant 0 : i32
    %get3A_91 = arith.index_cast %get3A_90 : i32 to index
    %get3A_92 = arith.index_cast %add3A_89 : i32 to index
    %get3A_93 = tpu.vector_load %arg5[%get3A_91, %get3A_92] {strides = array<i32>} : memref<20x512xi32, #tpu.memory_space<vmem>>, vector<16xi32>,
    %swap3A_94 = arith.constant 0 : i32
    %swap3A_95 = arith.index_cast %swap3A_94 : i32 to index
    %swap3A_96 = arith.constant 32 : index
    %swap3A_97 = tpu.vector_load %arg6[%swap3A_95, %swap3A_96] {strides = array<i32>} : memref<4x128xi32, #tpu.memory_space<vmem>>, vector<16xi32>,
    tpu.vector_store %arg6[%swap3A_95, %swap3A_96], %get3A_93 {strides = array<i32>} : memref<4x128xi32, #tpu.memory_space<vmem>>, vector<16xi32>,
    %mul3A_98 = arith.constant 128 : i32
    %mul3A_99 = arith.muli %mul3A_98, %rem3A_63 : i32
    %add3A_100 = arith.constant 48 : i32
    %add3A_101 = arith.addi %mul3A_99, %add3A_100 : i32
    %get3A_102 = arith.constant 0 : i32
    %get3A_103 = arith.index_cast %get3A_102 : i32 to index
    %get3A_104 = arith.index_cast %add3A_101 : i32 to index
    %get3A_105 = tpu.vector_load %arg5[%get3A_103, %get3A_104] {strides = array<i32>} : memref<20x512xi32, #tpu.memory_space<vmem>>, vector<16xi32>,
    %swap3A_106 = arith.constant 0 : i32
    %swap3A_107 = arith.index_cast %swap3A_106 : i32 to index
    %swap3A_108 = arith.constant 48 : index
    %swap3A_109 = tpu.vector_load %arg6[%swap3A_107, %swap3A_108] {strides = array<i32>} : memref<4x128xi32, #tpu.memory_space<vmem>>, vector<16xi32>,
    tpu.vector_store %arg6[%swap3A_107, %swap3A_108], %get3A_105 {strides = array<i32>} : memref<4x128xi32, #tpu.memory_space<vmem>>, vector<16xi32>,
    %mul3A_110 = arith.constant 128 : i32
    %mul3A_111 = arith.muli %mul3A_110, %rem3A_63 : i32
    %add3A_112 = arith.constant 64 : i32
    %add3A_113 = arith.addi %mul3A_111, %add3A_112 : i32
    %get3A_114 = arith.constant 0 : i32
    %get3A_115 = arith.index_cast %get3A_114 : i32 to index
    %get3A_116 = arith.index_cast %add3A_113 : i32 to index
    %get3A_117 = tpu.vector_load %arg5[%get3A_115, %get3A_116] {strides = array<i32>} : memref<20x512xi32, #tpu.memory_space<vmem>>, vector<16xi32>,
    %swap3A_118 = arith.constant 0 : i32
    %swap3A_119 = arith.index_cast %swap3A_118 : i32 to index
    %swap3A_120 = arith.constant 64 : index
    %swap3A_121 = tpu.vector_load %arg6[%swap3A_119, %swap3A_120] {strides = array<i32>} : memref<4x128xi32, #tpu.memory_space<vmem>>, vector<16xi32>,
    tpu.vector_store %arg6[%swap3A_119, %swap3A_120], %get3A_117 {strides = array<i32>} : memref<4x128xi32, #tpu.memory_space<vmem>>, vector<16xi32>,
    %mul3A_122 = arith.constant 128 : i32
    %mul3A_123 = arith.muli %mul3A_122, %rem3A_63 : i32
    %add3A_124 = arith.constant 80 : i32
    %add3A_125 = arith.addi %mul3A_123, %add3A_124 : i32
    %get3A_126 = arith.constant 0 : i32
    %get3A_127 = arith.index_cast %get3A_126 : i32 to index
    %get3A_128 = arith.index_cast %add3A_125 : i32 to index
    %get3A_129 = tpu.vector_load %arg5[%get3A_127, %get3A_128] {strides = array<i32>} : memref<20x512xi32, #tpu.memory_space<vmem>>, vector<16xi32>,
    %swap3A_130 = arith.constant 0 : i32
    %swap3A_131 = arith.index_cast %swap3A_130 : i32 to index
    %swap3A_132 = arith.constant 80 : index
    %swap3A_133 = tpu.vector_load %arg6[%swap3A_131, %swap3A_132] {strides = array<i32>} : memref<4x128xi32, #tpu.memory_space<vmem>>, vector<16xi32>,
    tpu.vector_store %arg6[%swap3A_131, %swap3A_132], %get3A_129 {strides = array<i32>} : memref<4x128xi32, #tpu.memory_space<vmem>>, vector<16xi32>,
    %mul3A_134 = arith.constant 128 : i32
    %mul3A_135 = arith.muli %mul3A_134, %rem3A_63 : i32
    %add3A_136 = arith.constant 96 : i32
    %add3A_137 = arith.addi %mul3A_135, %add3A_136 : i32
    %get3A_138 = arith.constant 0 : i32
    %get3A_139 = arith.index_cast %get3A_138 : i32 to index
    %get3A_140 = arith.index_cast %add3A_137 : i32 to index
    %get3A_141 = tpu.vector_load %arg5[%get3A_139, %get3A_140] {strides = array<i32>} : memref<20x512xi32, #tpu.memory_space<vmem>>, vector<16xi32>,
    %swap3A_142 = arith.constant 0 : i32
    %swap3A_143 = arith.index_cast %swap3A_142 : i32 to index
    %swap3A_144 = arith.constant 96 : index
    %swap3A_145 = tpu.vector_load %arg6[%swap3A_143, %swap3A_144] {strides = array<i32>} : memref<4x128xi32, #tpu.memory_space<vmem>>, vector<16xi32>,
    tpu.vector_store %arg6[%swap3A_143, %swap3A_144], %get3A_141 {strides = array<i32>} : memref<4x128xi32, #tpu.memory_space<vmem>>, vector<16xi32>,
    %mul3A_146 = arith.constant 128 : i32
    %mul3A_147 = arith.muli %mul3A_146, %rem3A_63 : i32
    %add3A_148 = arith.constant 112 : i32
    %add3A_149 = arith.addi %mul3A_147, %add3A_148 : i32
    %get3A_150 = arith.constant 0 : i32
    %get3A_151 = arith.index_cast %get3A_150 : i32 to index
    %get3A_152 = arith.index_cast %add3A_149 : i32 to index
    %get3A_153 = tpu.vector_load %arg5[%get3A_151, %get3A_152] {strides = array<i32>} : memref<20x512xi32, #tpu.memory_space<vmem>>, vector<16xi32>,
    %swap3A_154 = arith.constant 0 : i32
    %swap3A_155 = arith.index_cast %swap3A_154 : i32 to index
    %swap3A_156 = arith.constant 112 : index
    %swap3A_157 = tpu.vector_load %arg6[%swap3A_155, %swap3A_156] {strides = array<i32>} : memref<4x128xi32, #tpu.memory_space<vmem>>, vector<16xi32>,
    tpu.vector_store %arg6[%swap3A_155, %swap3A_156], %get3A_153 {strides = array<i32>} : memref<4x128xi32, #tpu.memory_space<vmem>>, vector<16xi32>,
    %dma_start3A = arith.constant 0 : i32
    %dma_start3A_158 = arith.constant 0 : i32
    %dma_start3A_159 = arith.constant 0 : i32
    %dma_start3A_160 = arith.constant 0 : i32
    %dma_start3A_161 = arith.constant 0 : i32
    %dma_start3A_162 = tpu.memref_slice %arg7[%dma_start3A_158, %dma_start3A_160, %dma_start3A_161] : memref<4x128x128xf32, #tpu.memory_space<vmem>> -> memref<1x128x128xf32, #tpu.memory_space<vmem>>
    %dma_start3A_163 = tpu.memref_squeeze %dma_start3A_162 : memref<1x128x128xf32, #tpu.memory_space<vmem>> -> memref<128x128xf32, #tpu.memory_space<vmem>>
    %dma_start3A_164 = arith.constant 0 : i32
    %dma_start3A_165 = tpu.memref_slice %arg6[%dma_start3A, %dma_start3A_164] : memref<4x128xi32, #tpu.memory_space<vmem>> -> memref<1x128xi32, #tpu.memory_space<vmem>>
    %dma_start3A_166 = tpu.memref_squeeze %dma_start3A_165 : memref<1x128xi32, #tpu.memory_space<vmem>> -> memref<128xi32, #tpu.memory_space<vmem>>
    %dma_start3A_167 = arith.constant 0 : i32
    %dma_start3A_168 = arith.constant 0 : i32
    %dma_start3A_169 = tpu.memref_slice %arg3[%dma_start3A_167, %dma_start3A_168] : memref<1000000x128xf32, #tpu.memory_space<hbm>> -> memref<1000000x128xf32, #tpu.memory_space<hbm>>
    %dma_start3A_170 = tpu.memref_slice %arg9[%dma_start3A_159] : memref<4x!tpu.dma_semaphore, #tpu.memory_space<semaphore_mem>> -> memref<1x!tpu.dma_semaphore, #tpu.memory_space<semaphore_mem>>
    %dma_start3A_171 = tpu.memref_squeeze %dma_start3A_170 : memref<1x!tpu.dma_semaphore, #tpu.memory_space<semaphore_mem>> -> memref<!tpu.dma_semaphore, #tpu.memory_space<semaphore_mem>>
    tpu.enqueue_indirect_dma source(%dma_start3A_169 : memref<1000000x128xf32, #tpu.memory_space<hbm>>) target(%dma_start3A_163 : memref<128x128xf32, #tpu.memory_space<vmem>>) offsets(%dma_start3A_166 : memref<128xi32, #tpu.memory_space<vmem>>) semaphore(%dma_start3A_171 : memref<!tpu.dma_semaphore, #tpu.memory_space<semaphore_mem>>)
    %rem3A_172 = arith.constant 1 : i32
    %rem3A_173 = arith.constant 4 : i32
    %rem3A_174 = arith.remsi %rem3A_172, %rem3A_173 : i32
    %mul3A_175 = arith.constant 128 : i32
    %mul3A_176 = arith.muli %mul3A_175, %rem3A_174 : i32
    %add3A_177 = arith.constant 0 : i32
    %add3A_178 = arith.addi %mul3A_176, %add3A_177 : i32
    %get3A_179 = arith.constant 0 : i32
    %get3A_180 = arith.index_cast %get3A_179 : i32 to index
    %get3A_181 = arith.index_cast %add3A_178 : i32 to index
    %get3A_182 = tpu.vector_load %arg5[%get3A_180, %get3A_181] {strides = array<i32>} : memref<20x512xi32, #tpu.memory_space<vmem>>, vector<16xi32>,
    %swap3A_183 = arith.constant 1 : i32
    %swap3A_184 = arith.index_cast %swap3A_183 : i32 to index
    %swap3A_185 = arith.constant 0 : index
    %swap3A_186 = tpu.vector_load %arg6[%swap3A_184, %swap3A_185] {strides = array<i32>} : memref<4x128xi32, #tpu.memory_space<vmem>>, vector<16xi32>,
    tpu.vector_store %arg6[%swap3A_184, %swap3A_185], %get3A_182 {strides = array<i32>} : memref<4x128xi32, #tpu.memory_space<vmem>>, vector<16xi32>,
    %mul3A_187 = arith.constant 128 : i32
    %mul3A_188 = arith.muli %mul3A_187, %rem3A_174 : i32
    %add3A_189 = arith.constant 16 : i32
    %add3A_190 = arith.addi %mul3A_188, %add3A_189 : i32
    %get3A_191 = arith.constant 0 : i32
    %get3A_192 = arith.index_cast %get3A_191 : i32 to index
    %get3A_193 = arith.index_cast %add3A_190 : i32 to index
    %get3A_194 = tpu.vector_load %arg5[%get3A_192, %get3A_193] {strides = array<i32>} : memref<20x512xi32, #tpu.memory_space<vmem>>, vector<16xi32>,
    %swap3A_195 = arith.constant 1 : i32
    %swap3A_196 = arith.index_cast %swap3A_195 : i32 to index
    %swap3A_197 = arith.constant 16 : index
    %swap3A_198 = tpu.vector_load %arg6[%swap3A_196, %swap3A_197] {strides = array<i32>} : memref<4x128xi32, #tpu.memory_space<vmem>>, vector<16xi32>,
    tpu.vector_store %arg6[%swap3A_196, %swap3A_197], %get3A_194 {strides = array<i32>} : memref<4x128xi32, #tpu.memory_space<vmem>>, vector<16xi32>,
    %mul3A_199 = arith.constant 128 : i32
    %mul3A_200 = arith.muli %mul3A_199, %rem3A_174 : i32
    %add3A_201 = arith.constant 32 : i32
    %add3A_202 = arith.addi %mul3A_200, %add3A_201 : i32
    %get3A_203 = arith.constant 0 : i32
    %get3A_204 = arith.index_cast %get3A_203 : i32 to index
    %get3A_205 = arith.index_cast %add3A_202 : i32 to index
    %get3A_206 = tpu.vector_load %arg5[%get3A_204, %get3A_205] {strides = array<i32>} : memref<20x512xi32, #tpu.memory_space<vmem>>, vector<16xi32>,
    %swap3A_207 = arith.constant 1 : i32
    %swap3A_208 = arith.index_cast %swap3A_207 : i32 to index
    %swap3A_209 = arith.constant 32 : index
    %swap3A_210 = tpu.vector_load %arg6[%swap3A_208, %swap3A_209] {strides = array<i32>} : memref<4x128xi32, #tpu.memory_space<vmem>>, vector<16xi32>,
    tpu.vector_store %arg6[%swap3A_208, %swap3A_209], %get3A_206 {strides = array<i32>} : memref<4x128xi32, #tpu.memory_space<vmem>>, vector<16xi32>,
    %mul3A_211 = arith.constant 128 : i32
    %mul3A_212 = arith.muli %mul3A_211, %rem3A_174 : i32
    %add3A_213 = arith.constant 48 : i32
    %add3A_214 = arith.addi %mul3A_212, %add3A_213 : i32
    %get3A_215 = arith.constant 0 : i32
    %get3A_216 = arith.index_cast %get3A_215 : i32 to index
    %get3A_217 = arith.index_cast %add3A_214 : i32 to index
    %get3A_218 = tpu.vector_load %arg5[%get3A_216, %get3A_217] {strides = array<i32>} : memref<20x512xi32, #tpu.memory_space<vmem>>, vector<16xi32>,
    %swap3A_219 = arith.constant 1 : i32
    %swap3A_220 = arith.index_cast %swap3A_219 : i32 to index
    %swap3A_221 = arith.constant 48 : index
    %swap3A_222 = tpu.vector_load %arg6[%swap3A_220, %swap3A_221] {strides = array<i32>} : memref<4x128xi32, #tpu.memory_space<vmem>>, vector<16xi32>,
    tpu.vector_store %arg6[%swap3A_220, %swap3A_221], %get3A_218 {strides = array<i32>} : memref<4x128xi32, #tpu.memory_space<vmem>>, vector<16xi32>,
    %mul3A_223 = arith.constant 128 : i32
    %mul3A_224 = arith.muli %mul3A_223, %rem3A_174 : i32
    %add3A_225 = arith.constant 64 : i32
    %add3A_226 = arith.addi %mul3A_224, %add3A_225 : i32
    %get3A_227 = arith.constant 0 : i32
    %get3A_228 = arith.index_cast %get3A_227 : i32 to index
    %get3A_229 = arith.index_cast %add3A_226 : i32 to index
    %get3A_230 = tpu.vector_load %arg5[%get3A_228, %get3A_229] {strides = array<i32>} : memref<20x512xi32, #tpu.memory_space<vmem>>, vector<16xi32>,
    %swap3A_231 = arith.constant 1 : i32
    %swap3A_232 = arith.index_cast %swap3A_231 : i32 to index
    %swap3A_233 = arith.constant 64 : index
    %swap3A_234 = tpu.vector_load %arg6[%swap3A_232, %swap3A_233] {strides = array<i32>} : memref<4x128xi32, #tpu.memory_space<vmem>>, vector<16xi32>,
    tpu.vector_store %arg6[%swap3A_232, %swap3A_233], %get3A_230 {strides = array<i32>} : memref<4x128xi32, #tpu.memory_space<vmem>>, vector<16xi32>,
    %mul3A_235 = arith.constant 128 : i32
    %mul3A_236 = arith.muli %mul3A_235, %rem3A_174 : i32
    %add3A_237 = arith.constant 80 : i32
    %add3A_238 = arith.addi %mul3A_236, %add3A_237 : i32
    %get3A_239 = arith.constant 0 : i32
    %get3A_240 = arith.index_cast %get3A_239 : i32 to index
    %get3A_241 = arith.index_cast %add3A_238 : i32 to index
    %get3A_242 = tpu.vector_load %arg5[%get3A_240, %get3A_241] {strides = array<i32>} : memref<20x512xi32, #tpu.memory_space<vmem>>, vector<16xi32>,
    %swap3A_243 = arith.constant 1 : i32
    %swap3A_244 = arith.index_cast %swap3A_243 : i32 to index
    %swap3A_245 = arith.constant 80 : index
    %swap3A_246 = tpu.vector_load %arg6[%swap3A_244, %swap3A_245] {strides = array<i32>} : memref<4x128xi32, #tpu.memory_space<vmem>>, vector<16xi32>,
    tpu.vector_store %arg6[%swap3A_244, %swap3A_245], %get3A_242 {strides = array<i32>} : memref<4x128xi32, #tpu.memory_space<vmem>>, vector<16xi32>,
    %mul3A_247 = arith.constant 128 : i32
    %mul3A_248 = arith.muli %mul3A_247, %rem3A_174 : i32
    %add3A_249 = arith.constant 96 : i32
    %add3A_250 = arith.addi %mul3A_248, %add3A_249 : i32
    %get3A_251 = arith.constant 0 : i32
    %get3A_252 = arith.index_cast %get3A_251 : i32 to index
    %get3A_253 = arith.index_cast %add3A_250 : i32 to index
    %get3A_254 = tpu.vector_load %arg5[%get3A_252, %get3A_253] {strides = array<i32>} : memref<20x512xi32, #tpu.memory_space<vmem>>, vector<16xi32>,
    %swap3A_255 = arith.constant 1 : i32
    %swap3A_256 = arith.index_cast %swap3A_255 : i32 to index
    %swap3A_257 = arith.constant 96 : index
    %swap3A_258 = tpu.vector_load %arg6[%swap3A_256, %swap3A_257] {strides = array<i32>} : memref<4x128xi32, #tpu.memory_space<vmem>>, vector<16xi32>,
    tpu.vector_store %arg6[%swap3A_256, %swap3A_257], %get3A_254 {strides = array<i32>} : memref<4x128xi32, #tpu.memory_space<vmem>>, vector<16xi32>,
    %mul3A_259 = arith.constant 128 : i32
    %mul3A_260 = arith.muli %mul3A_259, %rem3A_174 : i32
    %add3A_261 = arith.constant 112 : i32
    %add3A_262 = arith.addi %mul3A_260, %add3A_261 : i32
    %get3A_263 = arith.constant 0 : i32
    %get3A_264 = arith.index_cast %get3A_263 : i32 to index
    %get3A_265 = arith.index_cast %add3A_262 : i32 to index
    %get3A_266 = tpu.vector_load %arg5[%get3A_264, %get3A_265] {strides = array<i32>} : memref<20x512xi32, #tpu.memory_space<vmem>>, vector<16xi32>,
    %swap3A_267 = arith.constant 1 : i32
    %swap3A_268 = arith.index_cast %swap3A_267 : i32 to index
    %swap3A_269 = arith.constant 112 : index
    %swap3A_270 = tpu.vector_load %arg6[%swap3A_268, %swap3A_269] {strides = array<i32>} : memref<4x128xi32, #tpu.memory_space<vmem>>, vector<16xi32>,
    tpu.vector_store %arg6[%swap3A_268, %swap3A_269], %get3A_266 {strides = array<i32>} : memref<4x128xi32, #tpu.memory_space<vmem>>, vector<16xi32>,
    %dma_start3A_271 = arith.constant 1 : i32
    %dma_start3A_272 = arith.constant 1 : i32
    %dma_start3A_273 = arith.constant 1 : i32
    %dma_start3A_274 = arith.constant 0 : i32
    %dma_start3A_275 = arith.constant 0 : i32
    %dma_start3A_276 = tpu.memref_slice %arg7[%dma_start3A_272, %dma_start3A_274, %dma_start3A_275] : memref<4x128x128xf32, #tpu.memory_space<vmem>> -> memref<1x128x128xf32, #tpu.memory_space<vmem>>
    %dma_start3A_277 = tpu.memref_squeeze %dma_start3A_276 : memref<1x128x128xf32, #tpu.memory_space<vmem>> -> memref<128x128xf32, #tpu.memory_space<vmem>>
    %dma_start3A_278 = arith.constant 0 : i32
    %dma_start3A_279 = tpu.memref_slice %arg6[%dma_start3A_271, %dma_start3A_278] : memref<4x128xi32, #tpu.memory_space<vmem>> -> memref<1x128xi32, #tpu.memory_space<vmem>>
    %dma_start3A_280 = tpu.memref_squeeze %dma_start3A_279 : memref<1x128xi32, #tpu.memory_space<vmem>> -> memref<128xi32, #tpu.memory_space<vmem>>
    %dma_start3A_281 = arith.constant 0 : i32
    %dma_start3A_282 = arith.constant 0 : i32
    %dma_start3A_283 = tpu.memref_slice %arg3[%dma_start3A_281, %dma_start3A_282] : memref<1000000x128xf32, #tpu.memory_space<hbm>> -> memref<1000000x128xf32, #tpu.memory_space<hbm>>
    %dma_start3A_284 = tpu.memref_slice %arg9[%dma_start3A_273] : memref<4x!tpu.dma_semaphore, #tpu.memory_space<semaphore_mem>> -> memref<1x!tpu.dma_semaphore, #tpu.memory_space<semaphore_mem>>
    %dma_start3A_285 = tpu.memref_squeeze %dma_start3A_284 : memref<1x!tpu.dma_semaphore, #tpu.memory_space<semaphore_mem>> -> memref<!tpu.dma_semaphore, #tpu.memory_space<semaphore_mem>>
    tpu.enqueue_indirect_dma source(%dma_start3A_283 : memref<1000000x128xf32, #tpu.memory_space<hbm>>) target(%dma_start3A_277 : memref<128x128xf32, #tpu.memory_space<vmem>>) offsets(%dma_start3A_280 : memref<128xi32, #tpu.memory_space<vmem>>) semaphore(%dma_start3A_285 : memref<!tpu.dma_semaphore, #tpu.memory_space<semaphore_mem>>)
    %rem3A_286 = arith.constant 2 : i32
    %rem3A_287 = arith.constant 4 : i32
    %rem3A_288 = arith.remsi %rem3A_286, %rem3A_287 : i32
    %mul3A_289 = arith.constant 128 : i32
    %mul3A_290 = arith.muli %mul3A_289, %rem3A_288 : i32
    %add3A_291 = arith.constant 0 : i32
    %add3A_292 = arith.addi %mul3A_290, %add3A_291 : i32
    %get3A_293 = arith.constant 0 : i32
    %get3A_294 = arith.index_cast %get3A_293 : i32 to index
    %get3A_295 = arith.index_cast %add3A_292 : i32 to index
    %get3A_296 = tpu.vector_load %arg5[%get3A_294, %get3A_295] {strides = array<i32>} : memref<20x512xi32, #tpu.memory_space<vmem>>, vector<16xi32>,
    %swap3A_297 = arith.constant 2 : i32
    %swap3A_298 = arith.index_cast %swap3A_297 : i32 to index
    %swap3A_299 = arith.constant 0 : index
    %swap3A_300 = tpu.vector_load %arg6[%swap3A_298, %swap3A_299] {strides = array<i32>} : memref<4x128xi32, #tpu.memory_space<vmem>>, vector<16xi32>,
    tpu.vector_store %arg6[%swap3A_298, %swap3A_299], %get3A_296 {strides = array<i32>} : memref<4x128xi32, #tpu.memory_space<vmem>>, vector<16xi32>,
    %mul3A_301 = arith.constant 128 : i32
    %mul3A_302 = arith.muli %mul3A_301, %rem3A_288 : i32
    %add3A_303 = arith.constant 16 : i32
    %add3A_304 = arith.addi %mul3A_302, %add3A_303 : i32
    %get3A_305 = arith.constant 0 : i32
    %get3A_306 = arith.index_cast %get3A_305 : i32 to index
    %get3A_307 = arith.index_cast %add3A_304 : i32 to index
    %get3A_308 = tpu.vector_load %arg5[%get3A_306, %get3A_307] {strides = array<i32>} : memref<20x512xi32, #tpu.memory_space<vmem>>, vector<16xi32>,
    %swap3A_309 = arith.constant 2 : i32
    %swap3A_310 = arith.index_cast %swap3A_309 : i32 to index
    %swap3A_311 = arith.constant 16 : index
    %swap3A_312 = tpu.vector_load %arg6[%swap3A_310, %swap3A_311] {strides = array<i32>} : memref<4x128xi32, #tpu.memory_space<vmem>>, vector<16xi32>,
    tpu.vector_store %arg6[%swap3A_310, %swap3A_311], %get3A_308 {strides = array<i32>} : memref<4x128xi32, #tpu.memory_space<vmem>>, vector<16xi32>,
    %mul3A_313 = arith.constant 128 : i32
    %mul3A_314 = arith.muli %mul3A_313, %rem3A_288 : i32
    %add3A_315 = arith.constant 32 : i32
    %add3A_316 = arith.addi %mul3A_314, %add3A_315 : i32
    %get3A_317 = arith.constant 0 : i32
    %get3A_318 = arith.index_cast %get3A_317 : i32 to index
    %get3A_319 = arith.index_cast %add3A_316 : i32 to index
    %get3A_320 = tpu.vector_load %arg5[%get3A_318, %get3A_319] {strides = array<i32>} : memref<20x512xi32, #tpu.memory_space<vmem>>, vector<16xi32>,
    %swap3A_321 = arith.constant 2 : i32
    %swap3A_322 = arith.index_cast %swap3A_321 : i32 to index
    %swap3A_323 = arith.constant 32 : index
    %swap3A_324 = tpu.vector_load %arg6[%swap3A_322, %swap3A_323] {strides = array<i32>} : memref<4x128xi32, #tpu.memory_space<vmem>>, vector<16xi32>,
    tpu.vector_store %arg6[%swap3A_322, %swap3A_323], %get3A_320 {strides = array<i32>} : memref<4x128xi32, #tpu.memory_space<vmem>>, vector<16xi32>,
    %mul3A_325 = arith.constant 128 : i32
    %mul3A_326 = arith.muli %mul3A_325, %rem3A_288 : i32
    %add3A_327 = arith.constant 48 : i32
    %add3A_328 = arith.addi %mul3A_326, %add3A_327 : i32
    %get3A_329 = arith.constant 0 : i32
    %get3A_330 = arith.index_cast %get3A_329 : i32 to index
    %get3A_331 = arith.index_cast %add3A_328 : i32 to index
    %get3A_332 = tpu.vector_load %arg5[%get3A_330, %get3A_331] {strides = array<i32>} : memref<20x512xi32, #tpu.memory_space<vmem>>, vector<16xi32>,
    %swap3A_333 = arith.constant 2 : i32
    %swap3A_334 = arith.index_cast %swap3A_333 : i32 to index
    %swap3A_335 = arith.constant 48 : index
    %swap3A_336 = tpu.vector_load %arg6[%swap3A_334, %swap3A_335] {strides = array<i32>} : memref<4x128xi32, #tpu.memory_space<vmem>>, vector<16xi32>,
    tpu.vector_store %arg6[%swap3A_334, %swap3A_335], %get3A_332 {strides = array<i32>} : memref<4x128xi32, #tpu.memory_space<vmem>>, vector<16xi32>,
    %mul3A_337 = arith.constant 128 : i32
    %mul3A_338 = arith.muli %mul3A_337, %rem3A_288 : i32
    %add3A_339 = arith.constant 64 : i32
    %add3A_340 = arith.addi %mul3A_338, %add3A_339 : i32
    %get3A_341 = arith.constant 0 : i32
    %get3A_342 = arith.index_cast %get3A_341 : i32 to index
    %get3A_343 = arith.index_cast %add3A_340 : i32 to index
    %get3A_344 = tpu.vector_load %arg5[%get3A_342, %get3A_343] {strides = array<i32>} : memref<20x512xi32, #tpu.memory_space<vmem>>, vector<16xi32>,
    %swap3A_345 = arith.constant 2 : i32
    %swap3A_346 = arith.index_cast %swap3A_345 : i32 to index
    %swap3A_347 = arith.constant 64 : index
    %swap3A_348 = tpu.vector_load %arg6[%swap3A_346, %swap3A_347] {strides = array<i32>} : memref<4x128xi32, #tpu.memory_space<vmem>>, vector<16xi32>,
    tpu.vector_store %arg6[%swap3A_346, %swap3A_347], %get3A_344 {strides = array<i32>} : memref<4x128xi32, #tpu.memory_space<vmem>>, vector<16xi32>,
    %mul3A_349 = arith.constant 128 : i32
    %mul3A_350 = arith.muli %mul3A_349, %rem3A_288 : i32
    %add3A_351 = arith.constant 80 : i32
    %add3A_352 = arith.addi %mul3A_350, %add3A_351 : i32
    %get3A_353 = arith.constant 0 : i32
    %get3A_354 = arith.index_cast %get3A_353 : i32 to index
    %get3A_355 = arith.index_cast %add3A_352 : i32 to index
    %get3A_356 = tpu.vector_load %arg5[%get3A_354, %get3A_355] {strides = array<i32>} : memref<20x512xi32, #tpu.memory_space<vmem>>, vector<16xi32>,
    %swap3A_357 = arith.constant 2 : i32
    %swap3A_358 = arith.index_cast %swap3A_357 : i32 to index
    %swap3A_359 = arith.constant 80 : index
    %swap3A_360 = tpu.vector_load %arg6[%swap3A_358, %swap3A_359] {strides = array<i32>} : memref<4x128xi32, #tpu.memory_space<vmem>>, vector<16xi32>,
    tpu.vector_store %arg6[%swap3A_358, %swap3A_359], %get3A_356 {strides = array<i32>} : memref<4x128xi32, #tpu.memory_space<vmem>>, vector<16xi32>,
    %mul3A_361 = arith.constant 128 : i32
    %mul3A_362 = arith.muli %mul3A_361, %rem3A_288 : i32
    %add3A_363 = arith.constant 96 : i32
    %add3A_364 = arith.addi %mul3A_362, %add3A_363 : i32
    %get3A_365 = arith.constant 0 : i32
    %get3A_366 = arith.index_cast %get3A_365 : i32 to index
    %get3A_367 = arith.index_cast %add3A_364 : i32 to index
    %get3A_368 = tpu.vector_load %arg5[%get3A_366, %get3A_367] {strides = array<i32>} : memref<20x512xi32, #tpu.memory_space<vmem>>, vector<16xi32>,
    %swap3A_369 = arith.constant 2 : i32
    %swap3A_370 = arith.index_cast %swap3A_369 : i32 to index
    %swap3A_371 = arith.constant 96 : index
    %swap3A_372 = tpu.vector_load %arg6[%swap3A_370, %swap3A_371] {strides = array<i32>} : memref<4x128xi32, #tpu.memory_space<vmem>>, vector<16xi32>,
    tpu.vector_store %arg6[%swap3A_370, %swap3A_371], %get3A_368 {strides = array<i32>} : memref<4x128xi32, #tpu.memory_space<vmem>>, vector<16xi32>,
    %mul3A_373 = arith.constant 128 : i32
    %mul3A_374 = arith.muli %mul3A_373, %rem3A_288 : i32
    %add3A_375 = arith.constant 112 : i32
    %add3A_376 = arith.addi %mul3A_374, %add3A_375 : i32
    %get3A_377 = arith.constant 0 : i32
    %get3A_378 = arith.index_cast %get3A_377 : i32 to index
    %get3A_379 = arith.index_cast %add3A_376 : i32 to index
    %get3A_380 = tpu.vector_load %arg5[%get3A_378, %get3A_379] {strides = array<i32>} : memref<20x512xi32, #tpu.memory_space<vmem>>, vector<16xi32>,
    %swap3A_381 = arith.constant 2 : i32
    %swap3A_382 = arith.index_cast %swap3A_381 : i32 to index
    %swap3A_383 = arith.constant 112 : index
    %swap3A_384 = tpu.vector_load %arg6[%swap3A_382, %swap3A_383] {strides = array<i32>} : memref<4x128xi32, #tpu.memory_space<vmem>>, vector<16xi32>,
    tpu.vector_store %arg6[%swap3A_382, %swap3A_383], %get3A_380 {strides = array<i32>} : memref<4x128xi32, #tpu.memory_space<vmem>>, vector<16xi32>,
    %dma_start3A_385 = arith.constant 2 : i32
    %dma_start3A_386 = arith.constant 2 : i32
    %dma_start3A_387 = arith.constant 2 : i32
    %dma_start3A_388 = arith.constant 0 : i32
    %dma_start3A_389 = arith.constant 0 : i32
    %dma_start3A_390 = tpu.memref_slice %arg7[%dma_start3A_386, %dma_start3A_388, %dma_start3A_389] : memref<4x128x128xf32, #tpu.memory_space<vmem>> -> memref<1x128x128xf32, #tpu.memory_space<vmem>>
    %dma_start3A_391 = tpu.memref_squeeze %dma_start3A_390 : memref<1x128x128xf32, #tpu.memory_space<vmem>> -> memref<128x128xf32, #tpu.memory_space<vmem>>
    %dma_start3A_392 = arith.constant 0 : i32
    %dma_start3A_393 = tpu.memref_slice %arg6[%dma_start3A_385, %dma_start3A_392] : memref<4x128xi32, #tpu.memory_space<vmem>> -> memref<1x128xi32, #tpu.memory_space<vmem>>
    %dma_start3A_394 = tpu.memref_squeeze %dma_start3A_393 : memref<1x128xi32, #tpu.memory_space<vmem>> -> memref<128xi32, #tpu.memory_space<vmem>>
    %dma_start3A_395 = arith.constant 0 : i32
    %dma_start3A_396 = arith.constant 0 : i32
    %dma_start3A_397 = tpu.memref_slice %arg3[%dma_start3A_395, %dma_start3A_396] : memref<1000000x128xf32, #tpu.memory_space<hbm>> -> memref<1000000x128xf32, #tpu.memory_space<hbm>>
    %dma_start3A_398 = tpu.memref_slice %arg9[%dma_start3A_387] : memref<4x!tpu.dma_semaphore, #tpu.memory_space<semaphore_mem>> -> memref<1x!tpu.dma_semaphore, #tpu.memory_space<semaphore_mem>>
    %dma_start3A_399 = tpu.memref_squeeze %dma_start3A_398 : memref<1x!tpu.dma_semaphore, #tpu.memory_space<semaphore_mem>> -> memref<!tpu.dma_semaphore, #tpu.memory_space<semaphore_mem>>
    tpu.enqueue_indirect_dma source(%dma_start3A_397 : memref<1000000x128xf32, #tpu.memory_space<hbm>>) target(%dma_start3A_391 : memref<128x128xf32, #tpu.memory_space<vmem>>) offsets(%dma_start3A_394 : memref<128xi32, #tpu.memory_space<vmem>>) semaphore(%dma_start3A_399 : memref<!tpu.dma_semaphore, #tpu.memory_space<semaphore_mem>>)
    %rem3A_400 = arith.constant 3 : i32
    %rem3A_401 = arith.constant 4 : i32
    %rem3A_402 = arith.remsi %rem3A_400, %rem3A_401 : i32
    %mul3A_403 = arith.constant 128 : i32
    %mul3A_404 = arith.muli %mul3A_403, %rem3A_402 : i32
    %add3A_405 = arith.constant 0 : i32
    %add3A_406 = arith.addi %mul3A_404, %add3A_405 : i32
    %get3A_407 = arith.constant 0 : i32
    %get3A_408 = arith.index_cast %get3A_407 : i32 to index
    %get3A_409 = arith.index_cast %add3A_406 : i32 to index
    %get3A_410 = tpu.vector_load %arg5[%get3A_408, %get3A_409] {strides = array<i32>} : memref<20x512xi32, #tpu.memory_space<vmem>>, vector<16xi32>,
    %swap3A_411 = arith.constant 3 : i32
    %swap3A_412 = arith.index_cast %swap3A_411 : i32 to index
    %swap3A_413 = arith.constant 0 : index
    %swap3A_414 = tpu.vector_load %arg6[%swap3A_412, %swap3A_413] {strides = array<i32>} : memref<4x128xi32, #tpu.memory_space<vmem>>, vector<16xi32>,
    tpu.vector_store %arg6[%swap3A_412, %swap3A_413], %get3A_410 {strides = array<i32>} : memref<4x128xi32, #tpu.memory_space<vmem>>, vector<16xi32>,
    %mul3A_415 = arith.constant 128 : i32
    %mul3A_416 = arith.muli %mul3A_415, %rem3A_402 : i32
    %add3A_417 = arith.constant 16 : i32
    %add3A_418 = arith.addi %mul3A_416, %add3A_417 : i32
    %get3A_419 = arith.constant 0 : i32
    %get3A_420 = arith.index_cast %get3A_419 : i32 to index
    %get3A_421 = arith.index_cast %add3A_418 : i32 to index
    %get3A_422 = tpu.vector_load %arg5[%get3A_420, %get3A_421] {strides = array<i32>} : memref<20x512xi32, #tpu.memory_space<vmem>>, vector<16xi32>,
    %swap3A_423 = arith.constant 3 : i32
    %swap3A_424 = arith.index_cast %swap3A_423 : i32 to index
    %swap3A_425 = arith.constant 16 : index
    %swap3A_426 = tpu.vector_load %arg6[%swap3A_424, %swap3A_425] {strides = array<i32>} : memref<4x128xi32, #tpu.memory_space<vmem>>, vector<16xi32>,
    tpu.vector_store %arg6[%swap3A_424, %swap3A_425], %get3A_422 {strides = array<i32>} : memref<4x128xi32, #tpu.memory_space<vmem>>, vector<16xi32>,
    %mul3A_427 = arith.constant 128 : i32
    %mul3A_428 = arith.muli %mul3A_427, %rem3A_402 : i32
    %add3A_429 = arith.constant 32 : i32
    %add3A_430 = arith.addi %mul3A_428, %add3A_429 : i32
    %get3A_431 = arith.constant 0 : i32
    %get3A_432 = arith.index_cast %get3A_431 : i32 to index
    %get3A_433 = arith.index_cast %add3A_430 : i32 to index
    %get3A_434 = tpu.vector_load %arg5[%get3A_432, %get3A_433] {strides = array<i32>} : memref<20x512xi32, #tpu.memory_space<vmem>>, vector<16xi32>,
    %swap3A_435 = arith.constant 3 : i32
    %swap3A_436 = arith.index_cast %swap3A_435 : i32 to index
    %swap3A_437 = arith.constant 32 : index
    %swap3A_438 = tpu.vector_load %arg6[%swap3A_436, %swap3A_437] {strides = array<i32>} : memref<4x128xi32, #tpu.memory_space<vmem>>, vector<16xi32>,
    tpu.vector_store %arg6[%swap3A_436, %swap3A_437], %get3A_434 {strides = array<i32>} : memref<4x128xi32, #tpu.memory_space<vmem>>, vector<16xi32>,
    %mul3A_439 = arith.constant 128 : i32
    %mul3A_440 = arith.muli %mul3A_439, %rem3A_402 : i32
    %add3A_441 = arith.constant 48 : i32
    %add3A_442 = arith.addi %mul3A_440, %add3A_441 : i32
    %get3A_443 = arith.constant 0 : i32
    %get3A_444 = arith.index_cast %get3A_443 : i32 to index
    %get3A_445 = arith.index_cast %add3A_442 : i32 to index
    %get3A_446 = tpu.vector_load %arg5[%get3A_444, %get3A_445] {strides = array<i32>} : memref<20x512xi32, #tpu.memory_space<vmem>>, vector<16xi32>,
    %swap3A_447 = arith.constant 3 : i32
    %swap3A_448 = arith.index_cast %swap3A_447 : i32 to index
    %swap3A_449 = arith.constant 48 : index
    %swap3A_450 = tpu.vector_load %arg6[%swap3A_448, %swap3A_449] {strides = array<i32>} : memref<4x128xi32, #tpu.memory_space<vmem>>, vector<16xi32>,
    tpu.vector_store %arg6[%swap3A_448, %swap3A_449], %get3A_446 {strides = array<i32>} : memref<4x128xi32, #tpu.memory_space<vmem>>, vector<16xi32>,
    %mul3A_451 = arith.constant 128 : i32
    %mul3A_452 = arith.muli %mul3A_451, %rem3A_402 : i32
    %add3A_453 = arith.constant 64 : i32
    %add3A_454 = arith.addi %mul3A_452, %add3A_453 : i32
    %get3A_455 = arith.constant 0 : i32
    %get3A_456 = arith.index_cast %get3A_455 : i32 to index
    %get3A_457 = arith.index_cast %add3A_454 : i32 to index
    %get3A_458 = tpu.vector_load %arg5[%get3A_456, %get3A_457] {strides = array<i32>} : memref<20x512xi32, #tpu.memory_space<vmem>>, vector<16xi32>,
    %swap3A_459 = arith.constant 3 : i32
    %swap3A_460 = arith.index_cast %swap3A_459 : i32 to index
    %swap3A_461 = arith.constant 64 : index
    %swap3A_462 = tpu.vector_load %arg6[%swap3A_460, %swap3A_461] {strides = array<i32>} : memref<4x128xi32, #tpu.memory_space<vmem>>, vector<16xi32>,
    tpu.vector_store %arg6[%swap3A_460, %swap3A_461], %get3A_458 {strides = array<i32>} : memref<4x128xi32, #tpu.memory_space<vmem>>, vector<16xi32>,
    %mul3A_463 = arith.constant 128 : i32
    %mul3A_464 = arith.muli %mul3A_463, %rem3A_402 : i32
    %add3A_465 = arith.constant 80 : i32
    %add3A_466 = arith.addi %mul3A_464, %add3A_465 : i32
    %get3A_467 = arith.constant 0 : i32
    %get3A_468 = arith.index_cast %get3A_467 : i32 to index
    %get3A_469 = arith.index_cast %add3A_466 : i32 to index
    %get3A_470 = tpu.vector_load %arg5[%get3A_468, %get3A_469] {strides = array<i32>} : memref<20x512xi32, #tpu.memory_space<vmem>>, vector<16xi32>,
    %swap3A_471 = arith.constant 3 : i32
    %swap3A_472 = arith.index_cast %swap3A_471 : i32 to index
    %swap3A_473 = arith.constant 80 : index
    %swap3A_474 = tpu.vector_load %arg6[%swap3A_472, %swap3A_473] {strides = array<i32>} : memref<4x128xi32, #tpu.memory_space<vmem>>, vector<16xi32>,
    tpu.vector_store %arg6[%swap3A_472, %swap3A_473], %get3A_470 {strides = array<i32>} : memref<4x128xi32, #tpu.memory_space<vmem>>, vector<16xi32>,
    %mul3A_475 = arith.constant 128 : i32
    %mul3A_476 = arith.muli %mul3A_475, %rem3A_402 : i32
    %add3A_477 = arith.constant 96 : i32
    %add3A_478 = arith.addi %mul3A_476, %add3A_477 : i32
    %get3A_479 = arith.constant 0 : i32
    %get3A_480 = arith.index_cast %get3A_479 : i32 to index
    %get3A_481 = arith.index_cast %add3A_478 : i32 to index
    %get3A_482 = tpu.vector_load %arg5[%get3A_480, %get3A_481] {strides = array<i32>} : memref<20x512xi32, #tpu.memory_space<vmem>>, vector<16xi32>,
    %swap3A_483 = arith.constant 3 : i32
    %swap3A_484 = arith.index_cast %swap3A_483 : i32 to index
    %swap3A_485 = arith.constant 96 : index
    %swap3A_486 = tpu.vector_load %arg6[%swap3A_484, %swap3A_485] {strides = array<i32>} : memref<4x128xi32, #tpu.memory_space<vmem>>, vector<16xi32>,
    tpu.vector_store %arg6[%swap3A_484, %swap3A_485], %get3A_482 {strides = array<i32>} : memref<4x128xi32, #tpu.memory_space<vmem>>, vector<16xi32>,
    %mul3A_487 = arith.constant 128 : i32
    %mul3A_488 = arith.muli %mul3A_487, %rem3A_402 : i32
    %add3A_489 = arith.constant 112 : i32
    %add3A_490 = arith.addi %mul3A_488, %add3A_489 : i32
    %get3A_491 = arith.constant 0 : i32
    %get3A_492 = arith.index_cast %get3A_491 : i32 to index
    %get3A_493 = arith.index_cast %add3A_490 : i32 to index
    %get3A_494 = tpu.vector_load %arg5[%get3A_492, %get3A_493] {strides = array<i32>} : memref<20x512xi32, #tpu.memory_space<vmem>>, vector<16xi32>,
    %swap3A_495 = arith.constant 3 : i32
    %swap3A_496 = arith.index_cast %swap3A_495 : i32 to index
    %swap3A_497 = arith.constant 112 : index
    %swap3A_498 = tpu.vector_load %arg6[%swap3A_496, %swap3A_497] {strides = array<i32>} : memref<4x128xi32, #tpu.memory_space<vmem>>, vector<16xi32>,
    tpu.vector_store %arg6[%swap3A_496, %swap3A_497], %get3A_494 {strides = array<i32>} : memref<4x128xi32, #tpu.memory_space<vmem>>, vector<16xi32>,
    %dma_start3A_499 = arith.constant 3 : i32
    %dma_start3A_500 = arith.constant 3 : i32
    %dma_start3A_501 = arith.constant 3 : i32
    %dma_start3A_502 = arith.constant 0 : i32
    %dma_start3A_503 = arith.constant 0 : i32
    %dma_start3A_504 = tpu.memref_slice %arg7[%dma_start3A_500, %dma_start3A_502, %dma_start3A_503] : memref<4x128x128xf32, #tpu.memory_space<vmem>> -> memref<1x128x128xf32, #tpu.memory_space<vmem>>
    %dma_start3A_505 = tpu.memref_squeeze %dma_start3A_504 : memref<1x128x128xf32, #tpu.memory_space<vmem>> -> memref<128x128xf32, #tpu.memory_space<vmem>>
    %dma_start3A_506 = arith.constant 0 : i32
    %dma_start3A_507 = tpu.memref_slice %arg6[%dma_start3A_499, %dma_start3A_506] : memref<4x128xi32, #tpu.memory_space<vmem>> -> memref<1x128xi32, #tpu.memory_space<vmem>>
    %dma_start3A_508 = tpu.memref_squeeze %dma_start3A_507 : memref<1x128xi32, #tpu.memory_space<vmem>> -> memref<128xi32, #tpu.memory_space<vmem>>
    %dma_start3A_509 = arith.constant 0 : i32
    %dma_start3A_510 = arith.constant 0 : i32
    %dma_start3A_511 = tpu.memref_slice %arg3[%dma_start3A_509, %dma_start3A_510] : memref<1000000x128xf32, #tpu.memory_space<hbm>> -> memref<1000000x128xf32, #tpu.memory_space<hbm>>
    %dma_start3A_512 = tpu.memref_slice %arg9[%dma_start3A_501] : memref<4x!tpu.dma_semaphore, #tpu.memory_space<semaphore_mem>> -> memref<1x!tpu.dma_semaphore, #tpu.memory_space<semaphore_mem>>
    %dma_start3A_513 = tpu.memref_squeeze %dma_start3A_512 : memref<1x!tpu.dma_semaphore, #tpu.memory_space<semaphore_mem>> -> memref<!tpu.dma_semaphore, #tpu.memory_space<semaphore_mem>>
    tpu.enqueue_indirect_dma source(%dma_start3A_511 : memref<1000000x128xf32, #tpu.memory_space<hbm>>) target(%dma_start3A_505 : memref<128x128xf32, #tpu.memory_space<vmem>>) offsets(%dma_start3A_508 : memref<128xi32, #tpu.memory_space<vmem>>) semaphore(%dma_start3A_513 : memref<!tpu.dma_semaphore, #tpu.memory_space<semaphore_mem>>)
    %scan3A = arith.constant 0 : i32
    %scan3A_514 = arith.constant 20 : i32
    %scan3A_515 = arith.addi %scan3A, %scan3A_514 : i32
    %scan3A_516 = arith.constant 1 : i32
    scf.for %scan3A_641 = %scan3A to %scan3A_515 step %scan3A_516  : i32 {
      %mul3A_642 = arith.constant 4 : i32
      %mul3A_643 = arith.muli %scan3A_641, %mul3A_642 : i32
      %add3A_644 = arith.constant 0 : i32
      %add3A_645 = arith.addi %add3A_644, %mul3A_643 : i32
      %add3A_646 = arith.constant 0 : i32
      %add3A_647 = arith.addi %add3A_645, %add3A_646 : i32
      %dma_wait3A_648 = arith.constant 0 : i32
      %dma_wait3A_649 = arith.constant 0 : i32
      %dma_wait3A_650 = arith.constant 0 : i32
      %dma_wait3A_651 = arith.constant 0 : i32
      %dma_wait3A_652 = arith.constant 0 : i32
      %dma_wait3A_653 = tpu.memref_slice %arg7[%dma_wait3A_649, %dma_wait3A_651, %dma_wait3A_652] : memref<4x128x128xf32, #tpu.memory_space<vmem>> -> memref<1x128x128xf32, #tpu.memory_space<vmem>>
      %dma_wait3A_654 = tpu.memref_squeeze %dma_wait3A_653 : memref<1x128x128xf32, #tpu.memory_space<vmem>> -> memref<128x128xf32, #tpu.memory_space<vmem>>
      %dma_wait3A_655 = arith.constant 0 : i32
      %dma_wait3A_656 = tpu.memref_slice %arg6[%dma_wait3A_648, %dma_wait3A_655] : memref<4x128xi32, #tpu.memory_space<vmem>> -> memref<1x128xi32, #tpu.memory_space<vmem>>
      %dma_wait3A_657 = tpu.memref_squeeze %dma_wait3A_656 : memref<1x128xi32, #tpu.memory_space<vmem>> -> memref<128xi32, #tpu.memory_space<vmem>>
      %dma_wait3A_658 = arith.constant 0 : i32
      %dma_wait3A_659 = arith.constant 0 : i32
      %dma_wait3A_660 = tpu.memref_slice %arg3[%dma_wait3A_658, %dma_wait3A_659] : memref<1000000x128xf32, #tpu.memory_space<hbm>> -> memref<1000000x128xf32, #tpu.memory_space<hbm>>
      %dma_wait3A_661 = tpu.memref_slice %arg9[%dma_wait3A_650] : memref<4x!tpu.dma_semaphore, #tpu.memory_space<semaphore_mem>> -> memref<1x!tpu.dma_semaphore, #tpu.memory_space<semaphore_mem>>
      %dma_wait3A_662 = tpu.memref_squeeze %dma_wait3A_661 : memref<1x!tpu.dma_semaphore, #tpu.memory_space<semaphore_mem>> -> memref<!tpu.dma_semaphore, #tpu.memory_space<semaphore_mem>>
      tpu.wait_indirect_dma semaphore(%dma_wait3A_662 : memref<!tpu.dma_semaphore, #tpu.memory_space<semaphore_mem>>) src(%dma_wait3A_660 : memref<1000000x128xf32, #tpu.memory_space<hbm>>) dst(%dma_wait3A_654 : memref<128x128xf32, #tpu.memory_space<vmem>>)
      %ge3A = arith.constant 4 : i32
      %ge3A_663 = arith.cmpi sge, %add3A_647, %ge3A : i32
      %convert_element_type3A = arith.extui %ge3A_663 : i1 to i32
      %cond3A = arith.constant 0 : i32
      %cond3A_664 = arith.cmpi ne, %convert_element_type3A, %cond3A : i32
      scf.if %cond3A_664 {
        %sub3A_1154 = arith.constant 4 : i32
        %sub3A_1155 = arith.subi %add3A_647, %sub3A_1154 : i32
        %jit3A_1156 = arith.constant 4 : i32
        %div3A_1157 = arith.divsi %sub3A_1155, %jit3A_1156 : i32
        %sign3A_1158 = arith.constant 0 : i32
        %sign3A_1159 = arith.cmpi sgt, %sub3A_1155, %sign3A_1158 : i32
        %sign3A_1160 = arith.extui %sign3A_1159 : i1 to i32
        %sign3A_1161 = arith.constant 0 : i32
        %sign3A_1162 = arith.cmpi slt, %sub3A_1155, %sign3A_1161 : i32
        %sign3A_1163 = arith.extui %sign3A_1162 : i1 to i32
        %sign3A_1164 = arith.subi %sign3A_1160, %sign3A_1163 : i32
        %sign3A_1165 = arith.constant 0 : i32
        %sign3A_1166 = arith.cmpi sgt, %jit3A_1156, %sign3A_1165 : i32
        %sign3A_1167 = arith.extui %sign3A_1166 : i1 to i32
        %sign3A_1168 = arith.constant 0 : i32
        %sign3A_1169 = arith.cmpi slt, %jit3A_1156, %sign3A_1168 : i32
        %sign3A_1170 = arith.extui %sign3A_1169 : i1 to i32
        %sign3A_1171 = arith.subi %sign3A_1167, %sign3A_1170 : i32
        %ne3A_1172 = arith.cmpi ne, %sign3A_1164, %sign3A_1171 : i32
        %rem3A_1173 = arith.remsi %sub3A_1155, %jit3A_1156 : i32
        %ne3A_1174 = arith.constant 0 : i32
        %ne3A_1175 = arith.cmpi ne, %rem3A_1173, %ne3A_1174 : i32
        %and3A_1176 = arith.andi %ne3A_1172, %ne3A_1175 : i1
        %sub3A_1177 = arith.constant 1 : i32
        %sub3A_1178 = arith.subi %div3A_1157, %sub3A_1177 : i32
        %select_n3A_1179 = arith.select %and3A_1176, %sub3A_1178, %div3A_1157 : i32
        %mul3A_1180 = arith.constant 4 : i32
        %mul3A_1181 = arith.muli %mul3A_1180, %add3A : i32
        %rem3A_1182 = arith.constant 4 : i32
        %rem3A_1183 = arith.remsi %sub3A_1155, %rem3A_1182 : i32
        %add3A_1184 = arith.addi %mul3A_1181, %rem3A_1183 : i32
        %dma_wait3A_1185 = arith.constant 0 : i32
        %dma_wait3A_1186 = arith.constant 0 : i32
        %dma_wait3A_1187 = arith.constant 0 : i32
        %dma_wait3A_1188 = arith.constant 0 : i32
        %dma_wait3A_1189 = arith.constant 0 : i32
        %dma_wait3A_1190 = tpu.memref_slice %arg8[%dma_wait3A_1185, %dma_wait3A_1187, %dma_wait3A_1188, %dma_wait3A_1189] : memref<4x8x8x128xf32, #tpu.memory_space<vmem>> -> memref<1x8x8x128xf32, #tpu.memory_space<vmem>>
        %dma_wait3A_1191 = tpu.memref_squeeze %dma_wait3A_1190 : memref<1x8x8x128xf32, #tpu.memory_space<vmem>> -> memref<8x8x128xf32, #tpu.memory_space<vmem>>
        %dma_wait3A_1192 = arith.constant 0 : i32
        %dma_wait3A_1193 = arith.constant 0 : i32
        %dma_wait3A_1194 = arith.constant 0 : i32
        %dma_wait3A_1195 = tpu.memref_slice %arg4[%select_n3A_1179, %dma_wait3A_1192, %add3A_1184, %dma_wait3A_1193, %dma_wait3A_1194] : memref<20x8x128x8x128xf32, #tpu.memory_space<hbm>> -> memref<1x8x1x8x128xf32, #tpu.memory_space<hbm>>
        %dma_wait3A_1196 = tpu.memref_squeeze %dma_wait3A_1195 : memref<1x8x1x8x128xf32, #tpu.memory_space<hbm>> -> memref<8x8x128xf32, #tpu.memory_space<hbm>>
        %dma_wait3A_1197 = tpu.memref_slice %arg10[%dma_wait3A_1186] : memref<4x!tpu.dma_semaphore, #tpu.memory_space<semaphore_mem>> -> memref<1x!tpu.dma_semaphore, #tpu.memory_space<semaphore_mem>>
        %dma_wait3A_1198 = tpu.memref_squeeze %dma_wait3A_1197 : memref<1x!tpu.dma_semaphore, #tpu.memory_space<semaphore_mem>> -> memref<!tpu.dma_semaphore, #tpu.memory_space<semaphore_mem>>
        %dma_wait3A_1199 = arith.constant 0 : i32
        %dma_wait3A_1200 = arith.constant 0 : i32
        %dma_wait3A_1201 = arith.constant 0 : i32
        %dma_wait3A_1202 = tpu.memref_slice %arg4[%select_n3A_1179, %dma_wait3A_1199, %add3A_1184, %dma_wait3A_1200, %dma_wait3A_1201] : memref<20x8x128x8x128xf32, #tpu.memory_space<hbm>> -> memref<1x8x1x8x128xf32, #tpu.memory_space<hbm>>
        %dma_wait3A_1203 = tpu.memref_squeeze %dma_wait3A_1202 : memref<1x8x1x8x128xf32, #tpu.memory_space<hbm>> -> memref<8x8x128xf32, #tpu.memory_space<hbm>>
        %dma_wait3A_1204 = arith.constant 0 : i32
        %dma_wait3A_1205 = arith.constant 0 : i32
        %dma_wait3A_1206 = arith.constant 0 : i32
        %dma_wait3A_1207 = tpu.memref_slice %arg8[%dma_wait3A_1185, %dma_wait3A_1204, %dma_wait3A_1205, %dma_wait3A_1206] : memref<4x8x8x128xf32, #tpu.memory_space<vmem>> -> memref<1x8x8x128xf32, #tpu.memory_space<vmem>>
        %dma_wait3A_1208 = tpu.memref_squeeze %dma_wait3A_1207 : memref<1x8x8x128xf32, #tpu.memory_space<vmem>> -> memref<8x8x128xf32, #tpu.memory_space<vmem>>
        tpu.wait_dma2 semaphore(%dma_wait3A_1198 : memref<!tpu.dma_semaphore, #tpu.memory_space<semaphore_mem>>) src(%dma_wait3A_1208 : memref<8x8x128xf32, #tpu.memory_space<vmem>>) dst(%dma_wait3A_1203 : memref<8x8x128xf32, #tpu.memory_space<hbm>>)
      } else {
      }
      %add3A_665 = arith.constant 0 : i32
      %add3A_666 = vector.broadcast %add3A_665 : i32 to vector<16xi32>
      %add3A_667 = arith.addi %iota3A, %add3A_666 : vector<16xi32>
      %parallel_loop3A = arith.constant 0 : i32
      %parallel_loop3A_668 = arith.constant 64 : i32
      %parallel_loop3A_669 = arith.constant 1 : i32
      scf.for %parallel_loop3A_1154 = %parallel_loop3A to %parallel_loop3A_668 step %parallel_loop3A_669  : i32 {
        %parallel_loop3A_1155 = vector.broadcast %parallel_loop3A_1154 : i32 to vector<16xi32>
        %parallel_loop3A_1156 = arith.addi %parallel_loop3A_1155, %iota3A : vector<16xi32>
        %parallel_loop3A_1157 = arith.constant 63 : i32
        %parallel_loop3A_1158 = vector.broadcast %parallel_loop3A_1157 : i32 to vector<16xi32>
        %parallel_loop3A_1159 = arith.andi %parallel_loop3A_1156, %parallel_loop3A_1158 : vector<16xi32>
        %parallel_loop3A_1160 = arith.constant 0 : i32
        %parallel_loop3A_1161 = arith.constant 0 : i32
        %parallel_loop3A_1162 = arith.constant 0 : i32
        %parallel_loop3A_1163 = tpu.memref_slice %arg7[%parallel_loop3A_1160, %parallel_loop3A_1161, %parallel_loop3A_1162] : memref<4x128x128xf32, #tpu.memory_space<vmem>> -> memref<1x128x128xf32, #tpu.memory_space<vmem>>
        %parallel_loop3A_1164 = tpu.memref_squeeze %parallel_loop3A_1163 : memref<1x128x128xf32, #tpu.memory_space<vmem>> -> memref<128x128xf32, #tpu.memory_space<vmem>>
        %parallel_loop3A_1165 = tpu.vector_load_idx %parallel_loop3A_1164[%add3A_667, %parallel_loop3A_1159] : memref<128x128xf32, #tpu.memory_space<vmem>>[vector<16xi32>, vector<16xi32>], vector<16xf32>,
        %parallel_loop3A_1166 = arith.constant 3 : i32
        %parallel_loop3A_1167 = vector.broadcast %parallel_loop3A_1166 : i32 to vector<16xi32>
        %parallel_loop3A_1168 = arith.shrsi %parallel_loop3A_1159, %parallel_loop3A_1167 : vector<16xi32>
        %parallel_loop3A_1169 = arith.constant 7 : i32
        %parallel_loop3A_1170 = vector.broadcast %parallel_loop3A_1169 : i32 to vector<16xi32>
        %parallel_loop3A_1171 = arith.andi %parallel_loop3A_1159, %parallel_loop3A_1170 : vector<16xi32>
        %parallel_loop3A_1172 = arith.constant 0 : i32
        %parallel_loop3A_1173 = arith.constant 0 : i32
        %parallel_loop3A_1174 = arith.constant 0 : i32
        %parallel_loop3A_1175 = arith.constant 0 : i32
        %parallel_loop3A_1176 = tpu.memref_slice %arg8[%parallel_loop3A_1172, %parallel_loop3A_1173, %parallel_loop3A_1174, %parallel_loop3A_1175] : memref<4x8x8x128xf32, #tpu.memory_space<vmem>> -> memref<1x8x8x128xf32, #tpu.memory_space<vmem>>
        %parallel_loop3A_1177 = tpu.memref_squeeze %parallel_loop3A_1176 : memref<1x8x8x128xf32, #tpu.memory_space<vmem>> -> memref<8x8x128xf32, #tpu.memory_space<vmem>>
        tpu.vector_store_idx %parallel_loop3A_1177[%parallel_loop3A_1168, %parallel_loop3A_1171, %add3A_667], %parallel_loop3A_1165 : memref<8x8x128xf32, #tpu.memory_space<vmem>>[vector<16xi32>, vector<16xi32>, vector<16xi32>], vector<16xf32>,
      } {sc.loop_unroll_factor = 2 : i64, sc.parallel_access}
      %add3A_670 = arith.constant 16 : i32
      %add3A_671 = vector.broadcast %add3A_670 : i32 to vector<16xi32>
      %add3A_672 = arith.addi %iota3A, %add3A_671 : vector<16xi32>
      %parallel_loop3A_673 = arith.constant 0 : i32
      %parallel_loop3A_674 = arith.constant 64 : i32
      %parallel_loop3A_675 = arith.constant 1 : i32
      scf.for %parallel_loop3A_1154 = %parallel_loop3A_673 to %parallel_loop3A_674 step %parallel_loop3A_675  : i32 {
        %parallel_loop3A_1155 = vector.broadcast %parallel_loop3A_1154 : i32 to vector<16xi32>
        %parallel_loop3A_1156 = arith.addi %parallel_loop3A_1155, %iota3A : vector<16xi32>
        %parallel_loop3A_1157 = arith.constant 63 : i32
        %parallel_loop3A_1158 = vector.broadcast %parallel_loop3A_1157 : i32 to vector<16xi32>
        %parallel_loop3A_1159 = arith.andi %parallel_loop3A_1156, %parallel_loop3A_1158 : vector<16xi32>
        %parallel_loop3A_1160 = arith.constant 0 : i32
        %parallel_loop3A_1161 = arith.constant 0 : i32
        %parallel_loop3A_1162 = arith.constant 0 : i32
        %parallel_loop3A_1163 = tpu.memref_slice %arg7[%parallel_loop3A_1160, %parallel_loop3A_1161, %parallel_loop3A_1162] : memref<4x128x128xf32, #tpu.memory_space<vmem>> -> memref<1x128x128xf32, #tpu.memory_space<vmem>>
        %parallel_loop3A_1164 = tpu.memref_squeeze %parallel_loop3A_1163 : memref<1x128x128xf32, #tpu.memory_space<vmem>> -> memref<128x128xf32, #tpu.memory_space<vmem>>
        %parallel_loop3A_1165 = tpu.vector_load_idx %parallel_loop3A_1164[%add3A_672, %parallel_loop3A_1159] : memref<128x128xf32, #tpu.memory_space<vmem>>[vector<16xi32>, vector<16xi32>], vector<16xf32>,
        %parallel_loop3A_1166 = arith.constant 3 : i32
        %parallel_loop3A_1167 = vector.broadcast %parallel_loop3A_1166 : i32 to vector<16xi32>
        %parallel_loop3A_1168 = arith.shrsi %parallel_loop3A_1159, %parallel_loop3A_1167 : vector<16xi32>
        %parallel_loop3A_1169 = arith.constant 7 : i32
        %parallel_loop3A_1170 = vector.broadcast %parallel_loop3A_1169 : i32 to vector<16xi32>
        %parallel_loop3A_1171 = arith.andi %parallel_loop3A_1159, %parallel_loop3A_1170 : vector<16xi32>
        %parallel_loop3A_1172 = arith.constant 0 : i32
        %parallel_loop3A_1173 = arith.constant 0 : i32
        %parallel_loop3A_1174 = arith.constant 0 : i32
        %parallel_loop3A_1175 = arith.constant 0 : i32
        %parallel_loop3A_1176 = tpu.memref_slice %arg8[%parallel_loop3A_1172, %parallel_loop3A_1173, %parallel_loop3A_1174, %parallel_loop3A_1175] : memref<4x8x8x128xf32, #tpu.memory_space<vmem>> -> memref<1x8x8x128xf32, #tpu.memory_space<vmem>>
        %parallel_loop3A_1177 = tpu.memref_squeeze %parallel_loop3A_1176 : memref<1x8x8x128xf32, #tpu.memory_space<vmem>> -> memref<8x8x128xf32, #tpu.memory_space<vmem>>
        tpu.vector_store_idx %parallel_loop3A_1177[%parallel_loop3A_1168, %parallel_loop3A_1171, %add3A_672], %parallel_loop3A_1165 : memref<8x8x128xf32, #tpu.memory_space<vmem>>[vector<16xi32>, vector<16xi32>, vector<16xi32>], vector<16xf32>,
      } {sc.loop_unroll_factor = 2 : i64, sc.parallel_access}
      %add3A_676 = arith.constant 32 : i32
      %add3A_677 = vector.broadcast %add3A_676 : i32 to vector<16xi32>
      %add3A_678 = arith.addi %iota3A, %add3A_677 : vector<16xi32>
      %parallel_loop3A_679 = arith.constant 0 : i32
      %parallel_loop3A_680 = arith.constant 64 : i32
      %parallel_loop3A_681 = arith.constant 1 : i32
      scf.for %parallel_loop3A_1154 = %parallel_loop3A_679 to %parallel_loop3A_680 step %parallel_loop3A_681  : i32 {
        %parallel_loop3A_1155 = vector.broadcast %parallel_loop3A_1154 : i32 to vector<16xi32>
        %parallel_loop3A_1156 = arith.addi %parallel_loop3A_1155, %iota3A : vector<16xi32>
        %parallel_loop3A_1157 = arith.constant 63 : i32
        %parallel_loop3A_1158 = vector.broadcast %parallel_loop3A_1157 : i32 to vector<16xi32>
        %parallel_loop3A_1159 = arith.andi %parallel_loop3A_1156, %parallel_loop3A_1158 : vector<16xi32>
        %parallel_loop3A_1160 = arith.constant 0 : i32
        %parallel_loop3A_1161 = arith.constant 0 : i32
        %parallel_loop3A_1162 = arith.constant 0 : i32
        %parallel_loop3A_1163 = tpu.memref_slice %arg7[%parallel_loop3A_1160, %parallel_loop3A_1161, %parallel_loop3A_1162] : memref<4x128x128xf32, #tpu.memory_space<vmem>> -> memref<1x128x128xf32, #tpu.memory_space<vmem>>
        %parallel_loop3A_1164 = tpu.memref_squeeze %parallel_loop3A_1163 : memref<1x128x128xf32, #tpu.memory_space<vmem>> -> memref<128x128xf32, #tpu.memory_space<vmem>>
        %parallel_loop3A_1165 = tpu.vector_load_idx %parallel_loop3A_1164[%add3A_678, %parallel_loop3A_1159] : memref<128x128xf32, #tpu.memory_space<vmem>>[vector<16xi32>, vector<16xi32>], vector<16xf32>,
        %parallel_loop3A_1166 = arith.constant 3 : i32
        %parallel_loop3A_1167 = vector.broadcast %parallel_loop3A_1166 : i32 to vector<16xi32>
        %parallel_loop3A_1168 = arith.shrsi %parallel_loop3A_1159, %parallel_loop3A_1167 : vector<16xi32>
        %parallel_loop3A_1169 = arith.constant 7 : i32
        %parallel_loop3A_1170 = vector.broadcast %parallel_loop3A_1169 : i32 to vector<16xi32>
        %parallel_loop3A_1171 = arith.andi %parallel_loop3A_1159, %parallel_loop3A_1170 : vector<16xi32>
        %parallel_loop3A_1172 = arith.constant 0 : i32
        %parallel_loop3A_1173 = arith.constant 0 : i32
        %parallel_loop3A_1174 = arith.constant 0 : i32
        %parallel_loop3A_1175 = arith.constant 0 : i32
        %parallel_loop3A_1176 = tpu.memref_slice %arg8[%parallel_loop3A_1172, %parallel_loop3A_1173, %parallel_loop3A_1174, %parallel_loop3A_1175] : memref<4x8x8x128xf32, #tpu.memory_space<vmem>> -> memref<1x8x8x128xf32, #tpu.memory_space<vmem>>
        %parallel_loop3A_1177 = tpu.memref_squeeze %parallel_loop3A_1176 : memref<1x8x8x128xf32, #tpu.memory_space<vmem>> -> memref<8x8x128xf32, #tpu.memory_space<vmem>>
        tpu.vector_store_idx %parallel_loop3A_1177[%parallel_loop3A_1168, %parallel_loop3A_1171, %add3A_678], %parallel_loop3A_1165 : memref<8x8x128xf32, #tpu.memory_space<vmem>>[vector<16xi32>, vector<16xi32>, vector<16xi32>], vector<16xf32>,
      } {sc.loop_unroll_factor = 2 : i64, sc.parallel_access}
      %add3A_682 = arith.constant 48 : i32
      %add3A_683 = vector.broadcast %add3A_682 : i32 to vector<16xi32>
      %add3A_684 = arith.addi %iota3A, %add3A_683 : vector<16xi32>
      %parallel_loop3A_685 = arith.constant 0 : i32
      %parallel_loop3A_686 = arith.constant 64 : i32
      %parallel_loop3A_687 = arith.constant 1 : i32
      scf.for %parallel_loop3A_1154 = %parallel_loop3A_685 to %parallel_loop3A_686 step %parallel_loop3A_687  : i32 {
        %parallel_loop3A_1155 = vector.broadcast %parallel_loop3A_1154 : i32 to vector<16xi32>
        %parallel_loop3A_1156 = arith.addi %parallel_loop3A_1155, %iota3A : vector<16xi32>
        %parallel_loop3A_1157 = arith.constant 63 : i32
        %parallel_loop3A_1158 = vector.broadcast %parallel_loop3A_1157 : i32 to vector<16xi32>
        %parallel_loop3A_1159 = arith.andi %parallel_loop3A_1156, %parallel_loop3A_1158 : vector<16xi32>
        %parallel_loop3A_1160 = arith.constant 0 : i32
        %parallel_loop3A_1161 = arith.constant 0 : i32
        %parallel_loop3A_1162 = arith.constant 0 : i32
        %parallel_loop3A_1163 = tpu.memref_slice %arg7[%parallel_loop3A_1160, %parallel_loop3A_1161, %parallel_loop3A_1162] : memref<4x128x128xf32, #tpu.memory_space<vmem>> -> memref<1x128x128xf32, #tpu.memory_space<vmem>>
        %parallel_loop3A_1164 = tpu.memref_squeeze %parallel_loop3A_1163 : memref<1x128x128xf32, #tpu.memory_space<vmem>> -> memref<128x128xf32, #tpu.memory_space<vmem>>
        %parallel_loop3A_1165 = tpu.vector_load_idx %parallel_loop3A_1164[%add3A_684, %parallel_loop3A_1159] : memref<128x128xf32, #tpu.memory_space<vmem>>[vector<16xi32>, vector<16xi32>], vector<16xf32>,
        %parallel_loop3A_1166 = arith.constant 3 : i32
        %parallel_loop3A_1167 = vector.broadcast %parallel_loop3A_1166 : i32 to vector<16xi32>
        %parallel_loop3A_1168 = arith.shrsi %parallel_loop3A_1159, %parallel_loop3A_1167 : vector<16xi32>
        %parallel_loop3A_1169 = arith.constant 7 : i32
        %parallel_loop3A_1170 = vector.broadcast %parallel_loop3A_1169 : i32 to vector<16xi32>
        %parallel_loop3A_1171 = arith.andi %parallel_loop3A_1159, %parallel_loop3A_1170 : vector<16xi32>
        %parallel_loop3A_1172 = arith.constant 0 : i32
        %parallel_loop3A_1173 = arith.constant 0 : i32
        %parallel_loop3A_1174 = arith.constant 0 : i32
        %parallel_loop3A_1175 = arith.constant 0 : i32
        %parallel_loop3A_1176 = tpu.memref_slice %arg8[%parallel_loop3A_1172, %parallel_loop3A_1173, %parallel_loop3A_1174, %parallel_loop3A_1175] : memref<4x8x8x128xf32, #tpu.memory_space<vmem>> -> memref<1x8x8x128xf32, #tpu.memory_space<vmem>>
        %parallel_loop3A_1177 = tpu.memref_squeeze %parallel_loop3A_1176 : memref<1x8x8x128xf32, #tpu.memory_space<vmem>> -> memref<8x8x128xf32, #tpu.memory_space<vmem>>
        tpu.vector_store_idx %parallel_loop3A_1177[%parallel_loop3A_1168, %parallel_loop3A_1171, %add3A_684], %parallel_loop3A_1165 : memref<8x8x128xf32, #tpu.memory_space<vmem>>[vector<16xi32>, vector<16xi32>, vector<16xi32>], vector<16xf32>,
      } {sc.loop_unroll_factor = 2 : i64, sc.parallel_access}
      %add3A_688 = arith.constant 64 : i32
      %add3A_689 = vector.broadcast %add3A_688 : i32 to vector<16xi32>
      %add3A_690 = arith.addi %iota3A, %add3A_689 : vector<16xi32>
      %parallel_loop3A_691 = arith.constant 0 : i32
      %parallel_loop3A_692 = arith.constant 64 : i32
      %parallel_loop3A_693 = arith.constant 1 : i32
      scf.for %parallel_loop3A_1154 = %parallel_loop3A_691 to %parallel_loop3A_692 step %parallel_loop3A_693  : i32 {
        %parallel_loop3A_1155 = vector.broadcast %parallel_loop3A_1154 : i32 to vector<16xi32>
        %parallel_loop3A_1156 = arith.addi %parallel_loop3A_1155, %iota3A : vector<16xi32>
        %parallel_loop3A_1157 = arith.constant 63 : i32
        %parallel_loop3A_1158 = vector.broadcast %parallel_loop3A_1157 : i32 to vector<16xi32>
        %parallel_loop3A_1159 = arith.andi %parallel_loop3A_1156, %parallel_loop3A_1158 : vector<16xi32>
        %parallel_loop3A_1160 = arith.constant 0 : i32
        %parallel_loop3A_1161 = arith.constant 0 : i32
        %parallel_loop3A_1162 = arith.constant 0 : i32
        %parallel_loop3A_1163 = tpu.memref_slice %arg7[%parallel_loop3A_1160, %parallel_loop3A_1161, %parallel_loop3A_1162] : memref<4x128x128xf32, #tpu.memory_space<vmem>> -> memref<1x128x128xf32, #tpu.memory_space<vmem>>
        %parallel_loop3A_1164 = tpu.memref_squeeze %parallel_loop3A_1163 : memref<1x128x128xf32, #tpu.memory_space<vmem>> -> memref<128x128xf32, #tpu.memory_space<vmem>>
        %parallel_loop3A_1165 = tpu.vector_load_idx %parallel_loop3A_1164[%add3A_690, %parallel_loop3A_1159] : memref<128x128xf32, #tpu.memory_space<vmem>>[vector<16xi32>, vector<16xi32>], vector<16xf32>,
        %parallel_loop3A_1166 = arith.constant 3 : i32
        %parallel_loop3A_1167 = vector.broadcast %parallel_loop3A_1166 : i32 to vector<16xi32>
        %parallel_loop3A_1168 = arith.shrsi %parallel_loop3A_1159, %parallel_loop3A_1167 : vector<16xi32>
        %parallel_loop3A_1169 = arith.constant 7 : i32
        %parallel_loop3A_1170 = vector.broadcast %parallel_loop3A_1169 : i32 to vector<16xi32>
        %parallel_loop3A_1171 = arith.andi %parallel_loop3A_1159, %parallel_loop3A_1170 : vector<16xi32>
        %parallel_loop3A_1172 = arith.constant 0 : i32
        %parallel_loop3A_1173 = arith.constant 0 : i32
        %parallel_loop3A_1174 = arith.constant 0 : i32
        %parallel_loop3A_1175 = arith.constant 0 : i32
        %parallel_loop3A_1176 = tpu.memref_slice %arg8[%parallel_loop3A_1172, %parallel_loop3A_1173, %parallel_loop3A_1174, %parallel_loop3A_1175] : memref<4x8x8x128xf32, #tpu.memory_space<vmem>> -> memref<1x8x8x128xf32, #tpu.memory_space<vmem>>
        %parallel_loop3A_1177 = tpu.memref_squeeze %parallel_loop3A_1176 : memref<1x8x8x128xf32, #tpu.memory_space<vmem>> -> memref<8x8x128xf32, #tpu.memory_space<vmem>>
        tpu.vector_store_idx %parallel_loop3A_1177[%parallel_loop3A_1168, %parallel_loop3A_1171, %add3A_690], %parallel_loop3A_1165 : memref<8x8x128xf32, #tpu.memory_space<vmem>>[vector<16xi32>, vector<16xi32>, vector<16xi32>], vector<16xf32>,
      } {sc.loop_unroll_factor = 2 : i64, sc.parallel_access}
      %add3A_694 = arith.constant 80 : i32
      %add3A_695 = vector.broadcast %add3A_694 : i32 to vector<16xi32>
      %add3A_696 = arith.addi %iota3A, %add3A_695 : vector<16xi32>
      %parallel_loop3A_697 = arith.constant 0 : i32
      %parallel_loop3A_698 = arith.constant 64 : i32
      %parallel_loop3A_699 = arith.constant 1 : i32
      scf.for %parallel_loop3A_1154 = %parallel_loop3A_697 to %parallel_loop3A_698 step %parallel_loop3A_699  : i32 {
        %parallel_loop3A_1155 = vector.broadcast %parallel_loop3A_1154 : i32 to vector<16xi32>
        %parallel_loop3A_1156 = arith.addi %parallel_loop3A_1155, %iota3A : vector<16xi32>
        %parallel_loop3A_1157 = arith.constant 63 : i32
        %parallel_loop3A_1158 = vector.broadcast %parallel_loop3A_1157 : i32 to vector<16xi32>
        %parallel_loop3A_1159 = arith.andi %parallel_loop3A_1156, %parallel_loop3A_1158 : vector<16xi32>
        %parallel_loop3A_1160 = arith.constant 0 : i32
        %parallel_loop3A_1161 = arith.constant 0 : i32
        %parallel_loop3A_1162 = arith.constant 0 : i32
        %parallel_loop3A_1163 = tpu.memref_slice %arg7[%parallel_loop3A_1160, %parallel_loop3A_1161, %parallel_loop3A_1162] : memref<4x128x128xf32, #tpu.memory_space<vmem>> -> memref<1x128x128xf32, #tpu.memory_space<vmem>>
        %parallel_loop3A_1164 = tpu.memref_squeeze %parallel_loop3A_1163 : memref<1x128x128xf32, #tpu.memory_space<vmem>> -> memref<128x128xf32, #tpu.memory_space<vmem>>
        %parallel_loop3A_1165 = tpu.vector_load_idx %parallel_loop3A_1164[%add3A_696, %parallel_loop3A_1159] : memref<128x128xf32, #tpu.memory_space<vmem>>[vector<16xi32>, vector<16xi32>], vector<16xf32>,
        %parallel_loop3A_1166 = arith.constant 3 : i32
        %parallel_loop3A_1167 = vector.broadcast %parallel_loop3A_1166 : i32 to vector<16xi32>
        %parallel_loop3A_1168 = arith.shrsi %parallel_loop3A_1159, %parallel_loop3A_1167 : vector<16xi32>
        %parallel_loop3A_1169 = arith.constant 7 : i32
        %parallel_loop3A_1170 = vector.broadcast %parallel_loop3A_1169 : i32 to vector<16xi32>
        %parallel_loop3A_1171 = arith.andi %parallel_loop3A_1159, %parallel_loop3A_1170 : vector<16xi32>
        %parallel_loop3A_1172 = arith.constant 0 : i32
        %parallel_loop3A_1173 = arith.constant 0 : i32
        %parallel_loop3A_1174 = arith.constant 0 : i32
        %parallel_loop3A_1175 = arith.constant 0 : i32
        %parallel_loop3A_1176 = tpu.memref_slice %arg8[%parallel_loop3A_1172, %parallel_loop3A_1173, %parallel_loop3A_1174, %parallel_loop3A_1175] : memref<4x8x8x128xf32, #tpu.memory_space<vmem>> -> memref<1x8x8x128xf32, #tpu.memory_space<vmem>>
        %parallel_loop3A_1177 = tpu.memref_squeeze %parallel_loop3A_1176 : memref<1x8x8x128xf32, #tpu.memory_space<vmem>> -> memref<8x8x128xf32, #tpu.memory_space<vmem>>
        tpu.vector_store_idx %parallel_loop3A_1177[%parallel_loop3A_1168, %parallel_loop3A_1171, %add3A_696], %parallel_loop3A_1165 : memref<8x8x128xf32, #tpu.memory_space<vmem>>[vector<16xi32>, vector<16xi32>, vector<16xi32>], vector<16xf32>,
      } {sc.loop_unroll_factor = 2 : i64, sc.parallel_access}
      %add3A_700 = arith.constant 96 : i32
      %add3A_701 = vector.broadcast %add3A_700 : i32 to vector<16xi32>
      %add3A_702 = arith.addi %iota3A, %add3A_701 : vector<16xi32>
      %parallel_loop3A_703 = arith.constant 0 : i32
      %parallel_loop3A_704 = arith.constant 64 : i32
      %parallel_loop3A_705 = arith.constant 1 : i32
      scf.for %parallel_loop3A_1154 = %parallel_loop3A_703 to %parallel_loop3A_704 step %parallel_loop3A_705  : i32 {
        %parallel_loop3A_1155 = vector.broadcast %parallel_loop3A_1154 : i32 to vector<16xi32>
        %parallel_loop3A_1156 = arith.addi %parallel_loop3A_1155, %iota3A : vector<16xi32>
        %parallel_loop3A_1157 = arith.constant 63 : i32
        %parallel_loop3A_1158 = vector.broadcast %parallel_loop3A_1157 : i32 to vector<16xi32>
        %parallel_loop3A_1159 = arith.andi %parallel_loop3A_1156, %parallel_loop3A_1158 : vector<16xi32>
        %parallel_loop3A_1160 = arith.constant 0 : i32
        %parallel_loop3A_1161 = arith.constant 0 : i32
        %parallel_loop3A_1162 = arith.constant 0 : i32
        %parallel_loop3A_1163 = tpu.memref_slice %arg7[%parallel_loop3A_1160, %parallel_loop3A_1161, %parallel_loop3A_1162] : memref<4x128x128xf32, #tpu.memory_space<vmem>> -> memref<1x128x128xf32, #tpu.memory_space<vmem>>
        %parallel_loop3A_1164 = tpu.memref_squeeze %parallel_loop3A_1163 : memref<1x128x128xf32, #tpu.memory_space<vmem>> -> memref<128x128xf32, #tpu.memory_space<vmem>>
        %parallel_loop3A_1165 = tpu.vector_load_idx %parallel_loop3A_1164[%add3A_702, %parallel_loop3A_1159] : memref<128x128xf32, #tpu.memory_space<vmem>>[vector<16xi32>, vector<16xi32>], vector<16xf32>,
        %parallel_loop3A_1166 = arith.constant 3 : i32
        %parallel_loop3A_1167 = vector.broadcast %parallel_loop3A_1166 : i32 to vector<16xi32>
        %parallel_loop3A_1168 = arith.shrsi %parallel_loop3A_1159, %parallel_loop3A_1167 : vector<16xi32>
        %parallel_loop3A_1169 = arith.constant 7 : i32
        %parallel_loop3A_1170 = vector.broadcast %parallel_loop3A_1169 : i32 to vector<16xi32>
        %parallel_loop3A_1171 = arith.andi %parallel_loop3A_1159, %parallel_loop3A_1170 : vector<16xi32>
        %parallel_loop3A_1172 = arith.constant 0 : i32
        %parallel_loop3A_1173 = arith.constant 0 : i32
        %parallel_loop3A_1174 = arith.constant 0 : i32
        %parallel_loop3A_1175 = arith.constant 0 : i32
        %parallel_loop3A_1176 = tpu.memref_slice %arg8[%parallel_loop3A_1172, %parallel_loop3A_1173, %parallel_loop3A_1174, %parallel_loop3A_1175] : memref<4x8x8x128xf32, #tpu.memory_space<vmem>> -> memref<1x8x8x128xf32, #tpu.memory_space<vmem>>
        %parallel_loop3A_1177 = tpu.memref_squeeze %parallel_loop3A_1176 : memref<1x8x8x128xf32, #tpu.memory_space<vmem>> -> memref<8x8x128xf32, #tpu.memory_space<vmem>>
        tpu.vector_store_idx %parallel_loop3A_1177[%parallel_loop3A_1168, %parallel_loop3A_1171, %add3A_702], %parallel_loop3A_1165 : memref<8x8x128xf32, #tpu.memory_space<vmem>>[vector<16xi32>, vector<16xi32>, vector<16xi32>], vector<16xf32>,
      } {sc.loop_unroll_factor = 2 : i64, sc.parallel_access}
      %add3A_706 = arith.constant 112 : i32
      %add3A_707 = vector.broadcast %add3A_706 : i32 to vector<16xi32>
      %add3A_708 = arith.addi %iota3A, %add3A_707 : vector<16xi32>
      %parallel_loop3A_709 = arith.constant 0 : i32
      %parallel_loop3A_710 = arith.constant 64 : i32
      %parallel_loop3A_711 = arith.constant 1 : i32
      scf.for %parallel_loop3A_1154 = %parallel_loop3A_709 to %parallel_loop3A_710 step %parallel_loop3A_711  : i32 {
        %parallel_loop3A_1155 = vector.broadcast %parallel_loop3A_1154 : i32 to vector<16xi32>
        %parallel_loop3A_1156 = arith.addi %parallel_loop3A_1155, %iota3A : vector<16xi32>
        %parallel_loop3A_1157 = arith.constant 63 : i32
        %parallel_loop3A_1158 = vector.broadcast %parallel_loop3A_1157 : i32 to vector<16xi32>
        %parallel_loop3A_1159 = arith.andi %parallel_loop3A_1156, %parallel_loop3A_1158 : vector<16xi32>
        %parallel_loop3A_1160 = arith.constant 0 : i32
        %parallel_loop3A_1161 = arith.constant 0 : i32
        %parallel_loop3A_1162 = arith.constant 0 : i32
        %parallel_loop3A_1163 = tpu.memref_slice %arg7[%parallel_loop3A_1160, %parallel_loop3A_1161, %parallel_loop3A_1162] : memref<4x128x128xf32, #tpu.memory_space<vmem>> -> memref<1x128x128xf32, #tpu.memory_space<vmem>>
        %parallel_loop3A_1164 = tpu.memref_squeeze %parallel_loop3A_1163 : memref<1x128x128xf32, #tpu.memory_space<vmem>> -> memref<128x128xf32, #tpu.memory_space<vmem>>
        %parallel_loop3A_1165 = tpu.vector_load_idx %parallel_loop3A_1164[%add3A_708, %parallel_loop3A_1159] : memref<128x128xf32, #tpu.memory_space<vmem>>[vector<16xi32>, vector<16xi32>], vector<16xf32>,
        %parallel_loop3A_1166 = arith.constant 3 : i32
        %parallel_loop3A_1167 = vector.broadcast %parallel_loop3A_1166 : i32 to vector<16xi32>
        %parallel_loop3A_1168 = arith.shrsi %parallel_loop3A_1159, %parallel_loop3A_1167 : vector<16xi32>
        %parallel_loop3A_1169 = arith.constant 7 : i32
        %parallel_loop3A_1170 = vector.broadcast %parallel_loop3A_1169 : i32 to vector<16xi32>
        %parallel_loop3A_1171 = arith.andi %parallel_loop3A_1159, %parallel_loop3A_1170 : vector<16xi32>
        %parallel_loop3A_1172 = arith.constant 0 : i32
        %parallel_loop3A_1173 = arith.constant 0 : i32
        %parallel_loop3A_1174 = arith.constant 0 : i32
        %parallel_loop3A_1175 = arith.constant 0 : i32
        %parallel_loop3A_1176 = tpu.memref_slice %arg8[%parallel_loop3A_1172, %parallel_loop3A_1173, %parallel_loop3A_1174, %parallel_loop3A_1175] : memref<4x8x8x128xf32, #tpu.memory_space<vmem>> -> memref<1x8x8x128xf32, #tpu.memory_space<vmem>>
        %parallel_loop3A_1177 = tpu.memref_squeeze %parallel_loop3A_1176 : memref<1x8x8x128xf32, #tpu.memory_space<vmem>> -> memref<8x8x128xf32, #tpu.memory_space<vmem>>
        tpu.vector_store_idx %parallel_loop3A_1177[%parallel_loop3A_1168, %parallel_loop3A_1171, %add3A_708], %parallel_loop3A_1165 : memref<8x8x128xf32, #tpu.memory_space<vmem>>[vector<16xi32>, vector<16xi32>, vector<16xi32>], vector<16xf32>,
      } {sc.loop_unroll_factor = 2 : i64, sc.parallel_access}
      %jit3A = arith.constant 4 : i32
      %div3A = arith.divsi %add3A_647, %jit3A : i32
      %sign3A = arith.constant 0 : i32
      %sign3A_712 = arith.cmpi sgt, %add3A_647, %sign3A : i32
      %sign3A_713 = arith.extui %sign3A_712 : i1 to i32
      %sign3A_714 = arith.constant 0 : i32
      %sign3A_715 = arith.cmpi slt, %add3A_647, %sign3A_714 : i32
      %sign3A_716 = arith.extui %sign3A_715 : i1 to i32
      %sign3A_717 = arith.subi %sign3A_713, %sign3A_716 : i32
      %sign3A_718 = arith.constant 0 : i32
      %sign3A_719 = arith.cmpi sgt, %jit3A, %sign3A_718 : i32
      %sign3A_720 = arith.extui %sign3A_719 : i1 to i32
      %sign3A_721 = arith.constant 0 : i32
      %sign3A_722 = arith.cmpi slt, %jit3A, %sign3A_721 : i32
      %sign3A_723 = arith.extui %sign3A_722 : i1 to i32
      %sign3A_724 = arith.subi %sign3A_720, %sign3A_723 : i32
      %ne3A = arith.cmpi ne, %sign3A_717, %sign3A_724 : i32
      %rem3A_725 = arith.remsi %add3A_647, %jit3A : i32
      %ne3A_726 = arith.constant 0 : i32
      %ne3A_727 = arith.cmpi ne, %rem3A_725, %ne3A_726 : i32
      %and3A = arith.andi %ne3A, %ne3A_727 : i1
      %sub3A = arith.constant 1 : i32
      %sub3A_728 = arith.subi %div3A, %sub3A : i32
      %select_n3A = arith.select %and3A, %sub3A_728, %div3A : i32
      %mul3A_729 = arith.constant 4 : i32
      %mul3A_730 = arith.muli %mul3A_729, %add3A : i32
      %rem3A_731 = arith.constant 4 : i32
      %rem3A_732 = arith.remsi %add3A_647, %rem3A_731 : i32
      %add3A_733 = arith.addi %mul3A_730, %rem3A_732 : i32
      %dma_start3A_734 = arith.constant 0 : i32
      %dma_start3A_735 = arith.constant 0 : i32
      %dma_start3A_736 = arith.constant 0 : i32
      %dma_start3A_737 = arith.constant 0 : i32
      %dma_start3A_738 = arith.constant 0 : i32
      %dma_start3A_739 = tpu.memref_slice %arg8[%dma_start3A_734, %dma_start3A_736, %dma_start3A_737, %dma_start3A_738] : memref<4x8x8x128xf32, #tpu.memory_space<vmem>> -> memref<1x8x8x128xf32, #tpu.memory_space<vmem>>
      %dma_start3A_740 = tpu.memref_squeeze %dma_start3A_739 : memref<1x8x8x128xf32, #tpu.memory_space<vmem>> -> memref<8x8x128xf32, #tpu.memory_space<vmem>>
      %dma_start3A_741 = arith.constant 0 : i32
      %dma_start3A_742 = arith.constant 0 : i32
      %dma_start3A_743 = arith.constant 0 : i32
      %dma_start3A_744 = tpu.memref_slice %arg4[%select_n3A, %dma_start3A_741, %add3A_733, %dma_start3A_742, %dma_start3A_743] : memref<20x8x128x8x128xf32, #tpu.memory_space<hbm>> -> memref<1x8x1x8x128xf32, #tpu.memory_space<hbm>>
      %dma_start3A_745 = tpu.memref_squeeze %dma_start3A_744 : memref<1x8x1x8x128xf32, #tpu.memory_space<hbm>> -> memref<8x8x128xf32, #tpu.memory_space<hbm>>
      %dma_start3A_746 = tpu.memref_slice %arg10[%dma_start3A_735] : memref<4x!tpu.dma_semaphore, #tpu.memory_space<semaphore_mem>> -> memref<1x!tpu.dma_semaphore, #tpu.memory_space<semaphore_mem>>
      %dma_start3A_747 = tpu.memref_squeeze %dma_start3A_746 : memref<1x!tpu.dma_semaphore, #tpu.memory_space<semaphore_mem>> -> memref<!tpu.dma_semaphore, #tpu.memory_space<semaphore_mem>>
      %dma_start3A_748 = arith.constant 0 : i32
      %dma_start3A_749 = arith.constant 0 : i32
      %dma_start3A_750 = arith.constant 0 : i32
      %dma_start3A_751 = tpu.memref_slice %arg4[%select_n3A, %dma_start3A_748, %add3A_733, %dma_start3A_749, %dma_start3A_750] : memref<20x8x128x8x128xf32, #tpu.memory_space<hbm>> -> memref<1x8x1x8x128xf32, #tpu.memory_space<hbm>>
      %dma_start3A_752 = tpu.memref_squeeze %dma_start3A_751 : memref<1x8x1x8x128xf32, #tpu.memory_space<hbm>> -> memref<8x8x128xf32, #tpu.memory_space<hbm>>
      %dma_start3A_753 = arith.constant 0 : i32
      %dma_start3A_754 = arith.constant 0 : i32
      %dma_start3A_755 = arith.constant 0 : i32
      %dma_start3A_756 = tpu.memref_slice %arg8[%dma_start3A_734, %dma_start3A_753, %dma_start3A_754, %dma_start3A_755] : memref<4x8x8x128xf32, #tpu.memory_space<vmem>> -> memref<1x8x8x128xf32, #tpu.memory_space<vmem>>
      %dma_start3A_757 = tpu.memref_squeeze %dma_start3A_756 : memref<1x8x8x128xf32, #tpu.memory_space<vmem>> -> memref<8x8x128xf32, #tpu.memory_space<vmem>>
      tpu.enqueue_dma source(%dma_start3A_757 : memref<8x8x128xf32, #tpu.memory_space<vmem>>) target(%dma_start3A_752 : memref<8x8x128xf32, #tpu.memory_space<hbm>>) target_semaphore(%dma_start3A_747 : memref<!tpu.dma_semaphore, #tpu.memory_space<semaphore_mem>>)
      %add3A_758 = arith.constant 4 : i32
      %add3A_759 = arith.addi %add3A_647, %add3A_758 : i32
      %lt3A = arith.constant 80 : i32
      %lt3A_760 = arith.cmpi slt, %add3A_759, %lt3A : i32
      %convert_element_type3A_761 = arith.extui %lt3A_760 : i1 to i32
      %cond3A_762 = arith.constant 0 : i32
      %cond3A_763 = arith.cmpi ne, %convert_element_type3A_761, %cond3A_762 : i32
      scf.if %cond3A_763 {
        %jit3A_1154 = arith.constant 4 : i32
        %div3A_1155 = arith.divsi %add3A_759, %jit3A_1154 : i32
        %sign3A_1156 = arith.constant 0 : i32
        %sign3A_1157 = arith.cmpi sgt, %add3A_759, %sign3A_1156 : i32
        %sign3A_1158 = arith.extui %sign3A_1157 : i1 to i32
        %sign3A_1159 = arith.constant 0 : i32
        %sign3A_1160 = arith.cmpi slt, %add3A_759, %sign3A_1159 : i32
        %sign3A_1161 = arith.extui %sign3A_1160 : i1 to i32
        %sign3A_1162 = arith.subi %sign3A_1158, %sign3A_1161 : i32
        %sign3A_1163 = arith.constant 0 : i32
        %sign3A_1164 = arith.cmpi sgt, %jit3A_1154, %sign3A_1163 : i32
        %sign3A_1165 = arith.extui %sign3A_1164 : i1 to i32
        %sign3A_1166 = arith.constant 0 : i32
        %sign3A_1167 = arith.cmpi slt, %jit3A_1154, %sign3A_1166 : i32
        %sign3A_1168 = arith.extui %sign3A_1167 : i1 to i32
        %sign3A_1169 = arith.subi %sign3A_1165, %sign3A_1168 : i32
        %ne3A_1170 = arith.cmpi ne, %sign3A_1162, %sign3A_1169 : i32
        %rem3A_1171 = arith.remsi %add3A_759, %jit3A_1154 : i32
        %ne3A_1172 = arith.constant 0 : i32
        %ne3A_1173 = arith.cmpi ne, %rem3A_1171, %ne3A_1172 : i32
        %and3A_1174 = arith.andi %ne3A_1170, %ne3A_1173 : i1
        %sub3A_1175 = arith.constant 1 : i32
        %sub3A_1176 = arith.subi %div3A_1155, %sub3A_1175 : i32
        %select_n3A_1177 = arith.select %and3A_1174, %sub3A_1176, %div3A_1155 : i32
        %rem3A_1178 = arith.constant 4 : i32
        %rem3A_1179 = arith.remsi %add3A_759, %rem3A_1178 : i32
        %mul3A_1180 = arith.constant 128 : i32
        %mul3A_1181 = arith.muli %mul3A_1180, %rem3A_1179 : i32
        %add3A_1182 = arith.constant 0 : i32
        %add3A_1183 = arith.addi %mul3A_1181, %add3A_1182 : i32
        %get3A_1184 = arith.index_cast %select_n3A_1177 : i32 to index
        %get3A_1185 = arith.index_cast %add3A_1183 : i32 to index
        %get3A_1186 = tpu.vector_load %arg5[%get3A_1184, %get3A_1185] {strides = array<i32>} : memref<20x512xi32, #tpu.memory_space<vmem>>, vector<16xi32>,
        %swap3A_1187 = arith.constant 0 : i32
        %swap3A_1188 = arith.index_cast %swap3A_1187 : i32 to index
        %swap3A_1189 = arith.constant 0 : index
        %swap3A_1190 = tpu.vector_load %arg6[%swap3A_1188, %swap3A_1189] {strides = array<i32>} : memref<4x128xi32, #tpu.memory_space<vmem>>, vector<16xi32>,
        tpu.vector_store %arg6[%swap3A_1188, %swap3A_1189], %get3A_1186 {strides = array<i32>} : memref<4x128xi32, #tpu.memory_space<vmem>>, vector<16xi32>,
        %mul3A_1191 = arith.constant 128 : i32
        %mul3A_1192 = arith.muli %mul3A_1191, %rem3A_1179 : i32
        %add3A_1193 = arith.constant 16 : i32
        %add3A_1194 = arith.addi %mul3A_1192, %add3A_1193 : i32
        %get3A_1195 = arith.index_cast %select_n3A_1177 : i32 to index
        %get3A_1196 = arith.index_cast %add3A_1194 : i32 to index
        %get3A_1197 = tpu.vector_load %arg5[%get3A_1195, %get3A_1196] {strides = array<i32>} : memref<20x512xi32, #tpu.memory_space<vmem>>, vector<16xi32>,
        %swap3A_1198 = arith.constant 0 : i32
        %swap3A_1199 = arith.index_cast %swap3A_1198 : i32 to index
        %swap3A_1200 = arith.constant 16 : index
        %swap3A_1201 = tpu.vector_load %arg6[%swap3A_1199, %swap3A_1200] {strides = array<i32>} : memref<4x128xi32, #tpu.memory_space<vmem>>, vector<16xi32>,
        tpu.vector_store %arg6[%swap3A_1199, %swap3A_1200], %get3A_1197 {strides = array<i32>} : memref<4x128xi32, #tpu.memory_space<vmem>>, vector<16xi32>,
        %mul3A_1202 = arith.constant 128 : i32
        %mul3A_1203 = arith.muli %mul3A_1202, %rem3A_1179 : i32
        %add3A_1204 = arith.constant 32 : i32
        %add3A_1205 = arith.addi %mul3A_1203, %add3A_1204 : i32
        %get3A_1206 = arith.index_cast %select_n3A_1177 : i32 to index
        %get3A_1207 = arith.index_cast %add3A_1205 : i32 to index
        %get3A_1208 = tpu.vector_load %arg5[%get3A_1206, %get3A_1207] {strides = array<i32>} : memref<20x512xi32, #tpu.memory_space<vmem>>, vector<16xi32>,
        %swap3A_1209 = arith.constant 0 : i32
        %swap3A_1210 = arith.index_cast %swap3A_1209 : i32 to index
        %swap3A_1211 = arith.constant 32 : index
        %swap3A_1212 = tpu.vector_load %arg6[%swap3A_1210, %swap3A_1211] {strides = array<i32>} : memref<4x128xi32, #tpu.memory_space<vmem>>, vector<16xi32>,
        tpu.vector_store %arg6[%swap3A_1210, %swap3A_1211], %get3A_1208 {strides = array<i32>} : memref<4x128xi32, #tpu.memory_space<vmem>>, vector<16xi32>,
        %mul3A_1213 = arith.constant 128 : i32
        %mul3A_1214 = arith.muli %mul3A_1213, %rem3A_1179 : i32
        %add3A_1215 = arith.constant 48 : i32
        %add3A_1216 = arith.addi %mul3A_1214, %add3A_1215 : i32
        %get3A_1217 = arith.index_cast %select_n3A_1177 : i32 to index
        %get3A_1218 = arith.index_cast %add3A_1216 : i32 to index
        %get3A_1219 = tpu.vector_load %arg5[%get3A_1217, %get3A_1218] {strides = array<i32>} : memref<20x512xi32, #tpu.memory_space<vmem>>, vector<16xi32>,
        %swap3A_1220 = arith.constant 0 : i32
        %swap3A_1221 = arith.index_cast %swap3A_1220 : i32 to index
        %swap3A_1222 = arith.constant 48 : index
        %swap3A_1223 = tpu.vector_load %arg6[%swap3A_1221, %swap3A_1222] {strides = array<i32>} : memref<4x128xi32, #tpu.memory_space<vmem>>, vector<16xi32>,
        tpu.vector_store %arg6[%swap3A_1221, %swap3A_1222], %get3A_1219 {strides = array<i32>} : memref<4x128xi32, #tpu.memory_space<vmem>>, vector<16xi32>,
        %mul3A_1224 = arith.constant 128 : i32
        %mul3A_1225 = arith.muli %mul3A_1224, %rem3A_1179 : i32
        %add3A_1226 = arith.constant 64 : i32
        %add3A_1227 = arith.addi %mul3A_1225, %add3A_1226 : i32
        %get3A_1228 = arith.index_cast %select_n3A_1177 : i32 to index
        %get3A_1229 = arith.index_cast %add3A_1227 : i32 to index
        %get3A_1230 = tpu.vector_load %arg5[%get3A_1228, %get3A_1229] {strides = array<i32>} : memref<20x512xi32, #tpu.memory_space<vmem>>, vector<16xi32>,
        %swap3A_1231 = arith.constant 0 : i32
        %swap3A_1232 = arith.index_cast %swap3A_1231 : i32 to index
        %swap3A_1233 = arith.constant 64 : index
        %swap3A_1234 = tpu.vector_load %arg6[%swap3A_1232, %swap3A_1233] {strides = array<i32>} : memref<4x128xi32, #tpu.memory_space<vmem>>, vector<16xi32>,
        tpu.vector_store %arg6[%swap3A_1232, %swap3A_1233], %get3A_1230 {strides = array<i32>} : memref<4x128xi32, #tpu.memory_space<vmem>>, vector<16xi32>,
        %mul3A_1235 = arith.constant 128 : i32
        %mul3A_1236 = arith.muli %mul3A_1235, %rem3A_1179 : i32
        %add3A_1237 = arith.constant 80 : i32
        %add3A_1238 = arith.addi %mul3A_1236, %add3A_1237 : i32
        %get3A_1239 = arith.index_cast %select_n3A_1177 : i32 to index
        %get3A_1240 = arith.index_cast %add3A_1238 : i32 to index
        %get3A_1241 = tpu.vector_load %arg5[%get3A_1239, %get3A_1240] {strides = array<i32>} : memref<20x512xi32, #tpu.memory_space<vmem>>, vector<16xi32>,
        %swap3A_1242 = arith.constant 0 : i32
        %swap3A_1243 = arith.index_cast %swap3A_1242 : i32 to index
        %swap3A_1244 = arith.constant 80 : index
        %swap3A_1245 = tpu.vector_load %arg6[%swap3A_1243, %swap3A_1244] {strides = array<i32>} : memref<4x128xi32, #tpu.memory_space<vmem>>, vector<16xi32>,
        tpu.vector_store %arg6[%swap3A_1243, %swap3A_1244], %get3A_1241 {strides = array<i32>} : memref<4x128xi32, #tpu.memory_space<vmem>>, vector<16xi32>,
        %mul3A_1246 = arith.constant 128 : i32
        %mul3A_1247 = arith.muli %mul3A_1246, %rem3A_1179 : i32
        %add3A_1248 = arith.constant 96 : i32
        %add3A_1249 = arith.addi %mul3A_1247, %add3A_1248 : i32
        %get3A_1250 = arith.index_cast %select_n3A_1177 : i32 to index
        %get3A_1251 = arith.index_cast %add3A_1249 : i32 to index
        %get3A_1252 = tpu.vector_load %arg5[%get3A_1250, %get3A_1251] {strides = array<i32>} : memref<20x512xi32, #tpu.memory_space<vmem>>, vector<16xi32>,
        %swap3A_1253 = arith.constant 0 : i32
        %swap3A_1254 = arith.index_cast %swap3A_1253 : i32 to index
        %swap3A_1255 = arith.constant 96 : index
        %swap3A_1256 = tpu.vector_load %arg6[%swap3A_1254, %swap3A_1255] {strides = array<i32>} : memref<4x128xi32, #tpu.memory_space<vmem>>, vector<16xi32>,
        tpu.vector_store %arg6[%swap3A_1254, %swap3A_1255], %get3A_1252 {strides = array<i32>} : memref<4x128xi32, #tpu.memory_space<vmem>>, vector<16xi32>,
        %mul3A_1257 = arith.constant 128 : i32
        %mul3A_1258 = arith.muli %mul3A_1257, %rem3A_1179 : i32
        %add3A_1259 = arith.constant 112 : i32
        %add3A_1260 = arith.addi %mul3A_1258, %add3A_1259 : i32
        %get3A_1261 = arith.index_cast %select_n3A_1177 : i32 to index
        %get3A_1262 = arith.index_cast %add3A_1260 : i32 to index
        %get3A_1263 = tpu.vector_load %arg5[%get3A_1261, %get3A_1262] {strides = array<i32>} : memref<20x512xi32, #tpu.memory_space<vmem>>, vector<16xi32>,
        %swap3A_1264 = arith.constant 0 : i32
        %swap3A_1265 = arith.index_cast %swap3A_1264 : i32 to index
        %swap3A_1266 = arith.constant 112 : index
        %swap3A_1267 = tpu.vector_load %arg6[%swap3A_1265, %swap3A_1266] {strides = array<i32>} : memref<4x128xi32, #tpu.memory_space<vmem>>, vector<16xi32>,
        tpu.vector_store %arg6[%swap3A_1265, %swap3A_1266], %get3A_1263 {strides = array<i32>} : memref<4x128xi32, #tpu.memory_space<vmem>>, vector<16xi32>,
        %dma_start3A_1268 = arith.constant 0 : i32
        %dma_start3A_1269 = arith.constant 0 : i32
        %dma_start3A_1270 = arith.constant 0 : i32
        %dma_start3A_1271 = arith.constant 0 : i32
        %dma_start3A_1272 = arith.constant 0 : i32
        %dma_start3A_1273 = tpu.memref_slice %arg7[%dma_start3A_1269, %dma_start3A_1271, %dma_start3A_1272] : memref<4x128x128xf32, #tpu.memory_space<vmem>> -> memref<1x128x128xf32, #tpu.memory_space<vmem>>
        %dma_start3A_1274 = tpu.memref_squeeze %dma_start3A_1273 : memref<1x128x128xf32, #tpu.memory_space<vmem>> -> memref<128x128xf32, #tpu.memory_space<vmem>>
        %dma_start3A_1275 = arith.constant 0 : i32
        %dma_start3A_1276 = tpu.memref_slice %arg6[%dma_start3A_1268, %dma_start3A_1275] : memref<4x128xi32, #tpu.memory_space<vmem>> -> memref<1x128xi32, #tpu.memory_space<vmem>>
        %dma_start3A_1277 = tpu.memref_squeeze %dma_start3A_1276 : memref<1x128xi32, #tpu.memory_space<vmem>> -> memref<128xi32, #tpu.memory_space<vmem>>
        %dma_start3A_1278 = arith.constant 0 : i32
        %dma_start3A_1279 = arith.constant 0 : i32
        %dma_start3A_1280 = tpu.memref_slice %arg3[%dma_start3A_1278, %dma_start3A_1279] : memref<1000000x128xf32, #tpu.memory_space<hbm>> -> memref<1000000x128xf32, #tpu.memory_space<hbm>>
        %dma_start3A_1281 = tpu.memref_slice %arg9[%dma_start3A_1270] : memref<4x!tpu.dma_semaphore, #tpu.memory_space<semaphore_mem>> -> memref<1x!tpu.dma_semaphore, #tpu.memory_space<semaphore_mem>>
        %dma_start3A_1282 = tpu.memref_squeeze %dma_start3A_1281 : memref<1x!tpu.dma_semaphore, #tpu.memory_space<semaphore_mem>> -> memref<!tpu.dma_semaphore, #tpu.memory_space<semaphore_mem>>
        tpu.enqueue_indirect_dma source(%dma_start3A_1280 : memref<1000000x128xf32, #tpu.memory_space<hbm>>) target(%dma_start3A_1274 : memref<128x128xf32, #tpu.memory_space<vmem>>) offsets(%dma_start3A_1277 : memref<128xi32, #tpu.memory_space<vmem>>) semaphore(%dma_start3A_1282 : memref<!tpu.dma_semaphore, #tpu.memory_space<semaphore_mem>>)
      } else {
      }
      %add3A_764 = arith.constant 1 : i32
      %add3A_765 = arith.addi %add3A_645, %add3A_764 : i32
      %dma_wait3A_766 = arith.constant 1 : i32
      %dma_wait3A_767 = arith.constant 1 : i32
      %dma_wait3A_768 = arith.constant 1 : i32
      %dma_wait3A_769 = arith.constant 0 : i32
      %dma_wait3A_770 = arith.constant 0 : i32
      %dma_wait3A_771 = tpu.memref_slice %arg7[%dma_wait3A_767, %dma_wait3A_769, %dma_wait3A_770] : memref<4x128x128xf32, #tpu.memory_space<vmem>> -> memref<1x128x128xf32, #tpu.memory_space<vmem>>
      %dma_wait3A_772 = tpu.memref_squeeze %dma_wait3A_771 : memref<1x128x128xf32, #tpu.memory_space<vmem>> -> memref<128x128xf32, #tpu.memory_space<vmem>>
      %dma_wait3A_773 = arith.constant 0 : i32
      %dma_wait3A_774 = tpu.memref_slice %arg6[%dma_wait3A_766, %dma_wait3A_773] : memref<4x128xi32, #tpu.memory_space<vmem>> -> memref<1x128xi32, #tpu.memory_space<vmem>>
      %dma_wait3A_775 = tpu.memref_squeeze %dma_wait3A_774 : memref<1x128xi32, #tpu.memory_space<vmem>> -> memref<128xi32, #tpu.memory_space<vmem>>
      %dma_wait3A_776 = arith.constant 0 : i32
      %dma_wait3A_777 = arith.constant 0 : i32
      %dma_wait3A_778 = tpu.memref_slice %arg3[%dma_wait3A_776, %dma_wait3A_777] : memref<1000000x128xf32, #tpu.memory_space<hbm>> -> memref<1000000x128xf32, #tpu.memory_space<hbm>>
      %dma_wait3A_779 = tpu.memref_slice %arg9[%dma_wait3A_768] : memref<4x!tpu.dma_semaphore, #tpu.memory_space<semaphore_mem>> -> memref<1x!tpu.dma_semaphore, #tpu.memory_space<semaphore_mem>>
      %dma_wait3A_780 = tpu.memref_squeeze %dma_wait3A_779 : memref<1x!tpu.dma_semaphore, #tpu.memory_space<semaphore_mem>> -> memref<!tpu.dma_semaphore, #tpu.memory_space<semaphore_mem>>
      tpu.wait_indirect_dma semaphore(%dma_wait3A_780 : memref<!tpu.dma_semaphore, #tpu.memory_space<semaphore_mem>>) src(%dma_wait3A_778 : memref<1000000x128xf32, #tpu.memory_space<hbm>>) dst(%dma_wait3A_772 : memref<128x128xf32, #tpu.memory_space<vmem>>)
      %ge3A_781 = arith.constant 4 : i32
      %ge3A_782 = arith.cmpi sge, %add3A_765, %ge3A_781 : i32
      %convert_element_type3A_783 = arith.extui %ge3A_782 : i1 to i32
      %cond3A_784 = arith.constant 0 : i32
      %cond3A_785 = arith.cmpi ne, %convert_element_type3A_783, %cond3A_784 : i32
      scf.if %cond3A_785 {
        %sub3A_1154 = arith.constant 4 : i32
        %sub3A_1155 = arith.subi %add3A_765, %sub3A_1154 : i32
        %jit3A_1156 = arith.constant 4 : i32
        %div3A_1157 = arith.divsi %sub3A_1155, %jit3A_1156 : i32
        %sign3A_1158 = arith.constant 0 : i32
        %sign3A_1159 = arith.cmpi sgt, %sub3A_1155, %sign3A_1158 : i32
        %sign3A_1160 = arith.extui %sign3A_1159 : i1 to i32
        %sign3A_1161 = arith.constant 0 : i32
        %sign3A_1162 = arith.cmpi slt, %sub3A_1155, %sign3A_1161 : i32
        %sign3A_1163 = arith.extui %sign3A_1162 : i1 to i32
        %sign3A_1164 = arith.subi %sign3A_1160, %sign3A_1163 : i32
        %sign3A_1165 = arith.constant 0 : i32
        %sign3A_1166 = arith.cmpi sgt, %jit3A_1156, %sign3A_1165 : i32
        %sign3A_1167 = arith.extui %sign3A_1166 : i1 to i32
        %sign3A_1168 = arith.constant 0 : i32
        %sign3A_1169 = arith.cmpi slt, %jit3A_1156, %sign3A_1168 : i32
        %sign3A_1170 = arith.extui %sign3A_1169 : i1 to i32
        %sign3A_1171 = arith.subi %sign3A_1167, %sign3A_1170 : i32
        %ne3A_1172 = arith.cmpi ne, %sign3A_1164, %sign3A_1171 : i32
        %rem3A_1173 = arith.remsi %sub3A_1155, %jit3A_1156 : i32
        %ne3A_1174 = arith.constant 0 : i32
        %ne3A_1175 = arith.cmpi ne, %rem3A_1173, %ne3A_1174 : i32
        %and3A_1176 = arith.andi %ne3A_1172, %ne3A_1175 : i1
        %sub3A_1177 = arith.constant 1 : i32
        %sub3A_1178 = arith.subi %div3A_1157, %sub3A_1177 : i32
        %select_n3A_1179 = arith.select %and3A_1176, %sub3A_1178, %div3A_1157 : i32
        %mul3A_1180 = arith.constant 4 : i32
        %mul3A_1181 = arith.muli %mul3A_1180, %add3A : i32
        %rem3A_1182 = arith.constant 4 : i32
        %rem3A_1183 = arith.remsi %sub3A_1155, %rem3A_1182 : i32
        %add3A_1184 = arith.addi %mul3A_1181, %rem3A_1183 : i32
        %dma_wait3A_1185 = arith.constant 1 : i32
        %dma_wait3A_1186 = arith.constant 1 : i32
        %dma_wait3A_1187 = arith.constant 0 : i32
        %dma_wait3A_1188 = arith.constant 0 : i32
        %dma_wait3A_1189 = arith.constant 0 : i32
        %dma_wait3A_1190 = tpu.memref_slice %arg8[%dma_wait3A_1185, %dma_wait3A_1187, %dma_wait3A_1188, %dma_wait3A_1189] : memref<4x8x8x128xf32, #tpu.memory_space<vmem>> -> memref<1x8x8x128xf32, #tpu.memory_space<vmem>>
        %dma_wait3A_1191 = tpu.memref_squeeze %dma_wait3A_1190 : memref<1x8x8x128xf32, #tpu.memory_space<vmem>> -> memref<8x8x128xf32, #tpu.memory_space<vmem>>
        %dma_wait3A_1192 = arith.constant 0 : i32
        %dma_wait3A_1193 = arith.constant 0 : i32
        %dma_wait3A_1194 = arith.constant 0 : i32
        %dma_wait3A_1195 = tpu.memref_slice %arg4[%select_n3A_1179, %dma_wait3A_1192, %add3A_1184, %dma_wait3A_1193, %dma_wait3A_1194] : memref<20x8x128x8x128xf32, #tpu.memory_space<hbm>> -> memref<1x8x1x8x128xf32, #tpu.memory_space<hbm>>
        %dma_wait3A_1196 = tpu.memref_squeeze %dma_wait3A_1195 : memref<1x8x1x8x128xf32, #tpu.memory_space<hbm>> -> memref<8x8x128xf32, #tpu.memory_space<hbm>>
        %dma_wait3A_1197 = tpu.memref_slice %arg10[%dma_wait3A_1186] : memref<4x!tpu.dma_semaphore, #tpu.memory_space<semaphore_mem>> -> memref<1x!tpu.dma_semaphore, #tpu.memory_space<semaphore_mem>>
        %dma_wait3A_1198 = tpu.memref_squeeze %dma_wait3A_1197 : memref<1x!tpu.dma_semaphore, #tpu.memory_space<semaphore_mem>> -> memref<!tpu.dma_semaphore, #tpu.memory_space<semaphore_mem>>
        %dma_wait3A_1199 = arith.constant 0 : i32
        %dma_wait3A_1200 = arith.constant 0 : i32
        %dma_wait3A_1201 = arith.constant 0 : i32
        %dma_wait3A_1202 = tpu.memref_slice %arg4[%select_n3A_1179, %dma_wait3A_1199, %add3A_1184, %dma_wait3A_1200, %dma_wait3A_1201] : memref<20x8x128x8x128xf32, #tpu.memory_space<hbm>> -> memref<1x8x1x8x128xf32, #tpu.memory_space<hbm>>
        %dma_wait3A_1203 = tpu.memref_squeeze %dma_wait3A_1202 : memref<1x8x1x8x128xf32, #tpu.memory_space<hbm>> -> memref<8x8x128xf32, #tpu.memory_space<hbm>>
        %dma_wait3A_1204 = arith.constant 0 : i32
        %dma_wait3A_1205 = arith.constant 0 : i32
        %dma_wait3A_1206 = arith.constant 0 : i32
        %dma_wait3A_1207 = tpu.memref_slice %arg8[%dma_wait3A_1185, %dma_wait3A_1204, %dma_wait3A_1205, %dma_wait3A_1206] : memref<4x8x8x128xf32, #tpu.memory_space<vmem>> -> memref<1x8x8x128xf32, #tpu.memory_space<vmem>>
        %dma_wait3A_1208 = tpu.memref_squeeze %dma_wait3A_1207 : memref<1x8x8x128xf32, #tpu.memory_space<vmem>> -> memref<8x8x128xf32, #tpu.memory_space<vmem>>
        tpu.wait_dma2 semaphore(%dma_wait3A_1198 : memref<!tpu.dma_semaphore, #tpu.memory_space<semaphore_mem>>) src(%dma_wait3A_1208 : memref<8x8x128xf32, #tpu.memory_space<vmem>>) dst(%dma_wait3A_1203 : memref<8x8x128xf32, #tpu.memory_space<hbm>>)
      } else {
      }
      %add3A_786 = arith.constant 0 : i32
      %add3A_787 = vector.broadcast %add3A_786 : i32 to vector<16xi32>
      %add3A_788 = arith.addi %iota3A, %add3A_787 : vector<16xi32>
      %parallel_loop3A_789 = arith.constant 0 : i32
      %parallel_loop3A_790 = arith.constant 64 : i32
      %parallel_loop3A_791 = arith.constant 1 : i32
      scf.for %parallel_loop3A_1154 = %parallel_loop3A_789 to %parallel_loop3A_790 step %parallel_loop3A_791  : i32 {
        %parallel_loop3A_1155 = vector.broadcast %parallel_loop3A_1154 : i32 to vector<16xi32>
        %parallel_loop3A_1156 = arith.addi %parallel_loop3A_1155, %iota3A : vector<16xi32>
        %parallel_loop3A_1157 = arith.constant 63 : i32
        %parallel_loop3A_1158 = vector.broadcast %parallel_loop3A_1157 : i32 to vector<16xi32>
        %parallel_loop3A_1159 = arith.andi %parallel_loop3A_1156, %parallel_loop3A_1158 : vector<16xi32>
        %parallel_loop3A_1160 = arith.constant 1 : i32
        %parallel_loop3A_1161 = arith.constant 0 : i32
        %parallel_loop3A_1162 = arith.constant 0 : i32
        %parallel_loop3A_1163 = tpu.memref_slice %arg7[%parallel_loop3A_1160, %parallel_loop3A_1161, %parallel_loop3A_1162] : memref<4x128x128xf32, #tpu.memory_space<vmem>> -> memref<1x128x128xf32, #tpu.memory_space<vmem>>
        %parallel_loop3A_1164 = tpu.memref_squeeze %parallel_loop3A_1163 : memref<1x128x128xf32, #tpu.memory_space<vmem>> -> memref<128x128xf32, #tpu.memory_space<vmem>>
        %parallel_loop3A_1165 = tpu.vector_load_idx %parallel_loop3A_1164[%add3A_788, %parallel_loop3A_1159] : memref<128x128xf32, #tpu.memory_space<vmem>>[vector<16xi32>, vector<16xi32>], vector<16xf32>,
        %parallel_loop3A_1166 = arith.constant 3 : i32
        %parallel_loop3A_1167 = vector.broadcast %parallel_loop3A_1166 : i32 to vector<16xi32>
        %parallel_loop3A_1168 = arith.shrsi %parallel_loop3A_1159, %parallel_loop3A_1167 : vector<16xi32>
        %parallel_loop3A_1169 = arith.constant 7 : i32
        %parallel_loop3A_1170 = vector.broadcast %parallel_loop3A_1169 : i32 to vector<16xi32>
        %parallel_loop3A_1171 = arith.andi %parallel_loop3A_1159, %parallel_loop3A_1170 : vector<16xi32>
        %parallel_loop3A_1172 = arith.constant 1 : i32
        %parallel_loop3A_1173 = arith.constant 0 : i32
        %parallel_loop3A_1174 = arith.constant 0 : i32
        %parallel_loop3A_1175 = arith.constant 0 : i32
        %parallel_loop3A_1176 = tpu.memref_slice %arg8[%parallel_loop3A_1172, %parallel_loop3A_1173, %parallel_loop3A_1174, %parallel_loop3A_1175] : memref<4x8x8x128xf32, #tpu.memory_space<vmem>> -> memref<1x8x8x128xf32, #tpu.memory_space<vmem>>
        %parallel_loop3A_1177 = tpu.memref_squeeze %parallel_loop3A_1176 : memref<1x8x8x128xf32, #tpu.memory_space<vmem>> -> memref<8x8x128xf32, #tpu.memory_space<vmem>>
        tpu.vector_store_idx %parallel_loop3A_1177[%parallel_loop3A_1168, %parallel_loop3A_1171, %add3A_788], %parallel_loop3A_1165 : memref<8x8x128xf32, #tpu.memory_space<vmem>>[vector<16xi32>, vector<16xi32>, vector<16xi32>], vector<16xf32>,
      } {sc.loop_unroll_factor = 2 : i64, sc.parallel_access}
      %add3A_792 = arith.constant 16 : i32
      %add3A_793 = vector.broadcast %add3A_792 : i32 to vector<16xi32>
      %add3A_794 = arith.addi %iota3A, %add3A_793 : vector<16xi32>
      %parallel_loop3A_795 = arith.constant 0 : i32
      %parallel_loop3A_796 = arith.constant 64 : i32
      %parallel_loop3A_797 = arith.constant 1 : i32
      scf.for %parallel_loop3A_1154 = %parallel_loop3A_795 to %parallel_loop3A_796 step %parallel_loop3A_797  : i32 {
        %parallel_loop3A_1155 = vector.broadcast %parallel_loop3A_1154 : i32 to vector<16xi32>
        %parallel_loop3A_1156 = arith.addi %parallel_loop3A_1155, %iota3A : vector<16xi32>
        %parallel_loop3A_1157 = arith.constant 63 : i32
        %parallel_loop3A_1158 = vector.broadcast %parallel_loop3A_1157 : i32 to vector<16xi32>
        %parallel_loop3A_1159 = arith.andi %parallel_loop3A_1156, %parallel_loop3A_1158 : vector<16xi32>
        %parallel_loop3A_1160 = arith.constant 1 : i32
        %parallel_loop3A_1161 = arith.constant 0 : i32
        %parallel_loop3A_1162 = arith.constant 0 : i32
        %parallel_loop3A_1163 = tpu.memref_slice %arg7[%parallel_loop3A_1160, %parallel_loop3A_1161, %parallel_loop3A_1162] : memref<4x128x128xf32, #tpu.memory_space<vmem>> -> memref<1x128x128xf32, #tpu.memory_space<vmem>>
        %parallel_loop3A_1164 = tpu.memref_squeeze %parallel_loop3A_1163 : memref<1x128x128xf32, #tpu.memory_space<vmem>> -> memref<128x128xf32, #tpu.memory_space<vmem>>
        %parallel_loop3A_1165 = tpu.vector_load_idx %parallel_loop3A_1164[%add3A_794, %parallel_loop3A_1159] : memref<128x128xf32, #tpu.memory_space<vmem>>[vector<16xi32>, vector<16xi32>], vector<16xf32>,
        %parallel_loop3A_1166 = arith.constant 3 : i32
        %parallel_loop3A_1167 = vector.broadcast %parallel_loop3A_1166 : i32 to vector<16xi32>
        %parallel_loop3A_1168 = arith.shrsi %parallel_loop3A_1159, %parallel_loop3A_1167 : vector<16xi32>
        %parallel_loop3A_1169 = arith.constant 7 : i32
        %parallel_loop3A_1170 = vector.broadcast %parallel_loop3A_1169 : i32 to vector<16xi32>
        %parallel_loop3A_1171 = arith.andi %parallel_loop3A_1159, %parallel_loop3A_1170 : vector<16xi32>
        %parallel_loop3A_1172 = arith.constant 1 : i32
        %parallel_loop3A_1173 = arith.constant 0 : i32
        %parallel_loop3A_1174 = arith.constant 0 : i32
        %parallel_loop3A_1175 = arith.constant 0 : i32
        %parallel_loop3A_1176 = tpu.memref_slice %arg8[%parallel_loop3A_1172, %parallel_loop3A_1173, %parallel_loop3A_1174, %parallel_loop3A_1175] : memref<4x8x8x128xf32, #tpu.memory_space<vmem>> -> memref<1x8x8x128xf32, #tpu.memory_space<vmem>>
        %parallel_loop3A_1177 = tpu.memref_squeeze %parallel_loop3A_1176 : memref<1x8x8x128xf32, #tpu.memory_space<vmem>> -> memref<8x8x128xf32, #tpu.memory_space<vmem>>
        tpu.vector_store_idx %parallel_loop3A_1177[%parallel_loop3A_1168, %parallel_loop3A_1171, %add3A_794], %parallel_loop3A_1165 : memref<8x8x128xf32, #tpu.memory_space<vmem>>[vector<16xi32>, vector<16xi32>, vector<16xi32>], vector<16xf32>,
      } {sc.loop_unroll_factor = 2 : i64, sc.parallel_access}
      %add3A_798 = arith.constant 32 : i32
      %add3A_799 = vector.broadcast %add3A_798 : i32 to vector<16xi32>
      %add3A_800 = arith.addi %iota3A, %add3A_799 : vector<16xi32>
      %parallel_loop3A_801 = arith.constant 0 : i32
      %parallel_loop3A_802 = arith.constant 64 : i32
      %parallel_loop3A_803 = arith.constant 1 : i32
      scf.for %parallel_loop3A_1154 = %parallel_loop3A_801 to %parallel_loop3A_802 step %parallel_loop3A_803  : i32 {
        %parallel_loop3A_1155 = vector.broadcast %parallel_loop3A_1154 : i32 to vector<16xi32>
        %parallel_loop3A_1156 = arith.addi %parallel_loop3A_1155, %iota3A : vector<16xi32>
        %parallel_loop3A_1157 = arith.constant 63 : i32
        %parallel_loop3A_1158 = vector.broadcast %parallel_loop3A_1157 : i32 to vector<16xi32>
        %parallel_loop3A_1159 = arith.andi %parallel_loop3A_1156, %parallel_loop3A_1158 : vector<16xi32>
        %parallel_loop3A_1160 = arith.constant 1 : i32
        %parallel_loop3A_1161 = arith.constant 0 : i32
        %parallel_loop3A_1162 = arith.constant 0 : i32
        %parallel_loop3A_1163 = tpu.memref_slice %arg7[%parallel_loop3A_1160, %parallel_loop3A_1161, %parallel_loop3A_1162] : memref<4x128x128xf32, #tpu.memory_space<vmem>> -> memref<1x128x128xf32, #tpu.memory_space<vmem>>
        %parallel_loop3A_1164 = tpu.memref_squeeze %parallel_loop3A_1163 : memref<1x128x128xf32, #tpu.memory_space<vmem>> -> memref<128x128xf32, #tpu.memory_space<vmem>>
        %parallel_loop3A_1165 = tpu.vector_load_idx %parallel_loop3A_1164[%add3A_800, %parallel_loop3A_1159] : memref<128x128xf32, #tpu.memory_space<vmem>>[vector<16xi32>, vector<16xi32>], vector<16xf32>,
        %parallel_loop3A_1166 = arith.constant 3 : i32
        %parallel_loop3A_1167 = vector.broadcast %parallel_loop3A_1166 : i32 to vector<16xi32>
        %parallel_loop3A_1168 = arith.shrsi %parallel_loop3A_1159, %parallel_loop3A_1167 : vector<16xi32>
        %parallel_loop3A_1169 = arith.constant 7 : i32
        %parallel_loop3A_1170 = vector.broadcast %parallel_loop3A_1169 : i32 to vector<16xi32>
        %parallel_loop3A_1171 = arith.andi %parallel_loop3A_1159, %parallel_loop3A_1170 : vector<16xi32>
        %parallel_loop3A_1172 = arith.constant 1 : i32
        %parallel_loop3A_1173 = arith.constant 0 : i32
        %parallel_loop3A_1174 = arith.constant 0 : i32
        %parallel_loop3A_1175 = arith.constant 0 : i32
        %parallel_loop3A_1176 = tpu.memref_slice %arg8[%parallel_loop3A_1172, %parallel_loop3A_1173, %parallel_loop3A_1174, %parallel_loop3A_1175] : memref<4x8x8x128xf32, #tpu.memory_space<vmem>> -> memref<1x8x8x128xf32, #tpu.memory_space<vmem>>
        %parallel_loop3A_1177 = tpu.memref_squeeze %parallel_loop3A_1176 : memref<1x8x8x128xf32, #tpu.memory_space<vmem>> -> memref<8x8x128xf32, #tpu.memory_space<vmem>>
        tpu.vector_store_idx %parallel_loop3A_1177[%parallel_loop3A_1168, %parallel_loop3A_1171, %add3A_800], %parallel_loop3A_1165 : memref<8x8x128xf32, #tpu.memory_space<vmem>>[vector<16xi32>, vector<16xi32>, vector<16xi32>], vector<16xf32>,
      } {sc.loop_unroll_factor = 2 : i64, sc.parallel_access}
      %add3A_804 = arith.constant 48 : i32
      %add3A_805 = vector.broadcast %add3A_804 : i32 to vector<16xi32>
      %add3A_806 = arith.addi %iota3A, %add3A_805 : vector<16xi32>
      %parallel_loop3A_807 = arith.constant 0 : i32
      %parallel_loop3A_808 = arith.constant 64 : i32
      %parallel_loop3A_809 = arith.constant 1 : i32
      scf.for %parallel_loop3A_1154 = %parallel_loop3A_807 to %parallel_loop3A_808 step %parallel_loop3A_809  : i32 {
        %parallel_loop3A_1155 = vector.broadcast %parallel_loop3A_1154 : i32 to vector<16xi32>
        %parallel_loop3A_1156 = arith.addi %parallel_loop3A_1155, %iota3A : vector<16xi32>
        %parallel_loop3A_1157 = arith.constant 63 : i32
        %parallel_loop3A_1158 = vector.broadcast %parallel_loop3A_1157 : i32 to vector<16xi32>
        %parallel_loop3A_1159 = arith.andi %parallel_loop3A_1156, %parallel_loop3A_1158 : vector<16xi32>
        %parallel_loop3A_1160 = arith.constant 1 : i32
        %parallel_loop3A_1161 = arith.constant 0 : i32
        %parallel_loop3A_1162 = arith.constant 0 : i32
        %parallel_loop3A_1163 = tpu.memref_slice %arg7[%parallel_loop3A_1160, %parallel_loop3A_1161, %parallel_loop3A_1162] : memref<4x128x128xf32, #tpu.memory_space<vmem>> -> memref<1x128x128xf32, #tpu.memory_space<vmem>>
        %parallel_loop3A_1164 = tpu.memref_squeeze %parallel_loop3A_1163 : memref<1x128x128xf32, #tpu.memory_space<vmem>> -> memref<128x128xf32, #tpu.memory_space<vmem>>
        %parallel_loop3A_1165 = tpu.vector_load_idx %parallel_loop3A_1164[%add3A_806, %parallel_loop3A_1159] : memref<128x128xf32, #tpu.memory_space<vmem>>[vector<16xi32>, vector<16xi32>], vector<16xf32>,
        %parallel_loop3A_1166 = arith.constant 3 : i32
        %parallel_loop3A_1167 = vector.broadcast %parallel_loop3A_1166 : i32 to vector<16xi32>
        %parallel_loop3A_1168 = arith.shrsi %parallel_loop3A_1159, %parallel_loop3A_1167 : vector<16xi32>
        %parallel_loop3A_1169 = arith.constant 7 : i32
        %parallel_loop3A_1170 = vector.broadcast %parallel_loop3A_1169 : i32 to vector<16xi32>
        %parallel_loop3A_1171 = arith.andi %parallel_loop3A_1159, %parallel_loop3A_1170 : vector<16xi32>
        %parallel_loop3A_1172 = arith.constant 1 : i32
        %parallel_loop3A_1173 = arith.constant 0 : i32
        %parallel_loop3A_1174 = arith.constant 0 : i32
        %parallel_loop3A_1175 = arith.constant 0 : i32
        %parallel_loop3A_1176 = tpu.memref_slice %arg8[%parallel_loop3A_1172, %parallel_loop3A_1173, %parallel_loop3A_1174, %parallel_loop3A_1175] : memref<4x8x8x128xf32, #tpu.memory_space<vmem>> -> memref<1x8x8x128xf32, #tpu.memory_space<vmem>>
        %parallel_loop3A_1177 = tpu.memref_squeeze %parallel_loop3A_1176 : memref<1x8x8x128xf32, #tpu.memory_space<vmem>> -> memref<8x8x128xf32, #tpu.memory_space<vmem>>
        tpu.vector_store_idx %parallel_loop3A_1177[%parallel_loop3A_1168, %parallel_loop3A_1171, %add3A_806], %parallel_loop3A_1165 : memref<8x8x128xf32, #tpu.memory_space<vmem>>[vector<16xi32>, vector<16xi32>, vector<16xi32>], vector<16xf32>,
      } {sc.loop_unroll_factor = 2 : i64, sc.parallel_access}
      %add3A_810 = arith.constant 64 : i32
      %add3A_811 = vector.broadcast %add3A_810 : i32 to vector<16xi32>
      %add3A_812 = arith.addi %iota3A, %add3A_811 : vector<16xi32>
      %parallel_loop3A_813 = arith.constant 0 : i32
      %parallel_loop3A_814 = arith.constant 64 : i32
      %parallel_loop3A_815 = arith.constant 1 : i32
      scf.for %parallel_loop3A_1154 = %parallel_loop3A_813 to %parallel_loop3A_814 step %parallel_loop3A_815  : i32 {
        %parallel_loop3A_1155 = vector.broadcast %parallel_loop3A_1154 : i32 to vector<16xi32>
        %parallel_loop3A_1156 = arith.addi %parallel_loop3A_1155, %iota3A : vector<16xi32>
        %parallel_loop3A_1157 = arith.constant 63 : i32
        %parallel_loop3A_1158 = vector.broadcast %parallel_loop3A_1157 : i32 to vector<16xi32>
        %parallel_loop3A_1159 = arith.andi %parallel_loop3A_1156, %parallel_loop3A_1158 : vector<16xi32>
        %parallel_loop3A_1160 = arith.constant 1 : i32
        %parallel_loop3A_1161 = arith.constant 0 : i32
        %parallel_loop3A_1162 = arith.constant 0 : i32
        %parallel_loop3A_1163 = tpu.memref_slice %arg7[%parallel_loop3A_1160, %parallel_loop3A_1161, %parallel_loop3A_1162] : memref<4x128x128xf32, #tpu.memory_space<vmem>> -> memref<1x128x128xf32, #tpu.memory_space<vmem>>
        %parallel_loop3A_1164 = tpu.memref_squeeze %parallel_loop3A_1163 : memref<1x128x128xf32, #tpu.memory_space<vmem>> -> memref<128x128xf32, #tpu.memory_space<vmem>>
        %parallel_loop3A_1165 = tpu.vector_load_idx %parallel_loop3A_1164[%add3A_812, %parallel_loop3A_1159] : memref<128x128xf32, #tpu.memory_space<vmem>>[vector<16xi32>, vector<16xi32>], vector<16xf32>,
        %parallel_loop3A_1166 = arith.constant 3 : i32
        %parallel_loop3A_1167 = vector.broadcast %parallel_loop3A_1166 : i32 to vector<16xi32>
        %parallel_loop3A_1168 = arith.shrsi %parallel_loop3A_1159, %parallel_loop3A_1167 : vector<16xi32>
        %parallel_loop3A_1169 = arith.constant 7 : i32
        %parallel_loop3A_1170 = vector.broadcast %parallel_loop3A_1169 : i32 to vector<16xi32>
        %parallel_loop3A_1171 = arith.andi %parallel_loop3A_1159, %parallel_loop3A_1170 : vector<16xi32>
        %parallel_loop3A_1172 = arith.constant 1 : i32
        %parallel_loop3A_1173 = arith.constant 0 : i32
        %parallel_loop3A_1174 = arith.constant 0 : i32
        %parallel_loop3A_1175 = arith.constant 0 : i32
        %parallel_loop3A_1176 = tpu.memref_slice %arg8[%parallel_loop3A_1172, %parallel_loop3A_1173, %parallel_loop3A_1174, %parallel_loop3A_1175] : memref<4x8x8x128xf32, #tpu.memory_space<vmem>> -> memref<1x8x8x128xf32, #tpu.memory_space<vmem>>
        %parallel_loop3A_1177 = tpu.memref_squeeze %parallel_loop3A_1176 : memref<1x8x8x128xf32, #tpu.memory_space<vmem>> -> memref<8x8x128xf32, #tpu.memory_space<vmem>>
        tpu.vector_store_idx %parallel_loop3A_1177[%parallel_loop3A_1168, %parallel_loop3A_1171, %add3A_812], %parallel_loop3A_1165 : memref<8x8x128xf32, #tpu.memory_space<vmem>>[vector<16xi32>, vector<16xi32>, vector<16xi32>], vector<16xf32>,
      } {sc.loop_unroll_factor = 2 : i64, sc.parallel_access}
      %add3A_816 = arith.constant 80 : i32
      %add3A_817 = vector.broadcast %add3A_816 : i32 to vector<16xi32>
      %add3A_818 = arith.addi %iota3A, %add3A_817 : vector<16xi32>
      %parallel_loop3A_819 = arith.constant 0 : i32
      %parallel_loop3A_820 = arith.constant 64 : i32
      %parallel_loop3A_821 = arith.constant 1 : i32
      scf.for %parallel_loop3A_1154 = %parallel_loop3A_819 to %parallel_loop3A_820 step %parallel_loop3A_821  : i32 {
        %parallel_loop3A_1155 = vector.broadcast %parallel_loop3A_1154 : i32 to vector<16xi32>
        %parallel_loop3A_1156 = arith.addi %parallel_loop3A_1155, %iota3A : vector<16xi32>
        %parallel_loop3A_1157 = arith.constant 63 : i32
        %parallel_loop3A_1158 = vector.broadcast %parallel_loop3A_1157 : i32 to vector<16xi32>
        %parallel_loop3A_1159 = arith.andi %parallel_loop3A_1156, %parallel_loop3A_1158 : vector<16xi32>
        %parallel_loop3A_1160 = arith.constant 1 : i32
        %parallel_loop3A_1161 = arith.constant 0 : i32
        %parallel_loop3A_1162 = arith.constant 0 : i32
        %parallel_loop3A_1163 = tpu.memref_slice %arg7[%parallel_loop3A_1160, %parallel_loop3A_1161, %parallel_loop3A_1162] : memref<4x128x128xf32, #tpu.memory_space<vmem>> -> memref<1x128x128xf32, #tpu.memory_space<vmem>>
        %parallel_loop3A_1164 = tpu.memref_squeeze %parallel_loop3A_1163 : memref<1x128x128xf32, #tpu.memory_space<vmem>> -> memref<128x128xf32, #tpu.memory_space<vmem>>
        %parallel_loop3A_1165 = tpu.vector_load_idx %parallel_loop3A_1164[%add3A_818, %parallel_loop3A_1159] : memref<128x128xf32, #tpu.memory_space<vmem>>[vector<16xi32>, vector<16xi32>], vector<16xf32>,
        %parallel_loop3A_1166 = arith.constant 3 : i32
        %parallel_loop3A_1167 = vector.broadcast %parallel_loop3A_1166 : i32 to vector<16xi32>
        %parallel_loop3A_1168 = arith.shrsi %parallel_loop3A_1159, %parallel_loop3A_1167 : vector<16xi32>
        %parallel_loop3A_1169 = arith.constant 7 : i32
        %parallel_loop3A_1170 = vector.broadcast %parallel_loop3A_1169 : i32 to vector<16xi32>
        %parallel_loop3A_1171 = arith.andi %parallel_loop3A_1159, %parallel_loop3A_1170 : vector<16xi32>
        %parallel_loop3A_1172 = arith.constant 1 : i32
        %parallel_loop3A_1173 = arith.constant 0 : i32
        %parallel_loop3A_1174 = arith.constant 0 : i32
        %parallel_loop3A_1175 = arith.constant 0 : i32
        %parallel_loop3A_1176 = tpu.memref_slice %arg8[%parallel_loop3A_1172, %parallel_loop3A_1173, %parallel_loop3A_1174, %parallel_loop3A_1175] : memref<4x8x8x128xf32, #tpu.memory_space<vmem>> -> memref<1x8x8x128xf32, #tpu.memory_space<vmem>>
        %parallel_loop3A_1177 = tpu.memref_squeeze %parallel_loop3A_1176 : memref<1x8x8x128xf32, #tpu.memory_space<vmem>> -> memref<8x8x128xf32, #tpu.memory_space<vmem>>
        tpu.vector_store_idx %parallel_loop3A_1177[%parallel_loop3A_1168, %parallel_loop3A_1171, %add3A_818], %parallel_loop3A_1165 : memref<8x8x128xf32, #tpu.memory_space<vmem>>[vector<16xi32>, vector<16xi32>, vector<16xi32>], vector<16xf32>,
      } {sc.loop_unroll_factor = 2 : i64, sc.parallel_access}
      %add3A_822 = arith.constant 96 : i32
      %add3A_823 = vector.broadcast %add3A_822 : i32 to vector<16xi32>
      %add3A_824 = arith.addi %iota3A, %add3A_823 : vector<16xi32>
      %parallel_loop3A_825 = arith.constant 0 : i32
      %parallel_loop3A_826 = arith.constant 64 : i32
      %parallel_loop3A_827 = arith.constant 1 : i32
      scf.for %parallel_loop3A_1154 = %parallel_loop3A_825 to %parallel_loop3A_826 step %parallel_loop3A_827  : i32 {
        %parallel_loop3A_1155 = vector.broadcast %parallel_loop3A_1154 : i32 to vector<16xi32>
        %parallel_loop3A_1156 = arith.addi %parallel_loop3A_1155, %iota3A : vector<16xi32>
        %parallel_loop3A_1157 = arith.constant 63 : i32
        %parallel_loop3A_1158 = vector.broadcast %parallel_loop3A_1157 : i32 to vector<16xi32>
        %parallel_loop3A_1159 = arith.andi %parallel_loop3A_1156, %parallel_loop3A_1158 : vector<16xi32>
        %parallel_loop3A_1160 = arith.constant 1 : i32
        %parallel_loop3A_1161 = arith.constant 0 : i32
        %parallel_loop3A_1162 = arith.constant 0 : i32
        %parallel_loop3A_1163 = tpu.memref_slice %arg7[%parallel_loop3A_1160, %parallel_loop3A_1161, %parallel_loop3A_1162] : memref<4x128x128xf32, #tpu.memory_space<vmem>> -> memref<1x128x128xf32, #tpu.memory_space<vmem>>
        %parallel_loop3A_1164 = tpu.memref_squeeze %parallel_loop3A_1163 : memref<1x128x128xf32, #tpu.memory_space<vmem>> -> memref<128x128xf32, #tpu.memory_space<vmem>>
        %parallel_loop3A_1165 = tpu.vector_load_idx %parallel_loop3A_1164[%add3A_824, %parallel_loop3A_1159] : memref<128x128xf32, #tpu.memory_space<vmem>>[vector<16xi32>, vector<16xi32>], vector<16xf32>,
        %parallel_loop3A_1166 = arith.constant 3 : i32
        %parallel_loop3A_1167 = vector.broadcast %parallel_loop3A_1166 : i32 to vector<16xi32>
        %parallel_loop3A_1168 = arith.shrsi %parallel_loop3A_1159, %parallel_loop3A_1167 : vector<16xi32>
        %parallel_loop3A_1169 = arith.constant 7 : i32
        %parallel_loop3A_1170 = vector.broadcast %parallel_loop3A_1169 : i32 to vector<16xi32>
        %parallel_loop3A_1171 = arith.andi %parallel_loop3A_1159, %parallel_loop3A_1170 : vector<16xi32>
        %parallel_loop3A_1172 = arith.constant 1 : i32
        %parallel_loop3A_1173 = arith.constant 0 : i32
        %parallel_loop3A_1174 = arith.constant 0 : i32
        %parallel_loop3A_1175 = arith.constant 0 : i32
        %parallel_loop3A_1176 = tpu.memref_slice %arg8[%parallel_loop3A_1172, %parallel_loop3A_1173, %parallel_loop3A_1174, %parallel_loop3A_1175] : memref<4x8x8x128xf32, #tpu.memory_space<vmem>> -> memref<1x8x8x128xf32, #tpu.memory_space<vmem>>
        %parallel_loop3A_1177 = tpu.memref_squeeze %parallel_loop3A_1176 : memref<1x8x8x128xf32, #tpu.memory_space<vmem>> -> memref<8x8x128xf32, #tpu.memory_space<vmem>>
        tpu.vector_store_idx %parallel_loop3A_1177[%parallel_loop3A_1168, %parallel_loop3A_1171, %add3A_824], %parallel_loop3A_1165 : memref<8x8x128xf32, #tpu.memory_space<vmem>>[vector<16xi32>, vector<16xi32>, vector<16xi32>], vector<16xf32>,
      } {sc.loop_unroll_factor = 2 : i64, sc.parallel_access}
      %add3A_828 = arith.constant 112 : i32
      %add3A_829 = vector.broadcast %add3A_828 : i32 to vector<16xi32>
      %add3A_830 = arith.addi %iota3A, %add3A_829 : vector<16xi32>
      %parallel_loop3A_831 = arith.constant 0 : i32
      %parallel_loop3A_832 = arith.constant 64 : i32
      %parallel_loop3A_833 = arith.constant 1 : i32
      scf.for %parallel_loop3A_1154 = %parallel_loop3A_831 to %parallel_loop3A_832 step %parallel_loop3A_833  : i32 {
        %parallel_loop3A_1155 = vector.broadcast %parallel_loop3A_1154 : i32 to vector<16xi32>
        %parallel_loop3A_1156 = arith.addi %parallel_loop3A_1155, %iota3A : vector<16xi32>
        %parallel_loop3A_1157 = arith.constant 63 : i32
        %parallel_loop3A_1158 = vector.broadcast %parallel_loop3A_1157 : i32 to vector<16xi32>
        %parallel_loop3A_1159 = arith.andi %parallel_loop3A_1156, %parallel_loop3A_1158 : vector<16xi32>
        %parallel_loop3A_1160 = arith.constant 1 : i32
        %parallel_loop3A_1161 = arith.constant 0 : i32
        %parallel_loop3A_1162 = arith.constant 0 : i32
        %parallel_loop3A_1163 = tpu.memref_slice %arg7[%parallel_loop3A_1160, %parallel_loop3A_1161, %parallel_loop3A_1162] : memref<4x128x128xf32, #tpu.memory_space<vmem>> -> memref<1x128x128xf32, #tpu.memory_space<vmem>>
        %parallel_loop3A_1164 = tpu.memref_squeeze %parallel_loop3A_1163 : memref<1x128x128xf32, #tpu.memory_space<vmem>> -> memref<128x128xf32, #tpu.memory_space<vmem>>
        %parallel_loop3A_1165 = tpu.vector_load_idx %parallel_loop3A_1164[%add3A_830, %parallel_loop3A_1159] : memref<128x128xf32, #tpu.memory_space<vmem>>[vector<16xi32>, vector<16xi32>], vector<16xf32>,
        %parallel_loop3A_1166 = arith.constant 3 : i32
        %parallel_loop3A_1167 = vector.broadcast %parallel_loop3A_1166 : i32 to vector<16xi32>
        %parallel_loop3A_1168 = arith.shrsi %parallel_loop3A_1159, %parallel_loop3A_1167 : vector<16xi32>
        %parallel_loop3A_1169 = arith.constant 7 : i32
        %parallel_loop3A_1170 = vector.broadcast %parallel_loop3A_1169 : i32 to vector<16xi32>
        %parallel_loop3A_1171 = arith.andi %parallel_loop3A_1159, %parallel_loop3A_1170 : vector<16xi32>
        %parallel_loop3A_1172 = arith.constant 1 : i32
        %parallel_loop3A_1173 = arith.constant 0 : i32
        %parallel_loop3A_1174 = arith.constant 0 : i32
        %parallel_loop3A_1175 = arith.constant 0 : i32
        %parallel_loop3A_1176 = tpu.memref_slice %arg8[%parallel_loop3A_1172, %parallel_loop3A_1173, %parallel_loop3A_1174, %parallel_loop3A_1175] : memref<4x8x8x128xf32, #tpu.memory_space<vmem>> -> memref<1x8x8x128xf32, #tpu.memory_space<vmem>>
        %parallel_loop3A_1177 = tpu.memref_squeeze %parallel_loop3A_1176 : memref<1x8x8x128xf32, #tpu.memory_space<vmem>> -> memref<8x8x128xf32, #tpu.memory_space<vmem>>
        tpu.vector_store_idx %parallel_loop3A_1177[%parallel_loop3A_1168, %parallel_loop3A_1171, %add3A_830], %parallel_loop3A_1165 : memref<8x8x128xf32, #tpu.memory_space<vmem>>[vector<16xi32>, vector<16xi32>, vector<16xi32>], vector<16xf32>,
      } {sc.loop_unroll_factor = 2 : i64, sc.parallel_access}
      %jit3A_834 = arith.constant 4 : i32
      %div3A_835 = arith.divsi %add3A_765, %jit3A_834 : i32
      %sign3A_836 = arith.constant 0 : i32
      %sign3A_837 = arith.cmpi sgt, %add3A_765, %sign3A_836 : i32
      %sign3A_838 = arith.extui %sign3A_837 : i1 to i32
      %sign3A_839 = arith.constant 0 : i32
      %sign3A_840 = arith.cmpi slt, %add3A_765, %sign3A_839 : i32
      %sign3A_841 = arith.extui %sign3A_840 : i1 to i32
      %sign3A_842 = arith.subi %sign3A_838, %sign3A_841 : i32
      %sign3A_843 = arith.constant 0 : i32
      %sign3A_844 = arith.cmpi sgt, %jit3A_834, %sign3A_843 : i32
      %sign3A_845 = arith.extui %sign3A_844 : i1 to i32
      %sign3A_846 = arith.constant 0 : i32
      %sign3A_847 = arith.cmpi slt, %jit3A_834, %sign3A_846 : i32
      %sign3A_848 = arith.extui %sign3A_847 : i1 to i32
      %sign3A_849 = arith.subi %sign3A_845, %sign3A_848 : i32
      %ne3A_850 = arith.cmpi ne, %sign3A_842, %sign3A_849 : i32
      %rem3A_851 = arith.remsi %add3A_765, %jit3A_834 : i32
      %ne3A_852 = arith.constant 0 : i32
      %ne3A_853 = arith.cmpi ne, %rem3A_851, %ne3A_852 : i32
      %and3A_854 = arith.andi %ne3A_850, %ne3A_853 : i1
      %sub3A_855 = arith.constant 1 : i32
      %sub3A_856 = arith.subi %div3A_835, %sub3A_855 : i32
      %select_n3A_857 = arith.select %and3A_854, %sub3A_856, %div3A_835 : i32
      %mul3A_858 = arith.constant 4 : i32
      %mul3A_859 = arith.muli %mul3A_858, %add3A : i32
      %rem3A_860 = arith.constant 4 : i32
      %rem3A_861 = arith.remsi %add3A_765, %rem3A_860 : i32
      %add3A_862 = arith.addi %mul3A_859, %rem3A_861 : i32
      %dma_start3A_863 = arith.constant 1 : i32
      %dma_start3A_864 = arith.constant 1 : i32
      %dma_start3A_865 = arith.constant 0 : i32
      %dma_start3A_866 = arith.constant 0 : i32
      %dma_start3A_867 = arith.constant 0 : i32
      %dma_start3A_868 = tpu.memref_slice %arg8[%dma_start3A_863, %dma_start3A_865, %dma_start3A_866, %dma_start3A_867] : memref<4x8x8x128xf32, #tpu.memory_space<vmem>> -> memref<1x8x8x128xf32, #tpu.memory_space<vmem>>
      %dma_start3A_869 = tpu.memref_squeeze %dma_start3A_868 : memref<1x8x8x128xf32, #tpu.memory_space<vmem>> -> memref<8x8x128xf32, #tpu.memory_space<vmem>>
      %dma_start3A_870 = arith.constant 0 : i32
      %dma_start3A_871 = arith.constant 0 : i32
      %dma_start3A_872 = arith.constant 0 : i32
      %dma_start3A_873 = tpu.memref_slice %arg4[%select_n3A_857, %dma_start3A_870, %add3A_862, %dma_start3A_871, %dma_start3A_872] : memref<20x8x128x8x128xf32, #tpu.memory_space<hbm>> -> memref<1x8x1x8x128xf32, #tpu.memory_space<hbm>>
      %dma_start3A_874 = tpu.memref_squeeze %dma_start3A_873 : memref<1x8x1x8x128xf32, #tpu.memory_space<hbm>> -> memref<8x8x128xf32, #tpu.memory_space<hbm>>
      %dma_start3A_875 = tpu.memref_slice %arg10[%dma_start3A_864] : memref<4x!tpu.dma_semaphore, #tpu.memory_space<semaphore_mem>> -> memref<1x!tpu.dma_semaphore, #tpu.memory_space<semaphore_mem>>
      %dma_start3A_876 = tpu.memref_squeeze %dma_start3A_875 : memref<1x!tpu.dma_semaphore, #tpu.memory_space<semaphore_mem>> -> memref<!tpu.dma_semaphore, #tpu.memory_space<semaphore_mem>>
      %dma_start3A_877 = arith.constant 0 : i32
      %dma_start3A_878 = arith.constant 0 : i32
      %dma_start3A_879 = arith.constant 0 : i32
      %dma_start3A_880 = tpu.memref_slice %arg4[%select_n3A_857, %dma_start3A_877, %add3A_862, %dma_start3A_878, %dma_start3A_879] : memref<20x8x128x8x128xf32, #tpu.memory_space<hbm>> -> memref<1x8x1x8x128xf32, #tpu.memory_space<hbm>>
      %dma_start3A_881 = tpu.memref_squeeze %dma_start3A_880 : memref<1x8x1x8x128xf32, #tpu.memory_space<hbm>> -> memref<8x8x128xf32, #tpu.memory_space<hbm>>
      %dma_start3A_882 = arith.constant 0 : i32
      %dma_start3A_883 = arith.constant 0 : i32
      %dma_start3A_884 = arith.constant 0 : i32
      %dma_start3A_885 = tpu.memref_slice %arg8[%dma_start3A_863, %dma_start3A_882, %dma_start3A_883, %dma_start3A_884] : memref<4x8x8x128xf32, #tpu.memory_space<vmem>> -> memref<1x8x8x128xf32, #tpu.memory_space<vmem>>
      %dma_start3A_886 = tpu.memref_squeeze %dma_start3A_885 : memref<1x8x8x128xf32, #tpu.memory_space<vmem>> -> memref<8x8x128xf32, #tpu.memory_space<vmem>>
      tpu.enqueue_dma source(%dma_start3A_886 : memref<8x8x128xf32, #tpu.memory_space<vmem>>) target(%dma_start3A_881 : memref<8x8x128xf32, #tpu.memory_space<hbm>>) target_semaphore(%dma_start3A_876 : memref<!tpu.dma_semaphore, #tpu.memory_space<semaphore_mem>>)
      %add3A_887 = arith.constant 4 : i32
      %add3A_888 = arith.addi %add3A_765, %add3A_887 : i32
      %lt3A_889 = arith.constant 80 : i32
      %lt3A_890 = arith.cmpi slt, %add3A_888, %lt3A_889 : i32
      %convert_element_type3A_891 = arith.extui %lt3A_890 : i1 to i32
      %cond3A_892 = arith.constant 0 : i32
      %cond3A_893 = arith.cmpi ne, %convert_element_type3A_891, %cond3A_892 : i32
      scf.if %cond3A_893 {
        %jit3A_1154 = arith.constant 4 : i32
        %div3A_1155 = arith.divsi %add3A_888, %jit3A_1154 : i32
        %sign3A_1156 = arith.constant 0 : i32
        %sign3A_1157 = arith.cmpi sgt, %add3A_888, %sign3A_1156 : i32
        %sign3A_1158 = arith.extui %sign3A_1157 : i1 to i32
        %sign3A_1159 = arith.constant 0 : i32
        %sign3A_1160 = arith.cmpi slt, %add3A_888, %sign3A_1159 : i32
        %sign3A_1161 = arith.extui %sign3A_1160 : i1 to i32
        %sign3A_1162 = arith.subi %sign3A_1158, %sign3A_1161 : i32
        %sign3A_1163 = arith.constant 0 : i32
        %sign3A_1164 = arith.cmpi sgt, %jit3A_1154, %sign3A_1163 : i32
        %sign3A_1165 = arith.extui %sign3A_1164 : i1 to i32
        %sign3A_1166 = arith.constant 0 : i32
        %sign3A_1167 = arith.cmpi slt, %jit3A_1154, %sign3A_1166 : i32
        %sign3A_1168 = arith.extui %sign3A_1167 : i1 to i32
        %sign3A_1169 = arith.subi %sign3A_1165, %sign3A_1168 : i32
        %ne3A_1170 = arith.cmpi ne, %sign3A_1162, %sign3A_1169 : i32
        %rem3A_1171 = arith.remsi %add3A_888, %jit3A_1154 : i32
        %ne3A_1172 = arith.constant 0 : i32
        %ne3A_1173 = arith.cmpi ne, %rem3A_1171, %ne3A_1172 : i32
        %and3A_1174 = arith.andi %ne3A_1170, %ne3A_1173 : i1
        %sub3A_1175 = arith.constant 1 : i32
        %sub3A_1176 = arith.subi %div3A_1155, %sub3A_1175 : i32
        %select_n3A_1177 = arith.select %and3A_1174, %sub3A_1176, %div3A_1155 : i32
        %rem3A_1178 = arith.constant 4 : i32
        %rem3A_1179 = arith.remsi %add3A_888, %rem3A_1178 : i32
        %mul3A_1180 = arith.constant 128 : i32
        %mul3A_1181 = arith.muli %mul3A_1180, %rem3A_1179 : i32
        %add3A_1182 = arith.constant 0 : i32
        %add3A_1183 = arith.addi %mul3A_1181, %add3A_1182 : i32
        %get3A_1184 = arith.index_cast %select_n3A_1177 : i32 to index
        %get3A_1185 = arith.index_cast %add3A_1183 : i32 to index
        %get3A_1186 = tpu.vector_load %arg5[%get3A_1184, %get3A_1185] {strides = array<i32>} : memref<20x512xi32, #tpu.memory_space<vmem>>, vector<16xi32>,
        %swap3A_1187 = arith.constant 1 : i32
        %swap3A_1188 = arith.index_cast %swap3A_1187 : i32 to index
        %swap3A_1189 = arith.constant 0 : index
        %swap3A_1190 = tpu.vector_load %arg6[%swap3A_1188, %swap3A_1189] {strides = array<i32>} : memref<4x128xi32, #tpu.memory_space<vmem>>, vector<16xi32>,
        tpu.vector_store %arg6[%swap3A_1188, %swap3A_1189], %get3A_1186 {strides = array<i32>} : memref<4x128xi32, #tpu.memory_space<vmem>>, vector<16xi32>,
        %mul3A_1191 = arith.constant 128 : i32
        %mul3A_1192 = arith.muli %mul3A_1191, %rem3A_1179 : i32
        %add3A_1193 = arith.constant 16 : i32
        %add3A_1194 = arith.addi %mul3A_1192, %add3A_1193 : i32
        %get3A_1195 = arith.index_cast %select_n3A_1177 : i32 to index
        %get3A_1196 = arith.index_cast %add3A_1194 : i32 to index
        %get3A_1197 = tpu.vector_load %arg5[%get3A_1195, %get3A_1196] {strides = array<i32>} : memref<20x512xi32, #tpu.memory_space<vmem>>, vector<16xi32>,
        %swap3A_1198 = arith.constant 1 : i32
        %swap3A_1199 = arith.index_cast %swap3A_1198 : i32 to index
        %swap3A_1200 = arith.constant 16 : index
        %swap3A_1201 = tpu.vector_load %arg6[%swap3A_1199, %swap3A_1200] {strides = array<i32>} : memref<4x128xi32, #tpu.memory_space<vmem>>, vector<16xi32>,
        tpu.vector_store %arg6[%swap3A_1199, %swap3A_1200], %get3A_1197 {strides = array<i32>} : memref<4x128xi32, #tpu.memory_space<vmem>>, vector<16xi32>,
        %mul3A_1202 = arith.constant 128 : i32
        %mul3A_1203 = arith.muli %mul3A_1202, %rem3A_1179 : i32
        %add3A_1204 = arith.constant 32 : i32
        %add3A_1205 = arith.addi %mul3A_1203, %add3A_1204 : i32
        %get3A_1206 = arith.index_cast %select_n3A_1177 : i32 to index
        %get3A_1207 = arith.index_cast %add3A_1205 : i32 to index
        %get3A_1208 = tpu.vector_load %arg5[%get3A_1206, %get3A_1207] {strides = array<i32>} : memref<20x512xi32, #tpu.memory_space<vmem>>, vector<16xi32>,
        %swap3A_1209 = arith.constant 1 : i32
        %swap3A_1210 = arith.index_cast %swap3A_1209 : i32 to index
        %swap3A_1211 = arith.constant 32 : index
        %swap3A_1212 = tpu.vector_load %arg6[%swap3A_1210, %swap3A_1211] {strides = array<i32>} : memref<4x128xi32, #tpu.memory_space<vmem>>, vector<16xi32>,
        tpu.vector_store %arg6[%swap3A_1210, %swap3A_1211], %get3A_1208 {strides = array<i32>} : memref<4x128xi32, #tpu.memory_space<vmem>>, vector<16xi32>,
        %mul3A_1213 = arith.constant 128 : i32
        %mul3A_1214 = arith.muli %mul3A_1213, %rem3A_1179 : i32
        %add3A_1215 = arith.constant 48 : i32
        %add3A_1216 = arith.addi %mul3A_1214, %add3A_1215 : i32
        %get3A_1217 = arith.index_cast %select_n3A_1177 : i32 to index
        %get3A_1218 = arith.index_cast %add3A_1216 : i32 to index
        %get3A_1219 = tpu.vector_load %arg5[%get3A_1217, %get3A_1218] {strides = array<i32>} : memref<20x512xi32, #tpu.memory_space<vmem>>, vector<16xi32>,
        %swap3A_1220 = arith.constant 1 : i32
        %swap3A_1221 = arith.index_cast %swap3A_1220 : i32 to index
        %swap3A_1222 = arith.constant 48 : index
        %swap3A_1223 = tpu.vector_load %arg6[%swap3A_1221, %swap3A_1222] {strides = array<i32>} : memref<4x128xi32, #tpu.memory_space<vmem>>, vector<16xi32>,
        tpu.vector_store %arg6[%swap3A_1221, %swap3A_1222], %get3A_1219 {strides = array<i32>} : memref<4x128xi32, #tpu.memory_space<vmem>>, vector<16xi32>,
        %mul3A_1224 = arith.constant 128 : i32
        %mul3A_1225 = arith.muli %mul3A_1224, %rem3A_1179 : i32
        %add3A_1226 = arith.constant 64 : i32
        %add3A_1227 = arith.addi %mul3A_1225, %add3A_1226 : i32
        %get3A_1228 = arith.index_cast %select_n3A_1177 : i32 to index
        %get3A_1229 = arith.index_cast %add3A_1227 : i32 to index
        %get3A_1230 = tpu.vector_load %arg5[%get3A_1228, %get3A_1229] {strides = array<i32>} : memref<20x512xi32, #tpu.memory_space<vmem>>, vector<16xi32>,
        %swap3A_1231 = arith.constant 1 : i32
        %swap3A_1232 = arith.index_cast %swap3A_1231 : i32 to index
        %swap3A_1233 = arith.constant 64 : index
        %swap3A_1234 = tpu.vector_load %arg6[%swap3A_1232, %swap3A_1233] {strides = array<i32>} : memref<4x128xi32, #tpu.memory_space<vmem>>, vector<16xi32>,
        tpu.vector_store %arg6[%swap3A_1232, %swap3A_1233], %get3A_1230 {strides = array<i32>} : memref<4x128xi32, #tpu.memory_space<vmem>>, vector<16xi32>,
        %mul3A_1235 = arith.constant 128 : i32
        %mul3A_1236 = arith.muli %mul3A_1235, %rem3A_1179 : i32
        %add3A_1237 = arith.constant 80 : i32
        %add3A_1238 = arith.addi %mul3A_1236, %add3A_1237 : i32
        %get3A_1239 = arith.index_cast %select_n3A_1177 : i32 to index
        %get3A_1240 = arith.index_cast %add3A_1238 : i32 to index
        %get3A_1241 = tpu.vector_load %arg5[%get3A_1239, %get3A_1240] {strides = array<i32>} : memref<20x512xi32, #tpu.memory_space<vmem>>, vector<16xi32>,
        %swap3A_1242 = arith.constant 1 : i32
        %swap3A_1243 = arith.index_cast %swap3A_1242 : i32 to index
        %swap3A_1244 = arith.constant 80 : index
        %swap3A_1245 = tpu.vector_load %arg6[%swap3A_1243, %swap3A_1244] {strides = array<i32>} : memref<4x128xi32, #tpu.memory_space<vmem>>, vector<16xi32>,
        tpu.vector_store %arg6[%swap3A_1243, %swap3A_1244], %get3A_1241 {strides = array<i32>} : memref<4x128xi32, #tpu.memory_space<vmem>>, vector<16xi32>,
        %mul3A_1246 = arith.constant 128 : i32
        %mul3A_1247 = arith.muli %mul3A_1246, %rem3A_1179 : i32
        %add3A_1248 = arith.constant 96 : i32
        %add3A_1249 = arith.addi %mul3A_1247, %add3A_1248 : i32
        %get3A_1250 = arith.index_cast %select_n3A_1177 : i32 to index
        %get3A_1251 = arith.index_cast %add3A_1249 : i32 to index
        %get3A_1252 = tpu.vector_load %arg5[%get3A_1250, %get3A_1251] {strides = array<i32>} : memref<20x512xi32, #tpu.memory_space<vmem>>, vector<16xi32>,
        %swap3A_1253 = arith.constant 1 : i32
        %swap3A_1254 = arith.index_cast %swap3A_1253 : i32 to index
        %swap3A_1255 = arith.constant 96 : index
        %swap3A_1256 = tpu.vector_load %arg6[%swap3A_1254, %swap3A_1255] {strides = array<i32>} : memref<4x128xi32, #tpu.memory_space<vmem>>, vector<16xi32>,
        tpu.vector_store %arg6[%swap3A_1254, %swap3A_1255], %get3A_1252 {strides = array<i32>} : memref<4x128xi32, #tpu.memory_space<vmem>>, vector<16xi32>,
        %mul3A_1257 = arith.constant 128 : i32
        %mul3A_1258 = arith.muli %mul3A_1257, %rem3A_1179 : i32
        %add3A_1259 = arith.constant 112 : i32
        %add3A_1260 = arith.addi %mul3A_1258, %add3A_1259 : i32
        %get3A_1261 = arith.index_cast %select_n3A_1177 : i32 to index
        %get3A_1262 = arith.index_cast %add3A_1260 : i32 to index
        %get3A_1263 = tpu.vector_load %arg5[%get3A_1261, %get3A_1262] {strides = array<i32>} : memref<20x512xi32, #tpu.memory_space<vmem>>, vector<16xi32>,
        %swap3A_1264 = arith.constant 1 : i32
        %swap3A_1265 = arith.index_cast %swap3A_1264 : i32 to index
        %swap3A_1266 = arith.constant 112 : index
        %swap3A_1267 = tpu.vector_load %arg6[%swap3A_1265, %swap3A_1266] {strides = array<i32>} : memref<4x128xi32, #tpu.memory_space<vmem>>, vector<16xi32>,
        tpu.vector_store %arg6[%swap3A_1265, %swap3A_1266], %get3A_1263 {strides = array<i32>} : memref<4x128xi32, #tpu.memory_space<vmem>>, vector<16xi32>,
        %dma_start3A_1268 = arith.constant 1 : i32
        %dma_start3A_1269 = arith.constant 1 : i32
        %dma_start3A_1270 = arith.constant 1 : i32
        %dma_start3A_1271 = arith.constant 0 : i32
        %dma_start3A_1272 = arith.constant 0 : i32
        %dma_start3A_1273 = tpu.memref_slice %arg7[%dma_start3A_1269, %dma_start3A_1271, %dma_start3A_1272] : memref<4x128x128xf32, #tpu.memory_space<vmem>> -> memref<1x128x128xf32, #tpu.memory_space<vmem>>
        %dma_start3A_1274 = tpu.memref_squeeze %dma_start3A_1273 : memref<1x128x128xf32, #tpu.memory_space<vmem>> -> memref<128x128xf32, #tpu.memory_space<vmem>>
        %dma_start3A_1275 = arith.constant 0 : i32
        %dma_start3A_1276 = tpu.memref_slice %arg6[%dma_start3A_1268, %dma_start3A_1275] : memref<4x128xi32, #tpu.memory_space<vmem>> -> memref<1x128xi32, #tpu.memory_space<vmem>>
        %dma_start3A_1277 = tpu.memref_squeeze %dma_start3A_1276 : memref<1x128xi32, #tpu.memory_space<vmem>> -> memref<128xi32, #tpu.memory_space<vmem>>
        %dma_start3A_1278 = arith.constant 0 : i32
        %dma_start3A_1279 = arith.constant 0 : i32
        %dma_start3A_1280 = tpu.memref_slice %arg3[%dma_start3A_1278, %dma_start3A_1279] : memref<1000000x128xf32, #tpu.memory_space<hbm>> -> memref<1000000x128xf32, #tpu.memory_space<hbm>>
        %dma_start3A_1281 = tpu.memref_slice %arg9[%dma_start3A_1270] : memref<4x!tpu.dma_semaphore, #tpu.memory_space<semaphore_mem>> -> memref<1x!tpu.dma_semaphore, #tpu.memory_space<semaphore_mem>>
        %dma_start3A_1282 = tpu.memref_squeeze %dma_start3A_1281 : memref<1x!tpu.dma_semaphore, #tpu.memory_space<semaphore_mem>> -> memref<!tpu.dma_semaphore, #tpu.memory_space<semaphore_mem>>
        tpu.enqueue_indirect_dma source(%dma_start3A_1280 : memref<1000000x128xf32, #tpu.memory_space<hbm>>) target(%dma_start3A_1274 : memref<128x128xf32, #tpu.memory_space<vmem>>) offsets(%dma_start3A_1277 : memref<128xi32, #tpu.memory_space<vmem>>) semaphore(%dma_start3A_1282 : memref<!tpu.dma_semaphore, #tpu.memory_space<semaphore_mem>>)
      } else {
      }
      %add3A_894 = arith.constant 2 : i32
      %add3A_895 = arith.addi %add3A_645, %add3A_894 : i32
      %dma_wait3A_896 = arith.constant 2 : i32
      %dma_wait3A_897 = arith.constant 2 : i32
      %dma_wait3A_898 = arith.constant 2 : i32
      %dma_wait3A_899 = arith.constant 0 : i32
      %dma_wait3A_900 = arith.constant 0 : i32
      %dma_wait3A_901 = tpu.memref_slice %arg7[%dma_wait3A_897, %dma_wait3A_899, %dma_wait3A_900] : memref<4x128x128xf32, #tpu.memory_space<vmem>> -> memref<1x128x128xf32, #tpu.memory_space<vmem>>
      %dma_wait3A_902 = tpu.memref_squeeze %dma_wait3A_901 : memref<1x128x128xf32, #tpu.memory_space<vmem>> -> memref<128x128xf32, #tpu.memory_space<vmem>>
      %dma_wait3A_903 = arith.constant 0 : i32
      %dma_wait3A_904 = tpu.memref_slice %arg6[%dma_wait3A_896, %dma_wait3A_903] : memref<4x128xi32, #tpu.memory_space<vmem>> -> memref<1x128xi32, #tpu.memory_space<vmem>>
      %dma_wait3A_905 = tpu.memref_squeeze %dma_wait3A_904 : memref<1x128xi32, #tpu.memory_space<vmem>> -> memref<128xi32, #tpu.memory_space<vmem>>
      %dma_wait3A_906 = arith.constant 0 : i32
      %dma_wait3A_907 = arith.constant 0 : i32
      %dma_wait3A_908 = tpu.memref_slice %arg3[%dma_wait3A_906, %dma_wait3A_907] : memref<1000000x128xf32, #tpu.memory_space<hbm>> -> memref<1000000x128xf32, #tpu.memory_space<hbm>>
      %dma_wait3A_909 = tpu.memref_slice %arg9[%dma_wait3A_898] : memref<4x!tpu.dma_semaphore, #tpu.memory_space<semaphore_mem>> -> memref<1x!tpu.dma_semaphore, #tpu.memory_space<semaphore_mem>>
      %dma_wait3A_910 = tpu.memref_squeeze %dma_wait3A_909 : memref<1x!tpu.dma_semaphore, #tpu.memory_space<semaphore_mem>> -> memref<!tpu.dma_semaphore, #tpu.memory_space<semaphore_mem>>
      tpu.wait_indirect_dma semaphore(%dma_wait3A_910 : memref<!tpu.dma_semaphore, #tpu.memory_space<semaphore_mem>>) src(%dma_wait3A_908 : memref<1000000x128xf32, #tpu.memory_space<hbm>>) dst(%dma_wait3A_902 : memref<128x128xf32, #tpu.memory_space<vmem>>)
      %ge3A_911 = arith.constant 4 : i32
      %ge3A_912 = arith.cmpi sge, %add3A_895, %ge3A_911 : i32
      %convert_element_type3A_913 = arith.extui %ge3A_912 : i1 to i32
      %cond3A_914 = arith.constant 0 : i32
      %cond3A_915 = arith.cmpi ne, %convert_element_type3A_913, %cond3A_914 : i32
      scf.if %cond3A_915 {
        %sub3A_1154 = arith.constant 4 : i32
        %sub3A_1155 = arith.subi %add3A_895, %sub3A_1154 : i32
        %jit3A_1156 = arith.constant 4 : i32
        %div3A_1157 = arith.divsi %sub3A_1155, %jit3A_1156 : i32
        %sign3A_1158 = arith.constant 0 : i32
        %sign3A_1159 = arith.cmpi sgt, %sub3A_1155, %sign3A_1158 : i32
        %sign3A_1160 = arith.extui %sign3A_1159 : i1 to i32
        %sign3A_1161 = arith.constant 0 : i32
        %sign3A_1162 = arith.cmpi slt, %sub3A_1155, %sign3A_1161 : i32
        %sign3A_1163 = arith.extui %sign3A_1162 : i1 to i32
        %sign3A_1164 = arith.subi %sign3A_1160, %sign3A_1163 : i32
        %sign3A_1165 = arith.constant 0 : i32
        %sign3A_1166 = arith.cmpi sgt, %jit3A_1156, %sign3A_1165 : i32
        %sign3A_1167 = arith.extui %sign3A_1166 : i1 to i32
        %sign3A_1168 = arith.constant 0 : i32
        %sign3A_1169 = arith.cmpi slt, %jit3A_1156, %sign3A_1168 : i32
        %sign3A_1170 = arith.extui %sign3A_1169 : i1 to i32
        %sign3A_1171 = arith.subi %sign3A_1167, %sign3A_1170 : i32
        %ne3A_1172 = arith.cmpi ne, %sign3A_1164, %sign3A_1171 : i32
        %rem3A_1173 = arith.remsi %sub3A_1155, %jit3A_1156 : i32
        %ne3A_1174 = arith.constant 0 : i32
        %ne3A_1175 = arith.cmpi ne, %rem3A_1173, %ne3A_1174 : i32
        %and3A_1176 = arith.andi %ne3A_1172, %ne3A_1175 : i1
        %sub3A_1177 = arith.constant 1 : i32
        %sub3A_1178 = arith.subi %div3A_1157, %sub3A_1177 : i32
        %select_n3A_1179 = arith.select %and3A_1176, %sub3A_1178, %div3A_1157 : i32
        %mul3A_1180 = arith.constant 4 : i32
        %mul3A_1181 = arith.muli %mul3A_1180, %add3A : i32
        %rem3A_1182 = arith.constant 4 : i32
        %rem3A_1183 = arith.remsi %sub3A_1155, %rem3A_1182 : i32
        %add3A_1184 = arith.addi %mul3A_1181, %rem3A_1183 : i32
        %dma_wait3A_1185 = arith.constant 2 : i32
        %dma_wait3A_1186 = arith.constant 2 : i32
        %dma_wait3A_1187 = arith.constant 0 : i32
        %dma_wait3A_1188 = arith.constant 0 : i32
        %dma_wait3A_1189 = arith.constant 0 : i32
        %dma_wait3A_1190 = tpu.memref_slice %arg8[%dma_wait3A_1185, %dma_wait3A_1187, %dma_wait3A_1188, %dma_wait3A_1189] : memref<4x8x8x128xf32, #tpu.memory_space<vmem>> -> memref<1x8x8x128xf32, #tpu.memory_space<vmem>>
        %dma_wait3A_1191 = tpu.memref_squeeze %dma_wait3A_1190 : memref<1x8x8x128xf32, #tpu.memory_space<vmem>> -> memref<8x8x128xf32, #tpu.memory_space<vmem>>
        %dma_wait3A_1192 = arith.constant 0 : i32
        %dma_wait3A_1193 = arith.constant 0 : i32
        %dma_wait3A_1194 = arith.constant 0 : i32
        %dma_wait3A_1195 = tpu.memref_slice %arg4[%select_n3A_1179, %dma_wait3A_1192, %add3A_1184, %dma_wait3A_1193, %dma_wait3A_1194] : memref<20x8x128x8x128xf32, #tpu.memory_space<hbm>> -> memref<1x8x1x8x128xf32, #tpu.memory_space<hbm>>
        %dma_wait3A_1196 = tpu.memref_squeeze %dma_wait3A_1195 : memref<1x8x1x8x128xf32, #tpu.memory_space<hbm>> -> memref<8x8x128xf32, #tpu.memory_space<hbm>>
        %dma_wait3A_1197 = tpu.memref_slice %arg10[%dma_wait3A_1186] : memref<4x!tpu.dma_semaphore, #tpu.memory_space<semaphore_mem>> -> memref<1x!tpu.dma_semaphore, #tpu.memory_space<semaphore_mem>>
        %dma_wait3A_1198 = tpu.memref_squeeze %dma_wait3A_1197 : memref<1x!tpu.dma_semaphore, #tpu.memory_space<semaphore_mem>> -> memref<!tpu.dma_semaphore, #tpu.memory_space<semaphore_mem>>
        %dma_wait3A_1199 = arith.constant 0 : i32
        %dma_wait3A_1200 = arith.constant 0 : i32
        %dma_wait3A_1201 = arith.constant 0 : i32
        %dma_wait3A_1202 = tpu.memref_slice %arg4[%select_n3A_1179, %dma_wait3A_1199, %add3A_1184, %dma_wait3A_1200, %dma_wait3A_1201] : memref<20x8x128x8x128xf32, #tpu.memory_space<hbm>> -> memref<1x8x1x8x128xf32, #tpu.memory_space<hbm>>
        %dma_wait3A_1203 = tpu.memref_squeeze %dma_wait3A_1202 : memref<1x8x1x8x128xf32, #tpu.memory_space<hbm>> -> memref<8x8x128xf32, #tpu.memory_space<hbm>>
        %dma_wait3A_1204 = arith.constant 0 : i32
        %dma_wait3A_1205 = arith.constant 0 : i32
        %dma_wait3A_1206 = arith.constant 0 : i32
        %dma_wait3A_1207 = tpu.memref_slice %arg8[%dma_wait3A_1185, %dma_wait3A_1204, %dma_wait3A_1205, %dma_wait3A_1206] : memref<4x8x8x128xf32, #tpu.memory_space<vmem>> -> memref<1x8x8x128xf32, #tpu.memory_space<vmem>>
        %dma_wait3A_1208 = tpu.memref_squeeze %dma_wait3A_1207 : memref<1x8x8x128xf32, #tpu.memory_space<vmem>> -> memref<8x8x128xf32, #tpu.memory_space<vmem>>
        tpu.wait_dma2 semaphore(%dma_wait3A_1198 : memref<!tpu.dma_semaphore, #tpu.memory_space<semaphore_mem>>) src(%dma_wait3A_1208 : memref<8x8x128xf32, #tpu.memory_space<vmem>>) dst(%dma_wait3A_1203 : memref<8x8x128xf32, #tpu.memory_space<hbm>>)
      } else {
      }
      %add3A_916 = arith.constant 0 : i32
      %add3A_917 = vector.broadcast %add3A_916 : i32 to vector<16xi32>
      %add3A_918 = arith.addi %iota3A, %add3A_917 : vector<16xi32>
      %parallel_loop3A_919 = arith.constant 0 : i32
      %parallel_loop3A_920 = arith.constant 64 : i32
      %parallel_loop3A_921 = arith.constant 1 : i32
      scf.for %parallel_loop3A_1154 = %parallel_loop3A_919 to %parallel_loop3A_920 step %parallel_loop3A_921  : i32 {
        %parallel_loop3A_1155 = vector.broadcast %parallel_loop3A_1154 : i32 to vector<16xi32>
        %parallel_loop3A_1156 = arith.addi %parallel_loop3A_1155, %iota3A : vector<16xi32>
        %parallel_loop3A_1157 = arith.constant 63 : i32
        %parallel_loop3A_1158 = vector.broadcast %parallel_loop3A_1157 : i32 to vector<16xi32>
        %parallel_loop3A_1159 = arith.andi %parallel_loop3A_1156, %parallel_loop3A_1158 : vector<16xi32>
        %parallel_loop3A_1160 = arith.constant 2 : i32
        %parallel_loop3A_1161 = arith.constant 0 : i32
        %parallel_loop3A_1162 = arith.constant 0 : i32
        %parallel_loop3A_1163 = tpu.memref_slice %arg7[%parallel_loop3A_1160, %parallel_loop3A_1161, %parallel_loop3A_1162] : memref<4x128x128xf32, #tpu.memory_space<vmem>> -> memref<1x128x128xf32, #tpu.memory_space<vmem>>
        %parallel_loop3A_1164 = tpu.memref_squeeze %parallel_loop3A_1163 : memref<1x128x128xf32, #tpu.memory_space<vmem>> -> memref<128x128xf32, #tpu.memory_space<vmem>>
        %parallel_loop3A_1165 = tpu.vector_load_idx %parallel_loop3A_1164[%add3A_918, %parallel_loop3A_1159] : memref<128x128xf32, #tpu.memory_space<vmem>>[vector<16xi32>, vector<16xi32>], vector<16xf32>,
        %parallel_loop3A_1166 = arith.constant 3 : i32
        %parallel_loop3A_1167 = vector.broadcast %parallel_loop3A_1166 : i32 to vector<16xi32>
        %parallel_loop3A_1168 = arith.shrsi %parallel_loop3A_1159, %parallel_loop3A_1167 : vector<16xi32>
        %parallel_loop3A_1169 = arith.constant 7 : i32
        %parallel_loop3A_1170 = vector.broadcast %parallel_loop3A_1169 : i32 to vector<16xi32>
        %parallel_loop3A_1171 = arith.andi %parallel_loop3A_1159, %parallel_loop3A_1170 : vector<16xi32>
        %parallel_loop3A_1172 = arith.constant 2 : i32
        %parallel_loop3A_1173 = arith.constant 0 : i32
        %parallel_loop3A_1174 = arith.constant 0 : i32
        %parallel_loop3A_1175 = arith.constant 0 : i32
        %parallel_loop3A_1176 = tpu.memref_slice %arg8[%parallel_loop3A_1172, %parallel_loop3A_1173, %parallel_loop3A_1174, %parallel_loop3A_1175] : memref<4x8x8x128xf32, #tpu.memory_space<vmem>> -> memref<1x8x8x128xf32, #tpu.memory_space<vmem>>
        %parallel_loop3A_1177 = tpu.memref_squeeze %parallel_loop3A_1176 : memref<1x8x8x128xf32, #tpu.memory_space<vmem>> -> memref<8x8x128xf32, #tpu.memory_space<vmem>>
        tpu.vector_store_idx %parallel_loop3A_1177[%parallel_loop3A_1168, %parallel_loop3A_1171, %add3A_918], %parallel_loop3A_1165 : memref<8x8x128xf32, #tpu.memory_space<vmem>>[vector<16xi32>, vector<16xi32>, vector<16xi32>], vector<16xf32>,
      } {sc.loop_unroll_factor = 2 : i64, sc.parallel_access}
      %add3A_922 = arith.constant 16 : i32
      %add3A_923 = vector.broadcast %add3A_922 : i32 to vector<16xi32>
      %add3A_924 = arith.addi %iota3A, %add3A_923 : vector<16xi32>
      %parallel_loop3A_925 = arith.constant 0 : i32
      %parallel_loop3A_926 = arith.constant 64 : i32
      %parallel_loop3A_927 = arith.constant 1 : i32
      scf.for %parallel_loop3A_1154 = %parallel_loop3A_925 to %parallel_loop3A_926 step %parallel_loop3A_927  : i32 {
        %parallel_loop3A_1155 = vector.broadcast %parallel_loop3A_1154 : i32 to vector<16xi32>
        %parallel_loop3A_1156 = arith.addi %parallel_loop3A_1155, %iota3A : vector<16xi32>
        %parallel_loop3A_1157 = arith.constant 63 : i32
        %parallel_loop3A_1158 = vector.broadcast %parallel_loop3A_1157 : i32 to vector<16xi32>
        %parallel_loop3A_1159 = arith.andi %parallel_loop3A_1156, %parallel_loop3A_1158 : vector<16xi32>
        %parallel_loop3A_1160 = arith.constant 2 : i32
        %parallel_loop3A_1161 = arith.constant 0 : i32
        %parallel_loop3A_1162 = arith.constant 0 : i32
        %parallel_loop3A_1163 = tpu.memref_slice %arg7[%parallel_loop3A_1160, %parallel_loop3A_1161, %parallel_loop3A_1162] : memref<4x128x128xf32, #tpu.memory_space<vmem>> -> memref<1x128x128xf32, #tpu.memory_space<vmem>>
        %parallel_loop3A_1164 = tpu.memref_squeeze %parallel_loop3A_1163 : memref<1x128x128xf32, #tpu.memory_space<vmem>> -> memref<128x128xf32, #tpu.memory_space<vmem>>
        %parallel_loop3A_1165 = tpu.vector_load_idx %parallel_loop3A_1164[%add3A_924, %parallel_loop3A_1159] : memref<128x128xf32, #tpu.memory_space<vmem>>[vector<16xi32>, vector<16xi32>], vector<16xf32>,
        %parallel_loop3A_1166 = arith.constant 3 : i32
        %parallel_loop3A_1167 = vector.broadcast %parallel_loop3A_1166 : i32 to vector<16xi32>
        %parallel_loop3A_1168 = arith.shrsi %parallel_loop3A_1159, %parallel_loop3A_1167 : vector<16xi32>
        %parallel_loop3A_1169 = arith.constant 7 : i32
        %parallel_loop3A_1170 = vector.broadcast %parallel_loop3A_1169 : i32 to vector<16xi32>
        %parallel_loop3A_1171 = arith.andi %parallel_loop3A_1159, %parallel_loop3A_1170 : vector<16xi32>
        %parallel_loop3A_1172 = arith.constant 2 : i32
        %parallel_loop3A_1173 = arith.constant 0 : i32
        %parallel_loop3A_1174 = arith.constant 0 : i32
        %parallel_loop3A_1175 = arith.constant 0 : i32
        %parallel_loop3A_1176 = tpu.memref_slice %arg8[%parallel_loop3A_1172, %parallel_loop3A_1173, %parallel_loop3A_1174, %parallel_loop3A_1175] : memref<4x8x8x128xf32, #tpu.memory_space<vmem>> -> memref<1x8x8x128xf32, #tpu.memory_space<vmem>>
        %parallel_loop3A_1177 = tpu.memref_squeeze %parallel_loop3A_1176 : memref<1x8x8x128xf32, #tpu.memory_space<vmem>> -> memref<8x8x128xf32, #tpu.memory_space<vmem>>
        tpu.vector_store_idx %parallel_loop3A_1177[%parallel_loop3A_1168, %parallel_loop3A_1171, %add3A_924], %parallel_loop3A_1165 : memref<8x8x128xf32, #tpu.memory_space<vmem>>[vector<16xi32>, vector<16xi32>, vector<16xi32>], vector<16xf32>,
      } {sc.loop_unroll_factor = 2 : i64, sc.parallel_access}
      %add3A_928 = arith.constant 32 : i32
      %add3A_929 = vector.broadcast %add3A_928 : i32 to vector<16xi32>
      %add3A_930 = arith.addi %iota3A, %add3A_929 : vector<16xi32>
      %parallel_loop3A_931 = arith.constant 0 : i32
      %parallel_loop3A_932 = arith.constant 64 : i32
      %parallel_loop3A_933 = arith.constant 1 : i32
      scf.for %parallel_loop3A_1154 = %parallel_loop3A_931 to %parallel_loop3A_932 step %parallel_loop3A_933  : i32 {
        %parallel_loop3A_1155 = vector.broadcast %parallel_loop3A_1154 : i32 to vector<16xi32>
        %parallel_loop3A_1156 = arith.addi %parallel_loop3A_1155, %iota3A : vector<16xi32>
        %parallel_loop3A_1157 = arith.constant 63 : i32
        %parallel_loop3A_1158 = vector.broadcast %parallel_loop3A_1157 : i32 to vector<16xi32>
        %parallel_loop3A_1159 = arith.andi %parallel_loop3A_1156, %parallel_loop3A_1158 : vector<16xi32>
        %parallel_loop3A_1160 = arith.constant 2 : i32
        %parallel_loop3A_1161 = arith.constant 0 : i32
        %parallel_loop3A_1162 = arith.constant 0 : i32
        %parallel_loop3A_1163 = tpu.memref_slice %arg7[%parallel_loop3A_1160, %parallel_loop3A_1161, %parallel_loop3A_1162] : memref<4x128x128xf32, #tpu.memory_space<vmem>> -> memref<1x128x128xf32, #tpu.memory_space<vmem>>
        %parallel_loop3A_1164 = tpu.memref_squeeze %parallel_loop3A_1163 : memref<1x128x128xf32, #tpu.memory_space<vmem>> -> memref<128x128xf32, #tpu.memory_space<vmem>>
        %parallel_loop3A_1165 = tpu.vector_load_idx %parallel_loop3A_1164[%add3A_930, %parallel_loop3A_1159] : memref<128x128xf32, #tpu.memory_space<vmem>>[vector<16xi32>, vector<16xi32>], vector<16xf32>,
        %parallel_loop3A_1166 = arith.constant 3 : i32
        %parallel_loop3A_1167 = vector.broadcast %parallel_loop3A_1166 : i32 to vector<16xi32>
        %parallel_loop3A_1168 = arith.shrsi %parallel_loop3A_1159, %parallel_loop3A_1167 : vector<16xi32>
        %parallel_loop3A_1169 = arith.constant 7 : i32
        %parallel_loop3A_1170 = vector.broadcast %parallel_loop3A_1169 : i32 to vector<16xi32>
        %parallel_loop3A_1171 = arith.andi %parallel_loop3A_1159, %parallel_loop3A_1170 : vector<16xi32>
        %parallel_loop3A_1172 = arith.constant 2 : i32
        %parallel_loop3A_1173 = arith.constant 0 : i32
        %parallel_loop3A_1174 = arith.constant 0 : i32
        %parallel_loop3A_1175 = arith.constant 0 : i32
        %parallel_loop3A_1176 = tpu.memref_slice %arg8[%parallel_loop3A_1172, %parallel_loop3A_1173, %parallel_loop3A_1174, %parallel_loop3A_1175] : memref<4x8x8x128xf32, #tpu.memory_space<vmem>> -> memref<1x8x8x128xf32, #tpu.memory_space<vmem>>
        %parallel_loop3A_1177 = tpu.memref_squeeze %parallel_loop3A_1176 : memref<1x8x8x128xf32, #tpu.memory_space<vmem>> -> memref<8x8x128xf32, #tpu.memory_space<vmem>>
        tpu.vector_store_idx %parallel_loop3A_1177[%parallel_loop3A_1168, %parallel_loop3A_1171, %add3A_930], %parallel_loop3A_1165 : memref<8x8x128xf32, #tpu.memory_space<vmem>>[vector<16xi32>, vector<16xi32>, vector<16xi32>], vector<16xf32>,
      } {sc.loop_unroll_factor = 2 : i64, sc.parallel_access}
      %add3A_934 = arith.constant 48 : i32
      %add3A_935 = vector.broadcast %add3A_934 : i32 to vector<16xi32>
      %add3A_936 = arith.addi %iota3A, %add3A_935 : vector<16xi32>
      %parallel_loop3A_937 = arith.constant 0 : i32
      %parallel_loop3A_938 = arith.constant 64 : i32
      %parallel_loop3A_939 = arith.constant 1 : i32
      scf.for %parallel_loop3A_1154 = %parallel_loop3A_937 to %parallel_loop3A_938 step %parallel_loop3A_939  : i32 {
        %parallel_loop3A_1155 = vector.broadcast %parallel_loop3A_1154 : i32 to vector<16xi32>
        %parallel_loop3A_1156 = arith.addi %parallel_loop3A_1155, %iota3A : vector<16xi32>
        %parallel_loop3A_1157 = arith.constant 63 : i32
        %parallel_loop3A_1158 = vector.broadcast %parallel_loop3A_1157 : i32 to vector<16xi32>
        %parallel_loop3A_1159 = arith.andi %parallel_loop3A_1156, %parallel_loop3A_1158 : vector<16xi32>
        %parallel_loop3A_1160 = arith.constant 2 : i32
        %parallel_loop3A_1161 = arith.constant 0 : i32
        %parallel_loop3A_1162 = arith.constant 0 : i32
        %parallel_loop3A_1163 = tpu.memref_slice %arg7[%parallel_loop3A_1160, %parallel_loop3A_1161, %parallel_loop3A_1162] : memref<4x128x128xf32, #tpu.memory_space<vmem>> -> memref<1x128x128xf32, #tpu.memory_space<vmem>>
        %parallel_loop3A_1164 = tpu.memref_squeeze %parallel_loop3A_1163 : memref<1x128x128xf32, #tpu.memory_space<vmem>> -> memref<128x128xf32, #tpu.memory_space<vmem>>
        %parallel_loop3A_1165 = tpu.vector_load_idx %parallel_loop3A_1164[%add3A_936, %parallel_loop3A_1159] : memref<128x128xf32, #tpu.memory_space<vmem>>[vector<16xi32>, vector<16xi32>], vector<16xf32>,
        %parallel_loop3A_1166 = arith.constant 3 : i32
        %parallel_loop3A_1167 = vector.broadcast %parallel_loop3A_1166 : i32 to vector<16xi32>
        %parallel_loop3A_1168 = arith.shrsi %parallel_loop3A_1159, %parallel_loop3A_1167 : vector<16xi32>
        %parallel_loop3A_1169 = arith.constant 7 : i32
        %parallel_loop3A_1170 = vector.broadcast %parallel_loop3A_1169 : i32 to vector<16xi32>
        %parallel_loop3A_1171 = arith.andi %parallel_loop3A_1159, %parallel_loop3A_1170 : vector<16xi32>
        %parallel_loop3A_1172 = arith.constant 2 : i32
        %parallel_loop3A_1173 = arith.constant 0 : i32
        %parallel_loop3A_1174 = arith.constant 0 : i32
        %parallel_loop3A_1175 = arith.constant 0 : i32
        %parallel_loop3A_1176 = tpu.memref_slice %arg8[%parallel_loop3A_1172, %parallel_loop3A_1173, %parallel_loop3A_1174, %parallel_loop3A_1175] : memref<4x8x8x128xf32, #tpu.memory_space<vmem>> -> memref<1x8x8x128xf32, #tpu.memory_space<vmem>>
        %parallel_loop3A_1177 = tpu.memref_squeeze %parallel_loop3A_1176 : memref<1x8x8x128xf32, #tpu.memory_space<vmem>> -> memref<8x8x128xf32, #tpu.memory_space<vmem>>
        tpu.vector_store_idx %parallel_loop3A_1177[%parallel_loop3A_1168, %parallel_loop3A_1171, %add3A_936], %parallel_loop3A_1165 : memref<8x8x128xf32, #tpu.memory_space<vmem>>[vector<16xi32>, vector<16xi32>, vector<16xi32>], vector<16xf32>,
      } {sc.loop_unroll_factor = 2 : i64, sc.parallel_access}
      %add3A_940 = arith.constant 64 : i32
      %add3A_941 = vector.broadcast %add3A_940 : i32 to vector<16xi32>
      %add3A_942 = arith.addi %iota3A, %add3A_941 : vector<16xi32>
      %parallel_loop3A_943 = arith.constant 0 : i32
      %parallel_loop3A_944 = arith.constant 64 : i32
      %parallel_loop3A_945 = arith.constant 1 : i32
      scf.for %parallel_loop3A_1154 = %parallel_loop3A_943 to %parallel_loop3A_944 step %parallel_loop3A_945  : i32 {
        %parallel_loop3A_1155 = vector.broadcast %parallel_loop3A_1154 : i32 to vector<16xi32>
        %parallel_loop3A_1156 = arith.addi %parallel_loop3A_1155, %iota3A : vector<16xi32>
        %parallel_loop3A_1157 = arith.constant 63 : i32
        %parallel_loop3A_1158 = vector.broadcast %parallel_loop3A_1157 : i32 to vector<16xi32>
        %parallel_loop3A_1159 = arith.andi %parallel_loop3A_1156, %parallel_loop3A_1158 : vector<16xi32>
        %parallel_loop3A_1160 = arith.constant 2 : i32
        %parallel_loop3A_1161 = arith.constant 0 : i32
        %parallel_loop3A_1162 = arith.constant 0 : i32
        %parallel_loop3A_1163 = tpu.memref_slice %arg7[%parallel_loop3A_1160, %parallel_loop3A_1161, %parallel_loop3A_1162] : memref<4x128x128xf32, #tpu.memory_space<vmem>> -> memref<1x128x128xf32, #tpu.memory_space<vmem>>
        %parallel_loop3A_1164 = tpu.memref_squeeze %parallel_loop3A_1163 : memref<1x128x128xf32, #tpu.memory_space<vmem>> -> memref<128x128xf32, #tpu.memory_space<vmem>>
        %parallel_loop3A_1165 = tpu.vector_load_idx %parallel_loop3A_1164[%add3A_942, %parallel_loop3A_1159] : memref<128x128xf32, #tpu.memory_space<vmem>>[vector<16xi32>, vector<16xi32>], vector<16xf32>,
        %parallel_loop3A_1166 = arith.constant 3 : i32
        %parallel_loop3A_1167 = vector.broadcast %parallel_loop3A_1166 : i32 to vector<16xi32>
        %parallel_loop3A_1168 = arith.shrsi %parallel_loop3A_1159, %parallel_loop3A_1167 : vector<16xi32>
        %parallel_loop3A_1169 = arith.constant 7 : i32
        %parallel_loop3A_1170 = vector.broadcast %parallel_loop3A_1169 : i32 to vector<16xi32>
        %parallel_loop3A_1171 = arith.andi %parallel_loop3A_1159, %parallel_loop3A_1170 : vector<16xi32>
        %parallel_loop3A_1172 = arith.constant 2 : i32
        %parallel_loop3A_1173 = arith.constant 0 : i32
        %parallel_loop3A_1174 = arith.constant 0 : i32
        %parallel_loop3A_1175 = arith.constant 0 : i32
        %parallel_loop3A_1176 = tpu.memref_slice %arg8[%parallel_loop3A_1172, %parallel_loop3A_1173, %parallel_loop3A_1174, %parallel_loop3A_1175] : memref<4x8x8x128xf32, #tpu.memory_space<vmem>> -> memref<1x8x8x128xf32, #tpu.memory_space<vmem>>
        %parallel_loop3A_1177 = tpu.memref_squeeze %parallel_loop3A_1176 : memref<1x8x8x128xf32, #tpu.memory_space<vmem>> -> memref<8x8x128xf32, #tpu.memory_space<vmem>>
        tpu.vector_store_idx %parallel_loop3A_1177[%parallel_loop3A_1168, %parallel_loop3A_1171, %add3A_942], %parallel_loop3A_1165 : memref<8x8x128xf32, #tpu.memory_space<vmem>>[vector<16xi32>, vector<16xi32>, vector<16xi32>], vector<16xf32>,
      } {sc.loop_unroll_factor = 2 : i64, sc.parallel_access}
      %add3A_946 = arith.constant 80 : i32
      %add3A_947 = vector.broadcast %add3A_946 : i32 to vector<16xi32>
      %add3A_948 = arith.addi %iota3A, %add3A_947 : vector<16xi32>
      %parallel_loop3A_949 = arith.constant 0 : i32
      %parallel_loop3A_950 = arith.constant 64 : i32
      %parallel_loop3A_951 = arith.constant 1 : i32
      scf.for %parallel_loop3A_1154 = %parallel_loop3A_949 to %parallel_loop3A_950 step %parallel_loop3A_951  : i32 {
        %parallel_loop3A_1155 = vector.broadcast %parallel_loop3A_1154 : i32 to vector<16xi32>
        %parallel_loop3A_1156 = arith.addi %parallel_loop3A_1155, %iota3A : vector<16xi32>
        %parallel_loop3A_1157 = arith.constant 63 : i32
        %parallel_loop3A_1158 = vector.broadcast %parallel_loop3A_1157 : i32 to vector<16xi32>
        %parallel_loop3A_1159 = arith.andi %parallel_loop3A_1156, %parallel_loop3A_1158 : vector<16xi32>
        %parallel_loop3A_1160 = arith.constant 2 : i32
        %parallel_loop3A_1161 = arith.constant 0 : i32
        %parallel_loop3A_1162 = arith.constant 0 : i32
        %parallel_loop3A_1163 = tpu.memref_slice %arg7[%parallel_loop3A_1160, %parallel_loop3A_1161, %parallel_loop3A_1162] : memref<4x128x128xf32, #tpu.memory_space<vmem>> -> memref<1x128x128xf32, #tpu.memory_space<vmem>>
        %parallel_loop3A_1164 = tpu.memref_squeeze %parallel_loop3A_1163 : memref<1x128x128xf32, #tpu.memory_space<vmem>> -> memref<128x128xf32, #tpu.memory_space<vmem>>
        %parallel_loop3A_1165 = tpu.vector_load_idx %parallel_loop3A_1164[%add3A_948, %parallel_loop3A_1159] : memref<128x128xf32, #tpu.memory_space<vmem>>[vector<16xi32>, vector<16xi32>], vector<16xf32>,
        %parallel_loop3A_1166 = arith.constant 3 : i32
        %parallel_loop3A_1167 = vector.broadcast %parallel_loop3A_1166 : i32 to vector<16xi32>
        %parallel_loop3A_1168 = arith.shrsi %parallel_loop3A_1159, %parallel_loop3A_1167 : vector<16xi32>
        %parallel_loop3A_1169 = arith.constant 7 : i32
        %parallel_loop3A_1170 = vector.broadcast %parallel_loop3A_1169 : i32 to vector<16xi32>
        %parallel_loop3A_1171 = arith.andi %parallel_loop3A_1159, %parallel_loop3A_1170 : vector<16xi32>
        %parallel_loop3A_1172 = arith.constant 2 : i32
        %parallel_loop3A_1173 = arith.constant 0 : i32
        %parallel_loop3A_1174 = arith.constant 0 : i32
        %parallel_loop3A_1175 = arith.constant 0 : i32
        %parallel_loop3A_1176 = tpu.memref_slice %arg8[%parallel_loop3A_1172, %parallel_loop3A_1173, %parallel_loop3A_1174, %parallel_loop3A_1175] : memref<4x8x8x128xf32, #tpu.memory_space<vmem>> -> memref<1x8x8x128xf32, #tpu.memory_space<vmem>>
        %parallel_loop3A_1177 = tpu.memref_squeeze %parallel_loop3A_1176 : memref<1x8x8x128xf32, #tpu.memory_space<vmem>> -> memref<8x8x128xf32, #tpu.memory_space<vmem>>
        tpu.vector_store_idx %parallel_loop3A_1177[%parallel_loop3A_1168, %parallel_loop3A_1171, %add3A_948], %parallel_loop3A_1165 : memref<8x8x128xf32, #tpu.memory_space<vmem>>[vector<16xi32>, vector<16xi32>, vector<16xi32>], vector<16xf32>,
      } {sc.loop_unroll_factor = 2 : i64, sc.parallel_access}
      %add3A_952 = arith.constant 96 : i32
      %add3A_953 = vector.broadcast %add3A_952 : i32 to vector<16xi32>
      %add3A_954 = arith.addi %iota3A, %add3A_953 : vector<16xi32>
      %parallel_loop3A_955 = arith.constant 0 : i32
      %parallel_loop3A_956 = arith.constant 64 : i32
      %parallel_loop3A_957 = arith.constant 1 : i32
      scf.for %parallel_loop3A_1154 = %parallel_loop3A_955 to %parallel_loop3A_956 step %parallel_loop3A_957  : i32 {
        %parallel_loop3A_1155 = vector.broadcast %parallel_loop3A_1154 : i32 to vector<16xi32>
        %parallel_loop3A_1156 = arith.addi %parallel_loop3A_1155, %iota3A : vector<16xi32>
        %parallel_loop3A_1157 = arith.constant 63 : i32
        %parallel_loop3A_1158 = vector.broadcast %parallel_loop3A_1157 : i32 to vector<16xi32>
        %parallel_loop3A_1159 = arith.andi %parallel_loop3A_1156, %parallel_loop3A_1158 : vector<16xi32>
        %parallel_loop3A_1160 = arith.constant 2 : i32
        %parallel_loop3A_1161 = arith.constant 0 : i32
        %parallel_loop3A_1162 = arith.constant 0 : i32
        %parallel_loop3A_1163 = tpu.memref_slice %arg7[%parallel_loop3A_1160, %parallel_loop3A_1161, %parallel_loop3A_1162] : memref<4x128x128xf32, #tpu.memory_space<vmem>> -> memref<1x128x128xf32, #tpu.memory_space<vmem>>
        %parallel_loop3A_1164 = tpu.memref_squeeze %parallel_loop3A_1163 : memref<1x128x128xf32, #tpu.memory_space<vmem>> -> memref<128x128xf32, #tpu.memory_space<vmem>>
        %parallel_loop3A_1165 = tpu.vector_load_idx %parallel_loop3A_1164[%add3A_954, %parallel_loop3A_1159] : memref<128x128xf32, #tpu.memory_space<vmem>>[vector<16xi32>, vector<16xi32>], vector<16xf32>,
        %parallel_loop3A_1166 = arith.constant 3 : i32
        %parallel_loop3A_1167 = vector.broadcast %parallel_loop3A_1166 : i32 to vector<16xi32>
        %parallel_loop3A_1168 = arith.shrsi %parallel_loop3A_1159, %parallel_loop3A_1167 : vector<16xi32>
        %parallel_loop3A_1169 = arith.constant 7 : i32
        %parallel_loop3A_1170 = vector.broadcast %parallel_loop3A_1169 : i32 to vector<16xi32>
        %parallel_loop3A_1171 = arith.andi %parallel_loop3A_1159, %parallel_loop3A_1170 : vector<16xi32>
        %parallel_loop3A_1172 = arith.constant 2 : i32
        %parallel_loop3A_1173 = arith.constant 0 : i32
        %parallel_loop3A_1174 = arith.constant 0 : i32
        %parallel_loop3A_1175 = arith.constant 0 : i32
        %parallel_loop3A_1176 = tpu.memref_slice %arg8[%parallel_loop3A_1172, %parallel_loop3A_1173, %parallel_loop3A_1174, %parallel_loop3A_1175] : memref<4x8x8x128xf32, #tpu.memory_space<vmem>> -> memref<1x8x8x128xf32, #tpu.memory_space<vmem>>
        %parallel_loop3A_1177 = tpu.memref_squeeze %parallel_loop3A_1176 : memref<1x8x8x128xf32, #tpu.memory_space<vmem>> -> memref<8x8x128xf32, #tpu.memory_space<vmem>>
        tpu.vector_store_idx %parallel_loop3A_1177[%parallel_loop3A_1168, %parallel_loop3A_1171, %add3A_954], %parallel_loop3A_1165 : memref<8x8x128xf32, #tpu.memory_space<vmem>>[vector<16xi32>, vector<16xi32>, vector<16xi32>], vector<16xf32>,
      } {sc.loop_unroll_factor = 2 : i64, sc.parallel_access}
      %add3A_958 = arith.constant 112 : i32
      %add3A_959 = vector.broadcast %add3A_958 : i32 to vector<16xi32>
      %add3A_960 = arith.addi %iota3A, %add3A_959 : vector<16xi32>
      %parallel_loop3A_961 = arith.constant 0 : i32
      %parallel_loop3A_962 = arith.constant 64 : i32
      %parallel_loop3A_963 = arith.constant 1 : i32
      scf.for %parallel_loop3A_1154 = %parallel_loop3A_961 to %parallel_loop3A_962 step %parallel_loop3A_963  : i32 {
        %parallel_loop3A_1155 = vector.broadcast %parallel_loop3A_1154 : i32 to vector<16xi32>
        %parallel_loop3A_1156 = arith.addi %parallel_loop3A_1155, %iota3A : vector<16xi32>
        %parallel_loop3A_1157 = arith.constant 63 : i32
        %parallel_loop3A_1158 = vector.broadcast %parallel_loop3A_1157 : i32 to vector<16xi32>
        %parallel_loop3A_1159 = arith.andi %parallel_loop3A_1156, %parallel_loop3A_1158 : vector<16xi32>
        %parallel_loop3A_1160 = arith.constant 2 : i32
        %parallel_loop3A_1161 = arith.constant 0 : i32
        %parallel_loop3A_1162 = arith.constant 0 : i32
        %parallel_loop3A_1163 = tpu.memref_slice %arg7[%parallel_loop3A_1160, %parallel_loop3A_1161, %parallel_loop3A_1162] : memref<4x128x128xf32, #tpu.memory_space<vmem>> -> memref<1x128x128xf32, #tpu.memory_space<vmem>>
        %parallel_loop3A_1164 = tpu.memref_squeeze %parallel_loop3A_1163 : memref<1x128x128xf32, #tpu.memory_space<vmem>> -> memref<128x128xf32, #tpu.memory_space<vmem>>
        %parallel_loop3A_1165 = tpu.vector_load_idx %parallel_loop3A_1164[%add3A_960, %parallel_loop3A_1159] : memref<128x128xf32, #tpu.memory_space<vmem>>[vector<16xi32>, vector<16xi32>], vector<16xf32>,
        %parallel_loop3A_1166 = arith.constant 3 : i32
        %parallel_loop3A_1167 = vector.broadcast %parallel_loop3A_1166 : i32 to vector<16xi32>
        %parallel_loop3A_1168 = arith.shrsi %parallel_loop3A_1159, %parallel_loop3A_1167 : vector<16xi32>
        %parallel_loop3A_1169 = arith.constant 7 : i32
        %parallel_loop3A_1170 = vector.broadcast %parallel_loop3A_1169 : i32 to vector<16xi32>
        %parallel_loop3A_1171 = arith.andi %parallel_loop3A_1159, %parallel_loop3A_1170 : vector<16xi32>
        %parallel_loop3A_1172 = arith.constant 2 : i32
        %parallel_loop3A_1173 = arith.constant 0 : i32
        %parallel_loop3A_1174 = arith.constant 0 : i32
        %parallel_loop3A_1175 = arith.constant 0 : i32
        %parallel_loop3A_1176 = tpu.memref_slice %arg8[%parallel_loop3A_1172, %parallel_loop3A_1173, %parallel_loop3A_1174, %parallel_loop3A_1175] : memref<4x8x8x128xf32, #tpu.memory_space<vmem>> -> memref<1x8x8x128xf32, #tpu.memory_space<vmem>>
        %parallel_loop3A_1177 = tpu.memref_squeeze %parallel_loop3A_1176 : memref<1x8x8x128xf32, #tpu.memory_space<vmem>> -> memref<8x8x128xf32, #tpu.memory_space<vmem>>
        tpu.vector_store_idx %parallel_loop3A_1177[%parallel_loop3A_1168, %parallel_loop3A_1171, %add3A_960], %parallel_loop3A_1165 : memref<8x8x128xf32, #tpu.memory_space<vmem>>[vector<16xi32>, vector<16xi32>, vector<16xi32>], vector<16xf32>,
      } {sc.loop_unroll_factor = 2 : i64, sc.parallel_access}
      %jit3A_964 = arith.constant 4 : i32
      %div3A_965 = arith.divsi %add3A_895, %jit3A_964 : i32
      %sign3A_966 = arith.constant 0 : i32
      %sign3A_967 = arith.cmpi sgt, %add3A_895, %sign3A_966 : i32
      %sign3A_968 = arith.extui %sign3A_967 : i1 to i32
      %sign3A_969 = arith.constant 0 : i32
      %sign3A_970 = arith.cmpi slt, %add3A_895, %sign3A_969 : i32
      %sign3A_971 = arith.extui %sign3A_970 : i1 to i32
      %sign3A_972 = arith.subi %sign3A_968, %sign3A_971 : i32
      %sign3A_973 = arith.constant 0 : i32
      %sign3A_974 = arith.cmpi sgt, %jit3A_964, %sign3A_973 : i32
      %sign3A_975 = arith.extui %sign3A_974 : i1 to i32
      %sign3A_976 = arith.constant 0 : i32
      %sign3A_977 = arith.cmpi slt, %jit3A_964, %sign3A_976 : i32
      %sign3A_978 = arith.extui %sign3A_977 : i1 to i32
      %sign3A_979 = arith.subi %sign3A_975, %sign3A_978 : i32
      %ne3A_980 = arith.cmpi ne, %sign3A_972, %sign3A_979 : i32
      %rem3A_981 = arith.remsi %add3A_895, %jit3A_964 : i32
      %ne3A_982 = arith.constant 0 : i32
      %ne3A_983 = arith.cmpi ne, %rem3A_981, %ne3A_982 : i32
      %and3A_984 = arith.andi %ne3A_980, %ne3A_983 : i1
      %sub3A_985 = arith.constant 1 : i32
      %sub3A_986 = arith.subi %div3A_965, %sub3A_985 : i32
      %select_n3A_987 = arith.select %and3A_984, %sub3A_986, %div3A_965 : i32
      %mul3A_988 = arith.constant 4 : i32
      %mul3A_989 = arith.muli %mul3A_988, %add3A : i32
      %rem3A_990 = arith.constant 4 : i32
      %rem3A_991 = arith.remsi %add3A_895, %rem3A_990 : i32
      %add3A_992 = arith.addi %mul3A_989, %rem3A_991 : i32
      %dma_start3A_993 = arith.constant 2 : i32
      %dma_start3A_994 = arith.constant 2 : i32
      %dma_start3A_995 = arith.constant 0 : i32
      %dma_start3A_996 = arith.constant 0 : i32
      %dma_start3A_997 = arith.constant 0 : i32
      %dma_start3A_998 = tpu.memref_slice %arg8[%dma_start3A_993, %dma_start3A_995, %dma_start3A_996, %dma_start3A_997] : memref<4x8x8x128xf32, #tpu.memory_space<vmem>> -> memref<1x8x8x128xf32, #tpu.memory_space<vmem>>
      %dma_start3A_999 = tpu.memref_squeeze %dma_start3A_998 : memref<1x8x8x128xf32, #tpu.memory_space<vmem>> -> memref<8x8x128xf32, #tpu.memory_space<vmem>>
      %dma_start3A_1000 = arith.constant 0 : i32
      %dma_start3A_1001 = arith.constant 0 : i32
      %dma_start3A_1002 = arith.constant 0 : i32
      %dma_start3A_1003 = tpu.memref_slice %arg4[%select_n3A_987, %dma_start3A_1000, %add3A_992, %dma_start3A_1001, %dma_start3A_1002] : memref<20x8x128x8x128xf32, #tpu.memory_space<hbm>> -> memref<1x8x1x8x128xf32, #tpu.memory_space<hbm>>
      %dma_start3A_1004 = tpu.memref_squeeze %dma_start3A_1003 : memref<1x8x1x8x128xf32, #tpu.memory_space<hbm>> -> memref<8x8x128xf32, #tpu.memory_space<hbm>>
      %dma_start3A_1005 = tpu.memref_slice %arg10[%dma_start3A_994] : memref<4x!tpu.dma_semaphore, #tpu.memory_space<semaphore_mem>> -> memref<1x!tpu.dma_semaphore, #tpu.memory_space<semaphore_mem>>
      %dma_start3A_1006 = tpu.memref_squeeze %dma_start3A_1005 : memref<1x!tpu.dma_semaphore, #tpu.memory_space<semaphore_mem>> -> memref<!tpu.dma_semaphore, #tpu.memory_space<semaphore_mem>>
      %dma_start3A_1007 = arith.constant 0 : i32
      %dma_start3A_1008 = arith.constant 0 : i32
      %dma_start3A_1009 = arith.constant 0 : i32
      %dma_start3A_1010 = tpu.memref_slice %arg4[%select_n3A_987, %dma_start3A_1007, %add3A_992, %dma_start3A_1008, %dma_start3A_1009] : memref<20x8x128x8x128xf32, #tpu.memory_space<hbm>> -> memref<1x8x1x8x128xf32, #tpu.memory_space<hbm>>
      %dma_start3A_1011 = tpu.memref_squeeze %dma_start3A_1010 : memref<1x8x1x8x128xf32, #tpu.memory_space<hbm>> -> memref<8x8x128xf32, #tpu.memory_space<hbm>>
      %dma_start3A_1012 = arith.constant 0 : i32
      %dma_start3A_1013 = arith.constant 0 : i32
      %dma_start3A_1014 = arith.constant 0 : i32
      %dma_start3A_1015 = tpu.memref_slice %arg8[%dma_start3A_993, %dma_start3A_1012, %dma_start3A_1013, %dma_start3A_1014] : memref<4x8x8x128xf32, #tpu.memory_space<vmem>> -> memref<1x8x8x128xf32, #tpu.memory_space<vmem>>
      %dma_start3A_1016 = tpu.memref_squeeze %dma_start3A_1015 : memref<1x8x8x128xf32, #tpu.memory_space<vmem>> -> memref<8x8x128xf32, #tpu.memory_space<vmem>>
      tpu.enqueue_dma source(%dma_start3A_1016 : memref<8x8x128xf32, #tpu.memory_space<vmem>>) target(%dma_start3A_1011 : memref<8x8x128xf32, #tpu.memory_space<hbm>>) target_semaphore(%dma_start3A_1006 : memref<!tpu.dma_semaphore, #tpu.memory_space<semaphore_mem>>)
      %add3A_1017 = arith.constant 4 : i32
      %add3A_1018 = arith.addi %add3A_895, %add3A_1017 : i32
      %lt3A_1019 = arith.constant 80 : i32
      %lt3A_1020 = arith.cmpi slt, %add3A_1018, %lt3A_1019 : i32
      %convert_element_type3A_1021 = arith.extui %lt3A_1020 : i1 to i32
      %cond3A_1022 = arith.constant 0 : i32
      %cond3A_1023 = arith.cmpi ne, %convert_element_type3A_1021, %cond3A_1022 : i32
      scf.if %cond3A_1023 {
        %jit3A_1154 = arith.constant 4 : i32
        %div3A_1155 = arith.divsi %add3A_1018, %jit3A_1154 : i32
        %sign3A_1156 = arith.constant 0 : i32
        %sign3A_1157 = arith.cmpi sgt, %add3A_1018, %sign3A_1156 : i32
        %sign3A_1158 = arith.extui %sign3A_1157 : i1 to i32
        %sign3A_1159 = arith.constant 0 : i32
        %sign3A_1160 = arith.cmpi slt, %add3A_1018, %sign3A_1159 : i32
        %sign3A_1161 = arith.extui %sign3A_1160 : i1 to i32
        %sign3A_1162 = arith.subi %sign3A_1158, %sign3A_1161 : i32
        %sign3A_1163 = arith.constant 0 : i32
        %sign3A_1164 = arith.cmpi sgt, %jit3A_1154, %sign3A_1163 : i32
        %sign3A_1165 = arith.extui %sign3A_1164 : i1 to i32
        %sign3A_1166 = arith.constant 0 : i32
        %sign3A_1167 = arith.cmpi slt, %jit3A_1154, %sign3A_1166 : i32
        %sign3A_1168 = arith.extui %sign3A_1167 : i1 to i32
        %sign3A_1169 = arith.subi %sign3A_1165, %sign3A_1168 : i32
        %ne3A_1170 = arith.cmpi ne, %sign3A_1162, %sign3A_1169 : i32
        %rem3A_1171 = arith.remsi %add3A_1018, %jit3A_1154 : i32
        %ne3A_1172 = arith.constant 0 : i32
        %ne3A_1173 = arith.cmpi ne, %rem3A_1171, %ne3A_1172 : i32
        %and3A_1174 = arith.andi %ne3A_1170, %ne3A_1173 : i1
        %sub3A_1175 = arith.constant 1 : i32
        %sub3A_1176 = arith.subi %div3A_1155, %sub3A_1175 : i32
        %select_n3A_1177 = arith.select %and3A_1174, %sub3A_1176, %div3A_1155 : i32
        %rem3A_1178 = arith.constant 4 : i32
        %rem3A_1179 = arith.remsi %add3A_1018, %rem3A_1178 : i32
        %mul3A_1180 = arith.constant 128 : i32
        %mul3A_1181 = arith.muli %mul3A_1180, %rem3A_1179 : i32
        %add3A_1182 = arith.constant 0 : i32
        %add3A_1183 = arith.addi %mul3A_1181, %add3A_1182 : i32
        %get3A_1184 = arith.index_cast %select_n3A_1177 : i32 to index
        %get3A_1185 = arith.index_cast %add3A_1183 : i32 to index
        %get3A_1186 = tpu.vector_load %arg5[%get3A_1184, %get3A_1185] {strides = array<i32>} : memref<20x512xi32, #tpu.memory_space<vmem>>, vector<16xi32>,
        %swap3A_1187 = arith.constant 2 : i32
        %swap3A_1188 = arith.index_cast %swap3A_1187 : i32 to index
        %swap3A_1189 = arith.constant 0 : index
        %swap3A_1190 = tpu.vector_load %arg6[%swap3A_1188, %swap3A_1189] {strides = array<i32>} : memref<4x128xi32, #tpu.memory_space<vmem>>, vector<16xi32>,
        tpu.vector_store %arg6[%swap3A_1188, %swap3A_1189], %get3A_1186 {strides = array<i32>} : memref<4x128xi32, #tpu.memory_space<vmem>>, vector<16xi32>,
        %mul3A_1191 = arith.constant 128 : i32
        %mul3A_1192 = arith.muli %mul3A_1191, %rem3A_1179 : i32
        %add3A_1193 = arith.constant 16 : i32
        %add3A_1194 = arith.addi %mul3A_1192, %add3A_1193 : i32
        %get3A_1195 = arith.index_cast %select_n3A_1177 : i32 to index
        %get3A_1196 = arith.index_cast %add3A_1194 : i32 to index
        %get3A_1197 = tpu.vector_load %arg5[%get3A_1195, %get3A_1196] {strides = array<i32>} : memref<20x512xi32, #tpu.memory_space<vmem>>, vector<16xi32>,
        %swap3A_1198 = arith.constant 2 : i32
        %swap3A_1199 = arith.index_cast %swap3A_1198 : i32 to index
        %swap3A_1200 = arith.constant 16 : index
        %swap3A_1201 = tpu.vector_load %arg6[%swap3A_1199, %swap3A_1200] {strides = array<i32>} : memref<4x128xi32, #tpu.memory_space<vmem>>, vector<16xi32>,
        tpu.vector_store %arg6[%swap3A_1199, %swap3A_1200], %get3A_1197 {strides = array<i32>} : memref<4x128xi32, #tpu.memory_space<vmem>>, vector<16xi32>,
        %mul3A_1202 = arith.constant 128 : i32
        %mul3A_1203 = arith.muli %mul3A_1202, %rem3A_1179 : i32
        %add3A_1204 = arith.constant 32 : i32
        %add3A_1205 = arith.addi %mul3A_1203, %add3A_1204 : i32
        %get3A_1206 = arith.index_cast %select_n3A_1177 : i32 to index
        %get3A_1207 = arith.index_cast %add3A_1205 : i32 to index
        %get3A_1208 = tpu.vector_load %arg5[%get3A_1206, %get3A_1207] {strides = array<i32>} : memref<20x512xi32, #tpu.memory_space<vmem>>, vector<16xi32>,
        %swap3A_1209 = arith.constant 2 : i32
        %swap3A_1210 = arith.index_cast %swap3A_1209 : i32 to index
        %swap3A_1211 = arith.constant 32 : index
        %swap3A_1212 = tpu.vector_load %arg6[%swap3A_1210, %swap3A_1211] {strides = array<i32>} : memref<4x128xi32, #tpu.memory_space<vmem>>, vector<16xi32>,
        tpu.vector_store %arg6[%swap3A_1210, %swap3A_1211], %get3A_1208 {strides = array<i32>} : memref<4x128xi32, #tpu.memory_space<vmem>>, vector<16xi32>,
        %mul3A_1213 = arith.constant 128 : i32
        %mul3A_1214 = arith.muli %mul3A_1213, %rem3A_1179 : i32
        %add3A_1215 = arith.constant 48 : i32
        %add3A_1216 = arith.addi %mul3A_1214, %add3A_1215 : i32
        %get3A_1217 = arith.index_cast %select_n3A_1177 : i32 to index
        %get3A_1218 = arith.index_cast %add3A_1216 : i32 to index
        %get3A_1219 = tpu.vector_load %arg5[%get3A_1217, %get3A_1218] {strides = array<i32>} : memref<20x512xi32, #tpu.memory_space<vmem>>, vector<16xi32>,
        %swap3A_1220 = arith.constant 2 : i32
        %swap3A_1221 = arith.index_cast %swap3A_1220 : i32 to index
        %swap3A_1222 = arith.constant 48 : index
        %swap3A_1223 = tpu.vector_load %arg6[%swap3A_1221, %swap3A_1222] {strides = array<i32>} : memref<4x128xi32, #tpu.memory_space<vmem>>, vector<16xi32>,
        tpu.vector_store %arg6[%swap3A_1221, %swap3A_1222], %get3A_1219 {strides = array<i32>} : memref<4x128xi32, #tpu.memory_space<vmem>>, vector<16xi32>,
        %mul3A_1224 = arith.constant 128 : i32
        %mul3A_1225 = arith.muli %mul3A_1224, %rem3A_1179 : i32
        %add3A_1226 = arith.constant 64 : i32
        %add3A_1227 = arith.addi %mul3A_1225, %add3A_1226 : i32
        %get3A_1228 = arith.index_cast %select_n3A_1177 : i32 to index
        %get3A_1229 = arith.index_cast %add3A_1227 : i32 to index
        %get3A_1230 = tpu.vector_load %arg5[%get3A_1228, %get3A_1229] {strides = array<i32>} : memref<20x512xi32, #tpu.memory_space<vmem>>, vector<16xi32>,
        %swap3A_1231 = arith.constant 2 : i32
        %swap3A_1232 = arith.index_cast %swap3A_1231 : i32 to index
        %swap3A_1233 = arith.constant 64 : index
        %swap3A_1234 = tpu.vector_load %arg6[%swap3A_1232, %swap3A_1233] {strides = array<i32>} : memref<4x128xi32, #tpu.memory_space<vmem>>, vector<16xi32>,
        tpu.vector_store %arg6[%swap3A_1232, %swap3A_1233], %get3A_1230 {strides = array<i32>} : memref<4x128xi32, #tpu.memory_space<vmem>>, vector<16xi32>,
        %mul3A_1235 = arith.constant 128 : i32
        %mul3A_1236 = arith.muli %mul3A_1235, %rem3A_1179 : i32
        %add3A_1237 = arith.constant 80 : i32
        %add3A_1238 = arith.addi %mul3A_1236, %add3A_1237 : i32
        %get3A_1239 = arith.index_cast %select_n3A_1177 : i32 to index
        %get3A_1240 = arith.index_cast %add3A_1238 : i32 to index
        %get3A_1241 = tpu.vector_load %arg5[%get3A_1239, %get3A_1240] {strides = array<i32>} : memref<20x512xi32, #tpu.memory_space<vmem>>, vector<16xi32>,
        %swap3A_1242 = arith.constant 2 : i32
        %swap3A_1243 = arith.index_cast %swap3A_1242 : i32 to index
        %swap3A_1244 = arith.constant 80 : index
        %swap3A_1245 = tpu.vector_load %arg6[%swap3A_1243, %swap3A_1244] {strides = array<i32>} : memref<4x128xi32, #tpu.memory_space<vmem>>, vector<16xi32>,
        tpu.vector_store %arg6[%swap3A_1243, %swap3A_1244], %get3A_1241 {strides = array<i32>} : memref<4x128xi32, #tpu.memory_space<vmem>>, vector<16xi32>,
        %mul3A_1246 = arith.constant 128 : i32
        %mul3A_1247 = arith.muli %mul3A_1246, %rem3A_1179 : i32
        %add3A_1248 = arith.constant 96 : i32
        %add3A_1249 = arith.addi %mul3A_1247, %add3A_1248 : i32
        %get3A_1250 = arith.index_cast %select_n3A_1177 : i32 to index
        %get3A_1251 = arith.index_cast %add3A_1249 : i32 to index
        %get3A_1252 = tpu.vector_load %arg5[%get3A_1250, %get3A_1251] {strides = array<i32>} : memref<20x512xi32, #tpu.memory_space<vmem>>, vector<16xi32>,
        %swap3A_1253 = arith.constant 2 : i32
        %swap3A_1254 = arith.index_cast %swap3A_1253 : i32 to index
        %swap3A_1255 = arith.constant 96 : index
        %swap3A_1256 = tpu.vector_load %arg6[%swap3A_1254, %swap3A_1255] {strides = array<i32>} : memref<4x128xi32, #tpu.memory_space<vmem>>, vector<16xi32>,
        tpu.vector_store %arg6[%swap3A_1254, %swap3A_1255], %get3A_1252 {strides = array<i32>} : memref<4x128xi32, #tpu.memory_space<vmem>>, vector<16xi32>,
        %mul3A_1257 = arith.constant 128 : i32
        %mul3A_1258 = arith.muli %mul3A_1257, %rem3A_1179 : i32
        %add3A_1259 = arith.constant 112 : i32
        %add3A_1260 = arith.addi %mul3A_1258, %add3A_1259 : i32
        %get3A_1261 = arith.index_cast %select_n3A_1177 : i32 to index
        %get3A_1262 = arith.index_cast %add3A_1260 : i32 to index
        %get3A_1263 = tpu.vector_load %arg5[%get3A_1261, %get3A_1262] {strides = array<i32>} : memref<20x512xi32, #tpu.memory_space<vmem>>, vector<16xi32>,
        %swap3A_1264 = arith.constant 2 : i32
        %swap3A_1265 = arith.index_cast %swap3A_1264 : i32 to index
        %swap3A_1266 = arith.constant 112 : index
        %swap3A_1267 = tpu.vector_load %arg6[%swap3A_1265, %swap3A_1266] {strides = array<i32>} : memref<4x128xi32, #tpu.memory_space<vmem>>, vector<16xi32>,
        tpu.vector_store %arg6[%swap3A_1265, %swap3A_1266], %get3A_1263 {strides = array<i32>} : memref<4x128xi32, #tpu.memory_space<vmem>>, vector<16xi32>,
        %dma_start3A_1268 = arith.constant 2 : i32
        %dma_start3A_1269 = arith.constant 2 : i32
        %dma_start3A_1270 = arith.constant 2 : i32
        %dma_start3A_1271 = arith.constant 0 : i32
        %dma_start3A_1272 = arith.constant 0 : i32
        %dma_start3A_1273 = tpu.memref_slice %arg7[%dma_start3A_1269, %dma_start3A_1271, %dma_start3A_1272] : memref<4x128x128xf32, #tpu.memory_space<vmem>> -> memref<1x128x128xf32, #tpu.memory_space<vmem>>
        %dma_start3A_1274 = tpu.memref_squeeze %dma_start3A_1273 : memref<1x128x128xf32, #tpu.memory_space<vmem>> -> memref<128x128xf32, #tpu.memory_space<vmem>>
        %dma_start3A_1275 = arith.constant 0 : i32
        %dma_start3A_1276 = tpu.memref_slice %arg6[%dma_start3A_1268, %dma_start3A_1275] : memref<4x128xi32, #tpu.memory_space<vmem>> -> memref<1x128xi32, #tpu.memory_space<vmem>>
        %dma_start3A_1277 = tpu.memref_squeeze %dma_start3A_1276 : memref<1x128xi32, #tpu.memory_space<vmem>> -> memref<128xi32, #tpu.memory_space<vmem>>
        %dma_start3A_1278 = arith.constant 0 : i32
        %dma_start3A_1279 = arith.constant 0 : i32
        %dma_start3A_1280 = tpu.memref_slice %arg3[%dma_start3A_1278, %dma_start3A_1279] : memref<1000000x128xf32, #tpu.memory_space<hbm>> -> memref<1000000x128xf32, #tpu.memory_space<hbm>>
        %dma_start3A_1281 = tpu.memref_slice %arg9[%dma_start3A_1270] : memref<4x!tpu.dma_semaphore, #tpu.memory_space<semaphore_mem>> -> memref<1x!tpu.dma_semaphore, #tpu.memory_space<semaphore_mem>>
        %dma_start3A_1282 = tpu.memref_squeeze %dma_start3A_1281 : memref<1x!tpu.dma_semaphore, #tpu.memory_space<semaphore_mem>> -> memref<!tpu.dma_semaphore, #tpu.memory_space<semaphore_mem>>
        tpu.enqueue_indirect_dma source(%dma_start3A_1280 : memref<1000000x128xf32, #tpu.memory_space<hbm>>) target(%dma_start3A_1274 : memref<128x128xf32, #tpu.memory_space<vmem>>) offsets(%dma_start3A_1277 : memref<128xi32, #tpu.memory_space<vmem>>) semaphore(%dma_start3A_1282 : memref<!tpu.dma_semaphore, #tpu.memory_space<semaphore_mem>>)
      } else {
      }
      %add3A_1024 = arith.constant 3 : i32
      %add3A_1025 = arith.addi %add3A_645, %add3A_1024 : i32
      %dma_wait3A_1026 = arith.constant 3 : i32
      %dma_wait3A_1027 = arith.constant 3 : i32
      %dma_wait3A_1028 = arith.constant 3 : i32
      %dma_wait3A_1029 = arith.constant 0 : i32
      %dma_wait3A_1030 = arith.constant 0 : i32
      %dma_wait3A_1031 = tpu.memref_slice %arg7[%dma_wait3A_1027, %dma_wait3A_1029, %dma_wait3A_1030] : memref<4x128x128xf32, #tpu.memory_space<vmem>> -> memref<1x128x128xf32, #tpu.memory_space<vmem>>
      %dma_wait3A_1032 = tpu.memref_squeeze %dma_wait3A_1031 : memref<1x128x128xf32, #tpu.memory_space<vmem>> -> memref<128x128xf32, #tpu.memory_space<vmem>>
      %dma_wait3A_1033 = arith.constant 0 : i32
      %dma_wait3A_1034 = tpu.memref_slice %arg6[%dma_wait3A_1026, %dma_wait3A_1033] : memref<4x128xi32, #tpu.memory_space<vmem>> -> memref<1x128xi32, #tpu.memory_space<vmem>>
      %dma_wait3A_1035 = tpu.memref_squeeze %dma_wait3A_1034 : memref<1x128xi32, #tpu.memory_space<vmem>> -> memref<128xi32, #tpu.memory_space<vmem>>
      %dma_wait3A_1036 = arith.constant 0 : i32
      %dma_wait3A_1037 = arith.constant 0 : i32
      %dma_wait3A_1038 = tpu.memref_slice %arg3[%dma_wait3A_1036, %dma_wait3A_1037] : memref<1000000x128xf32, #tpu.memory_space<hbm>> -> memref<1000000x128xf32, #tpu.memory_space<hbm>>
      %dma_wait3A_1039 = tpu.memref_slice %arg9[%dma_wait3A_1028] : memref<4x!tpu.dma_semaphore, #tpu.memory_space<semaphore_mem>> -> memref<1x!tpu.dma_semaphore, #tpu.memory_space<semaphore_mem>>
      %dma_wait3A_1040 = tpu.memref_squeeze %dma_wait3A_1039 : memref<1x!tpu.dma_semaphore, #tpu.memory_space<semaphore_mem>> -> memref<!tpu.dma_semaphore, #tpu.memory_space<semaphore_mem>>
      tpu.wait_indirect_dma semaphore(%dma_wait3A_1040 : memref<!tpu.dma_semaphore, #tpu.memory_space<semaphore_mem>>) src(%dma_wait3A_1038 : memref<1000000x128xf32, #tpu.memory_space<hbm>>) dst(%dma_wait3A_1032 : memref<128x128xf32, #tpu.memory_space<vmem>>)
      %ge3A_1041 = arith.constant 4 : i32
      %ge3A_1042 = arith.cmpi sge, %add3A_1025, %ge3A_1041 : i32
      %convert_element_type3A_1043 = arith.extui %ge3A_1042 : i1 to i32
      %cond3A_1044 = arith.constant 0 : i32
      %cond3A_1045 = arith.cmpi ne, %convert_element_type3A_1043, %cond3A_1044 : i32
      scf.if %cond3A_1045 {
        %sub3A_1154 = arith.constant 4 : i32
        %sub3A_1155 = arith.subi %add3A_1025, %sub3A_1154 : i32
        %jit3A_1156 = arith.constant 4 : i32
        %div3A_1157 = arith.divsi %sub3A_1155, %jit3A_1156 : i32
        %sign3A_1158 = arith.constant 0 : i32
        %sign3A_1159 = arith.cmpi sgt, %sub3A_1155, %sign3A_1158 : i32
        %sign3A_1160 = arith.extui %sign3A_1159 : i1 to i32
        %sign3A_1161 = arith.constant 0 : i32
        %sign3A_1162 = arith.cmpi slt, %sub3A_1155, %sign3A_1161 : i32
        %sign3A_1163 = arith.extui %sign3A_1162 : i1 to i32
        %sign3A_1164 = arith.subi %sign3A_1160, %sign3A_1163 : i32
        %sign3A_1165 = arith.constant 0 : i32
        %sign3A_1166 = arith.cmpi sgt, %jit3A_1156, %sign3A_1165 : i32
        %sign3A_1167 = arith.extui %sign3A_1166 : i1 to i32
        %sign3A_1168 = arith.constant 0 : i32
        %sign3A_1169 = arith.cmpi slt, %jit3A_1156, %sign3A_1168 : i32
        %sign3A_1170 = arith.extui %sign3A_1169 : i1 to i32
        %sign3A_1171 = arith.subi %sign3A_1167, %sign3A_1170 : i32
        %ne3A_1172 = arith.cmpi ne, %sign3A_1164, %sign3A_1171 : i32
        %rem3A_1173 = arith.remsi %sub3A_1155, %jit3A_1156 : i32
        %ne3A_1174 = arith.constant 0 : i32
        %ne3A_1175 = arith.cmpi ne, %rem3A_1173, %ne3A_1174 : i32
        %and3A_1176 = arith.andi %ne3A_1172, %ne3A_1175 : i1
        %sub3A_1177 = arith.constant 1 : i32
        %sub3A_1178 = arith.subi %div3A_1157, %sub3A_1177 : i32
        %select_n3A_1179 = arith.select %and3A_1176, %sub3A_1178, %div3A_1157 : i32
        %mul3A_1180 = arith.constant 4 : i32
        %mul3A_1181 = arith.muli %mul3A_1180, %add3A : i32
        %rem3A_1182 = arith.constant 4 : i32
        %rem3A_1183 = arith.remsi %sub3A_1155, %rem3A_1182 : i32
        %add3A_1184 = arith.addi %mul3A_1181, %rem3A_1183 : i32
        %dma_wait3A_1185 = arith.constant 3 : i32
        %dma_wait3A_1186 = arith.constant 3 : i32
        %dma_wait3A_1187 = arith.constant 0 : i32
        %dma_wait3A_1188 = arith.constant 0 : i32
        %dma_wait3A_1189 = arith.constant 0 : i32
        %dma_wait3A_1190 = tpu.memref_slice %arg8[%dma_wait3A_1185, %dma_wait3A_1187, %dma_wait3A_1188, %dma_wait3A_1189] : memref<4x8x8x128xf32, #tpu.memory_space<vmem>> -> memref<1x8x8x128xf32, #tpu.memory_space<vmem>>
        %dma_wait3A_1191 = tpu.memref_squeeze %dma_wait3A_1190 : memref<1x8x8x128xf32, #tpu.memory_space<vmem>> -> memref<8x8x128xf32, #tpu.memory_space<vmem>>
        %dma_wait3A_1192 = arith.constant 0 : i32
        %dma_wait3A_1193 = arith.constant 0 : i32
        %dma_wait3A_1194 = arith.constant 0 : i32
        %dma_wait3A_1195 = tpu.memref_slice %arg4[%select_n3A_1179, %dma_wait3A_1192, %add3A_1184, %dma_wait3A_1193, %dma_wait3A_1194] : memref<20x8x128x8x128xf32, #tpu.memory_space<hbm>> -> memref<1x8x1x8x128xf32, #tpu.memory_space<hbm>>
        %dma_wait3A_1196 = tpu.memref_squeeze %dma_wait3A_1195 : memref<1x8x1x8x128xf32, #tpu.memory_space<hbm>> -> memref<8x8x128xf32, #tpu.memory_space<hbm>>
        %dma_wait3A_1197 = tpu.memref_slice %arg10[%dma_wait3A_1186] : memref<4x!tpu.dma_semaphore, #tpu.memory_space<semaphore_mem>> -> memref<1x!tpu.dma_semaphore, #tpu.memory_space<semaphore_mem>>
        %dma_wait3A_1198 = tpu.memref_squeeze %dma_wait3A_1197 : memref<1x!tpu.dma_semaphore, #tpu.memory_space<semaphore_mem>> -> memref<!tpu.dma_semaphore, #tpu.memory_space<semaphore_mem>>
        %dma_wait3A_1199 = arith.constant 0 : i32
        %dma_wait3A_1200 = arith.constant 0 : i32
        %dma_wait3A_1201 = arith.constant 0 : i32
        %dma_wait3A_1202 = tpu.memref_slice %arg4[%select_n3A_1179, %dma_wait3A_1199, %add3A_1184, %dma_wait3A_1200, %dma_wait3A_1201] : memref<20x8x128x8x128xf32, #tpu.memory_space<hbm>> -> memref<1x8x1x8x128xf32, #tpu.memory_space<hbm>>
        %dma_wait3A_1203 = tpu.memref_squeeze %dma_wait3A_1202 : memref<1x8x1x8x128xf32, #tpu.memory_space<hbm>> -> memref<8x8x128xf32, #tpu.memory_space<hbm>>
        %dma_wait3A_1204 = arith.constant 0 : i32
        %dma_wait3A_1205 = arith.constant 0 : i32
        %dma_wait3A_1206 = arith.constant 0 : i32
        %dma_wait3A_1207 = tpu.memref_slice %arg8[%dma_wait3A_1185, %dma_wait3A_1204, %dma_wait3A_1205, %dma_wait3A_1206] : memref<4x8x8x128xf32, #tpu.memory_space<vmem>> -> memref<1x8x8x128xf32, #tpu.memory_space<vmem>>
        %dma_wait3A_1208 = tpu.memref_squeeze %dma_wait3A_1207 : memref<1x8x8x128xf32, #tpu.memory_space<vmem>> -> memref<8x8x128xf32, #tpu.memory_space<vmem>>
        tpu.wait_dma2 semaphore(%dma_wait3A_1198 : memref<!tpu.dma_semaphore, #tpu.memory_space<semaphore_mem>>) src(%dma_wait3A_1208 : memref<8x8x128xf32, #tpu.memory_space<vmem>>) dst(%dma_wait3A_1203 : memref<8x8x128xf32, #tpu.memory_space<hbm>>)
      } else {
      }
      %add3A_1046 = arith.constant 0 : i32
      %add3A_1047 = vector.broadcast %add3A_1046 : i32 to vector<16xi32>
      %add3A_1048 = arith.addi %iota3A, %add3A_1047 : vector<16xi32>
      %parallel_loop3A_1049 = arith.constant 0 : i32
      %parallel_loop3A_1050 = arith.constant 64 : i32
      %parallel_loop3A_1051 = arith.constant 1 : i32
      scf.for %parallel_loop3A_1154 = %parallel_loop3A_1049 to %parallel_loop3A_1050 step %parallel_loop3A_1051  : i32 {
        %parallel_loop3A_1155 = vector.broadcast %parallel_loop3A_1154 : i32 to vector<16xi32>
        %parallel_loop3A_1156 = arith.addi %parallel_loop3A_1155, %iota3A : vector<16xi32>
        %parallel_loop3A_1157 = arith.constant 63 : i32
        %parallel_loop3A_1158 = vector.broadcast %parallel_loop3A_1157 : i32 to vector<16xi32>
        %parallel_loop3A_1159 = arith.andi %parallel_loop3A_1156, %parallel_loop3A_1158 : vector<16xi32>
        %parallel_loop3A_1160 = arith.constant 3 : i32
        %parallel_loop3A_1161 = arith.constant 0 : i32
        %parallel_loop3A_1162 = arith.constant 0 : i32
        %parallel_loop3A_1163 = tpu.memref_slice %arg7[%parallel_loop3A_1160, %parallel_loop3A_1161, %parallel_loop3A_1162] : memref<4x128x128xf32, #tpu.memory_space<vmem>> -> memref<1x128x128xf32, #tpu.memory_space<vmem>>
        %parallel_loop3A_1164 = tpu.memref_squeeze %parallel_loop3A_1163 : memref<1x128x128xf32, #tpu.memory_space<vmem>> -> memref<128x128xf32, #tpu.memory_space<vmem>>
        %parallel_loop3A_1165 = tpu.vector_load_idx %parallel_loop3A_1164[%add3A_1048, %parallel_loop3A_1159] : memref<128x128xf32, #tpu.memory_space<vmem>>[vector<16xi32>, vector<16xi32>], vector<16xf32>,
        %parallel_loop3A_1166 = arith.constant 3 : i32
        %parallel_loop3A_1167 = vector.broadcast %parallel_loop3A_1166 : i32 to vector<16xi32>
        %parallel_loop3A_1168 = arith.shrsi %parallel_loop3A_1159, %parallel_loop3A_1167 : vector<16xi32>
        %parallel_loop3A_1169 = arith.constant 7 : i32
        %parallel_loop3A_1170 = vector.broadcast %parallel_loop3A_1169 : i32 to vector<16xi32>
        %parallel_loop3A_1171 = arith.andi %parallel_loop3A_1159, %parallel_loop3A_1170 : vector<16xi32>
        %parallel_loop3A_1172 = arith.constant 3 : i32
        %parallel_loop3A_1173 = arith.constant 0 : i32
        %parallel_loop3A_1174 = arith.constant 0 : i32
        %parallel_loop3A_1175 = arith.constant 0 : i32
        %parallel_loop3A_1176 = tpu.memref_slice %arg8[%parallel_loop3A_1172, %parallel_loop3A_1173, %parallel_loop3A_1174, %parallel_loop3A_1175] : memref<4x8x8x128xf32, #tpu.memory_space<vmem>> -> memref<1x8x8x128xf32, #tpu.memory_space<vmem>>
        %parallel_loop3A_1177 = tpu.memref_squeeze %parallel_loop3A_1176 : memref<1x8x8x128xf32, #tpu.memory_space<vmem>> -> memref<8x8x128xf32, #tpu.memory_space<vmem>>
        tpu.vector_store_idx %parallel_loop3A_1177[%parallel_loop3A_1168, %parallel_loop3A_1171, %add3A_1048], %parallel_loop3A_1165 : memref<8x8x128xf32, #tpu.memory_space<vmem>>[vector<16xi32>, vector<16xi32>, vector<16xi32>], vector<16xf32>,
      } {sc.loop_unroll_factor = 2 : i64, sc.parallel_access}
      %add3A_1052 = arith.constant 16 : i32
      %add3A_1053 = vector.broadcast %add3A_1052 : i32 to vector<16xi32>
      %add3A_1054 = arith.addi %iota3A, %add3A_1053 : vector<16xi32>
      %parallel_loop3A_1055 = arith.constant 0 : i32
      %parallel_loop3A_1056 = arith.constant 64 : i32
      %parallel_loop3A_1057 = arith.constant 1 : i32
      scf.for %parallel_loop3A_1154 = %parallel_loop3A_1055 to %parallel_loop3A_1056 step %parallel_loop3A_1057  : i32 {
        %parallel_loop3A_1155 = vector.broadcast %parallel_loop3A_1154 : i32 to vector<16xi32>
        %parallel_loop3A_1156 = arith.addi %parallel_loop3A_1155, %iota3A : vector<16xi32>
        %parallel_loop3A_1157 = arith.constant 63 : i32
        %parallel_loop3A_1158 = vector.broadcast %parallel_loop3A_1157 : i32 to vector<16xi32>
        %parallel_loop3A_1159 = arith.andi %parallel_loop3A_1156, %parallel_loop3A_1158 : vector<16xi32>
        %parallel_loop3A_1160 = arith.constant 3 : i32
        %parallel_loop3A_1161 = arith.constant 0 : i32
        %parallel_loop3A_1162 = arith.constant 0 : i32
        %parallel_loop3A_1163 = tpu.memref_slice %arg7[%parallel_loop3A_1160, %parallel_loop3A_1161, %parallel_loop3A_1162] : memref<4x128x128xf32, #tpu.memory_space<vmem>> -> memref<1x128x128xf32, #tpu.memory_space<vmem>>
        %parallel_loop3A_1164 = tpu.memref_squeeze %parallel_loop3A_1163 : memref<1x128x128xf32, #tpu.memory_space<vmem>> -> memref<128x128xf32, #tpu.memory_space<vmem>>
        %parallel_loop3A_1165 = tpu.vector_load_idx %parallel_loop3A_1164[%add3A_1054, %parallel_loop3A_1159] : memref<128x128xf32, #tpu.memory_space<vmem>>[vector<16xi32>, vector<16xi32>], vector<16xf32>,
        %parallel_loop3A_1166 = arith.constant 3 : i32
        %parallel_loop3A_1167 = vector.broadcast %parallel_loop3A_1166 : i32 to vector<16xi32>
        %parallel_loop3A_1168 = arith.shrsi %parallel_loop3A_1159, %parallel_loop3A_1167 : vector<16xi32>
        %parallel_loop3A_1169 = arith.constant 7 : i32
        %parallel_loop3A_1170 = vector.broadcast %parallel_loop3A_1169 : i32 to vector<16xi32>
        %parallel_loop3A_1171 = arith.andi %parallel_loop3A_1159, %parallel_loop3A_1170 : vector<16xi32>
        %parallel_loop3A_1172 = arith.constant 3 : i32
        %parallel_loop3A_1173 = arith.constant 0 : i32
        %parallel_loop3A_1174 = arith.constant 0 : i32
        %parallel_loop3A_1175 = arith.constant 0 : i32
        %parallel_loop3A_1176 = tpu.memref_slice %arg8[%parallel_loop3A_1172, %parallel_loop3A_1173, %parallel_loop3A_1174, %parallel_loop3A_1175] : memref<4x8x8x128xf32, #tpu.memory_space<vmem>> -> memref<1x8x8x128xf32, #tpu.memory_space<vmem>>
        %parallel_loop3A_1177 = tpu.memref_squeeze %parallel_loop3A_1176 : memref<1x8x8x128xf32, #tpu.memory_space<vmem>> -> memref<8x8x128xf32, #tpu.memory_space<vmem>>
        tpu.vector_store_idx %parallel_loop3A_1177[%parallel_loop3A_1168, %parallel_loop3A_1171, %add3A_1054], %parallel_loop3A_1165 : memref<8x8x128xf32, #tpu.memory_space<vmem>>[vector<16xi32>, vector<16xi32>, vector<16xi32>], vector<16xf32>,
      } {sc.loop_unroll_factor = 2 : i64, sc.parallel_access}
      %add3A_1058 = arith.constant 32 : i32
      %add3A_1059 = vector.broadcast %add3A_1058 : i32 to vector<16xi32>
      %add3A_1060 = arith.addi %iota3A, %add3A_1059 : vector<16xi32>
      %parallel_loop3A_1061 = arith.constant 0 : i32
      %parallel_loop3A_1062 = arith.constant 64 : i32
      %parallel_loop3A_1063 = arith.constant 1 : i32
      scf.for %parallel_loop3A_1154 = %parallel_loop3A_1061 to %parallel_loop3A_1062 step %parallel_loop3A_1063  : i32 {
        %parallel_loop3A_1155 = vector.broadcast %parallel_loop3A_1154 : i32 to vector<16xi32>
        %parallel_loop3A_1156 = arith.addi %parallel_loop3A_1155, %iota3A : vector<16xi32>
        %parallel_loop3A_1157 = arith.constant 63 : i32
        %parallel_loop3A_1158 = vector.broadcast %parallel_loop3A_1157 : i32 to vector<16xi32>
        %parallel_loop3A_1159 = arith.andi %parallel_loop3A_1156, %parallel_loop3A_1158 : vector<16xi32>
        %parallel_loop3A_1160 = arith.constant 3 : i32
        %parallel_loop3A_1161 = arith.constant 0 : i32
        %parallel_loop3A_1162 = arith.constant 0 : i32
        %parallel_loop3A_1163 = tpu.memref_slice %arg7[%parallel_loop3A_1160, %parallel_loop3A_1161, %parallel_loop3A_1162] : memref<4x128x128xf32, #tpu.memory_space<vmem>> -> memref<1x128x128xf32, #tpu.memory_space<vmem>>
        %parallel_loop3A_1164 = tpu.memref_squeeze %parallel_loop3A_1163 : memref<1x128x128xf32, #tpu.memory_space<vmem>> -> memref<128x128xf32, #tpu.memory_space<vmem>>
        %parallel_loop3A_1165 = tpu.vector_load_idx %parallel_loop3A_1164[%add3A_1060, %parallel_loop3A_1159] : memref<128x128xf32, #tpu.memory_space<vmem>>[vector<16xi32>, vector<16xi32>], vector<16xf32>,
        %parallel_loop3A_1166 = arith.constant 3 : i32
        %parallel_loop3A_1167 = vector.broadcast %parallel_loop3A_1166 : i32 to vector<16xi32>
        %parallel_loop3A_1168 = arith.shrsi %parallel_loop3A_1159, %parallel_loop3A_1167 : vector<16xi32>
        %parallel_loop3A_1169 = arith.constant 7 : i32
        %parallel_loop3A_1170 = vector.broadcast %parallel_loop3A_1169 : i32 to vector<16xi32>
        %parallel_loop3A_1171 = arith.andi %parallel_loop3A_1159, %parallel_loop3A_1170 : vector<16xi32>
        %parallel_loop3A_1172 = arith.constant 3 : i32
        %parallel_loop3A_1173 = arith.constant 0 : i32
        %parallel_loop3A_1174 = arith.constant 0 : i32
        %parallel_loop3A_1175 = arith.constant 0 : i32
        %parallel_loop3A_1176 = tpu.memref_slice %arg8[%parallel_loop3A_1172, %parallel_loop3A_1173, %parallel_loop3A_1174, %parallel_loop3A_1175] : memref<4x8x8x128xf32, #tpu.memory_space<vmem>> -> memref<1x8x8x128xf32, #tpu.memory_space<vmem>>
        %parallel_loop3A_1177 = tpu.memref_squeeze %parallel_loop3A_1176 : memref<1x8x8x128xf32, #tpu.memory_space<vmem>> -> memref<8x8x128xf32, #tpu.memory_space<vmem>>
        tpu.vector_store_idx %parallel_loop3A_1177[%parallel_loop3A_1168, %parallel_loop3A_1171, %add3A_1060], %parallel_loop3A_1165 : memref<8x8x128xf32, #tpu.memory_space<vmem>>[vector<16xi32>, vector<16xi32>, vector<16xi32>], vector<16xf32>,
      } {sc.loop_unroll_factor = 2 : i64, sc.parallel_access}
      %add3A_1064 = arith.constant 48 : i32
      %add3A_1065 = vector.broadcast %add3A_1064 : i32 to vector<16xi32>
      %add3A_1066 = arith.addi %iota3A, %add3A_1065 : vector<16xi32>
      %parallel_loop3A_1067 = arith.constant 0 : i32
      %parallel_loop3A_1068 = arith.constant 64 : i32
      %parallel_loop3A_1069 = arith.constant 1 : i32
      scf.for %parallel_loop3A_1154 = %parallel_loop3A_1067 to %parallel_loop3A_1068 step %parallel_loop3A_1069  : i32 {
        %parallel_loop3A_1155 = vector.broadcast %parallel_loop3A_1154 : i32 to vector<16xi32>
        %parallel_loop3A_1156 = arith.addi %parallel_loop3A_1155, %iota3A : vector<16xi32>
        %parallel_loop3A_1157 = arith.constant 63 : i32
        %parallel_loop3A_1158 = vector.broadcast %parallel_loop3A_1157 : i32 to vector<16xi32>
        %parallel_loop3A_1159 = arith.andi %parallel_loop3A_1156, %parallel_loop3A_1158 : vector<16xi32>
        %parallel_loop3A_1160 = arith.constant 3 : i32
        %parallel_loop3A_1161 = arith.constant 0 : i32
        %parallel_loop3A_1162 = arith.constant 0 : i32
        %parallel_loop3A_1163 = tpu.memref_slice %arg7[%parallel_loop3A_1160, %parallel_loop3A_1161, %parallel_loop3A_1162] : memref<4x128x128xf32, #tpu.memory_space<vmem>> -> memref<1x128x128xf32, #tpu.memory_space<vmem>>
        %parallel_loop3A_1164 = tpu.memref_squeeze %parallel_loop3A_1163 : memref<1x128x128xf32, #tpu.memory_space<vmem>> -> memref<128x128xf32, #tpu.memory_space<vmem>>
        %parallel_loop3A_1165 = tpu.vector_load_idx %parallel_loop3A_1164[%add3A_1066, %parallel_loop3A_1159] : memref<128x128xf32, #tpu.memory_space<vmem>>[vector<16xi32>, vector<16xi32>], vector<16xf32>,
        %parallel_loop3A_1166 = arith.constant 3 : i32
        %parallel_loop3A_1167 = vector.broadcast %parallel_loop3A_1166 : i32 to vector<16xi32>
        %parallel_loop3A_1168 = arith.shrsi %parallel_loop3A_1159, %parallel_loop3A_1167 : vector<16xi32>
        %parallel_loop3A_1169 = arith.constant 7 : i32
        %parallel_loop3A_1170 = vector.broadcast %parallel_loop3A_1169 : i32 to vector<16xi32>
        %parallel_loop3A_1171 = arith.andi %parallel_loop3A_1159, %parallel_loop3A_1170 : vector<16xi32>
        %parallel_loop3A_1172 = arith.constant 3 : i32
        %parallel_loop3A_1173 = arith.constant 0 : i32
        %parallel_loop3A_1174 = arith.constant 0 : i32
        %parallel_loop3A_1175 = arith.constant 0 : i32
        %parallel_loop3A_1176 = tpu.memref_slice %arg8[%parallel_loop3A_1172, %parallel_loop3A_1173, %parallel_loop3A_1174, %parallel_loop3A_1175] : memref<4x8x8x128xf32, #tpu.memory_space<vmem>> -> memref<1x8x8x128xf32, #tpu.memory_space<vmem>>
        %parallel_loop3A_1177 = tpu.memref_squeeze %parallel_loop3A_1176 : memref<1x8x8x128xf32, #tpu.memory_space<vmem>> -> memref<8x8x128xf32, #tpu.memory_space<vmem>>
        tpu.vector_store_idx %parallel_loop3A_1177[%parallel_loop3A_1168, %parallel_loop3A_1171, %add3A_1066], %parallel_loop3A_1165 : memref<8x8x128xf32, #tpu.memory_space<vmem>>[vector<16xi32>, vector<16xi32>, vector<16xi32>], vector<16xf32>,
      } {sc.loop_unroll_factor = 2 : i64, sc.parallel_access}
      %add3A_1070 = arith.constant 64 : i32
      %add3A_1071 = vector.broadcast %add3A_1070 : i32 to vector<16xi32>
      %add3A_1072 = arith.addi %iota3A, %add3A_1071 : vector<16xi32>
      %parallel_loop3A_1073 = arith.constant 0 : i32
      %parallel_loop3A_1074 = arith.constant 64 : i32
      %parallel_loop3A_1075 = arith.constant 1 : i32
      scf.for %parallel_loop3A_1154 = %parallel_loop3A_1073 to %parallel_loop3A_1074 step %parallel_loop3A_1075  : i32 {
        %parallel_loop3A_1155 = vector.broadcast %parallel_loop3A_1154 : i32 to vector<16xi32>
        %parallel_loop3A_1156 = arith.addi %parallel_loop3A_1155, %iota3A : vector<16xi32>
        %parallel_loop3A_1157 = arith.constant 63 : i32
        %parallel_loop3A_1158 = vector.broadcast %parallel_loop3A_1157 : i32 to vector<16xi32>
        %parallel_loop3A_1159 = arith.andi %parallel_loop3A_1156, %parallel_loop3A_1158 : vector<16xi32>
        %parallel_loop3A_1160 = arith.constant 3 : i32
        %parallel_loop3A_1161 = arith.constant 0 : i32
        %parallel_loop3A_1162 = arith.constant 0 : i32
        %parallel_loop3A_1163 = tpu.memref_slice %arg7[%parallel_loop3A_1160, %parallel_loop3A_1161, %parallel_loop3A_1162] : memref<4x128x128xf32, #tpu.memory_space<vmem>> -> memref<1x128x128xf32, #tpu.memory_space<vmem>>
        %parallel_loop3A_1164 = tpu.memref_squeeze %parallel_loop3A_1163 : memref<1x128x128xf32, #tpu.memory_space<vmem>> -> memref<128x128xf32, #tpu.memory_space<vmem>>
        %parallel_loop3A_1165 = tpu.vector_load_idx %parallel_loop3A_1164[%add3A_1072, %parallel_loop3A_1159] : memref<128x128xf32, #tpu.memory_space<vmem>>[vector<16xi32>, vector<16xi32>], vector<16xf32>,
        %parallel_loop3A_1166 = arith.constant 3 : i32
        %parallel_loop3A_1167 = vector.broadcast %parallel_loop3A_1166 : i32 to vector<16xi32>
        %parallel_loop3A_1168 = arith.shrsi %parallel_loop3A_1159, %parallel_loop3A_1167 : vector<16xi32>
        %parallel_loop3A_1169 = arith.constant 7 : i32
        %parallel_loop3A_1170 = vector.broadcast %parallel_loop3A_1169 : i32 to vector<16xi32>
        %parallel_loop3A_1171 = arith.andi %parallel_loop3A_1159, %parallel_loop3A_1170 : vector<16xi32>
        %parallel_loop3A_1172 = arith.constant 3 : i32
        %parallel_loop3A_1173 = arith.constant 0 : i32
        %parallel_loop3A_1174 = arith.constant 0 : i32
        %parallel_loop3A_1175 = arith.constant 0 : i32
        %parallel_loop3A_1176 = tpu.memref_slice %arg8[%parallel_loop3A_1172, %parallel_loop3A_1173, %parallel_loop3A_1174, %parallel_loop3A_1175] : memref<4x8x8x128xf32, #tpu.memory_space<vmem>> -> memref<1x8x8x128xf32, #tpu.memory_space<vmem>>
        %parallel_loop3A_1177 = tpu.memref_squeeze %parallel_loop3A_1176 : memref<1x8x8x128xf32, #tpu.memory_space<vmem>> -> memref<8x8x128xf32, #tpu.memory_space<vmem>>
        tpu.vector_store_idx %parallel_loop3A_1177[%parallel_loop3A_1168, %parallel_loop3A_1171, %add3A_1072], %parallel_loop3A_1165 : memref<8x8x128xf32, #tpu.memory_space<vmem>>[vector<16xi32>, vector<16xi32>, vector<16xi32>], vector<16xf32>,
      } {sc.loop_unroll_factor = 2 : i64, sc.parallel_access}
      %add3A_1076 = arith.constant 80 : i32
      %add3A_1077 = vector.broadcast %add3A_1076 : i32 to vector<16xi32>
      %add3A_1078 = arith.addi %iota3A, %add3A_1077 : vector<16xi32>
      %parallel_loop3A_1079 = arith.constant 0 : i32
      %parallel_loop3A_1080 = arith.constant 64 : i32
      %parallel_loop3A_1081 = arith.constant 1 : i32
      scf.for %parallel_loop3A_1154 = %parallel_loop3A_1079 to %parallel_loop3A_1080 step %parallel_loop3A_1081  : i32 {
        %parallel_loop3A_1155 = vector.broadcast %parallel_loop3A_1154 : i32 to vector<16xi32>
        %parallel_loop3A_1156 = arith.addi %parallel_loop3A_1155, %iota3A : vector<16xi32>
        %parallel_loop3A_1157 = arith.constant 63 : i32
        %parallel_loop3A_1158 = vector.broadcast %parallel_loop3A_1157 : i32 to vector<16xi32>
        %parallel_loop3A_1159 = arith.andi %parallel_loop3A_1156, %parallel_loop3A_1158 : vector<16xi32>
        %parallel_loop3A_1160 = arith.constant 3 : i32
        %parallel_loop3A_1161 = arith.constant 0 : i32
        %parallel_loop3A_1162 = arith.constant 0 : i32
        %parallel_loop3A_1163 = tpu.memref_slice %arg7[%parallel_loop3A_1160, %parallel_loop3A_1161, %parallel_loop3A_1162] : memref<4x128x128xf32, #tpu.memory_space<vmem>> -> memref<1x128x128xf32, #tpu.memory_space<vmem>>
        %parallel_loop3A_1164 = tpu.memref_squeeze %parallel_loop3A_1163 : memref<1x128x128xf32, #tpu.memory_space<vmem>> -> memref<128x128xf32, #tpu.memory_space<vmem>>
        %parallel_loop3A_1165 = tpu.vector_load_idx %parallel_loop3A_1164[%add3A_1078, %parallel_loop3A_1159] : memref<128x128xf32, #tpu.memory_space<vmem>>[vector<16xi32>, vector<16xi32>], vector<16xf32>,
        %parallel_loop3A_1166 = arith.constant 3 : i32
        %parallel_loop3A_1167 = vector.broadcast %parallel_loop3A_1166 : i32 to vector<16xi32>
        %parallel_loop3A_1168 = arith.shrsi %parallel_loop3A_1159, %parallel_loop3A_1167 : vector<16xi32>
        %parallel_loop3A_1169 = arith.constant 7 : i32
        %parallel_loop3A_1170 = vector.broadcast %parallel_loop3A_1169 : i32 to vector<16xi32>
        %parallel_loop3A_1171 = arith.andi %parallel_loop3A_1159, %parallel_loop3A_1170 : vector<16xi32>
        %parallel_loop3A_1172 = arith.constant 3 : i32
        %parallel_loop3A_1173 = arith.constant 0 : i32
        %parallel_loop3A_1174 = arith.constant 0 : i32
        %parallel_loop3A_1175 = arith.constant 0 : i32
        %parallel_loop3A_1176 = tpu.memref_slice %arg8[%parallel_loop3A_1172, %parallel_loop3A_1173, %parallel_loop3A_1174, %parallel_loop3A_1175] : memref<4x8x8x128xf32, #tpu.memory_space<vmem>> -> memref<1x8x8x128xf32, #tpu.memory_space<vmem>>
        %parallel_loop3A_1177 = tpu.memref_squeeze %parallel_loop3A_1176 : memref<1x8x8x128xf32, #tpu.memory_space<vmem>> -> memref<8x8x128xf32, #tpu.memory_space<vmem>>
        tpu.vector_store_idx %parallel_loop3A_1177[%parallel_loop3A_1168, %parallel_loop3A_1171, %add3A_1078], %parallel_loop3A_1165 : memref<8x8x128xf32, #tpu.memory_space<vmem>>[vector<16xi32>, vector<16xi32>, vector<16xi32>], vector<16xf32>,
      } {sc.loop_unroll_factor = 2 : i64, sc.parallel_access}
      %add3A_1082 = arith.constant 96 : i32
      %add3A_1083 = vector.broadcast %add3A_1082 : i32 to vector<16xi32>
      %add3A_1084 = arith.addi %iota3A, %add3A_1083 : vector<16xi32>
      %parallel_loop3A_1085 = arith.constant 0 : i32
      %parallel_loop3A_1086 = arith.constant 64 : i32
      %parallel_loop3A_1087 = arith.constant 1 : i32
      scf.for %parallel_loop3A_1154 = %parallel_loop3A_1085 to %parallel_loop3A_1086 step %parallel_loop3A_1087  : i32 {
        %parallel_loop3A_1155 = vector.broadcast %parallel_loop3A_1154 : i32 to vector<16xi32>
        %parallel_loop3A_1156 = arith.addi %parallel_loop3A_1155, %iota3A : vector<16xi32>
        %parallel_loop3A_1157 = arith.constant 63 : i32
        %parallel_loop3A_1158 = vector.broadcast %parallel_loop3A_1157 : i32 to vector<16xi32>
        %parallel_loop3A_1159 = arith.andi %parallel_loop3A_1156, %parallel_loop3A_1158 : vector<16xi32>
        %parallel_loop3A_1160 = arith.constant 3 : i32
        %parallel_loop3A_1161 = arith.constant 0 : i32
        %parallel_loop3A_1162 = arith.constant 0 : i32
        %parallel_loop3A_1163 = tpu.memref_slice %arg7[%parallel_loop3A_1160, %parallel_loop3A_1161, %parallel_loop3A_1162] : memref<4x128x128xf32, #tpu.memory_space<vmem>> -> memref<1x128x128xf32, #tpu.memory_space<vmem>>
        %parallel_loop3A_1164 = tpu.memref_squeeze %parallel_loop3A_1163 : memref<1x128x128xf32, #tpu.memory_space<vmem>> -> memref<128x128xf32, #tpu.memory_space<vmem>>
        %parallel_loop3A_1165 = tpu.vector_load_idx %parallel_loop3A_1164[%add3A_1084, %parallel_loop3A_1159] : memref<128x128xf32, #tpu.memory_space<vmem>>[vector<16xi32>, vector<16xi32>], vector<16xf32>,
        %parallel_loop3A_1166 = arith.constant 3 : i32
        %parallel_loop3A_1167 = vector.broadcast %parallel_loop3A_1166 : i32 to vector<16xi32>
        %parallel_loop3A_1168 = arith.shrsi %parallel_loop3A_1159, %parallel_loop3A_1167 : vector<16xi32>
        %parallel_loop3A_1169 = arith.constant 7 : i32
        %parallel_loop3A_1170 = vector.broadcast %parallel_loop3A_1169 : i32 to vector<16xi32>
        %parallel_loop3A_1171 = arith.andi %parallel_loop3A_1159, %parallel_loop3A_1170 : vector<16xi32>
        %parallel_loop3A_1172 = arith.constant 3 : i32
        %parallel_loop3A_1173 = arith.constant 0 : i32
        %parallel_loop3A_1174 = arith.constant 0 : i32
        %parallel_loop3A_1175 = arith.constant 0 : i32
        %parallel_loop3A_1176 = tpu.memref_slice %arg8[%parallel_loop3A_1172, %parallel_loop3A_1173, %parallel_loop3A_1174, %parallel_loop3A_1175] : memref<4x8x8x128xf32, #tpu.memory_space<vmem>> -> memref<1x8x8x128xf32, #tpu.memory_space<vmem>>
        %parallel_loop3A_1177 = tpu.memref_squeeze %parallel_loop3A_1176 : memref<1x8x8x128xf32, #tpu.memory_space<vmem>> -> memref<8x8x128xf32, #tpu.memory_space<vmem>>
        tpu.vector_store_idx %parallel_loop3A_1177[%parallel_loop3A_1168, %parallel_loop3A_1171, %add3A_1084], %parallel_loop3A_1165 : memref<8x8x128xf32, #tpu.memory_space<vmem>>[vector<16xi32>, vector<16xi32>, vector<16xi32>], vector<16xf32>,
      } {sc.loop_unroll_factor = 2 : i64, sc.parallel_access}
      %add3A_1088 = arith.constant 112 : i32
      %add3A_1089 = vector.broadcast %add3A_1088 : i32 to vector<16xi32>
      %add3A_1090 = arith.addi %iota3A, %add3A_1089 : vector<16xi32>
      %parallel_loop3A_1091 = arith.constant 0 : i32
      %parallel_loop3A_1092 = arith.constant 64 : i32
      %parallel_loop3A_1093 = arith.constant 1 : i32
      scf.for %parallel_loop3A_1154 = %parallel_loop3A_1091 to %parallel_loop3A_1092 step %parallel_loop3A_1093  : i32 {
        %parallel_loop3A_1155 = vector.broadcast %parallel_loop3A_1154 : i32 to vector<16xi32>
        %parallel_loop3A_1156 = arith.addi %parallel_loop3A_1155, %iota3A : vector<16xi32>
        %parallel_loop3A_1157 = arith.constant 63 : i32
        %parallel_loop3A_1158 = vector.broadcast %parallel_loop3A_1157 : i32 to vector<16xi32>
        %parallel_loop3A_1159 = arith.andi %parallel_loop3A_1156, %parallel_loop3A_1158 : vector<16xi32>
        %parallel_loop3A_1160 = arith.constant 3 : i32
        %parallel_loop3A_1161 = arith.constant 0 : i32
        %parallel_loop3A_1162 = arith.constant 0 : i32
        %parallel_loop3A_1163 = tpu.memref_slice %arg7[%parallel_loop3A_1160, %parallel_loop3A_1161, %parallel_loop3A_1162] : memref<4x128x128xf32, #tpu.memory_space<vmem>> -> memref<1x128x128xf32, #tpu.memory_space<vmem>>
        %parallel_loop3A_1164 = tpu.memref_squeeze %parallel_loop3A_1163 : memref<1x128x128xf32, #tpu.memory_space<vmem>> -> memref<128x128xf32, #tpu.memory_space<vmem>>
        %parallel_loop3A_1165 = tpu.vector_load_idx %parallel_loop3A_1164[%add3A_1090, %parallel_loop3A_1159] : memref<128x128xf32, #tpu.memory_space<vmem>>[vector<16xi32>, vector<16xi32>], vector<16xf32>,
        %parallel_loop3A_1166 = arith.constant 3 : i32
        %parallel_loop3A_1167 = vector.broadcast %parallel_loop3A_1166 : i32 to vector<16xi32>
        %parallel_loop3A_1168 = arith.shrsi %parallel_loop3A_1159, %parallel_loop3A_1167 : vector<16xi32>
        %parallel_loop3A_1169 = arith.constant 7 : i32
        %parallel_loop3A_1170 = vector.broadcast %parallel_loop3A_1169 : i32 to vector<16xi32>
        %parallel_loop3A_1171 = arith.andi %parallel_loop3A_1159, %parallel_loop3A_1170 : vector<16xi32>
        %parallel_loop3A_1172 = arith.constant 3 : i32
        %parallel_loop3A_1173 = arith.constant 0 : i32
        %parallel_loop3A_1174 = arith.constant 0 : i32
        %parallel_loop3A_1175 = arith.constant 0 : i32
        %parallel_loop3A_1176 = tpu.memref_slice %arg8[%parallel_loop3A_1172, %parallel_loop3A_1173, %parallel_loop3A_1174, %parallel_loop3A_1175] : memref<4x8x8x128xf32, #tpu.memory_space<vmem>> -> memref<1x8x8x128xf32, #tpu.memory_space<vmem>>
        %parallel_loop3A_1177 = tpu.memref_squeeze %parallel_loop3A_1176 : memref<1x8x8x128xf32, #tpu.memory_space<vmem>> -> memref<8x8x128xf32, #tpu.memory_space<vmem>>
        tpu.vector_store_idx %parallel_loop3A_1177[%parallel_loop3A_1168, %parallel_loop3A_1171, %add3A_1090], %parallel_loop3A_1165 : memref<8x8x128xf32, #tpu.memory_space<vmem>>[vector<16xi32>, vector<16xi32>, vector<16xi32>], vector<16xf32>,
      } {sc.loop_unroll_factor = 2 : i64, sc.parallel_access}
      %jit3A_1094 = arith.constant 4 : i32
      %div3A_1095 = arith.divsi %add3A_1025, %jit3A_1094 : i32
      %sign3A_1096 = arith.constant 0 : i32
      %sign3A_1097 = arith.cmpi sgt, %add3A_1025, %sign3A_1096 : i32
      %sign3A_1098 = arith.extui %sign3A_1097 : i1 to i32
      %sign3A_1099 = arith.constant 0 : i32
      %sign3A_1100 = arith.cmpi slt, %add3A_1025, %sign3A_1099 : i32
      %sign3A_1101 = arith.extui %sign3A_1100 : i1 to i32
      %sign3A_1102 = arith.subi %sign3A_1098, %sign3A_1101 : i32
      %sign3A_1103 = arith.constant 0 : i32
      %sign3A_1104 = arith.cmpi sgt, %jit3A_1094, %sign3A_1103 : i32
      %sign3A_1105 = arith.extui %sign3A_1104 : i1 to i32
      %sign3A_1106 = arith.constant 0 : i32
      %sign3A_1107 = arith.cmpi slt, %jit3A_1094, %sign3A_1106 : i32
      %sign3A_1108 = arith.extui %sign3A_1107 : i1 to i32
      %sign3A_1109 = arith.subi %sign3A_1105, %sign3A_1108 : i32
      %ne3A_1110 = arith.cmpi ne, %sign3A_1102, %sign3A_1109 : i32
      %rem3A_1111 = arith.remsi %add3A_1025, %jit3A_1094 : i32
      %ne3A_1112 = arith.constant 0 : i32
      %ne3A_1113 = arith.cmpi ne, %rem3A_1111, %ne3A_1112 : i32
      %and3A_1114 = arith.andi %ne3A_1110, %ne3A_1113 : i1
      %sub3A_1115 = arith.constant 1 : i32
      %sub3A_1116 = arith.subi %div3A_1095, %sub3A_1115 : i32
      %select_n3A_1117 = arith.select %and3A_1114, %sub3A_1116, %div3A_1095 : i32
      %mul3A_1118 = arith.constant 4 : i32
      %mul3A_1119 = arith.muli %mul3A_1118, %add3A : i32
      %rem3A_1120 = arith.constant 4 : i32
      %rem3A_1121 = arith.remsi %add3A_1025, %rem3A_1120 : i32
      %add3A_1122 = arith.addi %mul3A_1119, %rem3A_1121 : i32
      %dma_start3A_1123 = arith.constant 3 : i32
      %dma_start3A_1124 = arith.constant 3 : i32
      %dma_start3A_1125 = arith.constant 0 : i32
      %dma_start3A_1126 = arith.constant 0 : i32
      %dma_start3A_1127 = arith.constant 0 : i32
      %dma_start3A_1128 = tpu.memref_slice %arg8[%dma_start3A_1123, %dma_start3A_1125, %dma_start3A_1126, %dma_start3A_1127] : memref<4x8x8x128xf32, #tpu.memory_space<vmem>> -> memref<1x8x8x128xf32, #tpu.memory_space<vmem>>
      %dma_start3A_1129 = tpu.memref_squeeze %dma_start3A_1128 : memref<1x8x8x128xf32, #tpu.memory_space<vmem>> -> memref<8x8x128xf32, #tpu.memory_space<vmem>>
      %dma_start3A_1130 = arith.constant 0 : i32
      %dma_start3A_1131 = arith.constant 0 : i32
      %dma_start3A_1132 = arith.constant 0 : i32
      %dma_start3A_1133 = tpu.memref_slice %arg4[%select_n3A_1117, %dma_start3A_1130, %add3A_1122, %dma_start3A_1131, %dma_start3A_1132] : memref<20x8x128x8x128xf32, #tpu.memory_space<hbm>> -> memref<1x8x1x8x128xf32, #tpu.memory_space<hbm>>
      %dma_start3A_1134 = tpu.memref_squeeze %dma_start3A_1133 : memref<1x8x1x8x128xf32, #tpu.memory_space<hbm>> -> memref<8x8x128xf32, #tpu.memory_space<hbm>>
      %dma_start3A_1135 = tpu.memref_slice %arg10[%dma_start3A_1124] : memref<4x!tpu.dma_semaphore, #tpu.memory_space<semaphore_mem>> -> memref<1x!tpu.dma_semaphore, #tpu.memory_space<semaphore_mem>>
      %dma_start3A_1136 = tpu.memref_squeeze %dma_start3A_1135 : memref<1x!tpu.dma_semaphore, #tpu.memory_space<semaphore_mem>> -> memref<!tpu.dma_semaphore, #tpu.memory_space<semaphore_mem>>
      %dma_start3A_1137 = arith.constant 0 : i32
      %dma_start3A_1138 = arith.constant 0 : i32
      %dma_start3A_1139 = arith.constant 0 : i32
      %dma_start3A_1140 = tpu.memref_slice %arg4[%select_n3A_1117, %dma_start3A_1137, %add3A_1122, %dma_start3A_1138, %dma_start3A_1139] : memref<20x8x128x8x128xf32, #tpu.memory_space<hbm>> -> memref<1x8x1x8x128xf32, #tpu.memory_space<hbm>>
      %dma_start3A_1141 = tpu.memref_squeeze %dma_start3A_1140 : memref<1x8x1x8x128xf32, #tpu.memory_space<hbm>> -> memref<8x8x128xf32, #tpu.memory_space<hbm>>
      %dma_start3A_1142 = arith.constant 0 : i32
      %dma_start3A_1143 = arith.constant 0 : i32
      %dma_start3A_1144 = arith.constant 0 : i32
      %dma_start3A_1145 = tpu.memref_slice %arg8[%dma_start3A_1123, %dma_start3A_1142, %dma_start3A_1143, %dma_start3A_1144] : memref<4x8x8x128xf32, #tpu.memory_space<vmem>> -> memref<1x8x8x128xf32, #tpu.memory_space<vmem>>
      %dma_start3A_1146 = tpu.memref_squeeze %dma_start3A_1145 : memref<1x8x8x128xf32, #tpu.memory_space<vmem>> -> memref<8x8x128xf32, #tpu.memory_space<vmem>>
      tpu.enqueue_dma source(%dma_start3A_1146 : memref<8x8x128xf32, #tpu.memory_space<vmem>>) target(%dma_start3A_1141 : memref<8x8x128xf32, #tpu.memory_space<hbm>>) target_semaphore(%dma_start3A_1136 : memref<!tpu.dma_semaphore, #tpu.memory_space<semaphore_mem>>)
      %add3A_1147 = arith.constant 4 : i32
      %add3A_1148 = arith.addi %add3A_1025, %add3A_1147 : i32
      %lt3A_1149 = arith.constant 80 : i32
      %lt3A_1150 = arith.cmpi slt, %add3A_1148, %lt3A_1149 : i32
      %convert_element_type3A_1151 = arith.extui %lt3A_1150 : i1 to i32
      %cond3A_1152 = arith.constant 0 : i32
      %cond3A_1153 = arith.cmpi ne, %convert_element_type3A_1151, %cond3A_1152 : i32
      scf.if %cond3A_1153 {
        %jit3A_1154 = arith.constant 4 : i32
        %div3A_1155 = arith.divsi %add3A_1148, %jit3A_1154 : i32
        %sign3A_1156 = arith.constant 0 : i32
        %sign3A_1157 = arith.cmpi sgt, %add3A_1148, %sign3A_1156 : i32
        %sign3A_1158 = arith.extui %sign3A_1157 : i1 to i32
        %sign3A_1159 = arith.constant 0 : i32
        %sign3A_1160 = arith.cmpi slt, %add3A_1148, %sign3A_1159 : i32
        %sign3A_1161 = arith.extui %sign3A_1160 : i1 to i32
        %sign3A_1162 = arith.subi %sign3A_1158, %sign3A_1161 : i32
        %sign3A_1163 = arith.constant 0 : i32
        %sign3A_1164 = arith.cmpi sgt, %jit3A_1154, %sign3A_1163 : i32
        %sign3A_1165 = arith.extui %sign3A_1164 : i1 to i32
        %sign3A_1166 = arith.constant 0 : i32
        %sign3A_1167 = arith.cmpi slt, %jit3A_1154, %sign3A_1166 : i32
        %sign3A_1168 = arith.extui %sign3A_1167 : i1 to i32
        %sign3A_1169 = arith.subi %sign3A_1165, %sign3A_1168 : i32
        %ne3A_1170 = arith.cmpi ne, %sign3A_1162, %sign3A_1169 : i32
        %rem3A_1171 = arith.remsi %add3A_1148, %jit3A_1154 : i32
        %ne3A_1172 = arith.constant 0 : i32
        %ne3A_1173 = arith.cmpi ne, %rem3A_1171, %ne3A_1172 : i32
        %and3A_1174 = arith.andi %ne3A_1170, %ne3A_1173 : i1
        %sub3A_1175 = arith.constant 1 : i32
        %sub3A_1176 = arith.subi %div3A_1155, %sub3A_1175 : i32
        %select_n3A_1177 = arith.select %and3A_1174, %sub3A_1176, %div3A_1155 : i32
        %rem3A_1178 = arith.constant 4 : i32
        %rem3A_1179 = arith.remsi %add3A_1148, %rem3A_1178 : i32
        %mul3A_1180 = arith.constant 128 : i32
        %mul3A_1181 = arith.muli %mul3A_1180, %rem3A_1179 : i32
        %add3A_1182 = arith.constant 0 : i32
        %add3A_1183 = arith.addi %mul3A_1181, %add3A_1182 : i32
        %get3A_1184 = arith.index_cast %select_n3A_1177 : i32 to index
        %get3A_1185 = arith.index_cast %add3A_1183 : i32 to index
        %get3A_1186 = tpu.vector_load %arg5[%get3A_1184, %get3A_1185] {strides = array<i32>} : memref<20x512xi32, #tpu.memory_space<vmem>>, vector<16xi32>,
        %swap3A_1187 = arith.constant 3 : i32
        %swap3A_1188 = arith.index_cast %swap3A_1187 : i32 to index
        %swap3A_1189 = arith.constant 0 : index
        %swap3A_1190 = tpu.vector_load %arg6[%swap3A_1188, %swap3A_1189] {strides = array<i32>} : memref<4x128xi32, #tpu.memory_space<vmem>>, vector<16xi32>,
        tpu.vector_store %arg6[%swap3A_1188, %swap3A_1189], %get3A_1186 {strides = array<i32>} : memref<4x128xi32, #tpu.memory_space<vmem>>, vector<16xi32>,
        %mul3A_1191 = arith.constant 128 : i32
        %mul3A_1192 = arith.muli %mul3A_1191, %rem3A_1179 : i32
        %add3A_1193 = arith.constant 16 : i32
        %add3A_1194 = arith.addi %mul3A_1192, %add3A_1193 : i32
        %get3A_1195 = arith.index_cast %select_n3A_1177 : i32 to index
        %get3A_1196 = arith.index_cast %add3A_1194 : i32 to index
        %get3A_1197 = tpu.vector_load %arg5[%get3A_1195, %get3A_1196] {strides = array<i32>} : memref<20x512xi32, #tpu.memory_space<vmem>>, vector<16xi32>,
        %swap3A_1198 = arith.constant 3 : i32
        %swap3A_1199 = arith.index_cast %swap3A_1198 : i32 to index
        %swap3A_1200 = arith.constant 16 : index
        %swap3A_1201 = tpu.vector_load %arg6[%swap3A_1199, %swap3A_1200] {strides = array<i32>} : memref<4x128xi32, #tpu.memory_space<vmem>>, vector<16xi32>,
        tpu.vector_store %arg6[%swap3A_1199, %swap3A_1200], %get3A_1197 {strides = array<i32>} : memref<4x128xi32, #tpu.memory_space<vmem>>, vector<16xi32>,
        %mul3A_1202 = arith.constant 128 : i32
        %mul3A_1203 = arith.muli %mul3A_1202, %rem3A_1179 : i32
        %add3A_1204 = arith.constant 32 : i32
        %add3A_1205 = arith.addi %mul3A_1203, %add3A_1204 : i32
        %get3A_1206 = arith.index_cast %select_n3A_1177 : i32 to index
        %get3A_1207 = arith.index_cast %add3A_1205 : i32 to index
        %get3A_1208 = tpu.vector_load %arg5[%get3A_1206, %get3A_1207] {strides = array<i32>} : memref<20x512xi32, #tpu.memory_space<vmem>>, vector<16xi32>,
        %swap3A_1209 = arith.constant 3 : i32
        %swap3A_1210 = arith.index_cast %swap3A_1209 : i32 to index
        %swap3A_1211 = arith.constant 32 : index
        %swap3A_1212 = tpu.vector_load %arg6[%swap3A_1210, %swap3A_1211] {strides = array<i32>} : memref<4x128xi32, #tpu.memory_space<vmem>>, vector<16xi32>,
        tpu.vector_store %arg6[%swap3A_1210, %swap3A_1211], %get3A_1208 {strides = array<i32>} : memref<4x128xi32, #tpu.memory_space<vmem>>, vector<16xi32>,
        %mul3A_1213 = arith.constant 128 : i32
        %mul3A_1214 = arith.muli %mul3A_1213, %rem3A_1179 : i32
        %add3A_1215 = arith.constant 48 : i32
        %add3A_1216 = arith.addi %mul3A_1214, %add3A_1215 : i32
        %get3A_1217 = arith.index_cast %select_n3A_1177 : i32 to index
        %get3A_1218 = arith.index_cast %add3A_1216 : i32 to index
        %get3A_1219 = tpu.vector_load %arg5[%get3A_1217, %get3A_1218] {strides = array<i32>} : memref<20x512xi32, #tpu.memory_space<vmem>>, vector<16xi32>,
        %swap3A_1220 = arith.constant 3 : i32
        %swap3A_1221 = arith.index_cast %swap3A_1220 : i32 to index
        %swap3A_1222 = arith.constant 48 : index
        %swap3A_1223 = tpu.vector_load %arg6[%swap3A_1221, %swap3A_1222] {strides = array<i32>} : memref<4x128xi32, #tpu.memory_space<vmem>>, vector<16xi32>,
        tpu.vector_store %arg6[%swap3A_1221, %swap3A_1222], %get3A_1219 {strides = array<i32>} : memref<4x128xi32, #tpu.memory_space<vmem>>, vector<16xi32>,
        %mul3A_1224 = arith.constant 128 : i32
        %mul3A_1225 = arith.muli %mul3A_1224, %rem3A_1179 : i32
        %add3A_1226 = arith.constant 64 : i32
        %add3A_1227 = arith.addi %mul3A_1225, %add3A_1226 : i32
        %get3A_1228 = arith.index_cast %select_n3A_1177 : i32 to index
        %get3A_1229 = arith.index_cast %add3A_1227 : i32 to index
        %get3A_1230 = tpu.vector_load %arg5[%get3A_1228, %get3A_1229] {strides = array<i32>} : memref<20x512xi32, #tpu.memory_space<vmem>>, vector<16xi32>,
        %swap3A_1231 = arith.constant 3 : i32
        %swap3A_1232 = arith.index_cast %swap3A_1231 : i32 to index
        %swap3A_1233 = arith.constant 64 : index
        %swap3A_1234 = tpu.vector_load %arg6[%swap3A_1232, %swap3A_1233] {strides = array<i32>} : memref<4x128xi32, #tpu.memory_space<vmem>>, vector<16xi32>,
        tpu.vector_store %arg6[%swap3A_1232, %swap3A_1233], %get3A_1230 {strides = array<i32>} : memref<4x128xi32, #tpu.memory_space<vmem>>, vector<16xi32>,
        %mul3A_1235 = arith.constant 128 : i32
        %mul3A_1236 = arith.muli %mul3A_1235, %rem3A_1179 : i32
        %add3A_1237 = arith.constant 80 : i32
        %add3A_1238 = arith.addi %mul3A_1236, %add3A_1237 : i32
        %get3A_1239 = arith.index_cast %select_n3A_1177 : i32 to index
        %get3A_1240 = arith.index_cast %add3A_1238 : i32 to index
        %get3A_1241 = tpu.vector_load %arg5[%get3A_1239, %get3A_1240] {strides = array<i32>} : memref<20x512xi32, #tpu.memory_space<vmem>>, vector<16xi32>,
        %swap3A_1242 = arith.constant 3 : i32
        %swap3A_1243 = arith.index_cast %swap3A_1242 : i32 to index
        %swap3A_1244 = arith.constant 80 : index
        %swap3A_1245 = tpu.vector_load %arg6[%swap3A_1243, %swap3A_1244] {strides = array<i32>} : memref<4x128xi32, #tpu.memory_space<vmem>>, vector<16xi32>,
        tpu.vector_store %arg6[%swap3A_1243, %swap3A_1244], %get3A_1241 {strides = array<i32>} : memref<4x128xi32, #tpu.memory_space<vmem>>, vector<16xi32>,
        %mul3A_1246 = arith.constant 128 : i32
        %mul3A_1247 = arith.muli %mul3A_1246, %rem3A_1179 : i32
        %add3A_1248 = arith.constant 96 : i32
        %add3A_1249 = arith.addi %mul3A_1247, %add3A_1248 : i32
        %get3A_1250 = arith.index_cast %select_n3A_1177 : i32 to index
        %get3A_1251 = arith.index_cast %add3A_1249 : i32 to index
        %get3A_1252 = tpu.vector_load %arg5[%get3A_1250, %get3A_1251] {strides = array<i32>} : memref<20x512xi32, #tpu.memory_space<vmem>>, vector<16xi32>,
        %swap3A_1253 = arith.constant 3 : i32
        %swap3A_1254 = arith.index_cast %swap3A_1253 : i32 to index
        %swap3A_1255 = arith.constant 96 : index
        %swap3A_1256 = tpu.vector_load %arg6[%swap3A_1254, %swap3A_1255] {strides = array<i32>} : memref<4x128xi32, #tpu.memory_space<vmem>>, vector<16xi32>,
        tpu.vector_store %arg6[%swap3A_1254, %swap3A_1255], %get3A_1252 {strides = array<i32>} : memref<4x128xi32, #tpu.memory_space<vmem>>, vector<16xi32>,
        %mul3A_1257 = arith.constant 128 : i32
        %mul3A_1258 = arith.muli %mul3A_1257, %rem3A_1179 : i32
        %add3A_1259 = arith.constant 112 : i32
        %add3A_1260 = arith.addi %mul3A_1258, %add3A_1259 : i32
        %get3A_1261 = arith.index_cast %select_n3A_1177 : i32 to index
        %get3A_1262 = arith.index_cast %add3A_1260 : i32 to index
        %get3A_1263 = tpu.vector_load %arg5[%get3A_1261, %get3A_1262] {strides = array<i32>} : memref<20x512xi32, #tpu.memory_space<vmem>>, vector<16xi32>,
        %swap3A_1264 = arith.constant 3 : i32
        %swap3A_1265 = arith.index_cast %swap3A_1264 : i32 to index
        %swap3A_1266 = arith.constant 112 : index
        %swap3A_1267 = tpu.vector_load %arg6[%swap3A_1265, %swap3A_1266] {strides = array<i32>} : memref<4x128xi32, #tpu.memory_space<vmem>>, vector<16xi32>,
        tpu.vector_store %arg6[%swap3A_1265, %swap3A_1266], %get3A_1263 {strides = array<i32>} : memref<4x128xi32, #tpu.memory_space<vmem>>, vector<16xi32>,
        %dma_start3A_1268 = arith.constant 3 : i32
        %dma_start3A_1269 = arith.constant 3 : i32
        %dma_start3A_1270 = arith.constant 3 : i32
        %dma_start3A_1271 = arith.constant 0 : i32
        %dma_start3A_1272 = arith.constant 0 : i32
        %dma_start3A_1273 = tpu.memref_slice %arg7[%dma_start3A_1269, %dma_start3A_1271, %dma_start3A_1272] : memref<4x128x128xf32, #tpu.memory_space<vmem>> -> memref<1x128x128xf32, #tpu.memory_space<vmem>>
        %dma_start3A_1274 = tpu.memref_squeeze %dma_start3A_1273 : memref<1x128x128xf32, #tpu.memory_space<vmem>> -> memref<128x128xf32, #tpu.memory_space<vmem>>
        %dma_start3A_1275 = arith.constant 0 : i32
        %dma_start3A_1276 = tpu.memref_slice %arg6[%dma_start3A_1268, %dma_start3A_1275] : memref<4x128xi32, #tpu.memory_space<vmem>> -> memref<1x128xi32, #tpu.memory_space<vmem>>
        %dma_start3A_1277 = tpu.memref_squeeze %dma_start3A_1276 : memref<1x128xi32, #tpu.memory_space<vmem>> -> memref<128xi32, #tpu.memory_space<vmem>>
        %dma_start3A_1278 = arith.constant 0 : i32
        %dma_start3A_1279 = arith.constant 0 : i32
        %dma_start3A_1280 = tpu.memref_slice %arg3[%dma_start3A_1278, %dma_start3A_1279] : memref<1000000x128xf32, #tpu.memory_space<hbm>> -> memref<1000000x128xf32, #tpu.memory_space<hbm>>
        %dma_start3A_1281 = tpu.memref_slice %arg9[%dma_start3A_1270] : memref<4x!tpu.dma_semaphore, #tpu.memory_space<semaphore_mem>> -> memref<1x!tpu.dma_semaphore, #tpu.memory_space<semaphore_mem>>
        %dma_start3A_1282 = tpu.memref_squeeze %dma_start3A_1281 : memref<1x!tpu.dma_semaphore, #tpu.memory_space<semaphore_mem>> -> memref<!tpu.dma_semaphore, #tpu.memory_space<semaphore_mem>>
        tpu.enqueue_indirect_dma source(%dma_start3A_1280 : memref<1000000x128xf32, #tpu.memory_space<hbm>>) target(%dma_start3A_1274 : memref<128x128xf32, #tpu.memory_space<vmem>>) offsets(%dma_start3A_1277 : memref<128xi32, #tpu.memory_space<vmem>>) semaphore(%dma_start3A_1282 : memref<!tpu.dma_semaphore, #tpu.memory_space<semaphore_mem>>)
      } else {
      }
    }
    %scan3A_517 = arith.constant 20 : i32
    %mul3A_518 = arith.constant 4 : i32
    %mul3A_519 = arith.muli %mul3A_518, %add3A : i32
    %rem3A_520 = arith.constant 76 : i32
    %rem3A_521 = arith.constant 4 : i32
    %rem3A_522 = arith.remsi %rem3A_520, %rem3A_521 : i32
    %add3A_523 = arith.addi %mul3A_519, %rem3A_522 : i32
    %dma_wait3A = arith.constant 0 : i32
    %dma_wait3A_524 = arith.constant 19 : i32
    %dma_wait3A_525 = arith.constant 0 : i32
    %dma_wait3A_526 = arith.constant 0 : i32
    %dma_wait3A_527 = arith.constant 0 : i32
    %dma_wait3A_528 = arith.constant 0 : i32
    %dma_wait3A_529 = tpu.memref_slice %arg8[%dma_wait3A, %dma_wait3A_526, %dma_wait3A_527, %dma_wait3A_528] : memref<4x8x8x128xf32, #tpu.memory_space<vmem>> -> memref<1x8x8x128xf32, #tpu.memory_space<vmem>>
    %dma_wait3A_530 = tpu.memref_squeeze %dma_wait3A_529 : memref<1x8x8x128xf32, #tpu.memory_space<vmem>> -> memref<8x8x128xf32, #tpu.memory_space<vmem>>
    %dma_wait3A_531 = arith.constant 0 : i32
    %dma_wait3A_532 = arith.constant 0 : i32
    %dma_wait3A_533 = arith.constant 0 : i32
    %dma_wait3A_534 = tpu.memref_slice %arg4[%dma_wait3A_524, %dma_wait3A_531, %add3A_523, %dma_wait3A_532, %dma_wait3A_533] : memref<20x8x128x8x128xf32, #tpu.memory_space<hbm>> -> memref<1x8x1x8x128xf32, #tpu.memory_space<hbm>>
    %dma_wait3A_535 = tpu.memref_squeeze %dma_wait3A_534 : memref<1x8x1x8x128xf32, #tpu.memory_space<hbm>> -> memref<8x8x128xf32, #tpu.memory_space<hbm>>
    %dma_wait3A_536 = tpu.memref_slice %arg10[%dma_wait3A_525] : memref<4x!tpu.dma_semaphore, #tpu.memory_space<semaphore_mem>> -> memref<1x!tpu.dma_semaphore, #tpu.memory_space<semaphore_mem>>
    %dma_wait3A_537 = tpu.memref_squeeze %dma_wait3A_536 : memref<1x!tpu.dma_semaphore, #tpu.memory_space<semaphore_mem>> -> memref<!tpu.dma_semaphore, #tpu.memory_space<semaphore_mem>>
    %dma_wait3A_538 = arith.constant 0 : i32
    %dma_wait3A_539 = arith.constant 0 : i32
    %dma_wait3A_540 = arith.constant 0 : i32
    %dma_wait3A_541 = tpu.memref_slice %arg4[%dma_wait3A_524, %dma_wait3A_538, %add3A_523, %dma_wait3A_539, %dma_wait3A_540] : memref<20x8x128x8x128xf32, #tpu.memory_space<hbm>> -> memref<1x8x1x8x128xf32, #tpu.memory_space<hbm>>
    %dma_wait3A_542 = tpu.memref_squeeze %dma_wait3A_541 : memref<1x8x1x8x128xf32, #tpu.memory_space<hbm>> -> memref<8x8x128xf32, #tpu.memory_space<hbm>>
    %dma_wait3A_543 = arith.constant 0 : i32
    %dma_wait3A_544 = arith.constant 0 : i32
    %dma_wait3A_545 = arith.constant 0 : i32
    %dma_wait3A_546 = tpu.memref_slice %arg8[%dma_wait3A, %dma_wait3A_543, %dma_wait3A_544, %dma_wait3A_545] : memref<4x8x8x128xf32, #tpu.memory_space<vmem>> -> memref<1x8x8x128xf32, #tpu.memory_space<vmem>>
    %dma_wait3A_547 = tpu.memref_squeeze %dma_wait3A_546 : memref<1x8x8x128xf32, #tpu.memory_space<vmem>> -> memref<8x8x128xf32, #tpu.memory_space<vmem>>
    tpu.wait_dma2 semaphore(%dma_wait3A_537 : memref<!tpu.dma_semaphore, #tpu.memory_space<semaphore_mem>>) src(%dma_wait3A_547 : memref<8x8x128xf32, #tpu.memory_space<vmem>>) dst(%dma_wait3A_542 : memref<8x8x128xf32, #tpu.memory_space<hbm>>)
    %mul3A_548 = arith.constant 4 : i32
    %mul3A_549 = arith.muli %mul3A_548, %add3A : i32
    %rem3A_550 = arith.constant 77 : i32
    %rem3A_551 = arith.constant 4 : i32
    %rem3A_552 = arith.remsi %rem3A_550, %rem3A_551 : i32
    %add3A_553 = arith.addi %mul3A_549, %rem3A_552 : i32
    %dma_wait3A_554 = arith.constant 1 : i32
    %dma_wait3A_555 = arith.constant 19 : i32
    %dma_wait3A_556 = arith.constant 1 : i32
    %dma_wait3A_557 = arith.constant 0 : i32
    %dma_wait3A_558 = arith.constant 0 : i32
    %dma_wait3A_559 = arith.constant 0 : i32
    %dma_wait3A_560 = tpu.memref_slice %arg8[%dma_wait3A_554, %dma_wait3A_557, %dma_wait3A_558, %dma_wait3A_559] : memref<4x8x8x128xf32, #tpu.memory_space<vmem>> -> memref<1x8x8x128xf32, #tpu.memory_space<vmem>>
    %dma_wait3A_561 = tpu.memref_squeeze %dma_wait3A_560 : memref<1x8x8x128xf32, #tpu.memory_space<vmem>> -> memref<8x8x128xf32, #tpu.memory_space<vmem>>
    %dma_wait3A_562 = arith.constant 0 : i32
    %dma_wait3A_563 = arith.constant 0 : i32
    %dma_wait3A_564 = arith.constant 0 : i32
    %dma_wait3A_565 = tpu.memref_slice %arg4[%dma_wait3A_555, %dma_wait3A_562, %add3A_553, %dma_wait3A_563, %dma_wait3A_564] : memref<20x8x128x8x128xf32, #tpu.memory_space<hbm>> -> memref<1x8x1x8x128xf32, #tpu.memory_space<hbm>>
    %dma_wait3A_566 = tpu.memref_squeeze %dma_wait3A_565 : memref<1x8x1x8x128xf32, #tpu.memory_space<hbm>> -> memref<8x8x128xf32, #tpu.memory_space<hbm>>
    %dma_wait3A_567 = tpu.memref_slice %arg10[%dma_wait3A_556] : memref<4x!tpu.dma_semaphore, #tpu.memory_space<semaphore_mem>> -> memref<1x!tpu.dma_semaphore, #tpu.memory_space<semaphore_mem>>
    %dma_wait3A_568 = tpu.memref_squeeze %dma_wait3A_567 : memref<1x!tpu.dma_semaphore, #tpu.memory_space<semaphore_mem>> -> memref<!tpu.dma_semaphore, #tpu.memory_space<semaphore_mem>>
    %dma_wait3A_569 = arith.constant 0 : i32
    %dma_wait3A_570 = arith.constant 0 : i32
    %dma_wait3A_571 = arith.constant 0 : i32
    %dma_wait3A_572 = tpu.memref_slice %arg4[%dma_wait3A_555, %dma_wait3A_569, %add3A_553, %dma_wait3A_570, %dma_wait3A_571] : memref<20x8x128x8x128xf32, #tpu.memory_space<hbm>> -> memref<1x8x1x8x128xf32, #tpu.memory_space<hbm>>
    %dma_wait3A_573 = tpu.memref_squeeze %dma_wait3A_572 : memref<1x8x1x8x128xf32, #tpu.memory_space<hbm>> -> memref<8x8x128xf32, #tpu.memory_space<hbm>>
    %dma_wait3A_574 = arith.constant 0 : i32
    %dma_wait3A_575 = arith.constant 0 : i32
    %dma_wait3A_576 = arith.constant 0 : i32
    %dma_wait3A_577 = tpu.memref_slice %arg8[%dma_wait3A_554, %dma_wait3A_574, %dma_wait3A_575, %dma_wait3A_576] : memref<4x8x8x128xf32, #tpu.memory_space<vmem>> -> memref<1x8x8x128xf32, #tpu.memory_space<vmem>>
    %dma_wait3A_578 = tpu.memref_squeeze %dma_wait3A_577 : memref<1x8x8x128xf32, #tpu.memory_space<vmem>> -> memref<8x8x128xf32, #tpu.memory_space<vmem>>
    tpu.wait_dma2 semaphore(%dma_wait3A_568 : memref<!tpu.dma_semaphore, #tpu.memory_space<semaphore_mem>>) src(%dma_wait3A_578 : memref<8x8x128xf32, #tpu.memory_space<vmem>>) dst(%dma_wait3A_573 : memref<8x8x128xf32, #tpu.memory_space<hbm>>)
    %mul3A_579 = arith.constant 4 : i32
    %mul3A_580 = arith.muli %mul3A_579, %add3A : i32
    %rem3A_581 = arith.constant 78 : i32
    %rem3A_582 = arith.constant 4 : i32
    %rem3A_583 = arith.remsi %rem3A_581, %rem3A_582 : i32
    %add3A_584 = arith.addi %mul3A_580, %rem3A_583 : i32
    %dma_wait3A_585 = arith.constant 2 : i32
    %dma_wait3A_586 = arith.constant 19 : i32
    %dma_wait3A_587 = arith.constant 2 : i32
    %dma_wait3A_588 = arith.constant 0 : i32
    %dma_wait3A_589 = arith.constant 0 : i32
    %dma_wait3A_590 = arith.constant 0 : i32
    %dma_wait3A_591 = tpu.memref_slice %arg8[%dma_wait3A_585, %dma_wait3A_588, %dma_wait3A_589, %dma_wait3A_590] : memref<4x8x8x128xf32, #tpu.memory_space<vmem>> -> memref<1x8x8x128xf32, #tpu.memory_space<vmem>>
    %dma_wait3A_592 = tpu.memref_squeeze %dma_wait3A_591 : memref<1x8x8x128xf32, #tpu.memory_space<vmem>> -> memref<8x8x128xf32, #tpu.memory_space<vmem>>
    %dma_wait3A_593 = arith.constant 0 : i32
    %dma_wait3A_594 = arith.constant 0 : i32
    %dma_wait3A_595 = arith.constant 0 : i32
    %dma_wait3A_596 = tpu.memref_slice %arg4[%dma_wait3A_586, %dma_wait3A_593, %add3A_584, %dma_wait3A_594, %dma_wait3A_595] : memref<20x8x128x8x128xf32, #tpu.memory_space<hbm>> -> memref<1x8x1x8x128xf32, #tpu.memory_space<hbm>>
    %dma_wait3A_597 = tpu.memref_squeeze %dma_wait3A_596 : memref<1x8x1x8x128xf32, #tpu.memory_space<hbm>> -> memref<8x8x128xf32, #tpu.memory_space<hbm>>
    %dma_wait3A_598 = tpu.memref_slice %arg10[%dma_wait3A_587] : memref<4x!tpu.dma_semaphore, #tpu.memory_space<semaphore_mem>> -> memref<1x!tpu.dma_semaphore, #tpu.memory_space<semaphore_mem>>
    %dma_wait3A_599 = tpu.memref_squeeze %dma_wait3A_598 : memref<1x!tpu.dma_semaphore, #tpu.memory_space<semaphore_mem>> -> memref<!tpu.dma_semaphore, #tpu.memory_space<semaphore_mem>>
    %dma_wait3A_600 = arith.constant 0 : i32
    %dma_wait3A_601 = arith.constant 0 : i32
    %dma_wait3A_602 = arith.constant 0 : i32
    %dma_wait3A_603 = tpu.memref_slice %arg4[%dma_wait3A_586, %dma_wait3A_600, %add3A_584, %dma_wait3A_601, %dma_wait3A_602] : memref<20x8x128x8x128xf32, #tpu.memory_space<hbm>> -> memref<1x8x1x8x128xf32, #tpu.memory_space<hbm>>
    %dma_wait3A_604 = tpu.memref_squeeze %dma_wait3A_603 : memref<1x8x1x8x128xf32, #tpu.memory_space<hbm>> -> memref<8x8x128xf32, #tpu.memory_space<hbm>>
    %dma_wait3A_605 = arith.constant 0 : i32
    %dma_wait3A_606 = arith.constant 0 : i32
    %dma_wait3A_607 = arith.constant 0 : i32
    %dma_wait3A_608 = tpu.memref_slice %arg8[%dma_wait3A_585, %dma_wait3A_605, %dma_wait3A_606, %dma_wait3A_607] : memref<4x8x8x128xf32, #tpu.memory_space<vmem>> -> memref<1x8x8x128xf32, #tpu.memory_space<vmem>>
    %dma_wait3A_609 = tpu.memref_squeeze %dma_wait3A_608 : memref<1x8x8x128xf32, #tpu.memory_space<vmem>> -> memref<8x8x128xf32, #tpu.memory_space<vmem>>
    tpu.wait_dma2 semaphore(%dma_wait3A_599 : memref<!tpu.dma_semaphore, #tpu.memory_space<semaphore_mem>>) src(%dma_wait3A_609 : memref<8x8x128xf32, #tpu.memory_space<vmem>>) dst(%dma_wait3A_604 : memref<8x8x128xf32, #tpu.memory_space<hbm>>)
    %mul3A_610 = arith.constant 4 : i32
    %mul3A_611 = arith.muli %mul3A_610, %add3A : i32
    %rem3A_612 = arith.constant 79 : i32
    %rem3A_613 = arith.constant 4 : i32
    %rem3A_614 = arith.remsi %rem3A_612, %rem3A_613 : i32
    %add3A_615 = arith.addi %mul3A_611, %rem3A_614 : i32
    %dma_wait3A_616 = arith.constant 3 : i32
    %dma_wait3A_617 = arith.constant 19 : i32
    %dma_wait3A_618 = arith.constant 3 : i32
    %dma_wait3A_619 = arith.constant 0 : i32
    %dma_wait3A_620 = arith.constant 0 : i32
    %dma_wait3A_621 = arith.constant 0 : i32
    %dma_wait3A_622 = tpu.memref_slice %arg8[%dma_wait3A_616, %dma_wait3A_619, %dma_wait3A_620, %dma_wait3A_621] : memref<4x8x8x128xf32, #tpu.memory_space<vmem>> -> memref<1x8x8x128xf32, #tpu.memory_space<vmem>>
    %dma_wait3A_623 = tpu.memref_squeeze %dma_wait3A_622 : memref<1x8x8x128xf32, #tpu.memory_space<vmem>> -> memref<8x8x128xf32, #tpu.memory_space<vmem>>
    %dma_wait3A_624 = arith.constant 0 : i32
    %dma_wait3A_625 = arith.constant 0 : i32
    %dma_wait3A_626 = arith.constant 0 : i32
    %dma_wait3A_627 = tpu.memref_slice %arg4[%dma_wait3A_617, %dma_wait3A_624, %add3A_615, %dma_wait3A_625, %dma_wait3A_626] : memref<20x8x128x8x128xf32, #tpu.memory_space<hbm>> -> memref<1x8x1x8x128xf32, #tpu.memory_space<hbm>>
    %dma_wait3A_628 = tpu.memref_squeeze %dma_wait3A_627 : memref<1x8x1x8x128xf32, #tpu.memory_space<hbm>> -> memref<8x8x128xf32, #tpu.memory_space<hbm>>
    %dma_wait3A_629 = tpu.memref_slice %arg10[%dma_wait3A_618] : memref<4x!tpu.dma_semaphore, #tpu.memory_space<semaphore_mem>> -> memref<1x!tpu.dma_semaphore, #tpu.memory_space<semaphore_mem>>
    %dma_wait3A_630 = tpu.memref_squeeze %dma_wait3A_629 : memref<1x!tpu.dma_semaphore, #tpu.memory_space<semaphore_mem>> -> memref<!tpu.dma_semaphore, #tpu.memory_space<semaphore_mem>>
    %dma_wait3A_631 = arith.constant 0 : i32
    %dma_wait3A_632 = arith.constant 0 : i32
    %dma_wait3A_633 = arith.constant 0 : i32
    %dma_wait3A_634 = tpu.memref_slice %arg4[%dma_wait3A_617, %dma_wait3A_631, %add3A_615, %dma_wait3A_632, %dma_wait3A_633] : memref<20x8x128x8x128xf32, #tpu.memory_space<hbm>> -> memref<1x8x1x8x128xf32, #tpu.memory_space<hbm>>
    %dma_wait3A_635 = tpu.memref_squeeze %dma_wait3A_634 : memref<1x8x1x8x128xf32, #tpu.memory_space<hbm>> -> memref<8x8x128xf32, #tpu.memory_space<hbm>>
    %dma_wait3A_636 = arith.constant 0 : i32
    %dma_wait3A_637 = arith.constant 0 : i32
    %dma_wait3A_638 = arith.constant 0 : i32
    %dma_wait3A_639 = tpu.memref_slice %arg8[%dma_wait3A_616, %dma_wait3A_636, %dma_wait3A_637, %dma_wait3A_638] : memref<4x8x8x128xf32, #tpu.memory_space<vmem>> -> memref<1x8x8x128xf32, #tpu.memory_space<vmem>>
    %dma_wait3A_640 = tpu.memref_squeeze %dma_wait3A_639 : memref<1x8x8x128xf32, #tpu.memory_space<vmem>> -> memref<8x8x128xf32, #tpu.memory_space<vmem>>
    tpu.wait_dma2 semaphore(%dma_wait3A_630 : memref<!tpu.dma_semaphore, #tpu.memory_space<semaphore_mem>>) src(%dma_wait3A_640 : memref<8x8x128xf32, #tpu.memory_space<vmem>>) dst(%dma_wait3A_635 : memref<8x8x128xf32, #tpu.memory_space<hbm>>)
    return
  }
}

</mosaic_0001>

<sc_bundles>
// kernel: kernel.3.cloned.1.call-start
scs
__scs_entry_jumppad:
0x0: {  	(pc) =	sbr.rel $0x88, $3  }
0x1: {  	(tag) =	ssettag $0x0;
	lr =	simm.s32 $0x1  }
0x2: {  	[smem:$0x3F9F] =	sst lr;
	_ =	strace $0xD0000000  }
0x3: {  	_ = 	snop  }
0x4: {  	_ = 	snop  }
0x5: {  	_ = 	snop  }
0x6: {  	_ = 	snop  }
0x7: {  	_ = 	snop  }
__scs_overlays_trampoline_lowered:
0x8: {  	[smem:$0x3FAE] =	sst s0  }
0x9: {  	[smem:$0x3FAF] =	sst s1  }
0xa: {  	[smem:$0x3FB0] =	sst s2  }
0xb: {  	[smem:$0x3FB1] =	sst s3  }
0xc: {  	[smem:$0x3FB2] =	sst s4  }
0xd: {  	[smem:$0x3FB3] =	sst s5  }
0xe: {  	[smem:$0x3FB4] =	sst s6  }
0xf: {  	[smem:$0x3FB5] =	sst s7  }
0x10: {  	[smem:$0x3FB6] =	sst s8  }
0x11: {  	[smem:$0x3FB7] =	sst s9;
	s0 =	simm.s32 @!p0 $0x0  }
0x12: {  	s1 =	sld [smem:$0x3F9D];
	s0 =	simm.s32 @p0 $0x1  }
0x13: {  	[smem:$0x3FB8] =	sst s0;
	s0 =	simm.s32 @!p1 $0x0  }
0x14: {  	s2 =	sld [smem:$0x3F9C];
	s0 =	simm.s32 @p1 $0x1  }
0x15: {  	[smem:$0x3FB9] =	sst s0;
	s0 =	simm.s32 @!p2 $0x0  }
0x16: {  	s3 =	sld [smem:$0x3FDB];
	s0 =	simm.s32 @p2 $0x1  }
0x17: {  	s4 =	simm.s32 $0x1BF5;
	[smem:$0x3FBB] =	sst s0  }
0x18: {  	s0 =	sld [smem:$0x3F9E];
	_ =	swait.ge [sflag:s4], $0x0  }
0x19: {  	s7 =	sld [smem:$0x3F9F]  }
0x1a: {  	s8 =	sadd.s32 $0xFFFFE003, lr  }
0x1b: {  	s9 =	sadd.s32 $0xFFFFFEF7, lr;
	s5 =	simm.s32 $0xFFFFFFFF;
	p2 =	slt.u32 s8, $0xFFFFF086  }
0x1c: {  	p1 =	slt.u32 s9, $0xF7A;
	s5 =	simm.s32 @!p2 $0x0  }
0x1d: {  	s5 =	simm.s32 @p1 $0x1;
	p0 =	seq.s32 s7, s2  }
0x1e: {  	s7 =	smul.u32 @!p0 $0xF7A, s2;
	p2 =	seq.s32 @!p0 s5, $0x0  }
0x1f: {  	s9 =	smul.u32 $0xF7A, s1;
	s8 =	simm.s32 @!p0 $0x1BF5;
	p2 =	por !p2, p0  }
0x20: {  	[sflag:s8] =	ssyncset.s32 @!p0 $0xFFFFF086;
	s6 =	sadd.s32 @!p0 s3, s7;
	s7 =	simm.s32 @!p0 $0x108  }
0x21: {  	s3 =	sadd.s32 s3, s9;
	s6 =	sadd.s32 @!p0 $0x88, s6;
	s7 =	simm.s32 @p2 $0x1082  }
0x22: {  	[simem:s7], [sflag:s8] =	dma.local @!p0 [hbm:s6], $0xF7A  }
0x23: {  	s9 =	sor.u32 $0xD0000000, s2;
	s6 =	simm.s32 $0x108;
	_ =	swait.ge @!p0 [sflag:s8], $0x0  }
0x24: {  	s3 =	sadd.s32 $0x88, s3;
	s6 =	simm.s32 @!p1 $0x1082;
	[sflag:s4] =	ssyncset.s32 $0xFFFFF086  }
0x25: {  	[simem:s6], [sflag:s4] =	dma.local [hbm:s3], $0xF7A  }
0x26: {  	[smem:$0x3F9F] =	sst s1;
	(tag) =	ssettag s2;
	_ =	strace s9  }
0x27: {  	s1 =	sld [smem:$0x3FAF]  }
0x28: {  	s2 =	sld [smem:$0x3FB0]  }
0x29: {  	s4 =	sld [smem:$0x3FB2]  }
0x2a: {  	p0 =	seq.s32 s5, $0x0;
	s5 =	sld [smem:$0x3FB3]  }
0x2b: {  	s6 =	sld [smem:$0x3FB4]  }
0x2c: {  	s7 =	sld [smem:$0x3FB5]  }
0x2d: {  	s3 =	simm.s32 $0x108;
	s8 =	sld [smem:$0x3FB6]  }
0x2e: {  	s3 =	simm.s32 @!p0 $0x1082;
	s9 =	sld [smem:$0x3FB7]  }
0x2f: {  	lr =	sadd.s32 s0, s3;
	s0 =	sld [smem:$0x3FAE]  }
0x30: {  	s3 =	sld [smem:$0x3FB1]  }
0x31: {  	[smem:$0x3FBA] =	sst s10  }
0x32: {  	s10 =	sld [smem:$0x3FB8];
	_ =	sdelay $0x3  }
0x33: {  	p0 =	seq.s32 s10, $0x1;
	s10 =	sld [smem:$0x3FBA];
	_ =	sdelay $0x3  }
0x34: {  	[smem:$0x3FBA] =	sst s10  }
0x35: {  	s10 =	sld [smem:$0x3FB9];
	_ =	sdelay $0x3  }
0x36: {  	p1 =	seq.s32 s10, $0x1;
	s10 =	sld [smem:$0x3FBA];
	_ =	sdelay $0x3  }
0x37: {  	[smem:$0x3FBA] =	sst s10  }
0x38: {  	s10 =	sld [smem:$0x3FBB]  }
0x39: {  	_ = 	snop;
	(pc) =	sbr.ind lr, $3  }
0x3a: {  	_ = 	snop  }
0x3b: {  	_ = 	snop  }
0x3c: {  	p2 =	seq.s32 s10, $0x1;
	s10 =	sld [smem:$0x3FBA]  }
0x3d: {  	_ =	shalt  }
0x3e: {  	_ =	shalt  }
0x3f: {  	_ =	shalt  }
0x40: {  	_ =	shalt  }
0x41: {  	_ =	shalt  }
0x42: {  	_ =	shalt  }
0x43: {  	_ =	shalt  }
0x44: {  	_ =	shalt  }
0x45: {  	_ =	shalt  }
0x46: {  	_ =	shalt  }
0x47: {  	_ =	shalt  }
0x48: {  	_ =	shalt  }
0x49: {  	_ =	shalt  }
0x4a: {  	_ =	shalt  }
0x4b: {  	_ =	shalt  }
0x4c: {  	_ =	shalt  }
0x4d: {  	_ =	shalt  }
0x4e: {  	_ =	shalt  }
0x4f: {  	_ =	shalt  }
0x50: {  	_ =	shalt  }
0x51: {  	_ =	shalt  }
0x52: {  	_ =	shalt  }
0x53: {  	_ =	shalt  }
0x54: {  	_ =	shalt  }
0x55: {  	_ =	shalt  }
0x56: {  	_ =	shalt  }
0x57: {  	_ =	shalt  }
0x58: {  	_ =	shalt  }
0x59: {  	_ =	shalt  }
0x5a: {  	_ =	shalt  }
0x5b: {  	_ =	shalt  }
0x5c: {  	_ =	shalt  }
0x5d: {  	_ =	shalt  }
0x5e: {  	_ =	shalt  }
0x5f: {  	_ =	shalt  }
0x60: {  	_ =	shalt  }
0x61: {  	_ =	shalt  }
0x62: {  	_ =	shalt  }
0x63: {  	_ =	shalt  }
0x64: {  	_ =	shalt  }
0x65: {  	_ =	shalt  }
0x66: {  	_ =	shalt  }
0x67: {  	_ =	shalt  }
0x68: {  	_ =	shalt  }
0x69: {  	_ =	shalt  }
0x6a: {  	_ =	shalt  }
0x6b: {  	_ =	shalt  }
0x6c: {  	_ =	shalt  }
0x6d: {  	_ =	shalt  }
0x6e: {  	_ =	shalt  }
0x6f: {  	_ =	shalt  }
0x70: {  	_ =	shalt  }
0x71: {  	_ =	shalt  }
0x72: {  	_ =	shalt  }
0x73: {  	_ =	shalt  }
0x74: {  	_ =	shalt  }
0x75: {  	_ =	shalt  }
0x76: {  	_ =	shalt  }
0x77: {  	_ =	shalt  }
0x78: {  	_ =	shalt  }
0x79: {  	_ =	shalt  }
0x7a: {  	_ =	shalt  }
0x7b: {  	_ =	shalt  }
0x7c: {  	_ =	shalt  }
0x7d: {  	_ =	shalt  }
0x7e: {  	_ =	shalt  }
0x7f: {  	_ =	shalt  }
0x80: {  	_ =	shalt  }
0x81: {  	_ =	shalt  }
0x82: {  	_ =	shalt  }
0x83: {  	_ =	shalt  }
0x84: {  	_ =	shalt  }
0x85: {  	_ =	shalt  }
0x86: {  	_ =	shalt  }
0x87: {  	_ =	shalt  }
.Lfunc_end0:
.L_simem_size_0:
called_computation_lowered:
.L_overlay_start_0:
0x88: {  	s2 =	sld [smem:$0x3FD9]  }
0x89: {  	s3 =	sld [smem:$0x3FFE];
	_ =	sdelay $0x1  }
0x8a: {  	s1 =	srdreg.scid  }
0x8b: {  	s0 =	sand.u32 $0x1, s1  }
0x8c: {  	s17 =	sshll.u32 s0, $0xA;
	s2 =	sadd.s32 s3, s2  }
0x8d: {  	s2 =	sadd.s32 s2, s17  }
0x8e: {  	[smem:$0x3FC6] =	sst s2  }
0x8f: {  	_ = 	snop  }
0x90: {  	s2 =	sld [smem:$0x3FD0];
	(tm) =	ssettm $0x1  }
0x91: {  	s18 =	sld [smem:$0x3FFB];
	_ =	sdelay $0x3  }
0x92: {  	_ =	strace s18  }
0x93: {  	s3 =	sld [smem:$0x3FFC];
	_ =	sdelay $0x3  }
0x94: {  	_ =	strace s3  }
0x95: {  	s3 =	sld [smem:$0x3FFD];
	_ =	sdelay $0x3  }
0x96: {  	_ =	strace s3  }
0x97: {  	_ =	strace $0x8FFFFFFF  }
0x98: {  	s19 =	sld [smem:$0x3FDB];
	_ =	sdelay $0x1  }
0x99: {  	s4 =	simm.s32 $_scs_section_size  }
0x9a: {  	s5 =	simm.s32 $_size__tile_overlayer_lowered;
	s6 =	simm.s32 $_tile_overlayer_lowered  }
0x9b: {  	s22 =	simm.s32 $0x1BFF;
	s21 =	sshll.u32 s6, $0x1;
	s3 =	sadd.s32 s4, s19  }
0x9c: {  	s7 =	simm.s32 $0x0;
	s20 =	sshll.u32 s5, $0x1;
	s5 =	sadd.s32 s21, s3  }
0x9d: {  	[timem:s7], [sflag:s22] =	dma.local [hbm:s5], s20  }
0x9e: {  	_ =	swait.ge [sflag:s22], s20  }
0x9f: {  	s4 =	ssub.s32 $0x0, s20;
	[sflag:s22] =	ssyncset.done $0x0  }
0xa0: {  	[sflag:s22] =	ssyncadd.s32 s4;
	_ =	sdelay $0x1  }
0xa1: {  	s23 =	simm.s32 $0x1B8B  }
0xa2: {  	_ =	swait.ge [sflag:s23], $0x1  }
0xa3: {  	[sflag:s23] =	ssyncset.done $0x0  }
0xa4: {  	s25 =	simm.s32 $0x1B8E;
	s24 =	sld [smem:$0x3FFE];
	[sflag:s23] =	ssyncadd.s32 $0xFFFFFFFF  }
0xa5: {  	s26 =	simm.s32 $execute0_lowered;
	[smem:$0x3FD2] =	sst s25  }
0xa6: {  	s5 =	sshll.u32 s26, $0x1;
	_ =	strace $0x80000046;
	[dreg:$0x1] =	wrdreg $0xFFFFFFFF  }
0xa7: {  	s28 =	simm.s32 $_size_execute0_lowered;
	s3 =	sadd.s32 s3, s5;
	[dreg:$0x0] =	wrdreg $0x0  }
0xa8: {  	s5 =	sshll.u32 s28, $0x1;
	[dreg:$0x2] =	wrdreg s3  }
0xa9: {  	[dreg:$0x3] =	wrdreg s5  }
0xaa: {  	[dreg:$0x4] =	wrdreg $0xC0  }
0xab: {  	_ =	task [dreg:s7], $0x5FFFF  }
0xac: {  	[dreg:$0x1] =	wrdreg $0xFFFFFFFF  }
0xad: {  	[dreg:$0x0] =	wrdreg $0x60  }
0xae: {  	[dreg:$0x2] =	wrdreg s24  }
0xaf: {  	[dreg:$0x3] =	wrdreg s2  }
0xb0: {  	[dreg:$0x4] =	wrdreg $0x9  }
0xb1: {  	_ =	task.clear_ibuf [dreg:s7], $0x5FFFF;
	_ =	strace $0x90000046  }
0xb2: {  	s29 =	simm.s32 $0x9;
	_ =	strace $0x80000048  }
0xb3: {  	_ =	swait.ge [sflag:s29], $0x1  }
0xb4: {  	[sflag:s29] =	ssyncadd.s32 $0xFFFFFFFF  }
0xb5: {  	_ =	strace $0x90000048  }
0xb6: {  	_ =	sfence  }
0xb7: {  	s30 =	sld [smem:$0x0];
	_ =	sdelay $0x2  }
0xb8: {  	s31 =	sshll.u32 s1, $0xD;
	s1 =	sshrl.u32 s1, $0x2  }
0xb9: {  	s3 =	sand.u32 $0x4000, s31;
	s1 =	sadd.s32 s1, s30  }
0xba: {  	s0 =	sor.u32 s3, s0;
	s1 =	sshll.u32 s1, $0x11  }
0xbb: {  	s0 =	sor.u32 s1, s0  }
0xbc: {  	s0 =	sadd.s32 $0x8F2B, s0  }
0xbd: {  	[sflag:s0] =	ssyncadd.remote.s32 $0x1  }
0xbe: {  	_ =	sfence.sel $0xFFFF  }
0xbf: {  	[dreg:$0x0] =	wrdreg $0xFFFFFFFF;
	(pc) =	sbr.abs _section_cstart, $3  }
0xc0: {  	[dreg:$0x1] =	wrdreg $0xFFFFFFFF  }
0xc1: {  	_ =	task.clear_ibuf [dreg:s7], $0x2FFFF;
	_ =	strace $0x9FFFFFFF  }
0xc2: {  	(tm) =	ssettm $0x7FFFFFFF  }
0xc3: {  	_ =	shalt  }
tec
execute0_lowered:
.L_overlay_start_1:
0x0: {  	(tag) =	ssettag $0x1  }
0x1: {  	s1 =	srdreg.scid;
	s2 =	stileid.u32  }
0x2: {  	s1 =	sand.u32 $0x1, s1;
	s3 =	sshll.u32 s2, $0x1  }
0x3: {  	s5 =	sor.u32 s1, s3  }
0x4: {  	s0 =	rddreg [dreg:$0x0];
	s3 =	sshll.u32 s5, $0x6  }
0x5: {  	s4 =	rddreg [dreg:$0x1];
	s2 =	simm.s32 $0x0;
	s6 =	sadd.s32 s3, s0  }
0x6: {  	[smem:$0x7FF] =	sst s2;
	s24 =	sadd.s32 $0xF42A00, s6  }
0x7: {  	_ =	strace $0x80000047;
	s25 =	sadd.s32 $0xF43200, s6;
	[dreg:$0x3] =	wrdreg s24  }
0x8: {  	s26 =	sadd.s32 $0xF43A00, s6;
	[dreg:$0x4] =	wrdreg s25  }
0x9: {  	s29 =	sadd.s32 $0xF44200, s6;
	[dreg:$0x5] =	wrdreg s26  }
0xa: {  	s7 =	sadd.s32 $0xF44A00, s6;
	[dreg:$0x6] =	wrdreg s29  }
0xb: {  	s28 =	simm.s32 $0x3200;
	s8 =	sadd.s32 $0xF45200, s6;
	[dreg:$0x7] =	wrdreg s7  }
0xc: {  	s1 =	ssub.s32 $0x2, s1;
	s9 =	sadd.s32 $0xF45A00, s6;
	[dreg:$0x8] =	wrdreg s8  }
0xd: {  	s23 =	sshll.u32 s5, $0x9;
	s10 =	sadd.s32 $0xF46200, s6;
	[dreg:$0x9] =	wrdreg s9  }
0xe: {  	s18 =	sshrl.u32 s1, $0x1;
	s11 =	sadd.s32 $0xF46A00, s6;
	[dreg:$0xa] =	wrdreg s10  }
0xf: {  	s5 =	simm.s32 $0x7200;
	s12 =	sadd.s32 $0xF47200, s6;
	[dreg:$0xb] =	wrdreg s11  }
0x10: {  	s3 =	sadd.s32 $0xF4CA00, s0;
	s13 =	sadd.s32 $0xF47A00, s6;
	[dreg:$0xc] =	wrdreg s12  }
0x11: {  	s1 =	ssub.s32 s1, s18;
	s14 =	sadd.s32 $0xF48200, s6;
	[dreg:$0xd] =	wrdreg s13  }
0x12: {  	s23 =	sadd.s32 s4, s23;
	s15 =	sadd.s32 $0xF48A00, s6;
	[dreg:$0xe] =	wrdreg s14  }
0x13: {  	s0 =	simm.s32 $0x400;
	s16 =	sadd.s32 $0xF49200, s6;
	[dreg:$0xf] =	wrdreg s15  }
0x14: {  	s4 =	simm.s32 $0x9;
	s17 =	sadd.s32 $0xF49A00, s6;
	[dreg:$0x10] =	wrdreg s16  }
0x15: {  	s18 =	simm.s32 $0x17200;
	s19 =	sadd.s32 $0xF4AA00, s6;
	[dreg:$0x11] =	wrdreg s17  }
0x16: {  	s20 =	sadd.s32 $0xF4B200, s6;
	s21 =	sadd.s32 $0xF4BA00, s6;
	[dreg:$0x13] =	wrdreg s19  }
0x17: {  	s22 =	sadd.s32 $0xF4C200, s6;
	s30 =	sadd.s32 $0x80, s23;
	[dreg:$0x14] =	wrdreg s20  }
0x18: {  	s31 =	sadd.s32 $0x100, s23;
	s7 =	sadd.s32 $0xF4A200, s6;
	[dreg:$0x15] =	wrdreg s21  }
0x19: {  	[dreg:$0x16] =	wrdreg s22;
	s24 =	sadd.s32 $0xF42A10, s6;
	s26 =	sadd.s32 $0xF42A20, s6  }
0x1a: {  	s25 =	smax.u32 s1, $0x1;
	s29 =	sadd.s32 $0xF42A30, s6;
	s1 =	sadd.s32 $0x180, s23  }
0x1b: {  	s9 =	simm.s32 $0xF200;
	s10 =	simm.s32 $0x1;
	s11 =	simm.s32 $0x13200  }
0x1c: {  	v0 =	vlaneseq.u32;
	s12 =	simm.s32 $0x20000;
	s13 =	simm.s32 $0x2;
	s14 =	simm.s32 $0x6  }
.Ltmp0:
0x1d: {  	v1 =	vmul.u32 $0x80, v0;
	v3 =	vor.u32 $0x10, v0;
	v5 =	vor.u32 $0x20, v0;
	s15 =	simm.s32 $0x15200;
	[dreg:$0x12] =	wrdreg s7;
	(pc) =	sbr.rel .LBB2_1-.Ltmp0, $4  }
0x1e: {  	v7 =	vor.u32 $0x30, v0;
	v9 =	vor.u32 $0x40, v0;
	v11 =	vor.u32 $0x50, v0;
	s16 =	simm.s32 $0x3;
	s17 =	simm.s32 $0x7;
	[dreg:$0x17] =	wrdreg s24  }
0x1f: {  	v13 =	vor.u32 $0x60, v0;
	v15 =	vor.u32 $0x70, v0;
	v2 =	vor.u32 $0x800, v1;
	s19 =	simm.s32 $0x4;
	s20 =	simm.s32 $0x8;
	[dreg:$0x18] =	wrdreg s25  }
0x20: {  	v4 =	vor.u32 $0x1000, v1;
	v6 =	vor.u32 $0x1800, v1;
	v8 =	vor.u32 $0x2000, v1;
	s21 =	simm.s32 $0x19200;
	s8 =	simm.s32 $0x0;
	[dreg:$0x19] =	wrdreg s26  }
0x21: {  	v10 =	vor.u32 $0x2800, v1;
	v12 =	vor.u32 $0x3000, v1;
	v14 =	vor.u32 $0x3800, v1;
	[dreg:$0x1a] =	wrdreg s29;
	s25 =	simm.s32 $0x80;
	s7 =	simm.s32 $0xB200  }
.LBB2_80:
0x22: {  	s6 =	simm.s32 $0x5  }
0x23: {  	_ =	swait.ge [sflag:s6], $0x2000  }
0x24: {  	[sflag:s6] =	ssyncset.done $0x0  }
0x25: {  	[sflag:s6] =	ssyncadd.s32 $0xFFFFE000  }
0x26: {  	_ =	swait.ge [sflag:s14], $0x2000  }
0x27: {  	[sflag:s14] =	ssyncset.done $0x0  }
0x28: {  	[sflag:s14] =	ssyncadd.s32 $0xFFFFE000  }
0x29: {  	_ =	swait.ge [sflag:s17], $0x2000  }
0x2a: {  	[sflag:s17] =	ssyncset.done $0x0  }
0x2b: {  	[sflag:s17] =	ssyncadd.s32 $0xFFFFE000  }
0x2c: {  	_ =	swait.ge [sflag:s20], $0x2000  }
0x2d: {  	s8 =	rddreg [dreg:$0x1b]  }
0x2e: {  	s29 =	rddreg [dreg:$0x18];
	s8 =	sadd.s32 $0x1, s8  }
0x2f: {  	p0 =	sne.s32 s8, s29  }
.Ltmp1:
0x30: {  	_ = 	snop;
	(pc) =	sbr.rel @!p0 .LBB2_81-.Ltmp1, $3  }
0x31: {  	_ =	sdelay $0x1  }
0x32: {  	[sflag:s20] =	ssyncset.done $0x0  }
0x33: {  	[sflag:s20] =	ssyncadd.s32 $0xFFFFE000  }
.LBB2_1:
0x34: {  	[dreg:$0x1b] =	wrdreg s8  }
0x35: {  	s6 =	rddreg [dreg:$0x3]  }
0x36: {  	[tilespmem:s2], [sflag:$0x9] =	stream.linear.gather [hbm4b:s6+s2], $0x80, $0x38;
	[tilespmem:$0x1B200] =	vst v63  }
0x37: {  	s24 =	rddreg [dreg:$0x17]  }
0x38: {  	[tilespmem:s0], [sflag:$0x9] =	stream.linear.gather [hbm4b:s24+s2], $0x80, $0x38;
	[tilespmem:$0x1B200] =	vst v63  }
0x39: {  	s26 =	rddreg [dreg:$0x19];
	s29 =	simm.s32 $0x800  }
0x3a: {  	[tilespmem:s29], [sflag:$0x9] =	stream.linear.gather [hbm4b:s26+s2], $0x80, $0x38;
	[tilespmem:$0x1B200] =	vst v63  }
0x3b: {  	s8 =	rddreg [dreg:$0x1a];
	s22 =	simm.s32 $0xC00  }
0x3c: {  	[tilespmem:s22], [sflag:$0x9] =	stream.linear.gather [hbm4b:s8+s2], $0x80, $0x38;
	[tilespmem:$0x1B200] =	vst v63  }
0x3d: {  	_ =	swait.ge [sflag:s4], $0x200  }
0x3e: {  	[sflag:s4] =	ssyncset.done $0x0  }
0x3f: {  	s8 =	rddreg [dreg:$0x4];
	[sflag:s4] =	ssyncadd.s32 $0xFFFFFE00  }
0x40: {  	[tilespmem:s25], [sflag:$0x9] =	stream.linear.gather [hbm4b:s8+s2], $0x80, $0x38;
	[tilespmem:$0x1B200] =	vst v63  }
0x41: {  	s22 =	simm.s32 $0x480;
	s24 =	sadd.s32 $0x10, s8  }
0x42: {  	[tilespmem:s22], [sflag:$0x9] =	stream.linear.gather [hbm4b:s24+s2], $0x80, $0x38;
	[tilespmem:$0x1B200] =	vst v63  }
0x43: {  	s29 =	simm.s32 $0x880;
	s26 =	sadd.s32 $0x20, s8  }
0x44: {  	[tilespmem:s29], [sflag:$0x9] =	stream.linear.gather [hbm4b:s26+s2], $0x80, $0x38;
	[tilespmem:$0x1B200] =	vst v63  }
0x45: {  	s24 =	sadd.s32 $0x30, s8;
	s26 =	simm.s32 $0xC80  }
0x46: {  	[tilespmem:s26], [sflag:$0x9] =	stream.linear.gather [hbm4b:s24+s2], $0x80, $0x38;
	[tilespmem:$0x1B200] =	vst v63  }
0x47: {  	_ =	swait.ge [sflag:s4], $0x200  }
0x48: {  	[sflag:s4] =	ssyncset.done $0x0  }
0x49: {  	s29 =	simm.s32 $0x100;
	s8 =	rddreg [dreg:$0x5];
	[sflag:s4] =	ssyncadd.s32 $0xFFFFFE00  }
0x4a: {  	[tilespmem:s29], [sflag:$0x9] =	stream.linear.gather [hbm4b:s8+s2], $0x80, $0x38;
	[tilespmem:$0x1B200] =	vst v63  }
0x4b: {  	s24 =	simm.s32 $0x500;
	s22 =	sadd.s32 $0x10, s8  }
0x4c: {  	[tilespmem:s24], [sflag:$0x9] =	stream.linear.gather [hbm4b:s22+s2], $0x80, $0x38;
	[tilespmem:$0x1B200] =	vst v63  }
0x4d: {  	s26 =	sadd.s32 $0x20, s8;
	s29 =	simm.s32 $0x900  }
0x4e: {  	[tilespmem:s29], [sflag:$0x9] =	stream.linear.gather [hbm4b:s26+s2], $0x80, $0x38;
	[tilespmem:$0x1B200] =	vst v63  }
0x4f: {  	s24 =	sadd.s32 $0x30, s8;
	s26 =	simm.s32 $0xD00  }
0x50: {  	[tilespmem:s26], [sflag:$0x9] =	stream.linear.gather [hbm4b:s24+s2], $0x80, $0x38;
	[tilespmem:$0x1B200] =	vst v63  }
0x51: {  	_ =	swait.ge [sflag:s4], $0x200  }
0x52: {  	[sflag:s4] =	ssyncset.done $0x0  }
0x53: {  	s29 =	simm.s32 $0x180;
	s8 =	rddreg [dreg:$0x6];
	[sflag:s4] =	ssyncadd.s32 $0xFFFFFE00  }
0x54: {  	[tilespmem:s29], [sflag:$0x9] =	stream.linear.gather [hbm4b:s8+s2], $0x80, $0x38;
	[tilespmem:$0x1B200] =	vst v63  }
0x55: {  	s24 =	simm.s32 $0x580;
	s22 =	sadd.s32 $0x10, s8  }
0x56: {  	[tilespmem:s24], [sflag:$0x9] =	stream.linear.gather [hbm4b:s22+s2], $0x80, $0x38;
	[tilespmem:$0x1B200] =	vst v63  }
0x57: {  	s26 =	sadd.s32 $0x20, s8;
	s29 =	simm.s32 $0x980  }
0x58: {  	[tilespmem:s29], [sflag:$0x9] =	stream.linear.gather [hbm4b:s26+s2], $0x80, $0x38;
	[tilespmem:$0x1B200] =	vst v63  }
0x59: {  	s24 =	sadd.s32 $0x30, s8;
	s26 =	simm.s32 $0xD80  }
0x5a: {  	[tilespmem:s26], [sflag:$0x9] =	stream.linear.gather [hbm4b:s24+s2], $0x80, $0x38;
	[tilespmem:$0x1B200] =	vst v63  }
0x5b: {  	_ =	swait.ge [sflag:s4], $0x200  }
0x5c: {  	[sflag:s4] =	ssyncset.done $0x0  }
0x5d: {  	s29 =	simm.s32 $0x200;
	s8 =	rddreg [dreg:$0x7];
	[sflag:s4] =	ssyncadd.s32 $0xFFFFFE00  }
0x5e: {  	[tilespmem:s29], [sflag:$0x9] =	stream.linear.gather [hbm4b:s8+s2], $0x80, $0x38;
	[tilespmem:$0x1B200] =	vst v63  }
0x5f: {  	s24 =	simm.s32 $0x600;
	s22 =	sadd.s32 $0x10, s8  }
0x60: {  	[tilespmem:s24], [sflag:$0x9] =	stream.linear.gather [hbm4b:s22+s2], $0x80, $0x38;
	[tilespmem:$0x1B200] =	vst v63  }
0x61: {  	s26 =	sadd.s32 $0x20, s8;
	s29 =	simm.s32 $0xA00  }
0x62: {  	[tilespmem:s29], [sflag:$0x9] =	stream.linear.gather [hbm4b:s26+s2], $0x80, $0x38;
	[tilespmem:$0x1B200] =	vst v63  }
0x63: {  	s24 =	sadd.s32 $0x30, s8;
	s26 =	simm.s32 $0xE00  }
0x64: {  	[tilespmem:s26], [sflag:$0x9] =	stream.linear.gather [hbm4b:s24+s2], $0x80, $0x38;
	[tilespmem:$0x1B200] =	vst v63  }
0x65: {  	_ =	swait.ge [sflag:s4], $0x200  }
0x66: {  	[sflag:s4] =	ssyncset.done $0x0  }
0x67: {  	s29 =	simm.s32 $0x280;
	s8 =	rddreg [dreg:$0x8];
	[sflag:s4] =	ssyncadd.s32 $0xFFFFFE00  }
0x68: {  	[tilespmem:s29], [sflag:$0x9] =	stream.linear.gather [hbm4b:s8+s2], $0x80, $0x38;
	[tilespmem:$0x1B200] =	vst v63  }
0x69: {  	s24 =	simm.s32 $0x680;
	s22 =	sadd.s32 $0x10, s8  }
0x6a: {  	[tilespmem:s24], [sflag:$0x9] =	stream.linear.gather [hbm4b:s22+s2], $0x80, $0x38;
	[tilespmem:$0x1B200] =	vst v63  }
0x6b: {  	s26 =	sadd.s32 $0x20, s8;
	s29 =	simm.s32 $0xA80  }
0x6c: {  	[tilespmem:s29], [sflag:$0x9] =	stream.linear.gather [hbm4b:s26+s2], $0x80, $0x38;
	[tilespmem:$0x1B200] =	vst v63  }
0x6d: {  	s24 =	sadd.s32 $0x30, s8;
	s26 =	simm.s32 $0xE80  }
0x6e: {  	[tilespmem:s26], [sflag:$0x9] =	stream.linear.gather [hbm4b:s24+s2], $0x80, $0x38;
	[tilespmem:$0x1B200] =	vst v63  }
0x6f: {  	_ =	swait.ge [sflag:s4], $0x200  }
0x70: {  	[sflag:s4] =	ssyncset.done $0x0  }
0x71: {  	s29 =	simm.s32 $0x300;
	s8 =	rddreg [dreg:$0x9];
	[sflag:s4] =	ssyncadd.s32 $0xFFFFFE00  }
0x72: {  	[tilespmem:s29], [sflag:$0x9] =	stream.linear.gather [hbm4b:s8+s2], $0x80, $0x38;
	[tilespmem:$0x1B200] =	vst v63  }
0x73: {  	s24 =	simm.s32 $0x700;
	s22 =	sadd.s32 $0x10, s8  }
0x74: {  	[tilespmem:s24], [sflag:$0x9] =	stream.linear.gather [hbm4b:s22+s2], $0x80, $0x38;
	[tilespmem:$0x1B200] =	vst v63  }
0x75: {  	s26 =	sadd.s32 $0x20, s8;
	s29 =	simm.s32 $0xB00  }
0x76: {  	[tilespmem:s29], [sflag:$0x9] =	stream.linear.gather [hbm4b:s26+s2], $0x80, $0x38;
	[tilespmem:$0x1B200] =	vst v63  }
0x77: {  	s24 =	sadd.s32 $0x30, s8;
	s26 =	simm.s32 $0xF00  }
0x78: {  	[tilespmem:s26], [sflag:$0x9] =	stream.linear.gather [hbm4b:s24+s2], $0x80, $0x38;
	[tilespmem:$0x1B200] =	vst v63  }
0x79: {  	_ =	swait.ge [sflag:s4], $0x200  }
0x7a: {  	[sflag:s4] =	ssyncset.done $0x0  }
0x7b: {  	s29 =	simm.s32 $0x380;
	s8 =	rddreg [dreg:$0xa];
	[sflag:s4] =	ssyncadd.s32 $0xFFFFFE00  }
0x7c: {  	[tilespmem:s29], [sflag:$0x9] =	stream.linear.gather [hbm4b:s8+s2], $0x80, $0x38;
	[tilespmem:$0x1B200] =	vst v63  }
0x7d: {  	s24 =	simm.s32 $0x780;
	s22 =	sadd.s32 $0x10, s8  }
0x7e: {  	[tilespmem:s24], [sflag:$0x9] =	stream.linear.gather [hbm4b:s22+s2], $0x80, $0x38;
	[tilespmem:$0x1B200] =	vst v63  }
0x7f: {  	s26 =	sadd.s32 $0x20, s8;
	s29 =	simm.s32 $0xB80  }
0x80: {  	[tilespmem:s29], [sflag:$0x9] =	stream.linear.gather [hbm4b:s26+s2], $0x80, $0x38;
	[tilespmem:$0x1B200] =	vst v63  }
0x81: {  	s24 =	sadd.s32 $0x30, s8;
	s26 =	simm.s32 $0xF80  }
0x82: {  	[tilespmem:s26], [sflag:$0x9] =	stream.linear.gather [hbm4b:s24+s2], $0x80, $0x38;
	[tilespmem:$0x1B200] =	vst v63  }
0x83: {  	_ =	swait.ge [sflag:s4], $0x200  }
0x84: {  	[sflag:s4] =	ssyncset.done $0x0  }
0x85: {  	s29 =	simm.s32 $0x1000;
	s8 =	rddreg [dreg:$0xb];
	[sflag:s4] =	ssyncadd.s32 $0xFFFFFE00  }
0x86: {  	[tilespmem:s29], [sflag:$0x9] =	stream.linear.gather [hbm4b:s8+s2], $0x80, $0x38;
	[tilespmem:$0x1B200] =	vst v63  }
0x87: {  	s24 =	simm.s32 $0x1400;
	s22 =	sadd.s32 $0x10, s8  }
0x88: {  	[tilespmem:s24], [sflag:$0x9] =	stream.linear.gather [hbm4b:s22+s2], $0x80, $0x38;
	[tilespmem:$0x1B200] =	vst v63  }
0x89: {  	s26 =	sadd.s32 $0x20, s8;
	s29 =	simm.s32 $0x1800  }
0x8a: {  	[tilespmem:s29], [sflag:$0x9] =	stream.linear.gather [hbm4b:s26+s2], $0x80, $0x38;
	[tilespmem:$0x1B200] =	vst v63  }
0x8b: {  	s24 =	sadd.s32 $0x30, s8;
	s26 =	simm.s32 $0x1C00  }
0x8c: {  	[tilespmem:s26], [sflag:$0x9] =	stream.linear.gather [hbm4b:s24+s2], $0x80, $0x38;
	[tilespmem:$0x1B200] =	vst v63  }
0x8d: {  	_ =	swait.ge [sflag:s4], $0x200  }
0x8e: {  	[sflag:s4] =	ssyncset.done $0x0  }
0x8f: {  	s29 =	simm.s32 $0x1080;
	s8 =	rddreg [dreg:$0xc];
	[sflag:s4] =	ssyncadd.s32 $0xFFFFFE00  }
0x90: {  	[tilespmem:s29], [sflag:$0x9] =	stream.linear.gather [hbm4b:s8+s2], $0x80, $0x38;
	[tilespmem:$0x1B200] =	vst v63  }
0x91: {  	s24 =	simm.s32 $0x1480;
	s22 =	sadd.s32 $0x10, s8  }
0x92: {  	[tilespmem:s24], [sflag:$0x9] =	stream.linear.gather [hbm4b:s22+s2], $0x80, $0x38;
	[tilespmem:$0x1B200] =	vst v63  }
0x93: {  	s26 =	sadd.s32 $0x20, s8;
	s29 =	simm.s32 $0x1880  }
0x94: {  	[tilespmem:s29], [sflag:$0x9] =	stream.linear.gather [hbm4b:s26+s2], $0x80, $0x38;
	[tilespmem:$0x1B200] =	vst v63  }
0x95: {  	s24 =	sadd.s32 $0x30, s8;
	s26 =	simm.s32 $0x1C80  }
0x96: {  	[tilespmem:s26], [sflag:$0x9] =	stream.linear.gather [hbm4b:s24+s2], $0x80, $0x38;
	[tilespmem:$0x1B200] =	vst v63  }
0x97: {  	_ =	swait.ge [sflag:s4], $0x200  }
0x98: {  	[sflag:s4] =	ssyncset.done $0x0  }
0x99: {  	s29 =	simm.s32 $0x1100;
	s8 =	rddreg [dreg:$0xd];
	[sflag:s4] =	ssyncadd.s32 $0xFFFFFE00  }
0x9a: {  	[tilespmem:s29], [sflag:$0x9] =	stream.linear.gather [hbm4b:s8+s2], $0x80, $0x38;
	[tilespmem:$0x1B200] =	vst v63  }
0x9b: {  	s24 =	simm.s32 $0x1500;
	s22 =	sadd.s32 $0x10, s8  }
0x9c: {  	[tilespmem:s24], [sflag:$0x9] =	stream.linear.gather [hbm4b:s22+s2], $0x80, $0x38;
	[tilespmem:$0x1B200] =	vst v63  }
0x9d: {  	s26 =	sadd.s32 $0x20, s8;
	s29 =	simm.s32 $0x1900  }
0x9e: {  	[tilespmem:s29], [sflag:$0x9] =	stream.linear.gather [hbm4b:s26+s2], $0x80, $0x38;
	[tilespmem:$0x1B200] =	vst v63  }
0x9f: {  	s24 =	sadd.s32 $0x30, s8;
	s26 =	simm.s32 $0x1D00  }
0xa0: {  	[tilespmem:s26], [sflag:$0x9] =	stream.linear.gather [hbm4b:s24+s2], $0x80, $0x38;
	[tilespmem:$0x1B200] =	vst v63  }
0xa1: {  	_ =	swait.ge [sflag:s4], $0x200  }
0xa2: {  	[sflag:s4] =	ssyncset.done $0x0  }
0xa3: {  	s29 =	simm.s32 $0x1180;
	s8 =	rddreg [dreg:$0xe];
	[sflag:s4] =	ssyncadd.s32 $0xFFFFFE00  }
0xa4: {  	[tilespmem:s29], [sflag:$0x9] =	stream.linear.gather [hbm4b:s8+s2], $0x80, $0x38;
	[tilespmem:$0x1B200] =	vst v63  }
0xa5: {  	s24 =	simm.s32 $0x1580;
	s22 =	sadd.s32 $0x10, s8  }
0xa6: {  	[tilespmem:s24], [sflag:$0x9] =	stream.linear.gather [hbm4b:s22+s2], $0x80, $0x38;
	[tilespmem:$0x1B200] =	vst v63  }
0xa7: {  	s26 =	sadd.s32 $0x20, s8;
	s29 =	simm.s32 $0x1980  }
0xa8: {  	[tilespmem:s29], [sflag:$0x9] =	stream.linear.gather [hbm4b:s26+s2], $0x80, $0x38;
	[tilespmem:$0x1B200] =	vst v63  }
0xa9: {  	s24 =	sadd.s32 $0x30, s8;
	s26 =	simm.s32 $0x1D80  }
0xaa: {  	[tilespmem:s26], [sflag:$0x9] =	stream.linear.gather [hbm4b:s24+s2], $0x80, $0x38;
	[tilespmem:$0x1B200] =	vst v63  }
0xab: {  	_ =	swait.ge [sflag:s4], $0x200  }
0xac: {  	[sflag:s4] =	ssyncset.done $0x0  }
0xad: {  	s29 =	simm.s32 $0x1200;
	s8 =	rddreg [dreg:$0xf];
	[sflag:s4] =	ssyncadd.s32 $0xFFFFFE00  }
0xae: {  	[tilespmem:s29], [sflag:$0x9] =	stream.linear.gather [hbm4b:s8+s2], $0x80, $0x38;
	[tilespmem:$0x1B200] =	vst v63  }
0xaf: {  	s24 =	simm.s32 $0x1600;
	s22 =	sadd.s32 $0x10, s8  }
0xb0: {  	[tilespmem:s24], [sflag:$0x9] =	stream.linear.gather [hbm4b:s22+s2], $0x80, $0x38;
	[tilespmem:$0x1B200] =	vst v63  }
0xb1: {  	s26 =	sadd.s32 $0x20, s8;
	s29 =	simm.s32 $0x1A00  }
0xb2: {  	[tilespmem:s29], [sflag:$0x9] =	stream.linear.gather [hbm4b:s26+s2], $0x80, $0x38;
	[tilespmem:$0x1B200] =	vst v63  }
0xb3: {  	s24 =	sadd.s32 $0x30, s8;
	s26 =	simm.s32 $0x1E00  }
0xb4: {  	[tilespmem:s26], [sflag:$0x9] =	stream.linear.gather [hbm4b:s24+s2], $0x80, $0x38;
	[tilespmem:$0x1B200] =	vst v63  }
0xb5: {  	_ =	swait.ge [sflag:s4], $0x200  }
0xb6: {  	[sflag:s4] =	ssyncset.done $0x0  }
0xb7: {  	s29 =	simm.s32 $0x1280;
	s8 =	rddreg [dreg:$0x10];
	[sflag:s4] =	ssyncadd.s32 $0xFFFFFE00  }
0xb8: {  	[tilespmem:s29], [sflag:$0x9] =	stream.linear.gather [hbm4b:s8+s2], $0x80, $0x38;
	[tilespmem:$0x1B200] =	vst v63  }
0xb9: {  	s24 =	simm.s32 $0x1680;
	s22 =	sadd.s32 $0x10, s8  }
0xba: {  	[tilespmem:s24], [sflag:$0x9] =	stream.linear.gather [hbm4b:s22+s2], $0x80, $0x38;
	[tilespmem:$0x1B200] =	vst v63  }
0xbb: {  	s26 =	sadd.s32 $0x20, s8;
	s29 =	simm.s32 $0x1A80  }
0xbc: {  	[tilespmem:s29], [sflag:$0x9] =	stream.linear.gather [hbm4b:s26+s2], $0x80, $0x38;
	[tilespmem:$0x1B200] =	vst v63  }
0xbd: {  	s24 =	sadd.s32 $0x30, s8;
	s26 =	simm.s32 $0x1E80  }
0xbe: {  	[tilespmem:s26], [sflag:$0x9] =	stream.linear.gather [hbm4b:s24+s2], $0x80, $0x38;
	[tilespmem:$0x1B200] =	vst v63  }
0xbf: {  	_ =	swait.ge [sflag:s4], $0x200  }
0xc0: {  	[sflag:s4] =	ssyncset.done $0x0  }
0xc1: {  	s29 =	simm.s32 $0x1300;
	s8 =	rddreg [dreg:$0x11];
	[sflag:s4] =	ssyncadd.s32 $0xFFFFFE00  }
0xc2: {  	[tilespmem:s29], [sflag:$0x9] =	stream.linear.gather [hbm4b:s8+s2], $0x80, $0x38;
	[tilespmem:$0x1B200] =	vst v63  }
0xc3: {  	s24 =	simm.s32 $0x1700;
	s22 =	sadd.s32 $0x10, s8  }
0xc4: {  	[tilespmem:s24], [sflag:$0x9] =	stream.linear.gather [hbm4b:s22+s2], $0x80, $0x38;
	[tilespmem:$0x1B200] =	vst v63  }
0xc5: {  	s26 =	sadd.s32 $0x20, s8;
	s29 =	simm.s32 $0x1B00  }
0xc6: {  	[tilespmem:s29], [sflag:$0x9] =	stream.linear.gather [hbm4b:s26+s2], $0x80, $0x38;
	[tilespmem:$0x1B200] =	vst v63  }
0xc7: {  	s24 =	sadd.s32 $0x30, s8;
	s26 =	simm.s32 $0x1F00  }
0xc8: {  	[tilespmem:s26], [sflag:$0x9] =	stream.linear.gather [hbm4b:s24+s2], $0x80, $0x38;
	[tilespmem:$0x1B200] =	vst v63  }
0xc9: {  	_ =	swait.ge [sflag:s4], $0x200  }
0xca: {  	[sflag:s4] =	ssyncset.done $0x0  }
0xcb: {  	s29 =	simm.s32 $0x1380;
	s8 =	rddreg [dreg:$0x12];
	[sflag:s4] =	ssyncadd.s32 $0xFFFFFE00  }
0xcc: {  	[tilespmem:s29], [sflag:$0x9] =	stream.linear.gather [hbm4b:s8+s2], $0x80, $0x38;
	[tilespmem:$0x1B200] =	vst v63  }
0xcd: {  	s24 =	simm.s32 $0x1780;
	s22 =	sadd.s32 $0x10, s8  }
0xce: {  	[tilespmem:s24], [sflag:$0x9] =	stream.linear.gather [hbm4b:s22+s2], $0x80, $0x38;
	[tilespmem:$0x1B200] =	vst v63  }
0xcf: {  	s26 =	sadd.s32 $0x20, s8;
	s29 =	simm.s32 $0x1B80  }
0xd0: {  	[tilespmem:s29], [sflag:$0x9] =	stream.linear.gather [hbm4b:s26+s2], $0x80, $0x38;
	[tilespmem:$0x1B200] =	vst v63  }
0xd1: {  	s24 =	sadd.s32 $0x30, s8;
	s26 =	simm.s32 $0x1F80  }
0xd2: {  	[tilespmem:s26], [sflag:$0x9] =	stream.linear.gather [hbm4b:s24+s2], $0x80, $0x38;
	[tilespmem:$0x1B200] =	vst v63  }
0xd3: {  	_ =	swait.ge [sflag:s4], $0x200  }
0xd4: {  	[sflag:s4] =	ssyncset.done $0x0  }
0xd5: {  	s29 =	simm.s32 $0x2000;
	s8 =	rddreg [dreg:$0x13];
	[sflag:s4] =	ssyncadd.s32 $0xFFFFFE00  }
0xd6: {  	[tilespmem:s29], [sflag:$0x9] =	stream.linear.gather [hbm4b:s8+s2], $0x80, $0x38;
	[tilespmem:$0x1B200] =	vst v63  }
0xd7: {  	s24 =	simm.s32 $0x2400;
	s22 =	sadd.s32 $0x10, s8  }
0xd8: {  	[tilespmem:s24], [sflag:$0x9] =	stream.linear.gather [hbm4b:s22+s2], $0x80, $0x38;
	[tilespmem:$0x1B200] =	vst v63  }
0xd9: {  	s26 =	sadd.s32 $0x20, s8;
	s29 =	simm.s32 $0x2800  }
0xda: {  	[tilespmem:s29], [sflag:$0x9] =	stream.linear.gather [hbm4b:s26+s2], $0x80, $0x38;
	[tilespmem:$0x1B200] =	vst v63  }
0xdb: {  	s24 =	sadd.s32 $0x30, s8;
	s26 =	simm.s32 $0x2C00  }
0xdc: {  	[tilespmem:s26], [sflag:$0x9] =	stream.linear.gather [hbm4b:s24+s2], $0x80, $0x38;
	[tilespmem:$0x1B200] =	vst v63  }
0xdd: {  	_ =	swait.ge [sflag:s4], $0x200  }
0xde: {  	[sflag:s4] =	ssyncset.done $0x0  }
0xdf: {  	s29 =	simm.s32 $0x2080;
	s8 =	rddreg [dreg:$0x14];
	[sflag:s4] =	ssyncadd.s32 $0xFFFFFE00  }
0xe0: {  	[tilespmem:s29], [sflag:$0x9] =	stream.linear.gather [hbm4b:s8+s2], $0x80, $0x38;
	[tilespmem:$0x1B200] =	vst v63  }
0xe1: {  	s24 =	simm.s32 $0x2480;
	s22 =	sadd.s32 $0x10, s8  }
0xe2: {  	[tilespmem:s24], [sflag:$0x9] =	stream.linear.gather [hbm4b:s22+s2], $0x80, $0x38;
	[tilespmem:$0x1B200] =	vst v63  }
0xe3: {  	s26 =	sadd.s32 $0x20, s8;
	s29 =	simm.s32 $0x2880  }
0xe4: {  	[tilespmem:s29], [sflag:$0x9] =	stream.linear.gather [hbm4b:s26+s2], $0x80, $0x38;
	[tilespmem:$0x1B200] =	vst v63  }
0xe5: {  	s24 =	sadd.s32 $0x30, s8;
	s26 =	simm.s32 $0x2C80  }
0xe6: {  	[tilespmem:s26], [sflag:$0x9] =	stream.linear.gather [hbm4b:s24+s2], $0x80, $0x38;
	[tilespmem:$0x1B200] =	vst v63  }
0xe7: {  	_ =	swait.ge [sflag:s4], $0x200  }
0xe8: {  	[sflag:s4] =	ssyncset.done $0x0  }
0xe9: {  	s29 =	simm.s32 $0x2100;
	s8 =	rddreg [dreg:$0x15];
	[sflag:s4] =	ssyncadd.s32 $0xFFFFFE00  }
0xea: {  	[tilespmem:s29], [sflag:$0x9] =	stream.linear.gather [hbm4b:s8+s2], $0x80, $0x38;
	[tilespmem:$0x1B200] =	vst v63  }
0xeb: {  	s24 =	simm.s32 $0x2500;
	s22 =	sadd.s32 $0x10, s8  }
0xec: {  	[tilespmem:s24], [sflag:$0x9] =	stream.linear.gather [hbm4b:s22+s2], $0x80, $0x38;
	[tilespmem:$0x1B200] =	vst v63  }
0xed: {  	s26 =	sadd.s32 $0x20, s8;
	s29 =	simm.s32 $0x2900  }
0xee: {  	[tilespmem:s29], [sflag:$0x9] =	stream.linear.gather [hbm4b:s26+s2], $0x80, $0x38;
	[tilespmem:$0x1B200] =	vst v63  }
0xef: {  	s24 =	sadd.s32 $0x30, s8;
	s26 =	simm.s32 $0x2D00  }
0xf0: {  	[tilespmem:s26], [sflag:$0x9] =	stream.linear.gather [hbm4b:s24+s2], $0x80, $0x38;
	[tilespmem:$0x1B200] =	vst v63  }
0xf1: {  	_ =	swait.ge [sflag:s4], $0x200  }
0xf2: {  	[sflag:s4] =	ssyncset.done $0x0  }
0xf3: {  	s29 =	simm.s32 $0x2180;
	s8 =	rddreg [dreg:$0x16];
	[sflag:s4] =	ssyncadd.s32 $0xFFFFFE00  }
0xf4: {  	[tilespmem:s29], [sflag:$0x9] =	stream.linear.gather [hbm4b:s8+s2], $0x80, $0x38;
	[tilespmem:$0x1B200] =	vst v63  }
0xf5: {  	s24 =	simm.s32 $0x2580;
	s22 =	sadd.s32 $0x10, s8  }
0xf6: {  	[tilespmem:s24], [sflag:$0x9] =	stream.linear.gather [hbm4b:s22+s2], $0x80, $0x38;
	[tilespmem:$0x1B200] =	vst v63  }
0xf7: {  	s26 =	sadd.s32 $0x20, s8;
	s29 =	simm.s32 $0x2980  }
0xf8: {  	[tilespmem:s29], [sflag:$0x9] =	stream.linear.gather [hbm4b:s26+s2], $0x80, $0x38;
	[tilespmem:$0x1B200] =	vst v63  }
0xf9: {  	s8 =	sadd.s32 $0x30, s8;
	s22 =	simm.s32 $0x2D80  }
0xfa: {  	[tilespmem:s22], [sflag:$0x9] =	stream.linear.gather [hbm4b:s8+s2], $0x80, $0x38;
	[tilespmem:$0x1B200] =	vst v63  }
0xfb: {  	_ =	swait.ge [sflag:s4], $0x200  }
0xfc: {  	[sflag:s4] =	ssyncset.done $0x0  }
0xfd: {  	[sflag:s4] =	ssyncadd.s32 $0xFFFFFE00  }
0xfe: {  	v16 =	vld [tilespmem:$0x0]  }
0xff: {  	v17 =	vld [tilespmem:$0x10]  }
0x100: {  	v18 =	vld [tilespmem:$0x20]  }
0x101: {  	v19 =	vld [tilespmem:$0x30]  }
0x102: {  	v20 =	vld [tilespmem:$0x40]  }
0x103: {  	v55 =	vld [tilespmem:$0x70];
	[tilespmem:$0x3000] =	vst v16  }
0x104: {  	v16 =	vld [tilespmem:$0x50];
	[tilespmem:$0x3010] =	vst v17  }
0x105: {  	v17 =	vld [tilespmem:$0x60];
	[tilespmem:$0x3020] =	vst v18  }
0x106: {  	[tilespmem:$0x3030] =	vst v19  }
0x107: {  	[tilespmem:$0x3040] =	vst v20  }
0x108: {  	[tilespmem:$0x3070] =	vst v55  }
0x109: {  	[tilespmem:$0x3050] =	vst v16  }
0x10a: {  	s24 =	simm.s32 $0x3000;
	[tilespmem:$0x3060] =	vst v17  }
0x10b: {  	[tilespmem:s28], [sflag:$0x1] =	stream.indirect.gather [hbm4b:s3+s25], $0x80, s24, s25, $0xb8;
	[tilespmem:$0x1B200] =	vst v63  }
0x10c: {  	v16 =	vld [tilespmem:$0x400]  }
0x10d: {  	v17 =	vld [tilespmem:$0x410]  }
0x10e: {  	v56 =	vld [tilespmem:$0x420]  }
0x10f: {  	v57 =	vld [tilespmem:$0x430]  }
0x110: {  	v58 =	vld [tilespmem:$0x440]  }
0x111: {  	v59 =	vld [tilespmem:$0x470];
	[tilespmem:$0x3080] =	vst v16  }
0x112: {  	v16 =	vld [tilespmem:$0x450];
	[tilespmem:$0x3090] =	vst v17  }
0x113: {  	v17 =	vld [tilespmem:$0x460];
	[tilespmem:$0x30A0] =	vst v56  }
0x114: {  	[tilespmem:$0x30B0] =	vst v57  }
0x115: {  	[tilespmem:$0x30C0] =	vst v58  }
0x116: {  	[tilespmem:$0x30F0] =	vst v59  }
0x117: {  	[tilespmem:$0x30D0] =	vst v16  }
0x118: {  	s26 =	simm.s32 $0x3080;
	[tilespmem:$0x30E0] =	vst v17  }
0x119: {  	[tilespmem:s5], [sflag:$0x2] =	stream.indirect.gather [hbm4b:s3+s25], $0x80, s26, s25, $0xb8;
	[tilespmem:$0x1B200] =	vst v63  }
0x11a: {  	v16 =	vld [tilespmem:$0x800]  }
0x11b: {  	v17 =	vld [tilespmem:$0x810]  }
0x11c: {  	v60 =	vld [tilespmem:$0x820]  }
0x11d: {  	v61 =	vld [tilespmem:$0x830]  }
0x11e: {  	v62 =	vld [tilespmem:$0x840]  }
0x11f: {  	v63 =	vld [tilespmem:$0x870];
	[tilespmem:$0x3100] =	vst v16  }
0x120: {  	v16 =	vld [tilespmem:$0x850];
	[tilespmem:$0x3110] =	vst v17  }
0x121: {  	v17 =	vld [tilespmem:$0x860];
	[tilespmem:$0x3120] =	vst v60  }
0x122: {  	[tilespmem:$0x3130] =	vst v61  }
0x123: {  	[tilespmem:$0x3140] =	vst v62  }
0x124: {  	[tilespmem:$0x3170] =	vst v63  }
0x125: {  	[tilespmem:$0x3150] =	vst v16  }
0x126: {  	s29 =	simm.s32 $0x3100;
	[tilespmem:$0x3160] =	vst v17  }
0x127: {  	[tilespmem:s7], [sflag:$0x3] =	stream.indirect.gather [hbm4b:s3+s25], $0x80, s29, s25, $0xb8;
	[tilespmem:$0x1B200] =	vst v63  }
0x128: {  	v16 =	vld [tilespmem:$0xC00];
	_ =	sdelay $0x4  }
0x129: {  	s6 =	simm.s32 $0x0;
	s24 =	simm.s32 $0x0;
	[tilespmem:$0x3180] =	vst v16  }
.LBB2_2:
0x12a: {  	v16 =	vld [tilespmem:s6+$0xC10];
	_ =	sdelay $0x4  }
0x12b: {  	[tilespmem:$0x3190] =	vst v16  }
0x12c: {  	v16 =	vld [tilespmem:s6+$0xC20];
	_ =	sdelay $0x4  }
0x12d: {  	[tilespmem:$0x31A0] =	vst v16  }
0x12e: {  	v16 =	vld [tilespmem:s6+$0xC30];
	_ =	sdelay $0x4  }
0x12f: {  	[tilespmem:$0x31B0] =	vst v16  }
0x130: {  	v16 =	vld [tilespmem:s6+$0xC40];
	_ =	sdelay $0x4  }
0x131: {  	[tilespmem:$0x31C0] =	vst v16  }
0x132: {  	v16 =	vld [tilespmem:s6+$0xC50];
	_ =	sdelay $0x4  }
0x133: {  	[tilespmem:$0x31D0] =	vst v16  }
0x134: {  	v16 =	vld [tilespmem:s6+$0xC60];
	_ =	sdelay $0x4  }
0x135: {  	[tilespmem:$0x31E0] =	vst v16  }
0x136: {  	v16 =	vld [tilespmem:s6+$0xC70];
	_ =	sdelay $0x4  }
0x137: {  	s8 =	simm.s32 $0x3180;
	s22 =	simm.s32 $0x0;
	s26 =	simm.s32 $0x1;
	[tilespmem:$0x31F0] =	vst v16  }
0x138: {  	v18 =	vadd.s32 s22, v0;
	[tilespmem:s9], [sflag:$0x4] =	stream.indirect.gather [hbm4b:s3+s25], $0x80, s8, s25, $0xb8;
	[tilespmem:$0x1B200] =	vst v63  }
0x139: {  	v19 =	vadd.s32 s26, v0;
	v16 =	vand.u32 $0x3F, v18;
	_ =	swait.ge [sflag:s10], $0x4000  }
0x13a: {  	p0 =	seq.s32 s24, $0x0;
	v17 =	vand.u32 $0x3F, v19;
	v21 =	vor.u32 v1, v16;
	[sflag:s10] =	ssyncset.done $0x0  }
0x13b: {  	s29 =	simm.s32 $0x3;
	v23 =	vor.u32 v1, v17;
	s6 =	simm.s32 @!p0 $0x5;
	[sflag:s10] =	ssyncadd.s32 $0xFFFFC000  }
0x13c: {  	s22 =	simm.s32 $0x2;
	v22 =	vadd.s32 s29, v0;
	_ =	swait.ge @!p0 [sflag:s6], $0x2000  }
0x13d: {  	v20 =	vadd.s32 s22, v0;
	v19 =	vshll.u32 v19, $0x7;
	v18 =	vshll.u32 v18, $0x7;
	[sflag:s6] =	ssyncset.done @!p0 $0x0  }
0x13e: {  	v26 =	vand.u32 $0x3F, v22;
	v24 =	vand.u32 $0x3F, v20;
	v18 =	vand.u32 $0x1F80, v18;
	[sflag:s6] =	ssyncadd.s32 @!p0 $0xFFFFE000  }
0x13f: {  	v19 =	vand.u32 $0x1F80, v19;
	v24 =	vor.u32 v1, v24;
	v25 =	vor.u32 v0, v18;
	v21 =	vld.idx.msk [tilespmem:v21+s28+$0x0], $0xffff  }
0x140: {  	s26 =	sshll.u32 s24, $0x2;
	v27 =	vor.u32 v1, v26;
	v26 =	vor.u32 v0, v19;
	s6 =	simm.s32 $0x4;
	v23 =	vld.idx.msk [tilespmem:v23+s28+$0x0], $0xffff  }
.LBB2_3:
0x141: {  	p1 =	slt.u32 s6, $0x3E  }
.Ltmp2:
0x142: {  	v28 =	vshll.u32 v20, $0x7;
	v20 =	vadd.s32 s6, v0;
	(pc) =	sbr.rel @p1 .LBB2_3-.Ltmp2, $4  }
0x143: {  	s8 =	sadd.s32 $0x1, s6;
	s6 =	sadd.s32 $0x2, s6;
	v29 =	vand.u32 $0x3F, v20;
	v28 =	vand.u32 $0x1F80, v28  }
0x144: {  	v30 =	vshll.u32 v22, $0x7;
	v22 =	vadd.s32 s8, v0;
	[tilespmem:v25+s11+$0x0] =	vst.idx.msk $0xffff, v21;
	v21 =	vld.idx.msk [tilespmem:v24+s28+$0x0], $0xffff;
	v24 =	vor.u32 v1, v29  }
0x145: {  	v29 =	vand.u32 $0x3F, v22;
	v25 =	vor.u32 v0, v28;
	v28 =	vand.u32 $0x1F80, v30;
	[tilespmem:v26+s11+$0x0] =	vst.idx.msk $0xffff, v23;
	v23 =	vld.idx.msk [tilespmem:v27+s28+$0x0], $0xffff  }
0x146: {  	v27 =	vor.u32 v1, v29;
	v26 =	vor.u32 v0, v28  }
0x147: {  	_ =	sdelay $0x1  }
0x148: {  	v20 =	vshll.u32 v20, $0x7  }
0x149: {  	v22 =	vshll.u32 v22, $0x7;
	v20 =	vand.u32 $0x1F80, v20  }
0x14a: {  	v24 =	vld.idx.msk [tilespmem:v24+s28+$0x0], $0xffff;
	v22 =	vand.u32 $0x1F80, v22;
	v20 =	vor.u32 v0, v20  }
0x14b: {  	v27 =	vld.idx.msk [tilespmem:v27+s28+$0x0], $0xffff;
	v22 =	vor.u32 v0, v22  }
0x14c: {  	v28 =	vor.u32 v2, v16  }
0x14d: {  	v63 =	vor.u32 v2, v17;
	[tilespmem:v25+s11+$0x0] =	vst.idx.msk $0xffff, v21  }
0x14e: {  	[tilespmem:v26+s11+$0x0] =	vst.idx.msk $0xffff, v23  }
0x14f: {  	v16 =	vadd.s32 s22, v0;
	[tilespmem:v20+s11+$0x0] =	vst.idx.msk $0xffff, v24  }
0x150: {  	v17 =	vand.u32 $0x3F, v16;
	[tilespmem:v22+s11+$0x0] =	vst.idx.msk $0xffff, v27;
	v22 =	vadd.s32 s29, v0  }
0x151: {  	v17 =	vor.u32 v2, v17;
	v21 =	vor.u32 v3, v18;
	v20 =	vld.idx.msk [tilespmem:v28+s28+$0x0], $0xffff;
	v23 =	vand.u32 $0x3F, v22  }
0x152: {  	s6 =	simm.s32 $0x4;
	v19 =	vor.u32 v3, v19;
	v18 =	vld.idx.msk [tilespmem:v63+s28+$0x0], $0xffff;
	v23 =	vor.u32 v2, v23  }
.LBB2_5:
0x153: {  	p1 =	slt.u32 s6, $0x3E  }
.Ltmp3:
0x154: {  	v24 =	vshll.u32 v16, $0x7;
	v16 =	vadd.s32 s6, v0;
	(pc) =	sbr.rel @p1 .LBB2_5-.Ltmp3, $4  }
0x155: {  	s8 =	sadd.s32 $0x1, s6;
	s6 =	sadd.s32 $0x2, s6;
	v25 =	vand.u32 $0x3F, v16;
	v24 =	vand.u32 $0x1F80, v24  }
0x156: {  	v26 =	vshll.u32 v22, $0x7;
	v22 =	vadd.s32 s8, v0;
	[tilespmem:v21+s11+$0x0] =	vst.idx.msk $0xffff, v20;
	v20 =	vld.idx.msk [tilespmem:v17+s28+$0x0], $0xffff;
	v17 =	vor.u32 v2, v25  }
0x157: {  	v25 =	vand.u32 $0x3F, v22;
	v21 =	vor.u32 v3, v24;
	v24 =	vand.u32 $0x1F80, v26;
	[tilespmem:v19+s11+$0x0] =	vst.idx.msk $0xffff, v18;
	v18 =	vld.idx.msk [tilespmem:v23+s28+$0x0], $0xffff  }
0x158: {  	v23 =	vor.u32 v2, v25;
	v19 =	vor.u32 v3, v24  }
0x159: {  	_ =	sdelay $0x1  }
0x15a: {  	v16 =	vshll.u32 v16, $0x7  }
0x15b: {  	v22 =	vshll.u32 v22, $0x7;
	s6 =	simm.s32 $0x0;
	v16 =	vand.u32 $0x1F80, v16  }
0x15c: {  	v24 =	vld.idx.msk [tilespmem:v17+s28+$0x0], $0xffff;
	s22 =	simm.s32 $0x1;
	v25 =	vor.u32 v3, v16;
	v16 =	vand.u32 $0x1F80, v22;
	v22 =	vadd.s32 s6, v0  }
0x15d: {  	v23 =	vld.idx.msk [tilespmem:v23+s28+$0x0], $0xffff;
	v27 =	vadd.s32 s22, v0;
	v26 =	vor.u32 v3, v16;
	v16 =	vand.u32 $0x3F, v22  }
0x15e: {  	v17 =	vand.u32 $0x3F, v27;
	v28 =	vor.u32 v4, v16  }
0x15f: {  	s22 =	simm.s32 $0x2;
	[tilespmem:v21+s11+$0x0] =	vst.idx.msk $0xffff, v20;
	v29 =	vor.u32 v4, v17  }
0x160: {  	v20 =	vadd.s32 s22, v0;
	[tilespmem:v19+s11+$0x0] =	vst.idx.msk $0xffff, v18  }
0x161: {  	s29 =	simm.s32 $0x3;
	v18 =	vshll.u32 v22, $0x7;
	v19 =	vand.u32 $0x3F, v20;
	v22 =	vshll.u32 v27, $0x7;
	[tilespmem:v25+s11+$0x0] =	vst.idx.msk $0xffff, v24  }
0x162: {  	v18 =	vand.u32 $0x1F80, v18;
	v24 =	vor.u32 v4, v19;
	[tilespmem:v26+s11+$0x0] =	vst.idx.msk $0xffff, v23;
	v23 =	vadd.s32 s29, v0  }
0x163: {  	v19 =	vand.u32 $0x1F80, v22;
	v25 =	vor.u32 v5, v18;
	v21 =	vld.idx.msk [tilespmem:v28+s28+$0x0], $0xffff;
	v26 =	vand.u32 $0x3F, v23  }
0x164: {  	s6 =	simm.s32 $0x4;
	v22 =	vld.idx.msk [tilespmem:v29+s28+$0x0], $0xffff;
	v27 =	vor.u32 v4, v26;
	v26 =	vor.u32 v5, v19  }
.LBB2_7:
0x165: {  	p1 =	slt.u32 s6, $0x3E  }
.Ltmp4:
0x166: {  	v28 =	vshll.u32 v20, $0x7;
	v20 =	vadd.s32 s6, v0;
	(pc) =	sbr.rel @p1 .LBB2_7-.Ltmp4, $4  }
0x167: {  	s8 =	sadd.s32 $0x1, s6;
	s6 =	sadd.s32 $0x2, s6;
	v29 =	vand.u32 $0x3F, v20;
	v28 =	vand.u32 $0x1F80, v28  }
0x168: {  	v30 =	vshll.u32 v23, $0x7;
	v23 =	vadd.s32 s8, v0;
	[tilespmem:v25+s11+$0x0] =	vst.idx.msk $0xffff, v21;
	v21 =	vld.idx.msk [tilespmem:v24+s28+$0x0], $0xffff;
	v24 =	vor.u32 v4, v29  }
0x169: {  	v29 =	vand.u32 $0x3F, v23;
	v25 =	vor.u32 v5, v28;
	v28 =	vand.u32 $0x1F80, v30;
	[tilespmem:v26+s11+$0x0] =	vst.idx.msk $0xffff, v22;
	v22 =	vld.idx.msk [tilespmem:v27+s28+$0x0], $0xffff  }
0x16a: {  	v27 =	vor.u32 v4, v29;
	v26 =	vor.u32 v5, v28  }
0x16b: {  	_ =	sdelay $0x1  }
0x16c: {  	v20 =	vshll.u32 v20, $0x7  }
0x16d: {  	v23 =	vshll.u32 v23, $0x7;
	v20 =	vand.u32 $0x1F80, v20  }
0x16e: {  	v24 =	vld.idx.msk [tilespmem:v24+s28+$0x0], $0xffff;
	v23 =	vand.u32 $0x1F80, v23;
	v20 =	vor.u32 v5, v20  }
0x16f: {  	v27 =	vld.idx.msk [tilespmem:v27+s28+$0x0], $0xffff;
	v23 =	vor.u32 v5, v23  }
0x170: {  	v28 =	vor.u32 v6, v16  }
0x171: {  	v63 =	vor.u32 v6, v17;
	[tilespmem:v25+s11+$0x0] =	vst.idx.msk $0xffff, v21  }
0x172: {  	[tilespmem:v26+s11+$0x0] =	vst.idx.msk $0xffff, v22  }
0x173: {  	v16 =	vadd.s32 s22, v0;
	[tilespmem:v20+s11+$0x0] =	vst.idx.msk $0xffff, v24  }
0x174: {  	v17 =	vand.u32 $0x3F, v16;
	v22 =	vadd.s32 s29, v0;
	[tilespmem:v23+s11+$0x0] =	vst.idx.msk $0xffff, v27  }
0x175: {  	v17 =	vor.u32 v6, v17;
	v21 =	vor.u32 v7, v18;
	v23 =	vand.u32 $0x3F, v22;
	v20 =	vld.idx.msk [tilespmem:v28+s28+$0x0], $0xffff  }
0x176: {  	s6 =	simm.s32 $0x4;
	v19 =	vor.u32 v7, v19;
	v18 =	vld.idx.msk [tilespmem:v63+s28+$0x0], $0xffff;
	v23 =	vor.u32 v6, v23  }
.LBB2_9:
0x177: {  	p1 =	slt.u32 s6, $0x3E  }
.Ltmp5:
0x178: {  	v24 =	vshll.u32 v16, $0x7;
	v16 =	vadd.s32 s6, v0;
	(pc) =	sbr.rel @p1 .LBB2_9-.Ltmp5, $4  }
0x179: {  	s8 =	sadd.s32 $0x1, s6;
	s6 =	sadd.s32 $0x2, s6;
	v25 =	vand.u32 $0x3F, v16;
	v24 =	vand.u32 $0x1F80, v24  }
0x17a: {  	v26 =	vshll.u32 v22, $0x7;
	v22 =	vadd.s32 s8, v0;
	[tilespmem:v21+s11+$0x0] =	vst.idx.msk $0xffff, v20;
	v20 =	vld.idx.msk [tilespmem:v17+s28+$0x0], $0xffff;
	v17 =	vor.u32 v6, v25  }
0x17b: {  	v25 =	vand.u32 $0x3F, v22;
	v21 =	vor.u32 v7, v24;
	v24 =	vand.u32 $0x1F80, v26;
	[tilespmem:v19+s11+$0x0] =	vst.idx.msk $0xffff, v18;
	v18 =	vld.idx.msk [tilespmem:v23+s28+$0x0], $0xffff  }
0x17c: {  	v23 =	vor.u32 v6, v25;
	v19 =	vor.u32 v7, v24  }
0x17d: {  	_ =	sdelay $0x1  }
0x17e: {  	v16 =	vshll.u32 v16, $0x7  }
0x17f: {  	v22 =	vshll.u32 v22, $0x7;
	s6 =	simm.s32 $0x0;
	v16 =	vand.u32 $0x1F80, v16  }
0x180: {  	v24 =	vld.idx.msk [tilespmem:v17+s28+$0x0], $0xffff;
	s22 =	simm.s32 $0x1;
	v25 =	vor.u32 v7, v16;
	v16 =	vand.u32 $0x1F80, v22;
	v22 =	vadd.s32 s6, v0  }
0x181: {  	v23 =	vld.idx.msk [tilespmem:v23+s28+$0x0], $0xffff;
	v27 =	vadd.s32 s22, v0;
	v26 =	vor.u32 v7, v16;
	v16 =	vand.u32 $0x3F, v22  }
0x182: {  	v17 =	vand.u32 $0x3F, v27;
	v28 =	vor.u32 v8, v16  }
0x183: {  	s22 =	simm.s32 $0x2;
	[tilespmem:v21+s11+$0x0] =	vst.idx.msk $0xffff, v20;
	v29 =	vor.u32 v8, v17  }
0x184: {  	v20 =	vadd.s32 s22, v0;
	[tilespmem:v19+s11+$0x0] =	vst.idx.msk $0xffff, v18  }
0x185: {  	s29 =	simm.s32 $0x3;
	v18 =	vshll.u32 v22, $0x7;
	v19 =	vand.u32 $0x3F, v20;
	v22 =	vshll.u32 v27, $0x7;
	[tilespmem:v25+s11+$0x0] =	vst.idx.msk $0xffff, v24  }
0x186: {  	v18 =	vand.u32 $0x1F80, v18;
	v24 =	vor.u32 v8, v19;
	[tilespmem:v26+s11+$0x0] =	vst.idx.msk $0xffff, v23;
	v23 =	vadd.s32 s29, v0  }
0x187: {  	v19 =	vand.u32 $0x1F80, v22;
	v25 =	vor.u32 v9, v18;
	v21 =	vld.idx.msk [tilespmem:v28+s28+$0x0], $0xffff;
	v26 =	vand.u32 $0x3F, v23  }
0x188: {  	s6 =	simm.s32 $0x4;
	v22 =	vld.idx.msk [tilespmem:v29+s28+$0x0], $0xffff;
	v27 =	vor.u32 v8, v26;
	v26 =	vor.u32 v9, v19  }
.LBB2_11:
0x189: {  	p1 =	slt.u32 s6, $0x3E  }
.Ltmp6:
0x18a: {  	v28 =	vshll.u32 v20, $0x7;
	v20 =	vadd.s32 s6, v0;
	(pc) =	sbr.rel @p1 .LBB2_11-.Ltmp6, $4  }
0x18b: {  	s8 =	sadd.s32 $0x1, s6;
	s6 =	sadd.s32 $0x2, s6;
	v29 =	vand.u32 $0x3F, v20;
	v28 =	vand.u32 $0x1F80, v28  }
0x18c: {  	v30 =	vshll.u32 v23, $0x7;
	v23 =	vadd.s32 s8, v0;
	[tilespmem:v25+s11+$0x0] =	vst.idx.msk $0xffff, v21;
	v21 =	vld.idx.msk [tilespmem:v24+s28+$0x0], $0xffff;
	v24 =	vor.u32 v8, v29  }
0x18d: {  	v29 =	vand.u32 $0x3F, v23;
	v25 =	vor.u32 v9, v28;
	v28 =	vand.u32 $0x1F80, v30;
	[tilespmem:v26+s11+$0x0] =	vst.idx.msk $0xffff, v22;
	v22 =	vld.idx.msk [tilespmem:v27+s28+$0x0], $0xffff  }
0x18e: {  	v27 =	vor.u32 v8, v29;
	v26 =	vor.u32 v9, v28  }
0x18f: {  	_ =	sdelay $0x1  }
0x190: {  	v20 =	vshll.u32 v20, $0x7  }
0x191: {  	v23 =	vshll.u32 v23, $0x7;
	v20 =	vand.u32 $0x1F80, v20  }
0x192: {  	v24 =	vld.idx.msk [tilespmem:v24+s28+$0x0], $0xffff;
	v23 =	vand.u32 $0x1F80, v23;
	v20 =	vor.u32 v9, v20  }
0x193: {  	v27 =	vld.idx.msk [tilespmem:v27+s28+$0x0], $0xffff;
	v23 =	vor.u32 v9, v23  }
0x194: {  	v28 =	vor.u32 v10, v16  }
0x195: {  	v63 =	vor.u32 v10, v17;
	[tilespmem:v25+s11+$0x0] =	vst.idx.msk $0xffff, v21  }
0x196: {  	[tilespmem:v26+s11+$0x0] =	vst.idx.msk $0xffff, v22  }
0x197: {  	v16 =	vadd.s32 s22, v0;
	[tilespmem:v20+s11+$0x0] =	vst.idx.msk $0xffff, v24  }
0x198: {  	v17 =	vand.u32 $0x3F, v16;
	v22 =	vadd.s32 s29, v0;
	[tilespmem:v23+s11+$0x0] =	vst.idx.msk $0xffff, v27  }
0x199: {  	v17 =	vor.u32 v10, v17;
	v21 =	vor.u32 v11, v18;
	v23 =	vand.u32 $0x3F, v22;
	v20 =	vld.idx.msk [tilespmem:v28+s28+$0x0], $0xffff  }
0x19a: {  	s6 =	simm.s32 $0x4;
	v19 =	vor.u32 v11, v19;
	v18 =	vld.idx.msk [tilespmem:v63+s28+$0x0], $0xffff;
	v23 =	vor.u32 v10, v23  }
.LBB2_13:
0x19b: {  	p1 =	slt.u32 s6, $0x3E  }
.Ltmp7:
0x19c: {  	v24 =	vshll.u32 v16, $0x7;
	v16 =	vadd.s32 s6, v0;
	(pc) =	sbr.rel @p1 .LBB2_13-.Ltmp7, $4  }
0x19d: {  	s8 =	sadd.s32 $0x1, s6;
	s6 =	sadd.s32 $0x2, s6;
	v25 =	vand.u32 $0x3F, v16;
	v24 =	vand.u32 $0x1F80, v24  }
0x19e: {  	v26 =	vshll.u32 v22, $0x7;
	v22 =	vadd.s32 s8, v0;
	[tilespmem:v21+s11+$0x0] =	vst.idx.msk $0xffff, v20;
	v20 =	vld.idx.msk [tilespmem:v17+s28+$0x0], $0xffff;
	v17 =	vor.u32 v10, v25  }
0x19f: {  	v25 =	vand.u32 $0x3F, v22;
	v21 =	vor.u32 v11, v24;
	v24 =	vand.u32 $0x1F80, v26;
	[tilespmem:v19+s11+$0x0] =	vst.idx.msk $0xffff, v18;
	v18 =	vld.idx.msk [tilespmem:v23+s28+$0x0], $0xffff  }
0x1a0: {  	v23 =	vor.u32 v10, v25;
	v19 =	vor.u32 v11, v24  }
0x1a1: {  	_ =	sdelay $0x1  }
0x1a2: {  	v16 =	vshll.u32 v16, $0x7  }
0x1a3: {  	v22 =	vshll.u32 v22, $0x7;
	s6 =	simm.s32 $0x0;
	v16 =	vand.u32 $0x1F80, v16  }
0x1a4: {  	v24 =	vld.idx.msk [tilespmem:v17+s28+$0x0], $0xffff;
	s22 =	simm.s32 $0x1;
	v25 =	vor.u32 v11, v16;
	v16 =	vand.u32 $0x1F80, v22;
	v22 =	vadd.s32 s6, v0  }
0x1a5: {  	v23 =	vld.idx.msk [tilespmem:v23+s28+$0x0], $0xffff;
	v27 =	vadd.s32 s22, v0;
	v26 =	vor.u32 v11, v16;
	v16 =	vand.u32 $0x3F, v22  }
0x1a6: {  	v17 =	vand.u32 $0x3F, v27;
	v28 =	vor.u32 v12, v16  }
0x1a7: {  	s22 =	simm.s32 $0x2;
	[tilespmem:v21+s11+$0x0] =	vst.idx.msk $0xffff, v20;
	v29 =	vor.u32 v12, v17  }
0x1a8: {  	v20 =	vadd.s32 s22, v0;
	[tilespmem:v19+s11+$0x0] =	vst.idx.msk $0xffff, v18  }
0x1a9: {  	s29 =	simm.s32 $0x3;
	v18 =	vshll.u32 v22, $0x7;
	v19 =	vand.u32 $0x3F, v20;
	v22 =	vshll.u32 v27, $0x7;
	[tilespmem:v25+s11+$0x0] =	vst.idx.msk $0xffff, v24  }
0x1aa: {  	v18 =	vand.u32 $0x1F80, v18;
	v24 =	vor.u32 v12, v19;
	[tilespmem:v26+s11+$0x0] =	vst.idx.msk $0xffff, v23;
	v23 =	vadd.s32 s29, v0  }
0x1ab: {  	v19 =	vand.u32 $0x1F80, v22;
	v25 =	vor.u32 v13, v18;
	v21 =	vld.idx.msk [tilespmem:v28+s28+$0x0], $0xffff;
	v26 =	vand.u32 $0x3F, v23  }
0x1ac: {  	s6 =	simm.s32 $0x4;
	v22 =	vld.idx.msk [tilespmem:v29+s28+$0x0], $0xffff;
	v27 =	vor.u32 v12, v26;
	v26 =	vor.u32 v13, v19  }
.LBB2_15:
0x1ad: {  	p1 =	slt.u32 s6, $0x3E  }
.Ltmp8:
0x1ae: {  	v28 =	vshll.u32 v20, $0x7;
	v20 =	vadd.s32 s6, v0;
	(pc) =	sbr.rel @p1 .LBB2_15-.Ltmp8, $4  }
0x1af: {  	s8 =	sadd.s32 $0x1, s6;
	s6 =	sadd.s32 $0x2, s6;
	v29 =	vand.u32 $0x3F, v20;
	v28 =	vand.u32 $0x1F80, v28  }
0x1b0: {  	v30 =	vshll.u32 v23, $0x7;
	v23 =	vadd.s32 s8, v0;
	[tilespmem:v25+s11+$0x0] =	vst.idx.msk $0xffff, v21;
	v21 =	vld.idx.msk [tilespmem:v24+s28+$0x0], $0xffff;
	v24 =	vor.u32 v12, v29  }
0x1b1: {  	v29 =	vand.u32 $0x3F, v23;
	v25 =	vor.u32 v13, v28;
	v28 =	vand.u32 $0x1F80, v30;
	[tilespmem:v26+s11+$0x0] =	vst.idx.msk $0xffff, v22;
	v22 =	vld.idx.msk [tilespmem:v27+s28+$0x0], $0xffff  }
0x1b2: {  	v27 =	vor.u32 v12, v29;
	v26 =	vor.u32 v13, v28  }
0x1b3: {  	_ =	sdelay $0x1  }
0x1b4: {  	v20 =	vshll.u32 v20, $0x7  }
0x1b5: {  	v23 =	vshll.u32 v23, $0x7;
	v20 =	vand.u32 $0x1F80, v20  }
0x1b6: {  	v24 =	vld.idx.msk [tilespmem:v24+s28+$0x0], $0xffff;
	v23 =	vand.u32 $0x1F80, v23;
	v20 =	vor.u32 v13, v20  }
0x1b7: {  	v27 =	vld.idx.msk [tilespmem:v27+s28+$0x0], $0xffff;
	v23 =	vor.u32 v13, v23  }
0x1b8: {  	v16 =	vor.u32 v14, v16  }
0x1b9: {  	v63 =	vor.u32 v14, v17;
	[tilespmem:v25+s11+$0x0] =	vst.idx.msk $0xffff, v21  }
0x1ba: {  	[tilespmem:v26+s11+$0x0] =	vst.idx.msk $0xffff, v22  }
0x1bb: {  	v17 =	vadd.s32 s22, v0;
	[tilespmem:v20+s11+$0x0] =	vst.idx.msk $0xffff, v24  }
0x1bc: {  	v21 =	vadd.s32 s29, v0;
	[tilespmem:v23+s11+$0x0] =	vst.idx.msk $0xffff, v27;
	v20 =	vand.u32 $0x3F, v17  }
0x1bd: {  	v22 =	vor.u32 v15, v18;
	v23 =	vand.u32 $0x3F, v21;
	v20 =	vor.u32 v14, v20;
	v16 =	vld.idx.msk [tilespmem:v16+s28+$0x0], $0xffff  }
0x1be: {  	s6 =	simm.s32 $0x4;
	v19 =	vor.u32 v15, v19;
	v18 =	vld.idx.msk [tilespmem:v63+s28+$0x0], $0xffff;
	v23 =	vor.u32 v14, v23  }
.LBB2_17:
0x1bf: {  	p1 =	slt.u32 s6, $0x3E  }
.Ltmp9:
0x1c0: {  	v24 =	vshll.u32 v17, $0x7;
	v17 =	vadd.s32 s6, v0;
	(pc) =	sbr.rel @p1 .LBB2_17-.Ltmp9, $4  }
0x1c1: {  	s8 =	sadd.s32 $0x1, s6;
	s6 =	sadd.s32 $0x2, s6;
	v25 =	vand.u32 $0x3F, v17;
	v24 =	vand.u32 $0x1F80, v24  }
0x1c2: {  	v26 =	vshll.u32 v21, $0x7;
	v21 =	vadd.s32 s8, v0;
	[tilespmem:v22+s11+$0x0] =	vst.idx.msk $0xffff, v16;
	v16 =	vld.idx.msk [tilespmem:v20+s28+$0x0], $0xffff;
	v20 =	vor.u32 v14, v25  }
0x1c3: {  	v25 =	vand.u32 $0x3F, v21;
	v22 =	vor.u32 v15, v24;
	v24 =	vand.u32 $0x1F80, v26;
	[tilespmem:v19+s11+$0x0] =	vst.idx.msk $0xffff, v18;
	v18 =	vld.idx.msk [tilespmem:v23+s28+$0x0], $0xffff  }
0x1c4: {  	v23 =	vor.u32 v14, v25;
	v19 =	vor.u32 v15, v24  }
0x1c5: {  	_ =	sdelay $0x1  }
0x1c6: {  	v17 =	vshll.u32 v17, $0x7  }
0x1c7: {  	v21 =	vshll.u32 v21, $0x7;
	v17 =	vand.u32 $0x1F80, v17  }
0x1c8: {  	v20 =	vld.idx.msk [tilespmem:v20+s28+$0x0], $0xffff;
	v21 =	vand.u32 $0x1F80, v21;
	v17 =	vor.u32 v15, v17  }
0x1c9: {  	v23 =	vld.idx.msk [tilespmem:v23+s28+$0x0], $0xffff;
	v21 =	vor.u32 v15, v21  }
0x1ca: {  	p1 =	sne.s32 s24, $0x13  }
.Ltmp10:
0x1cb: {  	[tilespmem:v22+s11+$0x0] =	vst.idx.msk $0xffff, v16;
	(pc) =	sbr.rel @p1 .LBB2_20-.Ltmp10, $4  }
0x1cc: {  	[tilespmem:v19+s11+$0x0] =	vst.idx.msk $0xffff, v18  }
0x1cd: {  	s22 =	sshll.u32 s24, $0x11;
	[tilespmem:v17+s11+$0x0] =	vst.idx.msk $0xffff, v20  }
0x1ce: {  	s6 =	sadd.s32 s22, s23;
	[tilespmem:v21+s11+$0x0] =	vst.idx.msk $0xffff, v23  }
0x1cf: {  	[hbm4b:s6+s0] =	stream.strided.scatter [tilespmem:s11], [sflag:$0x5], $0x2000, s12, s0, $0x38;
	[tilespmem:$0x1B200] =	vst v63  }
.Ltmp11:
0x1d0: {  	(pc) =	sbr.rel .LBB2_21-.Ltmp11, $4  }
0x1d1: {  	_ = 	snop  }
0x1d2: {  	_ =	swait.ge [sflag:s13], $0x4000  }
0x1d3: {  	[sflag:s13] =	ssyncset.done $0x0  }
0x1d4: {  	[sflag:s13] =	ssyncadd.s32 $0xFFFFC000  }
.LBB2_20:
0x1d5: {  	s6 =	sadd.s32 $0x4, s26  }
0x1d6: {  	s8 =	sshll.u32 s6, $0x7;
	s6 =	sshll.u32 s6, $0x5  }
0x1d7: {  	s8 =	sand.u32 $0x7000, s8;
	s6 =	sand.u32 $0x380, s6  }
0x1d8: {  	s6 =	sor.u32 s6, s8  }
0x1d9: {  	v16 =	vld [tilespmem:s6+$0x0];
	_ =	sdelay $0x4  }
0x1da: {  	[tilespmem:$0x3000] =	vst v16  }
0x1db: {  	v16 =	vld [tilespmem:s6+$0x10];
	_ =	sdelay $0x4  }
0x1dc: {  	[tilespmem:$0x3010] =	vst v16  }
0x1dd: {  	v16 =	vld [tilespmem:s6+$0x20];
	_ =	sdelay $0x4  }
0x1de: {  	[tilespmem:$0x3020] =	vst v16  }
0x1df: {  	v16 =	vld [tilespmem:s6+$0x30];
	_ =	sdelay $0x4  }
0x1e0: {  	[tilespmem:$0x3030] =	vst v16  }
0x1e1: {  	v16 =	vld [tilespmem:s6+$0x40];
	_ =	sdelay $0x4  }
0x1e2: {  	[tilespmem:$0x3040] =	vst v16  }
0x1e3: {  	v16 =	vld [tilespmem:s6+$0x50];
	_ =	sdelay $0x4  }
0x1e4: {  	[tilespmem:$0x3050] =	vst v16  }
0x1e5: {  	v16 =	vld [tilespmem:s6+$0x60];
	_ =	sdelay $0x4  }
0x1e6: {  	[tilespmem:$0x3060] =	vst v16  }
0x1e7: {  	v16 =	vld [tilespmem:s6+$0x70];
	_ =	sdelay $0x4  }
.Ltmp12:
0x1e8: {  	s29 =	simm.s32 $0x3000;
	[tilespmem:$0x3070] =	vst v16;
	(pc) =	sbr.rel @p0 .LBB2_22-.Ltmp12, $4  }
0x1e9: {  	[tilespmem:s28], [sflag:$0x1] =	stream.indirect.gather [hbm4b:s3+s25], $0x80, s29, s25, $0xb8;
	[tilespmem:$0x1B200] =	vst v63  }
0x1ea: {  	_ =	swait.ge [sflag:s13], $0x4000  }
0x1eb: {  	[sflag:s13] =	ssyncset.done $0x0  }
0x1ec: {  	[sflag:s13] =	ssyncadd.s32 $0xFFFFC000  }
.LBB2_21:
0x1ed: {  	_ =	swait.ge [sflag:s14], $0x2000  }
0x1ee: {  	[sflag:s14] =	ssyncset.done $0x0  }
0x1ef: {  	[sflag:s14] =	ssyncadd.s32 $0xFFFFE000  }
.LBB2_22:
0x1f0: {  	s6 =	simm.s32 $0x0  }
0x1f1: {  	s26 =	simm.s32 $0x1;
	v16 =	vadd.s32 s6, v0  }
0x1f2: {  	v18 =	vadd.s32 s26, v0;
	v17 =	vand.u32 $0x3F, v16  }
0x1f3: {  	v19 =	vand.u32 $0x3F, v18;
	v20 =	vor.u32 v1, v17  }
0x1f4: {  	s29 =	simm.s32 $0x3;
	v22 =	vor.u32 v1, v19  }
0x1f5: {  	s26 =	simm.s32 $0x2;
	v23 =	vadd.s32 s29, v0  }
0x1f6: {  	v21 =	vadd.s32 s26, v0;
	v16 =	vshll.u32 v16, $0x7;
	v18 =	vshll.u32 v18, $0x7  }
0x1f7: {  	v26 =	vand.u32 $0x3F, v23;
	v24 =	vand.u32 $0x3F, v21;
	v16 =	vand.u32 $0x1F80, v16  }
0x1f8: {  	v18 =	vand.u32 $0x1F80, v18;
	v24 =	vor.u32 v1, v24;
	v25 =	vor.u32 v0, v16;
	v20 =	vld.idx.msk [tilespmem:v20+s5+$0x0], $0xffff  }
0x1f9: {  	s6 =	simm.s32 $0x4;
	v27 =	vor.u32 v1, v26;
	v26 =	vor.u32 v0, v18;
	v22 =	vld.idx.msk [tilespmem:v22+s5+$0x0], $0xffff  }
.LBB2_23:
0x1fa: {  	p2 =	slt.u32 s6, $0x3E  }
.Ltmp13:
0x1fb: {  	v28 =	vshll.u32 v21, $0x7;
	v21 =	vadd.s32 s6, v0;
	(pc) =	sbr.rel @p2 .LBB2_23-.Ltmp13, $4  }
0x1fc: {  	s8 =	sadd.s32 $0x1, s6;
	s6 =	sadd.s32 $0x2, s6;
	v29 =	vand.u32 $0x3F, v21;
	v28 =	vand.u32 $0x1F80, v28  }
0x1fd: {  	v30 =	vshll.u32 v23, $0x7;
	v23 =	vadd.s32 s8, v0;
	[tilespmem:v25+s15+$0x0] =	vst.idx.msk $0xffff, v20;
	v20 =	vld.idx.msk [tilespmem:v24+s5+$0x0], $0xffff;
	v24 =	vor.u32 v1, v29  }
0x1fe: {  	v29 =	vand.u32 $0x3F, v23;
	v25 =	vor.u32 v0, v28;
	v28 =	vand.u32 $0x1F80, v30;
	[tilespmem:v26+s15+$0x0] =	vst.idx.msk $0xffff, v22;
	v22 =	vld.idx.msk [tilespmem:v27+s5+$0x0], $0xffff  }
0x1ff: {  	v27 =	vor.u32 v1, v29;
	v26 =	vor.u32 v0, v28  }
0x200: {  	_ =	sdelay $0x1  }
0x201: {  	v21 =	vshll.u32 v21, $0x7  }
0x202: {  	v23 =	vshll.u32 v23, $0x7;
	v21 =	vand.u32 $0x1F80, v21  }
0x203: {  	v24 =	vld.idx.msk [tilespmem:v24+s5+$0x0], $0xffff;
	v23 =	vand.u32 $0x1F80, v23;
	v21 =	vor.u32 v0, v21  }
0x204: {  	v27 =	vld.idx.msk [tilespmem:v27+s5+$0x0], $0xffff;
	v23 =	vor.u32 v0, v23  }
0x205: {  	v28 =	vor.u32 v2, v17  }
0x206: {  	[tilespmem:v25+s15+$0x0] =	vst.idx.msk $0xffff, v20;
	v20 =	vor.u32 v2, v19  }
0x207: {  	[tilespmem:v26+s15+$0x0] =	vst.idx.msk $0xffff, v22  }
0x208: {  	v17 =	vadd.s32 s26, v0;
	[tilespmem:v21+s15+$0x0] =	vst.idx.msk $0xffff, v24  }
0x209: {  	v19 =	vand.u32 $0x3F, v17;
	[tilespmem:v23+s15+$0x0] =	vst.idx.msk $0xffff, v27;
	v23 =	vadd.s32 s29, v0  }
0x20a: {  	v22 =	vor.u32 v2, v19;
	v21 =	vor.u32 v3, v16;
	v19 =	vld.idx.msk [tilespmem:v28+s5+$0x0], $0xffff;
	v63 =	vand.u32 $0x3F, v23  }
0x20b: {  	s6 =	simm.s32 $0x4;
	v18 =	vor.u32 v3, v18;
	v20 =	vld.idx.msk [tilespmem:v20+s5+$0x0], $0xffff;
	v16 =	vor.u32 v2, v63  }
.LBB2_25:
0x20c: {  	p2 =	slt.u32 s6, $0x3E  }
.Ltmp14:
0x20d: {  	v24 =	vshll.u32 v17, $0x7;
	v17 =	vadd.s32 s6, v0;
	(pc) =	sbr.rel @p2 .LBB2_25-.Ltmp14, $4  }
0x20e: {  	s8 =	sadd.s32 $0x1, s6;
	s6 =	sadd.s32 $0x2, s6;
	v25 =	vand.u32 $0x3F, v17;
	v24 =	vand.u32 $0x1F80, v24  }
0x20f: {  	v26 =	vshll.u32 v23, $0x7;
	v23 =	vadd.s32 s8, v0;
	[tilespmem:v21+s15+$0x0] =	vst.idx.msk $0xffff, v19;
	v19 =	vld.idx.msk [tilespmem:v22+s5+$0x0], $0xffff;
	v22 =	vor.u32 v2, v25  }
0x210: {  	v25 =	vand.u32 $0x3F, v23;
	v21 =	vor.u32 v3, v24;
	v24 =	vand.u32 $0x1F80, v26;
	[tilespmem:v18+s15+$0x0] =	vst.idx.msk $0xffff, v20;
	v20 =	vld.idx.msk [tilespmem:v16+s5+$0x0], $0xffff  }
0x211: {  	v16 =	vor.u32 v2, v25;
	v18 =	vor.u32 v3, v24  }
0x212: {  	_ =	sdelay $0x1  }
0x213: {  	v17 =	vshll.u32 v17, $0x7  }
0x214: {  	v23 =	vshll.u32 v23, $0x7;
	s6 =	simm.s32 $0x0;
	v17 =	vand.u32 $0x1F80, v17  }
0x215: {  	v22 =	vld.idx.msk [tilespmem:v22+s5+$0x0], $0xffff;
	s26 =	simm.s32 $0x1;
	v24 =	vor.u32 v3, v17;
	v17 =	vand.u32 $0x1F80, v23;
	v23 =	vadd.s32 s6, v0  }
0x216: {  	v25 =	vld.idx.msk [tilespmem:v16+s5+$0x0], $0xffff;
	v27 =	vadd.s32 s26, v0;
	v26 =	vor.u32 v3, v17;
	v16 =	vand.u32 $0x3F, v23  }
0x217: {  	v17 =	vand.u32 $0x3F, v27;
	v28 =	vor.u32 v4, v16  }
0x218: {  	s26 =	simm.s32 $0x2;
	[tilespmem:v21+s15+$0x0] =	vst.idx.msk $0xffff, v19;
	v29 =	vor.u32 v4, v17  }
0x219: {  	s29 =	simm.s32 $0x3;
	[tilespmem:v18+s15+$0x0] =	vst.idx.msk $0xffff, v20;
	v20 =	vadd.s32 s26, v0  }
0x21a: {  	v18 =	vshll.u32 v23, $0x7;
	v23 =	vadd.s32 s29, v0;
	v19 =	vand.u32 $0x3F, v20;
	[tilespmem:v24+s15+$0x0] =	vst.idx.msk $0xffff, v22  }
0x21b: {  	v18 =	vand.u32 $0x1F80, v18;
	v22 =	vshll.u32 v27, $0x7;
	v24 =	vor.u32 v4, v19;
	[tilespmem:v26+s15+$0x0] =	vst.idx.msk $0xffff, v25  }
0x21c: {  	v26 =	vand.u32 $0x3F, v23;
	v19 =	vand.u32 $0x1F80, v22;
	v25 =	vor.u32 v5, v18;
	v21 =	vld.idx.msk [tilespmem:v28+s5+$0x0], $0xffff  }
0x21d: {  	s6 =	simm.s32 $0x4;
	v22 =	vld.idx.msk [tilespmem:v29+s5+$0x0], $0xffff;
	v27 =	vor.u32 v4, v26;
	v26 =	vor.u32 v5, v19  }
.LBB2_27:
0x21e: {  	p2 =	slt.u32 s6, $0x3E  }
.Ltmp15:
0x21f: {  	v28 =	vshll.u32 v20, $0x7;
	v20 =	vadd.s32 s6, v0;
	(pc) =	sbr.rel @p2 .LBB2_27-.Ltmp15, $4  }
0x220: {  	s8 =	sadd.s32 $0x1, s6;
	s6 =	sadd.s32 $0x2, s6;
	v29 =	vand.u32 $0x3F, v20;
	v28 =	vand.u32 $0x1F80, v28  }
0x221: {  	v30 =	vshll.u32 v23, $0x7;
	v23 =	vadd.s32 s8, v0;
	[tilespmem:v25+s15+$0x0] =	vst.idx.msk $0xffff, v21;
	v21 =	vld.idx.msk [tilespmem:v24+s5+$0x0], $0xffff;
	v24 =	vor.u32 v4, v29  }
0x222: {  	v29 =	vand.u32 $0x3F, v23;
	v25 =	vor.u32 v5, v28;
	v28 =	vand.u32 $0x1F80, v30;
	[tilespmem:v26+s15+$0x0] =	vst.idx.msk $0xffff, v22;
	v22 =	vld.idx.msk [tilespmem:v27+s5+$0x0], $0xffff  }
0x223: {  	v27 =	vor.u32 v4, v29;
	v26 =	vor.u32 v5, v28  }
0x224: {  	_ =	sdelay $0x1  }
0x225: {  	v20 =	vshll.u32 v20, $0x7  }
0x226: {  	v23 =	vshll.u32 v23, $0x7;
	v20 =	vand.u32 $0x1F80, v20  }
0x227: {  	v24 =	vld.idx.msk [tilespmem:v24+s5+$0x0], $0xffff;
	v23 =	vand.u32 $0x1F80, v23;
	v20 =	vor.u32 v5, v20  }
0x228: {  	v27 =	vld.idx.msk [tilespmem:v27+s5+$0x0], $0xffff;
	v23 =	vor.u32 v5, v23  }
0x229: {  	v28 =	vor.u32 v6, v16  }
0x22a: {  	v63 =	vor.u32 v6, v17;
	[tilespmem:v25+s15+$0x0] =	vst.idx.msk $0xffff, v21  }
0x22b: {  	[tilespmem:v26+s15+$0x0] =	vst.idx.msk $0xffff, v22  }
0x22c: {  	v16 =	vadd.s32 s26, v0;
	[tilespmem:v20+s15+$0x0] =	vst.idx.msk $0xffff, v24  }
0x22d: {  	v17 =	vand.u32 $0x3F, v16;
	v22 =	vadd.s32 s29, v0;
	[tilespmem:v23+s15+$0x0] =	vst.idx.msk $0xffff, v27  }
0x22e: {  	v17 =	vor.u32 v6, v17;
	v21 =	vor.u32 v7, v18;
	v23 =	vand.u32 $0x3F, v22;
	v20 =	vld.idx.msk [tilespmem:v28+s5+$0x0], $0xffff  }
0x22f: {  	s6 =	simm.s32 $0x4;
	v19 =	vor.u32 v7, v19;
	v18 =	vld.idx.msk [tilespmem:v63+s5+$0x0], $0xffff;
	v23 =	vor.u32 v6, v23  }
.LBB2_29:
0x230: {  	p2 =	slt.u32 s6, $0x3E  }
.Ltmp16:
0x231: {  	v24 =	vshll.u32 v16, $0x7;
	v16 =	vadd.s32 s6, v0;
	(pc) =	sbr.rel @p2 .LBB2_29-.Ltmp16, $4  }
0x232: {  	s8 =	sadd.s32 $0x1, s6;
	s6 =	sadd.s32 $0x2, s6;
	v25 =	vand.u32 $0x3F, v16;
	v24 =	vand.u32 $0x1F80, v24  }
0x233: {  	v26 =	vshll.u32 v22, $0x7;
	v22 =	vadd.s32 s8, v0;
	[tilespmem:v21+s15+$0x0] =	vst.idx.msk $0xffff, v20;
	v20 =	vld.idx.msk [tilespmem:v17+s5+$0x0], $0xffff;
	v17 =	vor.u32 v6, v25  }
0x234: {  	v25 =	vand.u32 $0x3F, v22;
	v21 =	vor.u32 v7, v24;
	v24 =	vand.u32 $0x1F80, v26;
	[tilespmem:v19+s15+$0x0] =	vst.idx.msk $0xffff, v18;
	v18 =	vld.idx.msk [tilespmem:v23+s5+$0x0], $0xffff  }
0x235: {  	v23 =	vor.u32 v6, v25;
	v19 =	vor.u32 v7, v24  }
0x236: {  	_ =	sdelay $0x1  }
0x237: {  	v16 =	vshll.u32 v16, $0x7  }
0x238: {  	v22 =	vshll.u32 v22, $0x7;
	s6 =	simm.s32 $0x0;
	v16 =	vand.u32 $0x1F80, v16  }
0x239: {  	v24 =	vld.idx.msk [tilespmem:v17+s5+$0x0], $0xffff;
	s26 =	simm.s32 $0x1;
	v25 =	vor.u32 v7, v16;
	v16 =	vand.u32 $0x1F80, v22;
	v22 =	vadd.s32 s6, v0  }
0x23a: {  	v23 =	vld.idx.msk [tilespmem:v23+s5+$0x0], $0xffff;
	v27 =	vadd.s32 s26, v0;
	v26 =	vor.u32 v7, v16;
	v16 =	vand.u32 $0x3F, v22  }
0x23b: {  	v17 =	vand.u32 $0x3F, v27;
	v28 =	vor.u32 v8, v16  }
0x23c: {  	s26 =	simm.s32 $0x2;
	[tilespmem:v21+s15+$0x0] =	vst.idx.msk $0xffff, v20;
	v29 =	vor.u32 v8, v17  }
0x23d: {  	v20 =	vadd.s32 s26, v0;
	[tilespmem:v19+s15+$0x0] =	vst.idx.msk $0xffff, v18  }
0x23e: {  	s29 =	simm.s32 $0x3;
	v18 =	vshll.u32 v22, $0x7;
	v19 =	vand.u32 $0x3F, v20;
	v22 =	vshll.u32 v27, $0x7;
	[tilespmem:v25+s15+$0x0] =	vst.idx.msk $0xffff, v24  }
0x23f: {  	v18 =	vand.u32 $0x1F80, v18;
	v24 =	vor.u32 v8, v19;
	[tilespmem:v26+s15+$0x0] =	vst.idx.msk $0xffff, v23;
	v23 =	vadd.s32 s29, v0  }
0x240: {  	v19 =	vand.u32 $0x1F80, v22;
	v25 =	vor.u32 v9, v18;
	v21 =	vld.idx.msk [tilespmem:v28+s5+$0x0], $0xffff;
	v26 =	vand.u32 $0x3F, v23  }
0x241: {  	s6 =	simm.s32 $0x4;
	v22 =	vld.idx.msk [tilespmem:v29+s5+$0x0], $0xffff;
	v27 =	vor.u32 v8, v26;
	v26 =	vor.u32 v9, v19  }
.LBB2_31:
0x242: {  	p2 =	slt.u32 s6, $0x3E  }
.Ltmp17:
0x243: {  	v28 =	vshll.u32 v20, $0x7;
	v20 =	vadd.s32 s6, v0;
	(pc) =	sbr.rel @p2 .LBB2_31-.Ltmp17, $4  }
0x244: {  	s8 =	sadd.s32 $0x1, s6;
	s6 =	sadd.s32 $0x2, s6;
	v29 =	vand.u32 $0x3F, v20;
	v28 =	vand.u32 $0x1F80, v28  }
0x245: {  	v30 =	vshll.u32 v23, $0x7;
	v23 =	vadd.s32 s8, v0;
	[tilespmem:v25+s15+$0x0] =	vst.idx.msk $0xffff, v21;
	v21 =	vld.idx.msk [tilespmem:v24+s5+$0x0], $0xffff;
	v24 =	vor.u32 v8, v29  }
0x246: {  	v29 =	vand.u32 $0x3F, v23;
	v25 =	vor.u32 v9, v28;
	v28 =	vand.u32 $0x1F80, v30;
	[tilespmem:v26+s15+$0x0] =	vst.idx.msk $0xffff, v22;
	v22 =	vld.idx.msk [tilespmem:v27+s5+$0x0], $0xffff  }
0x247: {  	v27 =	vor.u32 v8, v29;
	v26 =	vor.u32 v9, v28  }
0x248: {  	_ =	sdelay $0x1  }
0x249: {  	v20 =	vshll.u32 v20, $0x7  }
0x24a: {  	v23 =	vshll.u32 v23, $0x7;
	v20 =	vand.u32 $0x1F80, v20  }
0x24b: {  	v24 =	vld.idx.msk [tilespmem:v24+s5+$0x0], $0xffff;
	v23 =	vand.u32 $0x1F80, v23;
	v20 =	vor.u32 v9, v20  }
0x24c: {  	v27 =	vld.idx.msk [tilespmem:v27+s5+$0x0], $0xffff;
	v23 =	vor.u32 v9, v23  }
0x24d: {  	v28 =	vor.u32 v10, v16  }
0x24e: {  	v63 =	vor.u32 v10, v17;
	[tilespmem:v25+s15+$0x0] =	vst.idx.msk $0xffff, v21  }
0x24f: {  	[tilespmem:v26+s15+$0x0] =	vst.idx.msk $0xffff, v22  }
0x250: {  	v16 =	vadd.s32 s26, v0;
	[tilespmem:v20+s15+$0x0] =	vst.idx.msk $0xffff, v24  }
0x251: {  	v17 =	vand.u32 $0x3F, v16;
	v22 =	vadd.s32 s29, v0;
	[tilespmem:v23+s15+$0x0] =	vst.idx.msk $0xffff, v27  }
0x252: {  	v17 =	vor.u32 v10, v17;
	v21 =	vor.u32 v11, v18;
	v23 =	vand.u32 $0x3F, v22;
	v20 =	vld.idx.msk [tilespmem:v28+s5+$0x0], $0xffff  }
0x253: {  	s6 =	simm.s32 $0x4;
	v19 =	vor.u32 v11, v19;
	v18 =	vld.idx.msk [tilespmem:v63+s5+$0x0], $0xffff;
	v23 =	vor.u32 v10, v23  }
.LBB2_33:
0x254: {  	p2 =	slt.u32 s6, $0x3E  }
.Ltmp18:
0x255: {  	v24 =	vshll.u32 v16, $0x7;
	v16 =	vadd.s32 s6, v0;
	(pc) =	sbr.rel @p2 .LBB2_33-.Ltmp18, $4  }
0x256: {  	s8 =	sadd.s32 $0x1, s6;
	s6 =	sadd.s32 $0x2, s6;
	v25 =	vand.u32 $0x3F, v16;
	v24 =	vand.u32 $0x1F80, v24  }
0x257: {  	v26 =	vshll.u32 v22, $0x7;
	v22 =	vadd.s32 s8, v0;
	[tilespmem:v21+s15+$0x0] =	vst.idx.msk $0xffff, v20;
	v20 =	vld.idx.msk [tilespmem:v17+s5+$0x0], $0xffff;
	v17 =	vor.u32 v10, v25  }
0x258: {  	v25 =	vand.u32 $0x3F, v22;
	v21 =	vor.u32 v11, v24;
	v24 =	vand.u32 $0x1F80, v26;
	[tilespmem:v19+s15+$0x0] =	vst.idx.msk $0xffff, v18;
	v18 =	vld.idx.msk [tilespmem:v23+s5+$0x0], $0xffff  }
0x259: {  	v23 =	vor.u32 v10, v25;
	v19 =	vor.u32 v11, v24  }
0x25a: {  	_ =	sdelay $0x1  }
0x25b: {  	v16 =	vshll.u32 v16, $0x7  }
0x25c: {  	v22 =	vshll.u32 v22, $0x7;
	s6 =	simm.s32 $0x0;
	v16 =	vand.u32 $0x1F80, v16  }
0x25d: {  	v24 =	vld.idx.msk [tilespmem:v17+s5+$0x0], $0xffff;
	s26 =	simm.s32 $0x1;
	v25 =	vor.u32 v11, v16;
	v16 =	vand.u32 $0x1F80, v22;
	v22 =	vadd.s32 s6, v0  }
0x25e: {  	v23 =	vld.idx.msk [tilespmem:v23+s5+$0x0], $0xffff;
	v27 =	vadd.s32 s26, v0;
	v26 =	vor.u32 v11, v16;
	v16 =	vand.u32 $0x3F, v22  }
0x25f: {  	v17 =	vand.u32 $0x3F, v27;
	v28 =	vor.u32 v12, v16  }
0x260: {  	s26 =	simm.s32 $0x2;
	[tilespmem:v21+s15+$0x0] =	vst.idx.msk $0xffff, v20;
	v29 =	vor.u32 v12, v17  }
0x261: {  	v20 =	vadd.s32 s26, v0;
	[tilespmem:v19+s15+$0x0] =	vst.idx.msk $0xffff, v18  }
0x262: {  	s29 =	simm.s32 $0x3;
	v18 =	vshll.u32 v22, $0x7;
	v19 =	vand.u32 $0x3F, v20;
	v22 =	vshll.u32 v27, $0x7;
	[tilespmem:v25+s15+$0x0] =	vst.idx.msk $0xffff, v24  }
0x263: {  	v18 =	vand.u32 $0x1F80, v18;
	v24 =	vor.u32 v12, v19;
	[tilespmem:v26+s15+$0x0] =	vst.idx.msk $0xffff, v23;
	v23 =	vadd.s32 s29, v0  }
0x264: {  	v19 =	vand.u32 $0x1F80, v22;
	v25 =	vor.u32 v13, v18;
	v21 =	vld.idx.msk [tilespmem:v28+s5+$0x0], $0xffff;
	v26 =	vand.u32 $0x3F, v23  }
0x265: {  	s6 =	simm.s32 $0x4;
	v22 =	vld.idx.msk [tilespmem:v29+s5+$0x0], $0xffff;
	v27 =	vor.u32 v12, v26;
	v26 =	vor.u32 v13, v19  }
.LBB2_35:
0x266: {  	p2 =	slt.u32 s6, $0x3E  }
.Ltmp19:
0x267: {  	v28 =	vshll.u32 v20, $0x7;
	v20 =	vadd.s32 s6, v0;
	(pc) =	sbr.rel @p2 .LBB2_35-.Ltmp19, $4  }
0x268: {  	s8 =	sadd.s32 $0x1, s6;
	s6 =	sadd.s32 $0x2, s6;
	v29 =	vand.u32 $0x3F, v20;
	v28 =	vand.u32 $0x1F80, v28  }
0x269: {  	v30 =	vshll.u32 v23, $0x7;
	v23 =	vadd.s32 s8, v0;
	[tilespmem:v25+s15+$0x0] =	vst.idx.msk $0xffff, v21;
	v21 =	vld.idx.msk [tilespmem:v24+s5+$0x0], $0xffff;
	v24 =	vor.u32 v12, v29  }
0x26a: {  	v29 =	vand.u32 $0x3F, v23;
	v25 =	vor.u32 v13, v28;
	v28 =	vand.u32 $0x1F80, v30;
	[tilespmem:v26+s15+$0x0] =	vst.idx.msk $0xffff, v22;
	v22 =	vld.idx.msk [tilespmem:v27+s5+$0x0], $0xffff  }
0x26b: {  	v27 =	vor.u32 v12, v29;
	v26 =	vor.u32 v13, v28  }
0x26c: {  	_ =	sdelay $0x1  }
0x26d: {  	v20 =	vshll.u32 v20, $0x7  }
0x26e: {  	v23 =	vshll.u32 v23, $0x7;
	v20 =	vand.u32 $0x1F80, v20  }
0x26f: {  	v24 =	vld.idx.msk [tilespmem:v24+s5+$0x0], $0xffff;
	v23 =	vand.u32 $0x1F80, v23;
	v20 =	vor.u32 v13, v20  }
0x270: {  	v27 =	vld.idx.msk [tilespmem:v27+s5+$0x0], $0xffff;
	v23 =	vor.u32 v13, v23  }
0x271: {  	v16 =	vor.u32 v14, v16  }
0x272: {  	v63 =	vor.u32 v14, v17;
	[tilespmem:v25+s15+$0x0] =	vst.idx.msk $0xffff, v21  }
0x273: {  	[tilespmem:v26+s15+$0x0] =	vst.idx.msk $0xffff, v22  }
0x274: {  	v17 =	vadd.s32 s26, v0;
	[tilespmem:v20+s15+$0x0] =	vst.idx.msk $0xffff, v24  }
0x275: {  	v21 =	vadd.s32 s29, v0;
	[tilespmem:v23+s15+$0x0] =	vst.idx.msk $0xffff, v27;
	v20 =	vand.u32 $0x3F, v17  }
0x276: {  	v22 =	vor.u32 v15, v18;
	v23 =	vand.u32 $0x3F, v21;
	v20 =	vor.u32 v14, v20;
	v16 =	vld.idx.msk [tilespmem:v16+s5+$0x0], $0xffff  }
0x277: {  	s6 =	simm.s32 $0x4;
	v19 =	vor.u32 v15, v19;
	v18 =	vld.idx.msk [tilespmem:v63+s5+$0x0], $0xffff;
	v23 =	vor.u32 v14, v23  }
.LBB2_37:
0x278: {  	p2 =	slt.u32 s6, $0x3E  }
.Ltmp20:
0x279: {  	v24 =	vshll.u32 v17, $0x7;
	v17 =	vadd.s32 s6, v0;
	(pc) =	sbr.rel @p2 .LBB2_37-.Ltmp20, $4  }
0x27a: {  	s8 =	sadd.s32 $0x1, s6;
	s6 =	sadd.s32 $0x2, s6;
	v25 =	vand.u32 $0x3F, v17;
	v24 =	vand.u32 $0x1F80, v24  }
0x27b: {  	v26 =	vshll.u32 v21, $0x7;
	v21 =	vadd.s32 s8, v0;
	[tilespmem:v22+s15+$0x0] =	vst.idx.msk $0xffff, v16;
	v16 =	vld.idx.msk [tilespmem:v20+s5+$0x0], $0xffff;
	v20 =	vor.u32 v14, v25  }
0x27c: {  	v25 =	vand.u32 $0x3F, v21;
	v22 =	vor.u32 v15, v24;
	v24 =	vand.u32 $0x1F80, v26;
	[tilespmem:v19+s15+$0x0] =	vst.idx.msk $0xffff, v18;
	v18 =	vld.idx.msk [tilespmem:v23+s5+$0x0], $0xffff  }
0x27d: {  	v23 =	vor.u32 v14, v25;
	v19 =	vor.u32 v15, v24  }
0x27e: {  	_ =	sdelay $0x1  }
0x27f: {  	v17 =	vshll.u32 v17, $0x7  }
0x280: {  	v21 =	vshll.u32 v21, $0x7;
	v17 =	vand.u32 $0x1F80, v17  }
0x281: {  	v20 =	vld.idx.msk [tilespmem:v20+s5+$0x0], $0xffff;
	v21 =	vand.u32 $0x1F80, v21;
	v17 =	vor.u32 v15, v17  }
0x282: {  	v23 =	vld.idx.msk [tilespmem:v23+s5+$0x0], $0xffff;
	v21 =	vor.u32 v15, v21;
	_ =	sdelay $0x1  }
.Ltmp21:
0x283: {  	[tilespmem:v22+s15+$0x0] =	vst.idx.msk $0xffff, v16;
	(pc) =	sbr.rel @p1 .LBB2_40-.Ltmp21, $4  }
0x284: {  	[tilespmem:v19+s15+$0x0] =	vst.idx.msk $0xffff, v18  }
0x285: {  	[tilespmem:v17+s15+$0x0] =	vst.idx.msk $0xffff, v20  }
0x286: {  	s6 =	sadd.s32 s22, s30;
	[tilespmem:v21+s15+$0x0] =	vst.idx.msk $0xffff, v23  }
0x287: {  	[hbm4b:s6+s0] =	stream.strided.scatter [tilespmem:s15], [sflag:$0x6], $0x2000, s12, s0, $0x38;
	[tilespmem:$0x1B200] =	vst v63  }
.Ltmp22:
0x288: {  	(pc) =	sbr.rel .LBB2_41-.Ltmp22, $4  }
0x289: {  	_ = 	snop  }
0x28a: {  	_ =	swait.ge [sflag:s16], $0x4000  }
0x28b: {  	[sflag:s16] =	ssyncset.done $0x0  }
0x28c: {  	[sflag:s16] =	ssyncadd.s32 $0xFFFFC000  }
.LBB2_40:
0x28d: {  	s6 =	sadd.s32 $0x1, s24  }
0x28e: {  	s8 =	sshll.u32 s6, $0x9;
	s6 =	sshll.u32 s6, $0x7  }
0x28f: {  	s8 =	sand.u32 $0x7000, s8;
	s6 =	sand.u32 $0x380, s6  }
0x290: {  	s6 =	sor.u32 s6, s8  }
0x291: {  	v16 =	vld [tilespmem:s6+$0x400];
	_ =	sdelay $0x4  }
0x292: {  	[tilespmem:$0x3080] =	vst v16  }
0x293: {  	v16 =	vld [tilespmem:s6+$0x410];
	_ =	sdelay $0x4  }
0x294: {  	[tilespmem:$0x3090] =	vst v16  }
0x295: {  	v16 =	vld [tilespmem:s6+$0x420];
	_ =	sdelay $0x4  }
0x296: {  	[tilespmem:$0x30A0] =	vst v16  }
0x297: {  	v16 =	vld [tilespmem:s6+$0x430];
	_ =	sdelay $0x4  }
0x298: {  	[tilespmem:$0x30B0] =	vst v16  }
0x299: {  	v16 =	vld [tilespmem:s6+$0x440];
	_ =	sdelay $0x4  }
0x29a: {  	[tilespmem:$0x30C0] =	vst v16  }
0x29b: {  	v16 =	vld [tilespmem:s6+$0x450];
	_ =	sdelay $0x4  }
0x29c: {  	[tilespmem:$0x30D0] =	vst v16  }
0x29d: {  	v16 =	vld [tilespmem:s6+$0x460];
	_ =	sdelay $0x4  }
0x29e: {  	[tilespmem:$0x30E0] =	vst v16  }
0x29f: {  	v16 =	vld [tilespmem:s6+$0x470];
	_ =	sdelay $0x4  }
.Ltmp23:
0x2a0: {  	s29 =	simm.s32 $0x3080;
	[tilespmem:$0x30F0] =	vst v16;
	(pc) =	sbr.rel @p0 .LBB2_42-.Ltmp23, $4  }
0x2a1: {  	[tilespmem:s5], [sflag:$0x2] =	stream.indirect.gather [hbm4b:s3+s25], $0x80, s29, s25, $0xb8;
	[tilespmem:$0x1B200] =	vst v63  }
0x2a2: {  	_ =	swait.ge [sflag:s16], $0x4000  }
0x2a3: {  	[sflag:s16] =	ssyncset.done $0x0  }
0x2a4: {  	[sflag:s16] =	ssyncadd.s32 $0xFFFFC000  }
.LBB2_41:
0x2a5: {  	_ =	swait.ge [sflag:s17], $0x2000  }
0x2a6: {  	[sflag:s17] =	ssyncset.done $0x0  }
0x2a7: {  	[sflag:s17] =	ssyncadd.s32 $0xFFFFE000  }
.LBB2_42:
0x2a8: {  	s6 =	simm.s32 $0x0  }
0x2a9: {  	s26 =	simm.s32 $0x1;
	v16 =	vadd.s32 s6, v0  }
0x2aa: {  	v18 =	vadd.s32 s26, v0;
	v17 =	vand.u32 $0x3F, v16  }
0x2ab: {  	v19 =	vand.u32 $0x3F, v18;
	v20 =	vor.u32 v1, v17  }
0x2ac: {  	s29 =	simm.s32 $0x3;
	v22 =	vor.u32 v1, v19  }
0x2ad: {  	s26 =	simm.s32 $0x2;
	v23 =	vadd.s32 s29, v0  }
0x2ae: {  	v21 =	vadd.s32 s26, v0;
	v16 =	vshll.u32 v16, $0x7;
	v18 =	vshll.u32 v18, $0x7  }
0x2af: {  	v26 =	vand.u32 $0x3F, v23;
	v24 =	vand.u32 $0x3F, v21;
	v16 =	vand.u32 $0x1F80, v16  }
0x2b0: {  	v18 =	vand.u32 $0x1F80, v18;
	v24 =	vor.u32 v1, v24;
	v25 =	vor.u32 v0, v16;
	v20 =	vld.idx.msk [tilespmem:v20+s7+$0x0], $0xffff  }
0x2b1: {  	s6 =	simm.s32 $0x4;
	v27 =	vor.u32 v1, v26;
	v26 =	vor.u32 v0, v18;
	v22 =	vld.idx.msk [tilespmem:v22+s7+$0x0], $0xffff  }
.LBB2_43:
0x2b2: {  	p2 =	slt.u32 s6, $0x3E  }
.Ltmp24:
0x2b3: {  	v28 =	vshll.u32 v21, $0x7;
	v21 =	vadd.s32 s6, v0;
	(pc) =	sbr.rel @p2 .LBB2_43-.Ltmp24, $4  }
0x2b4: {  	s8 =	sadd.s32 $0x1, s6;
	s6 =	sadd.s32 $0x2, s6;
	v29 =	vand.u32 $0x3F, v21;
	v28 =	vand.u32 $0x1F80, v28  }
0x2b5: {  	v30 =	vshll.u32 v23, $0x7;
	v23 =	vadd.s32 s8, v0;
	[tilespmem:v25+s18+$0x0] =	vst.idx.msk $0xffff, v20;
	v20 =	vld.idx.msk [tilespmem:v24+s7+$0x0], $0xffff;
	v24 =	vor.u32 v1, v29  }
0x2b6: {  	v29 =	vand.u32 $0x3F, v23;
	v25 =	vor.u32 v0, v28;
	v28 =	vand.u32 $0x1F80, v30;
	[tilespmem:v26+s18+$0x0] =	vst.idx.msk $0xffff, v22;
	v22 =	vld.idx.msk [tilespmem:v27+s7+$0x0], $0xffff  }
0x2b7: {  	v27 =	vor.u32 v1, v29;
	v26 =	vor.u32 v0, v28  }
0x2b8: {  	_ =	sdelay $0x1  }
0x2b9: {  	v21 =	vshll.u32 v21, $0x7  }
0x2ba: {  	v23 =	vshll.u32 v23, $0x7;
	v21 =	vand.u32 $0x1F80, v21  }
0x2bb: {  	v24 =	vld.idx.msk [tilespmem:v24+s7+$0x0], $0xffff;
	v23 =	vand.u32 $0x1F80, v23;
	v21 =	vor.u32 v0, v21  }
0x2bc: {  	v27 =	vld.idx.msk [tilespmem:v27+s7+$0x0], $0xffff;
	v23 =	vor.u32 v0, v23  }
0x2bd: {  	v28 =	vor.u32 v2, v17  }
0x2be: {  	[tilespmem:v25+s18+$0x0] =	vst.idx.msk $0xffff, v20;
	v20 =	vor.u32 v2, v19  }
0x2bf: {  	[tilespmem:v26+s18+$0x0] =	vst.idx.msk $0xffff, v22  }
0x2c0: {  	v17 =	vadd.s32 s26, v0;
	[tilespmem:v21+s18+$0x0] =	vst.idx.msk $0xffff, v24  }
0x2c1: {  	v19 =	vand.u32 $0x3F, v17;
	[tilespmem:v23+s18+$0x0] =	vst.idx.msk $0xffff, v27;
	v23 =	vadd.s32 s29, v0  }
0x2c2: {  	v22 =	vor.u32 v2, v19;
	v21 =	vor.u32 v3, v16;
	v19 =	vld.idx.msk [tilespmem:v28+s7+$0x0], $0xffff;
	v63 =	vand.u32 $0x3F, v23  }
0x2c3: {  	s6 =	simm.s32 $0x4;
	v18 =	vor.u32 v3, v18;
	v20 =	vld.idx.msk [tilespmem:v20+s7+$0x0], $0xffff;
	v16 =	vor.u32 v2, v63  }
.LBB2_45:
0x2c4: {  	p2 =	slt.u32 s6, $0x3E  }
.Ltmp25:
0x2c5: {  	v24 =	vshll.u32 v17, $0x7;
	v17 =	vadd.s32 s6, v0;
	(pc) =	sbr.rel @p2 .LBB2_45-.Ltmp25, $4  }
0x2c6: {  	s8 =	sadd.s32 $0x1, s6;
	s6 =	sadd.s32 $0x2, s6;
	v25 =	vand.u32 $0x3F, v17;
	v24 =	vand.u32 $0x1F80, v24  }
0x2c7: {  	v26 =	vshll.u32 v23, $0x7;
	v23 =	vadd.s32 s8, v0;
	[tilespmem:v21+s18+$0x0] =	vst.idx.msk $0xffff, v19;
	v19 =	vld.idx.msk [tilespmem:v22+s7+$0x0], $0xffff;
	v22 =	vor.u32 v2, v25  }
0x2c8: {  	v25 =	vand.u32 $0x3F, v23;
	v21 =	vor.u32 v3, v24;
	v24 =	vand.u32 $0x1F80, v26;
	[tilespmem:v18+s18+$0x0] =	vst.idx.msk $0xffff, v20;
	v20 =	vld.idx.msk [tilespmem:v16+s7+$0x0], $0xffff  }
0x2c9: {  	v16 =	vor.u32 v2, v25;
	v18 =	vor.u32 v3, v24  }
0x2ca: {  	_ =	sdelay $0x1  }
0x2cb: {  	v17 =	vshll.u32 v17, $0x7  }
0x2cc: {  	v23 =	vshll.u32 v23, $0x7;
	s6 =	simm.s32 $0x0;
	v17 =	vand.u32 $0x1F80, v17  }
0x2cd: {  	v22 =	vld.idx.msk [tilespmem:v22+s7+$0x0], $0xffff;
	s26 =	simm.s32 $0x1;
	v24 =	vor.u32 v3, v17;
	v17 =	vand.u32 $0x1F80, v23;
	v23 =	vadd.s32 s6, v0  }
0x2ce: {  	v25 =	vld.idx.msk [tilespmem:v16+s7+$0x0], $0xffff;
	v27 =	vadd.s32 s26, v0;
	v26 =	vor.u32 v3, v17;
	v16 =	vand.u32 $0x3F, v23  }
0x2cf: {  	v17 =	vand.u32 $0x3F, v27;
	v28 =	vor.u32 v4, v16  }
0x2d0: {  	s26 =	simm.s32 $0x2;
	[tilespmem:v21+s18+$0x0] =	vst.idx.msk $0xffff, v19;
	v29 =	vor.u32 v4, v17  }
0x2d1: {  	s29 =	simm.s32 $0x3;
	[tilespmem:v18+s18+$0x0] =	vst.idx.msk $0xffff, v20;
	v20 =	vadd.s32 s26, v0  }
0x2d2: {  	v18 =	vshll.u32 v23, $0x7;
	v23 =	vadd.s32 s29, v0;
	v19 =	vand.u32 $0x3F, v20;
	[tilespmem:v24+s18+$0x0] =	vst.idx.msk $0xffff, v22  }
0x2d3: {  	v18 =	vand.u32 $0x1F80, v18;
	v22 =	vshll.u32 v27, $0x7;
	v24 =	vor.u32 v4, v19;
	[tilespmem:v26+s18+$0x0] =	vst.idx.msk $0xffff, v25  }
0x2d4: {  	v26 =	vand.u32 $0x3F, v23;
	v19 =	vand.u32 $0x1F80, v22;
	v25 =	vor.u32 v5, v18;
	v21 =	vld.idx.msk [tilespmem:v28+s7+$0x0], $0xffff  }
0x2d5: {  	s6 =	simm.s32 $0x4;
	v22 =	vld.idx.msk [tilespmem:v29+s7+$0x0], $0xffff;
	v27 =	vor.u32 v4, v26;
	v26 =	vor.u32 v5, v19  }
.LBB2_47:
0x2d6: {  	p2 =	slt.u32 s6, $0x3E  }
.Ltmp26:
0x2d7: {  	v28 =	vshll.u32 v20, $0x7;
	v20 =	vadd.s32 s6, v0;
	(pc) =	sbr.rel @p2 .LBB2_47-.Ltmp26, $4  }
0x2d8: {  	s8 =	sadd.s32 $0x1, s6;
	s6 =	sadd.s32 $0x2, s6;
	v29 =	vand.u32 $0x3F, v20;
	v28 =	vand.u32 $0x1F80, v28  }
0x2d9: {  	v30 =	vshll.u32 v23, $0x7;
	v23 =	vadd.s32 s8, v0;
	[tilespmem:v25+s18+$0x0] =	vst.idx.msk $0xffff, v21;
	v21 =	vld.idx.msk [tilespmem:v24+s7+$0x0], $0xffff;
	v24 =	vor.u32 v4, v29  }
0x2da: {  	v29 =	vand.u32 $0x3F, v23;
	v25 =	vor.u32 v5, v28;
	v28 =	vand.u32 $0x1F80, v30;
	[tilespmem:v26+s18+$0x0] =	vst.idx.msk $0xffff, v22;
	v22 =	vld.idx.msk [tilespmem:v27+s7+$0x0], $0xffff  }
0x2db: {  	v27 =	vor.u32 v4, v29;
	v26 =	vor.u32 v5, v28  }
0x2dc: {  	_ =	sdelay $0x1  }
0x2dd: {  	v20 =	vshll.u32 v20, $0x7  }
0x2de: {  	v23 =	vshll.u32 v23, $0x7;
	v20 =	vand.u32 $0x1F80, v20  }
0x2df: {  	v24 =	vld.idx.msk [tilespmem:v24+s7+$0x0], $0xffff;
	v23 =	vand.u32 $0x1F80, v23;
	v20 =	vor.u32 v5, v20  }
0x2e0: {  	v27 =	vld.idx.msk [tilespmem:v27+s7+$0x0], $0xffff;
	v23 =	vor.u32 v5, v23  }
0x2e1: {  	v28 =	vor.u32 v6, v16  }
0x2e2: {  	v63 =	vor.u32 v6, v17;
	[tilespmem:v25+s18+$0x0] =	vst.idx.msk $0xffff, v21  }
0x2e3: {  	[tilespmem:v26+s18+$0x0] =	vst.idx.msk $0xffff, v22  }
0x2e4: {  	v16 =	vadd.s32 s26, v0;
	[tilespmem:v20+s18+$0x0] =	vst.idx.msk $0xffff, v24  }
0x2e5: {  	v17 =	vand.u32 $0x3F, v16;
	v22 =	vadd.s32 s29, v0;
	[tilespmem:v23+s18+$0x0] =	vst.idx.msk $0xffff, v27  }
0x2e6: {  	v17 =	vor.u32 v6, v17;
	v21 =	vor.u32 v7, v18;
	v23 =	vand.u32 $0x3F, v22;
	v20 =	vld.idx.msk [tilespmem:v28+s7+$0x0], $0xffff  }
0x2e7: {  	s6 =	simm.s32 $0x4;
	v19 =	vor.u32 v7, v19;
	v18 =	vld.idx.msk [tilespmem:v63+s7+$0x0], $0xffff;
	v23 =	vor.u32 v6, v23  }
.LBB2_49:
0x2e8: {  	p2 =	slt.u32 s6, $0x3E  }
.Ltmp27:
0x2e9: {  	v24 =	vshll.u32 v16, $0x7;
	v16 =	vadd.s32 s6, v0;
	(pc) =	sbr.rel @p2 .LBB2_49-.Ltmp27, $4  }
0x2ea: {  	s8 =	sadd.s32 $0x1, s6;
	s6 =	sadd.s32 $0x2, s6;
	v25 =	vand.u32 $0x3F, v16;
	v24 =	vand.u32 $0x1F80, v24  }
0x2eb: {  	v26 =	vshll.u32 v22, $0x7;
	v22 =	vadd.s32 s8, v0;
	[tilespmem:v21+s18+$0x0] =	vst.idx.msk $0xffff, v20;
	v20 =	vld.idx.msk [tilespmem:v17+s7+$0x0], $0xffff;
	v17 =	vor.u32 v6, v25  }
0x2ec: {  	v25 =	vand.u32 $0x3F, v22;
	v21 =	vor.u32 v7, v24;
	v24 =	vand.u32 $0x1F80, v26;
	[tilespmem:v19+s18+$0x0] =	vst.idx.msk $0xffff, v18;
	v18 =	vld.idx.msk [tilespmem:v23+s7+$0x0], $0xffff  }
0x2ed: {  	v23 =	vor.u32 v6, v25;
	v19 =	vor.u32 v7, v24  }
0x2ee: {  	_ =	sdelay $0x1  }
0x2ef: {  	v16 =	vshll.u32 v16, $0x7  }
0x2f0: {  	v22 =	vshll.u32 v22, $0x7;
	s6 =	simm.s32 $0x0;
	v16 =	vand.u32 $0x1F80, v16  }
0x2f1: {  	v24 =	vld.idx.msk [tilespmem:v17+s7+$0x0], $0xffff;
	s26 =	simm.s32 $0x1;
	v25 =	vor.u32 v7, v16;
	v16 =	vand.u32 $0x1F80, v22;
	v22 =	vadd.s32 s6, v0  }
0x2f2: {  	v23 =	vld.idx.msk [tilespmem:v23+s7+$0x0], $0xffff;
	v27 =	vadd.s32 s26, v0;
	v26 =	vor.u32 v7, v16;
	v16 =	vand.u32 $0x3F, v22  }
0x2f3: {  	v17 =	vand.u32 $0x3F, v27;
	v28 =	vor.u32 v8, v16  }
0x2f4: {  	s26 =	simm.s32 $0x2;
	[tilespmem:v21+s18+$0x0] =	vst.idx.msk $0xffff, v20;
	v29 =	vor.u32 v8, v17  }
0x2f5: {  	v20 =	vadd.s32 s26, v0;
	[tilespmem:v19+s18+$0x0] =	vst.idx.msk $0xffff, v18  }
0x2f6: {  	s29 =	simm.s32 $0x3;
	v18 =	vshll.u32 v22, $0x7;
	v19 =	vand.u32 $0x3F, v20;
	v22 =	vshll.u32 v27, $0x7;
	[tilespmem:v25+s18+$0x0] =	vst.idx.msk $0xffff, v24  }
0x2f7: {  	v18 =	vand.u32 $0x1F80, v18;
	v24 =	vor.u32 v8, v19;
	[tilespmem:v26+s18+$0x0] =	vst.idx.msk $0xffff, v23;
	v23 =	vadd.s32 s29, v0  }
0x2f8: {  	v19 =	vand.u32 $0x1F80, v22;
	v25 =	vor.u32 v9, v18;
	v21 =	vld.idx.msk [tilespmem:v28+s7+$0x0], $0xffff;
	v26 =	vand.u32 $0x3F, v23  }
0x2f9: {  	s6 =	simm.s32 $0x4;
	v22 =	vld.idx.msk [tilespmem:v29+s7+$0x0], $0xffff;
	v27 =	vor.u32 v8, v26;
	v26 =	vor.u32 v9, v19  }
.LBB2_51:
0x2fa: {  	p2 =	slt.u32 s6, $0x3E  }
.Ltmp28:
0x2fb: {  	v28 =	vshll.u32 v20, $0x7;
	v20 =	vadd.s32 s6, v0;
	(pc) =	sbr.rel @p2 .LBB2_51-.Ltmp28, $4  }
0x2fc: {  	s8 =	sadd.s32 $0x1, s6;
	s6 =	sadd.s32 $0x2, s6;
	v29 =	vand.u32 $0x3F, v20;
	v28 =	vand.u32 $0x1F80, v28  }
0x2fd: {  	v30 =	vshll.u32 v23, $0x7;
	v23 =	vadd.s32 s8, v0;
	[tilespmem:v25+s18+$0x0] =	vst.idx.msk $0xffff, v21;
	v21 =	vld.idx.msk [tilespmem:v24+s7+$0x0], $0xffff;
	v24 =	vor.u32 v8, v29  }
0x2fe: {  	v29 =	vand.u32 $0x3F, v23;
	v25 =	vor.u32 v9, v28;
	v28 =	vand.u32 $0x1F80, v30;
	[tilespmem:v26+s18+$0x0] =	vst.idx.msk $0xffff, v22;
	v22 =	vld.idx.msk [tilespmem:v27+s7+$0x0], $0xffff  }
0x2ff: {  	v27 =	vor.u32 v8, v29;
	v26 =	vor.u32 v9, v28  }
0x300: {  	_ =	sdelay $0x1  }
0x301: {  	v20 =	vshll.u32 v20, $0x7  }
0x302: {  	v23 =	vshll.u32 v23, $0x7;
	v20 =	vand.u32 $0x1F80, v20  }
0x303: {  	v24 =	vld.idx.msk [tilespmem:v24+s7+$0x0], $0xffff;
	v23 =	vand.u32 $0x1F80, v23;
	v20 =	vor.u32 v9, v20  }
0x304: {  	v27 =	vld.idx.msk [tilespmem:v27+s7+$0x0], $0xffff;
	v23 =	vor.u32 v9, v23  }
0x305: {  	v28 =	vor.u32 v10, v16  }
0x306: {  	v63 =	vor.u32 v10, v17;
	[tilespmem:v25+s18+$0x0] =	vst.idx.msk $0xffff, v21  }
0x307: {  	[tilespmem:v26+s18+$0x0] =	vst.idx.msk $0xffff, v22  }
0x308: {  	v16 =	vadd.s32 s26, v0;
	[tilespmem:v20+s18+$0x0] =	vst.idx.msk $0xffff, v24  }
0x309: {  	v17 =	vand.u32 $0x3F, v16;
	v22 =	vadd.s32 s29, v0;
	[tilespmem:v23+s18+$0x0] =	vst.idx.msk $0xffff, v27  }
0x30a: {  	v17 =	vor.u32 v10, v17;
	v21 =	vor.u32 v11, v18;
	v23 =	vand.u32 $0x3F, v22;
	v20 =	vld.idx.msk [tilespmem:v28+s7+$0x0], $0xffff  }
0x30b: {  	s6 =	simm.s32 $0x4;
	v19 =	vor.u32 v11, v19;
	v18 =	vld.idx.msk [tilespmem:v63+s7+$0x0], $0xffff;
	v23 =	vor.u32 v10, v23  }
.LBB2_53:
0x30c: {  	p2 =	slt.u32 s6, $0x3E  }
.Ltmp29:
0x30d: {  	v24 =	vshll.u32 v16, $0x7;
	v16 =	vadd.s32 s6, v0;
	(pc) =	sbr.rel @p2 .LBB2_53-.Ltmp29, $4  }
0x30e: {  	s8 =	sadd.s32 $0x1, s6;
	s6 =	sadd.s32 $0x2, s6;
	v25 =	vand.u32 $0x3F, v16;
	v24 =	vand.u32 $0x1F80, v24  }
0x30f: {  	v26 =	vshll.u32 v22, $0x7;
	v22 =	vadd.s32 s8, v0;
	[tilespmem:v21+s18+$0x0] =	vst.idx.msk $0xffff, v20;
	v20 =	vld.idx.msk [tilespmem:v17+s7+$0x0], $0xffff;
	v17 =	vor.u32 v10, v25  }
0x310: {  	v25 =	vand.u32 $0x3F, v22;
	v21 =	vor.u32 v11, v24;
	v24 =	vand.u32 $0x1F80, v26;
	[tilespmem:v19+s18+$0x0] =	vst.idx.msk $0xffff, v18;
	v18 =	vld.idx.msk [tilespmem:v23+s7+$0x0], $0xffff  }
0x311: {  	v23 =	vor.u32 v10, v25;
	v19 =	vor.u32 v11, v24  }
0x312: {  	_ =	sdelay $0x1  }
0x313: {  	v16 =	vshll.u32 v16, $0x7  }
0x314: {  	v22 =	vshll.u32 v22, $0x7;
	s6 =	simm.s32 $0x0;
	v16 =	vand.u32 $0x1F80, v16  }
0x315: {  	v24 =	vld.idx.msk [tilespmem:v17+s7+$0x0], $0xffff;
	s26 =	simm.s32 $0x1;
	v25 =	vor.u32 v11, v16;
	v16 =	vand.u32 $0x1F80, v22;
	v22 =	vadd.s32 s6, v0  }
0x316: {  	v23 =	vld.idx.msk [tilespmem:v23+s7+$0x0], $0xffff;
	v27 =	vadd.s32 s26, v0;
	v26 =	vor.u32 v11, v16;
	v16 =	vand.u32 $0x3F, v22  }
0x317: {  	v17 =	vand.u32 $0x3F, v27;
	v28 =	vor.u32 v12, v16  }
0x318: {  	s26 =	simm.s32 $0x2;
	[tilespmem:v21+s18+$0x0] =	vst.idx.msk $0xffff, v20;
	v29 =	vor.u32 v12, v17  }
0x319: {  	v20 =	vadd.s32 s26, v0;
	[tilespmem:v19+s18+$0x0] =	vst.idx.msk $0xffff, v18  }
0x31a: {  	s29 =	simm.s32 $0x3;
	v18 =	vshll.u32 v22, $0x7;
	v19 =	vand.u32 $0x3F, v20;
	v22 =	vshll.u32 v27, $0x7;
	[tilespmem:v25+s18+$0x0] =	vst.idx.msk $0xffff, v24  }
0x31b: {  	v18 =	vand.u32 $0x1F80, v18;
	v24 =	vor.u32 v12, v19;
	[tilespmem:v26+s18+$0x0] =	vst.idx.msk $0xffff, v23;
	v23 =	vadd.s32 s29, v0  }
0x31c: {  	v19 =	vand.u32 $0x1F80, v22;
	v25 =	vor.u32 v13, v18;
	v21 =	vld.idx.msk [tilespmem:v28+s7+$0x0], $0xffff;
	v26 =	vand.u32 $0x3F, v23  }
0x31d: {  	s6 =	simm.s32 $0x4;
	v22 =	vld.idx.msk [tilespmem:v29+s7+$0x0], $0xffff;
	v27 =	vor.u32 v12, v26;
	v26 =	vor.u32 v13, v19  }
.LBB2_55:
0x31e: {  	p2 =	slt.u32 s6, $0x3E  }
.Ltmp30:
0x31f: {  	v28 =	vshll.u32 v20, $0x7;
	v20 =	vadd.s32 s6, v0;
	(pc) =	sbr.rel @p2 .LBB2_55-.Ltmp30, $4  }
0x320: {  	s8 =	sadd.s32 $0x1, s6;
	s6 =	sadd.s32 $0x2, s6;
	v29 =	vand.u32 $0x3F, v20;
	v28 =	vand.u32 $0x1F80, v28  }
0x321: {  	v30 =	vshll.u32 v23, $0x7;
	v23 =	vadd.s32 s8, v0;
	[tilespmem:v25+s18+$0x0] =	vst.idx.msk $0xffff, v21;
	v21 =	vld.idx.msk [tilespmem:v24+s7+$0x0], $0xffff;
	v24 =	vor.u32 v12, v29  }
0x322: {  	v29 =	vand.u32 $0x3F, v23;
	v25 =	vor.u32 v13, v28;
	v28 =	vand.u32 $0x1F80, v30;
	[tilespmem:v26+s18+$0x0] =	vst.idx.msk $0xffff, v22;
	v22 =	vld.idx.msk [tilespmem:v27+s7+$0x0], $0xffff  }
0x323: {  	v27 =	vor.u32 v12, v29;
	v26 =	vor.u32 v13, v28  }
0x324: {  	_ =	sdelay $0x1  }
0x325: {  	v20 =	vshll.u32 v20, $0x7  }
0x326: {  	v23 =	vshll.u32 v23, $0x7;
	v20 =	vand.u32 $0x1F80, v20  }
0x327: {  	v24 =	vld.idx.msk [tilespmem:v24+s7+$0x0], $0xffff;
	v23 =	vand.u32 $0x1F80, v23;
	v20 =	vor.u32 v13, v20  }
0x328: {  	v27 =	vld.idx.msk [tilespmem:v27+s7+$0x0], $0xffff;
	v23 =	vor.u32 v13, v23  }
0x329: {  	v16 =	vor.u32 v14, v16  }
0x32a: {  	v63 =	vor.u32 v14, v17;
	[tilespmem:v25+s18+$0x0] =	vst.idx.msk $0xffff, v21  }
0x32b: {  	[tilespmem:v26+s18+$0x0] =	vst.idx.msk $0xffff, v22  }
0x32c: {  	v17 =	vadd.s32 s26, v0;
	[tilespmem:v20+s18+$0x0] =	vst.idx.msk $0xffff, v24  }
0x32d: {  	v21 =	vadd.s32 s29, v0;
	[tilespmem:v23+s18+$0x0] =	vst.idx.msk $0xffff, v27;
	v20 =	vand.u32 $0x3F, v17  }
0x32e: {  	v22 =	vor.u32 v15, v18;
	v23 =	vand.u32 $0x3F, v21;
	v20 =	vor.u32 v14, v20;
	v16 =	vld.idx.msk [tilespmem:v16+s7+$0x0], $0xffff  }
0x32f: {  	s6 =	simm.s32 $0x4;
	v19 =	vor.u32 v15, v19;
	v18 =	vld.idx.msk [tilespmem:v63+s7+$0x0], $0xffff;
	v23 =	vor.u32 v14, v23  }
.LBB2_57:
0x330: {  	p2 =	slt.u32 s6, $0x3E  }
.Ltmp31:
0x331: {  	v24 =	vshll.u32 v17, $0x7;
	v17 =	vadd.s32 s6, v0;
	(pc) =	sbr.rel @p2 .LBB2_57-.Ltmp31, $4  }
0x332: {  	s8 =	sadd.s32 $0x1, s6;
	s6 =	sadd.s32 $0x2, s6;
	v25 =	vand.u32 $0x3F, v17;
	v24 =	vand.u32 $0x1F80, v24  }
0x333: {  	v26 =	vshll.u32 v21, $0x7;
	v21 =	vadd.s32 s8, v0;
	[tilespmem:v22+s18+$0x0] =	vst.idx.msk $0xffff, v16;
	v16 =	vld.idx.msk [tilespmem:v20+s7+$0x0], $0xffff;
	v20 =	vor.u32 v14, v25  }
0x334: {  	v25 =	vand.u32 $0x3F, v21;
	v22 =	vor.u32 v15, v24;
	v24 =	vand.u32 $0x1F80, v26;
	[tilespmem:v19+s18+$0x0] =	vst.idx.msk $0xffff, v18;
	v18 =	vld.idx.msk [tilespmem:v23+s7+$0x0], $0xffff  }
0x335: {  	v23 =	vor.u32 v14, v25;
	v19 =	vor.u32 v15, v24  }
0x336: {  	_ =	sdelay $0x1  }
0x337: {  	v17 =	vshll.u32 v17, $0x7  }
0x338: {  	v21 =	vshll.u32 v21, $0x7;
	v17 =	vand.u32 $0x1F80, v17  }
0x339: {  	v20 =	vld.idx.msk [tilespmem:v20+s7+$0x0], $0xffff;
	v21 =	vand.u32 $0x1F80, v21;
	v17 =	vor.u32 v15, v17  }
0x33a: {  	v23 =	vld.idx.msk [tilespmem:v23+s7+$0x0], $0xffff;
	v21 =	vor.u32 v15, v21;
	_ =	sdelay $0x1  }
.Ltmp32:
0x33b: {  	[tilespmem:v22+s18+$0x0] =	vst.idx.msk $0xffff, v16;
	(pc) =	sbr.rel @p1 .LBB2_60-.Ltmp32, $4  }
0x33c: {  	[tilespmem:v19+s18+$0x0] =	vst.idx.msk $0xffff, v18  }
0x33d: {  	[tilespmem:v17+s18+$0x0] =	vst.idx.msk $0xffff, v20  }
0x33e: {  	s6 =	sadd.s32 s22, s31;
	[tilespmem:v21+s18+$0x0] =	vst.idx.msk $0xffff, v23  }
0x33f: {  	[hbm4b:s6+s0] =	stream.strided.scatter [tilespmem:s18], [sflag:$0x7], $0x2000, s12, s0, $0x38;
	[tilespmem:$0x1B200] =	vst v63  }
.Ltmp33:
0x340: {  	(pc) =	sbr.rel .LBB2_61-.Ltmp33, $4  }
0x341: {  	_ = 	snop  }
0x342: {  	_ =	swait.ge [sflag:s19], $0x4000  }
0x343: {  	[sflag:s19] =	ssyncset.done $0x0  }
0x344: {  	[sflag:s19] =	ssyncadd.s32 $0xFFFFC000  }
.LBB2_60:
0x345: {  	s6 =	sadd.s32 $0x1, s24  }
0x346: {  	s8 =	sshll.u32 s6, $0x9;
	s6 =	sshll.u32 s6, $0x7  }
0x347: {  	s8 =	sand.u32 $0x7000, s8;
	s6 =	sand.u32 $0x380, s6  }
0x348: {  	s6 =	sor.u32 s6, s8  }
0x349: {  	v16 =	vld [tilespmem:s6+$0x800];
	_ =	sdelay $0x4  }
0x34a: {  	[tilespmem:$0x3100] =	vst v16  }
0x34b: {  	v16 =	vld [tilespmem:s6+$0x810];
	_ =	sdelay $0x4  }
0x34c: {  	[tilespmem:$0x3110] =	vst v16  }
0x34d: {  	v16 =	vld [tilespmem:s6+$0x820];
	_ =	sdelay $0x4  }
0x34e: {  	[tilespmem:$0x3120] =	vst v16  }
0x34f: {  	v16 =	vld [tilespmem:s6+$0x830];
	_ =	sdelay $0x4  }
0x350: {  	[tilespmem:$0x3130] =	vst v16  }
0x351: {  	v16 =	vld [tilespmem:s6+$0x840];
	_ =	sdelay $0x4  }
0x352: {  	[tilespmem:$0x3140] =	vst v16  }
0x353: {  	v16 =	vld [tilespmem:s6+$0x850];
	_ =	sdelay $0x4  }
0x354: {  	[tilespmem:$0x3150] =	vst v16  }
0x355: {  	v16 =	vld [tilespmem:s6+$0x860];
	_ =	sdelay $0x4  }
0x356: {  	[tilespmem:$0x3160] =	vst v16  }
0x357: {  	v16 =	vld [tilespmem:s6+$0x870];
	_ =	sdelay $0x4  }
.Ltmp34:
0x358: {  	s29 =	simm.s32 $0x3100;
	[tilespmem:$0x3170] =	vst v16;
	(pc) =	sbr.rel @p0 .LBB2_62-.Ltmp34, $4  }
0x359: {  	[tilespmem:s7], [sflag:$0x3] =	stream.indirect.gather [hbm4b:s3+s25], $0x80, s29, s25, $0xb8;
	[tilespmem:$0x1B200] =	vst v63  }
0x35a: {  	_ =	swait.ge [sflag:s19], $0x4000  }
0x35b: {  	[sflag:s19] =	ssyncset.done $0x0  }
0x35c: {  	[sflag:s19] =	ssyncadd.s32 $0xFFFFC000  }
.LBB2_61:
0x35d: {  	_ =	swait.ge [sflag:s20], $0x2000  }
0x35e: {  	[sflag:s20] =	ssyncset.done $0x0  }
0x35f: {  	[sflag:s20] =	ssyncadd.s32 $0xFFFFE000  }
.LBB2_62:
0x360: {  	s6 =	simm.s32 $0x0  }
0x361: {  	s26 =	simm.s32 $0x1;
	v16 =	vadd.s32 s6, v0  }
0x362: {  	v18 =	vadd.s32 s26, v0;
	v17 =	vand.u32 $0x3F, v16  }
0x363: {  	v19 =	vand.u32 $0x3F, v18;
	v20 =	vor.u32 v1, v17  }
0x364: {  	s29 =	simm.s32 $0x3;
	v22 =	vor.u32 v1, v19  }
0x365: {  	s26 =	simm.s32 $0x2;
	v23 =	vadd.s32 s29, v0  }
0x366: {  	v21 =	vadd.s32 s26, v0;
	v16 =	vshll.u32 v16, $0x7;
	v18 =	vshll.u32 v18, $0x7  }
0x367: {  	v26 =	vand.u32 $0x3F, v23;
	v24 =	vand.u32 $0x3F, v21;
	v16 =	vand.u32 $0x1F80, v16  }
0x368: {  	v18 =	vand.u32 $0x1F80, v18;
	v24 =	vor.u32 v1, v24;
	v25 =	vor.u32 v0, v16;
	v20 =	vld.idx.msk [tilespmem:v20+s9+$0x0], $0xffff  }
0x369: {  	s6 =	simm.s32 $0x4;
	v27 =	vor.u32 v1, v26;
	v26 =	vor.u32 v0, v18;
	v22 =	vld.idx.msk [tilespmem:v22+s9+$0x0], $0xffff  }
.LBB2_63:
0x36a: {  	p0 =	slt.u32 s6, $0x3E  }
.Ltmp35:
0x36b: {  	v28 =	vshll.u32 v21, $0x7;
	v21 =	vadd.s32 s6, v0;
	(pc) =	sbr.rel @p0 .LBB2_63-.Ltmp35, $4  }
0x36c: {  	s8 =	sadd.s32 $0x1, s6;
	s6 =	sadd.s32 $0x2, s6;
	v29 =	vand.u32 $0x3F, v21;
	v28 =	vand.u32 $0x1F80, v28  }
0x36d: {  	v30 =	vshll.u32 v23, $0x7;
	v23 =	vadd.s32 s8, v0;
	[tilespmem:v25+s21+$0x0] =	vst.idx.msk $0xffff, v20;
	v20 =	vld.idx.msk [tilespmem:v24+s9+$0x0], $0xffff;
	v24 =	vor.u32 v1, v29  }
0x36e: {  	v29 =	vand.u32 $0x3F, v23;
	v25 =	vor.u32 v0, v28;
	v28 =	vand.u32 $0x1F80, v30;
	[tilespmem:v26+s21+$0x0] =	vst.idx.msk $0xffff, v22;
	v22 =	vld.idx.msk [tilespmem:v27+s9+$0x0], $0xffff  }
0x36f: {  	v27 =	vor.u32 v1, v29;
	v26 =	vor.u32 v0, v28  }
0x370: {  	_ =	sdelay $0x1  }
0x371: {  	v21 =	vshll.u32 v21, $0x7  }
0x372: {  	v23 =	vshll.u32 v23, $0x7;
	v21 =	vand.u32 $0x1F80, v21  }
0x373: {  	v24 =	vld.idx.msk [tilespmem:v24+s9+$0x0], $0xffff;
	v23 =	vand.u32 $0x1F80, v23;
	v21 =	vor.u32 v0, v21  }
0x374: {  	v27 =	vld.idx.msk [tilespmem:v27+s9+$0x0], $0xffff;
	v23 =	vor.u32 v0, v23  }
0x375: {  	v28 =	vor.u32 v2, v17  }
0x376: {  	[tilespmem:v25+s21+$0x0] =	vst.idx.msk $0xffff, v20;
	v20 =	vor.u32 v2, v19  }
0x377: {  	[tilespmem:v26+s21+$0x0] =	vst.idx.msk $0xffff, v22  }
0x378: {  	v17 =	vadd.s32 s26, v0;
	[tilespmem:v21+s21+$0x0] =	vst.idx.msk $0xffff, v24  }
0x379: {  	v19 =	vand.u32 $0x3F, v17;
	[tilespmem:v23+s21+$0x0] =	vst.idx.msk $0xffff, v27;
	v23 =	vadd.s32 s29, v0  }
0x37a: {  	v22 =	vor.u32 v2, v19;
	v21 =	vor.u32 v3, v16;
	v19 =	vld.idx.msk [tilespmem:v28+s9+$0x0], $0xffff;
	v63 =	vand.u32 $0x3F, v23  }
0x37b: {  	s6 =	simm.s32 $0x4;
	v18 =	vor.u32 v3, v18;
	v20 =	vld.idx.msk [tilespmem:v20+s9+$0x0], $0xffff;
	v16 =	vor.u32 v2, v63  }
.LBB2_65:
0x37c: {  	p0 =	slt.u32 s6, $0x3E  }
.Ltmp36:
0x37d: {  	v24 =	vshll.u32 v17, $0x7;
	v17 =	vadd.s32 s6, v0;
	(pc) =	sbr.rel @p0 .LBB2_65-.Ltmp36, $4  }
0x37e: {  	s8 =	sadd.s32 $0x1, s6;
	s6 =	sadd.s32 $0x2, s6;
	v25 =	vand.u32 $0x3F, v17;
	v24 =	vand.u32 $0x1F80, v24  }
0x37f: {  	v26 =	vshll.u32 v23, $0x7;
	v23 =	vadd.s32 s8, v0;
	[tilespmem:v21+s21+$0x0] =	vst.idx.msk $0xffff, v19;
	v19 =	vld.idx.msk [tilespmem:v22+s9+$0x0], $0xffff;
	v22 =	vor.u32 v2, v25  }
0x380: {  	v25 =	vand.u32 $0x3F, v23;
	v21 =	vor.u32 v3, v24;
	v24 =	vand.u32 $0x1F80, v26;
	[tilespmem:v18+s21+$0x0] =	vst.idx.msk $0xffff, v20;
	v20 =	vld.idx.msk [tilespmem:v16+s9+$0x0], $0xffff  }
0x381: {  	v16 =	vor.u32 v2, v25;
	v18 =	vor.u32 v3, v24  }
0x382: {  	_ =	sdelay $0x1  }
0x383: {  	v17 =	vshll.u32 v17, $0x7  }
0x384: {  	v23 =	vshll.u32 v23, $0x7;
	s6 =	simm.s32 $0x0;
	v17 =	vand.u32 $0x1F80, v17  }
0x385: {  	v22 =	vld.idx.msk [tilespmem:v22+s9+$0x0], $0xffff;
	s26 =	simm.s32 $0x1;
	v24 =	vor.u32 v3, v17;
	v17 =	vand.u32 $0x1F80, v23;
	v23 =	vadd.s32 s6, v0  }
0x386: {  	v25 =	vld.idx.msk [tilespmem:v16+s9+$0x0], $0xffff;
	v27 =	vadd.s32 s26, v0;
	v26 =	vor.u32 v3, v17;
	v16 =	vand.u32 $0x3F, v23  }
0x387: {  	v17 =	vand.u32 $0x3F, v27;
	v28 =	vor.u32 v4, v16  }
0x388: {  	s26 =	simm.s32 $0x2;
	[tilespmem:v21+s21+$0x0] =	vst.idx.msk $0xffff, v19;
	v29 =	vor.u32 v4, v17  }
0x389: {  	s29 =	simm.s32 $0x3;
	[tilespmem:v18+s21+$0x0] =	vst.idx.msk $0xffff, v20;
	v20 =	vadd.s32 s26, v0  }
0x38a: {  	v18 =	vshll.u32 v23, $0x7;
	v23 =	vadd.s32 s29, v0;
	v19 =	vand.u32 $0x3F, v20;
	[tilespmem:v24+s21+$0x0] =	vst.idx.msk $0xffff, v22  }
0x38b: {  	v18 =	vand.u32 $0x1F80, v18;
	v22 =	vshll.u32 v27, $0x7;
	v24 =	vor.u32 v4, v19;
	[tilespmem:v26+s21+$0x0] =	vst.idx.msk $0xffff, v25  }
0x38c: {  	v26 =	vand.u32 $0x3F, v23;
	v19 =	vand.u32 $0x1F80, v22;
	v25 =	vor.u32 v5, v18;
	v21 =	vld.idx.msk [tilespmem:v28+s9+$0x0], $0xffff  }
0x38d: {  	s6 =	simm.s32 $0x4;
	v22 =	vld.idx.msk [tilespmem:v29+s9+$0x0], $0xffff;
	v27 =	vor.u32 v4, v26;
	v26 =	vor.u32 v5, v19  }
.LBB2_67:
0x38e: {  	p0 =	slt.u32 s6, $0x3E  }
.Ltmp37:
0x38f: {  	v28 =	vshll.u32 v20, $0x7;
	v20 =	vadd.s32 s6, v0;
	(pc) =	sbr.rel @p0 .LBB2_67-.Ltmp37, $4  }
0x390: {  	s8 =	sadd.s32 $0x1, s6;
	s6 =	sadd.s32 $0x2, s6;
	v29 =	vand.u32 $0x3F, v20;
	v28 =	vand.u32 $0x1F80, v28  }
0x391: {  	v30 =	vshll.u32 v23, $0x7;
	v23 =	vadd.s32 s8, v0;
	[tilespmem:v25+s21+$0x0] =	vst.idx.msk $0xffff, v21;
	v21 =	vld.idx.msk [tilespmem:v24+s9+$0x0], $0xffff;
	v24 =	vor.u32 v4, v29  }
0x392: {  	v29 =	vand.u32 $0x3F, v23;
	v25 =	vor.u32 v5, v28;
	v28 =	vand.u32 $0x1F80, v30;
	[tilespmem:v26+s21+$0x0] =	vst.idx.msk $0xffff, v22;
	v22 =	vld.idx.msk [tilespmem:v27+s9+$0x0], $0xffff  }
0x393: {  	v27 =	vor.u32 v4, v29;
	v26 =	vor.u32 v5, v28  }
0x394: {  	_ =	sdelay $0x1  }
0x395: {  	v20 =	vshll.u32 v20, $0x7  }
0x396: {  	v23 =	vshll.u32 v23, $0x7;
	v20 =	vand.u32 $0x1F80, v20  }
0x397: {  	v24 =	vld.idx.msk [tilespmem:v24+s9+$0x0], $0xffff;
	v23 =	vand.u32 $0x1F80, v23;
	v20 =	vor.u32 v5, v20  }
0x398: {  	v27 =	vld.idx.msk [tilespmem:v27+s9+$0x0], $0xffff;
	v23 =	vor.u32 v5, v23  }
0x399: {  	v28 =	vor.u32 v6, v16  }
0x39a: {  	v63 =	vor.u32 v6, v17;
	[tilespmem:v25+s21+$0x0] =	vst.idx.msk $0xffff, v21  }
0x39b: {  	[tilespmem:v26+s21+$0x0] =	vst.idx.msk $0xffff, v22  }
0x39c: {  	v16 =	vadd.s32 s26, v0;
	[tilespmem:v20+s21+$0x0] =	vst.idx.msk $0xffff, v24  }
0x39d: {  	v17 =	vand.u32 $0x3F, v16;
	v22 =	vadd.s32 s29, v0;
	[tilespmem:v23+s21+$0x0] =	vst.idx.msk $0xffff, v27  }
0x39e: {  	v17 =	vor.u32 v6, v17;
	v21 =	vor.u32 v7, v18;
	v23 =	vand.u32 $0x3F, v22;
	v20 =	vld.idx.msk [tilespmem:v28+s9+$0x0], $0xffff  }
0x39f: {  	s6 =	simm.s32 $0x4;
	v19 =	vor.u32 v7, v19;
	v18 =	vld.idx.msk [tilespmem:v63+s9+$0x0], $0xffff;
	v23 =	vor.u32 v6, v23  }
.LBB2_69:
0x3a0: {  	p0 =	slt.u32 s6, $0x3E  }
.Ltmp38:
0x3a1: {  	v24 =	vshll.u32 v16, $0x7;
	v16 =	vadd.s32 s6, v0;
	(pc) =	sbr.rel @p0 .LBB2_69-.Ltmp38, $4  }
0x3a2: {  	s8 =	sadd.s32 $0x1, s6;
	s6 =	sadd.s32 $0x2, s6;
	v25 =	vand.u32 $0x3F, v16;
	v24 =	vand.u32 $0x1F80, v24  }
0x3a3: {  	v26 =	vshll.u32 v22, $0x7;
	v22 =	vadd.s32 s8, v0;
	[tilespmem:v21+s21+$0x0] =	vst.idx.msk $0xffff, v20;
	v20 =	vld.idx.msk [tilespmem:v17+s9+$0x0], $0xffff;
	v17 =	vor.u32 v6, v25  }
0x3a4: {  	v25 =	vand.u32 $0x3F, v22;
	v21 =	vor.u32 v7, v24;
	v24 =	vand.u32 $0x1F80, v26;
	[tilespmem:v19+s21+$0x0] =	vst.idx.msk $0xffff, v18;
	v18 =	vld.idx.msk [tilespmem:v23+s9+$0x0], $0xffff  }
0x3a5: {  	v23 =	vor.u32 v6, v25;
	v19 =	vor.u32 v7, v24  }
0x3a6: {  	_ =	sdelay $0x1  }
0x3a7: {  	v16 =	vshll.u32 v16, $0x7  }
0x3a8: {  	v22 =	vshll.u32 v22, $0x7;
	s6 =	simm.s32 $0x0;
	v16 =	vand.u32 $0x1F80, v16  }
0x3a9: {  	v24 =	vld.idx.msk [tilespmem:v17+s9+$0x0], $0xffff;
	s26 =	simm.s32 $0x1;
	v25 =	vor.u32 v7, v16;
	v16 =	vand.u32 $0x1F80, v22;
	v22 =	vadd.s32 s6, v0  }
0x3aa: {  	v23 =	vld.idx.msk [tilespmem:v23+s9+$0x0], $0xffff;
	v27 =	vadd.s32 s26, v0;
	v26 =	vor.u32 v7, v16;
	v16 =	vand.u32 $0x3F, v22  }
0x3ab: {  	v17 =	vand.u32 $0x3F, v27;
	v28 =	vor.u32 v8, v16  }
0x3ac: {  	s26 =	simm.s32 $0x2;
	[tilespmem:v21+s21+$0x0] =	vst.idx.msk $0xffff, v20;
	v29 =	vor.u32 v8, v17  }
0x3ad: {  	v20 =	vadd.s32 s26, v0;
	[tilespmem:v19+s21+$0x0] =	vst.idx.msk $0xffff, v18  }
0x3ae: {  	s29 =	simm.s32 $0x3;
	v18 =	vshll.u32 v22, $0x7;
	v19 =	vand.u32 $0x3F, v20;
	v22 =	vshll.u32 v27, $0x7;
	[tilespmem:v25+s21+$0x0] =	vst.idx.msk $0xffff, v24  }
0x3af: {  	v18 =	vand.u32 $0x1F80, v18;
	v24 =	vor.u32 v8, v19;
	[tilespmem:v26+s21+$0x0] =	vst.idx.msk $0xffff, v23;
	v23 =	vadd.s32 s29, v0  }
0x3b0: {  	v19 =	vand.u32 $0x1F80, v22;
	v25 =	vor.u32 v9, v18;
	v21 =	vld.idx.msk [tilespmem:v28+s9+$0x0], $0xffff;
	v26 =	vand.u32 $0x3F, v23  }
0x3b1: {  	s6 =	simm.s32 $0x4;
	v22 =	vld.idx.msk [tilespmem:v29+s9+$0x0], $0xffff;
	v27 =	vor.u32 v8, v26;
	v26 =	vor.u32 v9, v19  }
.LBB2_71:
0x3b2: {  	p0 =	slt.u32 s6, $0x3E  }
.Ltmp39:
0x3b3: {  	v28 =	vshll.u32 v20, $0x7;
	v20 =	vadd.s32 s6, v0;
	(pc) =	sbr.rel @p0 .LBB2_71-.Ltmp39, $4  }
0x3b4: {  	s8 =	sadd.s32 $0x1, s6;
	s6 =	sadd.s32 $0x2, s6;
	v29 =	vand.u32 $0x3F, v20;
	v28 =	vand.u32 $0x1F80, v28  }
0x3b5: {  	v30 =	vshll.u32 v23, $0x7;
	v23 =	vadd.s32 s8, v0;
	[tilespmem:v25+s21+$0x0] =	vst.idx.msk $0xffff, v21;
	v21 =	vld.idx.msk [tilespmem:v24+s9+$0x0], $0xffff;
	v24 =	vor.u32 v8, v29  }
0x3b6: {  	v29 =	vand.u32 $0x3F, v23;
	v25 =	vor.u32 v9, v28;
	v28 =	vand.u32 $0x1F80, v30;
	[tilespmem:v26+s21+$0x0] =	vst.idx.msk $0xffff, v22;
	v22 =	vld.idx.msk [tilespmem:v27+s9+$0x0], $0xffff  }
0x3b7: {  	v27 =	vor.u32 v8, v29;
	v26 =	vor.u32 v9, v28  }
0x3b8: {  	_ =	sdelay $0x1  }
0x3b9: {  	v20 =	vshll.u32 v20, $0x7  }
0x3ba: {  	v23 =	vshll.u32 v23, $0x7;
	v20 =	vand.u32 $0x1F80, v20  }
0x3bb: {  	v24 =	vld.idx.msk [tilespmem:v24+s9+$0x0], $0xffff;
	v23 =	vand.u32 $0x1F80, v23;
	v20 =	vor.u32 v9, v20  }
0x3bc: {  	v27 =	vld.idx.msk [tilespmem:v27+s9+$0x0], $0xffff;
	v23 =	vor.u32 v9, v23  }
0x3bd: {  	v28 =	vor.u32 v10, v16  }
0x3be: {  	v63 =	vor.u32 v10, v17;
	[tilespmem:v25+s21+$0x0] =	vst.idx.msk $0xffff, v21  }
0x3bf: {  	[tilespmem:v26+s21+$0x0] =	vst.idx.msk $0xffff, v22  }
0x3c0: {  	v16 =	vadd.s32 s26, v0;
	[tilespmem:v20+s21+$0x0] =	vst.idx.msk $0xffff, v24  }
0x3c1: {  	v17 =	vand.u32 $0x3F, v16;
	v22 =	vadd.s32 s29, v0;
	[tilespmem:v23+s21+$0x0] =	vst.idx.msk $0xffff, v27  }
0x3c2: {  	v17 =	vor.u32 v10, v17;
	v21 =	vor.u32 v11, v18;
	v23 =	vand.u32 $0x3F, v22;
	v20 =	vld.idx.msk [tilespmem:v28+s9+$0x0], $0xffff  }
0x3c3: {  	s6 =	simm.s32 $0x4;
	v19 =	vor.u32 v11, v19;
	v18 =	vld.idx.msk [tilespmem:v63+s9+$0x0], $0xffff;
	v23 =	vor.u32 v10, v23  }
.LBB2_73:
0x3c4: {  	p0 =	slt.u32 s6, $0x3E  }
.Ltmp40:
0x3c5: {  	v24 =	vshll.u32 v16, $0x7;
	v16 =	vadd.s32 s6, v0;
	(pc) =	sbr.rel @p0 .LBB2_73-.Ltmp40, $4  }
0x3c6: {  	s8 =	sadd.s32 $0x1, s6;
	s6 =	sadd.s32 $0x2, s6;
	v25 =	vand.u32 $0x3F, v16;
	v24 =	vand.u32 $0x1F80, v24  }
0x3c7: {  	v26 =	vshll.u32 v22, $0x7;
	v22 =	vadd.s32 s8, v0;
	[tilespmem:v21+s21+$0x0] =	vst.idx.msk $0xffff, v20;
	v20 =	vld.idx.msk [tilespmem:v17+s9+$0x0], $0xffff;
	v17 =	vor.u32 v10, v25  }
0x3c8: {  	v25 =	vand.u32 $0x3F, v22;
	v21 =	vor.u32 v11, v24;
	v24 =	vand.u32 $0x1F80, v26;
	[tilespmem:v19+s21+$0x0] =	vst.idx.msk $0xffff, v18;
	v18 =	vld.idx.msk [tilespmem:v23+s9+$0x0], $0xffff  }
0x3c9: {  	v23 =	vor.u32 v10, v25;
	v19 =	vor.u32 v11, v24  }
0x3ca: {  	_ =	sdelay $0x1  }
0x3cb: {  	v16 =	vshll.u32 v16, $0x7  }
0x3cc: {  	v22 =	vshll.u32 v22, $0x7;
	s6 =	simm.s32 $0x0;
	v16 =	vand.u32 $0x1F80, v16  }
0x3cd: {  	v24 =	vld.idx.msk [tilespmem:v17+s9+$0x0], $0xffff;
	s26 =	simm.s32 $0x1;
	v25 =	vor.u32 v11, v16;
	v16 =	vand.u32 $0x1F80, v22;
	v22 =	vadd.s32 s6, v0  }
0x3ce: {  	v23 =	vld.idx.msk [tilespmem:v23+s9+$0x0], $0xffff;
	v27 =	vadd.s32 s26, v0;
	v26 =	vor.u32 v11, v16;
	v16 =	vand.u32 $0x3F, v22  }
0x3cf: {  	v17 =	vand.u32 $0x3F, v27;
	v28 =	vor.u32 v12, v16  }
0x3d0: {  	s26 =	simm.s32 $0x2;
	[tilespmem:v21+s21+$0x0] =	vst.idx.msk $0xffff, v20;
	v29 =	vor.u32 v12, v17  }
0x3d1: {  	v20 =	vadd.s32 s26, v0;
	[tilespmem:v19+s21+$0x0] =	vst.idx.msk $0xffff, v18  }
0x3d2: {  	s29 =	simm.s32 $0x3;
	v18 =	vshll.u32 v22, $0x7;
	v19 =	vand.u32 $0x3F, v20;
	v22 =	vshll.u32 v27, $0x7;
	[tilespmem:v25+s21+$0x0] =	vst.idx.msk $0xffff, v24  }
0x3d3: {  	v18 =	vand.u32 $0x1F80, v18;
	v24 =	vor.u32 v12, v19;
	[tilespmem:v26+s21+$0x0] =	vst.idx.msk $0xffff, v23;
	v23 =	vadd.s32 s29, v0  }
0x3d4: {  	v19 =	vand.u32 $0x1F80, v22;
	v25 =	vor.u32 v13, v18;
	v21 =	vld.idx.msk [tilespmem:v28+s9+$0x0], $0xffff;
	v26 =	vand.u32 $0x3F, v23  }
0x3d5: {  	s6 =	simm.s32 $0x4;
	v22 =	vld.idx.msk [tilespmem:v29+s9+$0x0], $0xffff;
	v27 =	vor.u32 v12, v26;
	v26 =	vor.u32 v13, v19  }
.LBB2_75:
0x3d6: {  	p0 =	slt.u32 s6, $0x3E  }
.Ltmp41:
0x3d7: {  	v28 =	vshll.u32 v20, $0x7;
	v20 =	vadd.s32 s6, v0;
	(pc) =	sbr.rel @p0 .LBB2_75-.Ltmp41, $4  }
0x3d8: {  	s8 =	sadd.s32 $0x1, s6;
	s6 =	sadd.s32 $0x2, s6;
	v29 =	vand.u32 $0x3F, v20;
	v28 =	vand.u32 $0x1F80, v28  }
0x3d9: {  	v30 =	vshll.u32 v23, $0x7;
	v23 =	vadd.s32 s8, v0;
	[tilespmem:v25+s21+$0x0] =	vst.idx.msk $0xffff, v21;
	v21 =	vld.idx.msk [tilespmem:v24+s9+$0x0], $0xffff;
	v24 =	vor.u32 v12, v29  }
0x3da: {  	v29 =	vand.u32 $0x3F, v23;
	v25 =	vor.u32 v13, v28;
	v28 =	vand.u32 $0x1F80, v30;
	[tilespmem:v26+s21+$0x0] =	vst.idx.msk $0xffff, v22;
	v22 =	vld.idx.msk [tilespmem:v27+s9+$0x0], $0xffff  }
0x3db: {  	v27 =	vor.u32 v12, v29;
	v26 =	vor.u32 v13, v28  }
0x3dc: {  	_ =	sdelay $0x1  }
0x3dd: {  	v20 =	vshll.u32 v20, $0x7  }
0x3de: {  	v23 =	vshll.u32 v23, $0x7;
	v20 =	vand.u32 $0x1F80, v20  }
0x3df: {  	v24 =	vld.idx.msk [tilespmem:v24+s9+$0x0], $0xffff;
	v23 =	vand.u32 $0x1F80, v23;
	v20 =	vor.u32 v13, v20  }
0x3e0: {  	v27 =	vld.idx.msk [tilespmem:v27+s9+$0x0], $0xffff;
	v23 =	vor.u32 v13, v23  }
0x3e1: {  	v16 =	vor.u32 v14, v16  }
0x3e2: {  	v63 =	vor.u32 v14, v17;
	[tilespmem:v25+s21+$0x0] =	vst.idx.msk $0xffff, v21  }
0x3e3: {  	[tilespmem:v26+s21+$0x0] =	vst.idx.msk $0xffff, v22  }
0x3e4: {  	v17 =	vadd.s32 s26, v0;
	[tilespmem:v20+s21+$0x0] =	vst.idx.msk $0xffff, v24  }
0x3e5: {  	v21 =	vadd.s32 s29, v0;
	[tilespmem:v23+s21+$0x0] =	vst.idx.msk $0xffff, v27;
	v20 =	vand.u32 $0x3F, v17  }
0x3e6: {  	v22 =	vor.u32 v15, v18;
	v23 =	vand.u32 $0x3F, v21;
	v20 =	vor.u32 v14, v20;
	v16 =	vld.idx.msk [tilespmem:v16+s9+$0x0], $0xffff  }
0x3e7: {  	s6 =	simm.s32 $0x4;
	v19 =	vor.u32 v15, v19;
	v18 =	vld.idx.msk [tilespmem:v63+s9+$0x0], $0xffff;
	v23 =	vor.u32 v14, v23  }
.LBB2_77:
0x3e8: {  	p0 =	slt.u32 s6, $0x3E  }
.Ltmp42:
0x3e9: {  	v24 =	vshll.u32 v17, $0x7;
	v17 =	vadd.s32 s6, v0;
	(pc) =	sbr.rel @p0 .LBB2_77-.Ltmp42, $4  }
0x3ea: {  	s8 =	sadd.s32 $0x1, s6;
	s6 =	sadd.s32 $0x2, s6;
	v25 =	vand.u32 $0x3F, v17;
	v24 =	vand.u32 $0x1F80, v24  }
0x3eb: {  	v26 =	vshll.u32 v21, $0x7;
	v21 =	vadd.s32 s8, v0;
	[tilespmem:v22+s21+$0x0] =	vst.idx.msk $0xffff, v16;
	v16 =	vld.idx.msk [tilespmem:v20+s9+$0x0], $0xffff;
	v20 =	vor.u32 v14, v25  }
0x3ec: {  	v25 =	vand.u32 $0x3F, v21;
	v22 =	vor.u32 v15, v24;
	v24 =	vand.u32 $0x1F80, v26;
	[tilespmem:v19+s21+$0x0] =	vst.idx.msk $0xffff, v18;
	v18 =	vld.idx.msk [tilespmem:v23+s9+$0x0], $0xffff  }
0x3ed: {  	v23 =	vor.u32 v14, v25;
	v19 =	vor.u32 v15, v24  }
0x3ee: {  	_ =	sdelay $0x1  }
0x3ef: {  	v17 =	vshll.u32 v17, $0x7  }
0x3f0: {  	v21 =	vshll.u32 v21, $0x7;
	v17 =	vand.u32 $0x1F80, v17  }
0x3f1: {  	v20 =	vld.idx.msk [tilespmem:v20+s9+$0x0], $0xffff;
	v21 =	vand.u32 $0x1F80, v21;
	v17 =	vor.u32 v15, v17  }
0x3f2: {  	v23 =	vld.idx.msk [tilespmem:v23+s9+$0x0], $0xffff;
	v21 =	vor.u32 v15, v21  }
0x3f3: {  	p0 =	seq.s32 s24, $0x13  }
.Ltmp43:
0x3f4: {  	[tilespmem:v22+s21+$0x0] =	vst.idx.msk $0xffff, v16;
	(pc) =	sbr.rel @p0 .LBB2_80-.Ltmp43, $4  }
0x3f5: {  	[tilespmem:v19+s21+$0x0] =	vst.idx.msk $0xffff, v18  }
0x3f6: {  	[tilespmem:v17+s21+$0x0] =	vst.idx.msk $0xffff, v20  }
0x3f7: {  	s6 =	sadd.s32 s22, s1;
	[tilespmem:v21+s21+$0x0] =	vst.idx.msk $0xffff, v23  }
0x3f8: {  	[hbm4b:s6+s0] =	stream.strided.scatter [tilespmem:s21], [sflag:$0x8], $0x2000, s12, s0, $0x38;
	[tilespmem:$0x1B200] =	vst v63  }
0x3f9: {  	s24 =	sadd.s32 $0x1, s24  }
0x3fa: {  	s6 =	sshll.u32 s24, $0x9;
	s8 =	sshll.u32 s24, $0x7  }
0x3fb: {  	s6 =	sand.u32 $0x7000, s6;
	s8 =	sand.u32 $0x380, s8  }
0x3fc: {  	s6 =	sor.u32 s8, s6  }
0x3fd: {  	v16 =	vld [tilespmem:s6+$0xC00]  }
.Ltmp44:
0x3fe: {  	_ = 	snop;
	(pc) =	sbr.rel .LBB2_2-.Ltmp44, $2  }
0x3ff: {  	_ =	sdelay $0x2  }
0x400: {  	[tilespmem:$0x3180] =	vst v16  }
.LBB2_81:
0x401: {  	_ =	sfence.sel $0x180000  }
0x402: {  	[bflag:$0x0] =	sbarrier.arrive $0xFFFF  }
0x403: {  	_ =	strace $0x90000047  }
0x404: {  	s0 =	stileid.u32;
	[bflag:$0x2] =	sbarrier.arrive $0xFFFF  }
0x405: {  	p0 =	sne.s32 s0, $0x0;
	s0 =	rddreg [dreg:$0x2]  }
0x406: {  	s0 =	sadd.s32 @!p0 $0x100000, s0  }
0x407: {  	[sflag:s0] =	ssyncadd.tile.s32 @!p0 $0x1;
	_ =	shalt  }
.Lfunc_end2:
_tile_overlayer_lowered:
.L_overlay_start_2:
0x408: {  	(tag) =	ssettag $0x2  }
0x409: {  	s0 =	rddreg [dreg:$0x0];
	s2 =	stileid.u32  }
0x40a: {  	s1 =	rddreg [dreg:$0x1];
	p0 =	sne.s32 s2, $0x0  }
0x40b: {  	s3 =	rddreg [dreg:$0x2];
	[bflag:$0x3] =	sbarrier.arrive $0xFFFF;
	s2 =	simm.s32 @!p0 $0x1C09  }
0x40c: {  	[timem:s3], [sflag:s2] =	dma.local @!p0 [hbm:s0], s1  }
0x40d: {  	s0 =	simm.s32 @!p0 $0x9  }
0x40e: {  	_ =	swait.ge @!p0 [sflag:s0], s1  }
0x40f: {  	s1 =	ssub.s32 @!p0 $0x0, s1;
	[sflag:s0] =	ssyncset.done @!p0 $0x0  }
0x410: {  	[sflag:s0] =	ssyncadd.s32 @!p0 s1  }
0x411: {  	[bflag:$0x3] =	sbarrier.arrive $0xFFFF  }
0x412: {  	_ =	shalt  }

</sc_bundles>
